<compile_context>
chip_gen: v7x
topology: tpu7x:2x2x1
jax: 0.10.2.dev20260603
libtpu: 0.0.44.dev20260713+nightly
codegen_flags: <defaults>
</compile_context>

<pallas_src>
import functools

import jax
import jax.numpy as jnp
from jax import lax
from jax.experimental import pallas as pl
from jax.experimental.pallas import tpu as pltpu
from jax.experimental.pallas import tpu_sc as plsc

N_WORDS = 4096
N_SAMPLES = 32
SAMPLE_LEN = 512

_L = 16
_NSUB = 16
_ROWS_PER_W = N_SAMPLES // _NSUB
_PAIR_N = _ROWS_PER_W * SAMPLE_LEN
_DIAG_PER_W = N_WORDS // _NSUB
_INV = 1.0 / N_SAMPLES


def _phys(i, j):
    return (((i >> 3) << 15) + ((j >> 7) << 10)
            + ((i & 7) << 7) + (j & 127))


def _sc_loss_body(bigram_hbm, samples_hbm, start_hbm, end_hbm, out_hbm,
                  row_v, pidx_v, pval_v, didx_v, dval_v,
                  sidx_v, sival_v, sfval_v, scr_v, tot_v, sem_a, sem_b):
    w = lax.axis_index("s")
    lanes = lax.iota(jnp.int32, _L)

    for j in range(_DIAG_PER_W // _L):
        i_vec = lanes + w * _DIAG_PER_W + j * _L
        idx = _phys(i_vec, i_vec + 1)
        idx = jnp.where(i_vec < N_WORDS - 1, idx, 0)
        didx_v[j // 8, pl.ds((j % 8) * _L, _L)] = idx
    d_copies = [
        pltpu.async_copy(bigram_hbm.at[didx_v.at[k]], dval_v.at[k], sem_a)
        for k in range(_DIAG_PER_W // 128)
    ]

    pltpu.sync_copy(samples_hbm.at[pl.ds(w * _PAIR_N, _PAIR_N)], row_v)

    for i in range(_PAIR_N // _L):
        a = row_v[pl.ds(i * _L, _L)]
        nxt = jnp.minimum(lanes + (i * _L + 1), _PAIR_N - 1)
        b = plsc.load_gather(row_v, [nxt])
        idx = _phys(a, b)
        if (i * _L) % SAMPLE_LEN == SAMPLE_LEN - _L:
            idx = jnp.where(lanes < _L - 1, idx, 0)
        pidx_v[i // 8, pl.ds((i % 8) * _L, _L)] = idx
    p_copies = [
        pltpu.async_copy(bigram_hbm.at[pidx_v.at[j]], pval_v.at[j], sem_a)
        for j in range(_PAIR_N // 128)
    ]

    s_acc = jnp.zeros((_L,), jnp.float32)
    g_acc = jnp.zeros((_L,), jnp.float32)

    for j in range(3):
        sfval_v[pl.ds(j * _L, _L)] = jnp.zeros((_L,), jnp.float32)

    @pl.when(w < 2)
    def _():
        off = w * (SAMPLE_LEN - 1)
        sidx_v[pl.ds(0, _L)] = lanes * SAMPLE_LEN + off
        sidx_v[pl.ds(_L, _L)] = (lanes + _L) * SAMPLE_LEN + off
        sidx_v[pl.ds(2 * _L, _L)] = jnp.zeros((_L,), jnp.int32)
        pltpu.async_copy(samples_hbm.at[sidx_v], sival_v, sem_b).wait()
        sival_v[pl.ds(2 * _L, _L)] = jnp.full((_L,), w * (N_WORDS - 1), jnp.int32)

    @pl.when(w == 0)
    def _():
        pltpu.async_copy(start_hbm.at[sival_v], sfval_v, sem_b).wait()

    @pl.when(w == 1)
    def _():
        pltpu.async_copy(end_hbm.at[sival_v], sfval_v, sem_b).wait()

    c0 = sfval_v[pl.ds(0, _L)]
    c1 = sfval_v[pl.ds(_L, _L)]
    c2 = sfval_v[pl.ds(2 * _L, _L)]
    s_acc = s_acc + c0 + c1
    g_acc = g_acc + jnp.where(lanes == 0, c2, jnp.float32(0.0))

    for c in d_copies + p_copies:
        c.wait()

    for j in range(_DIAG_PER_W // _L):
        v = dval_v[j // 8, pl.ds((j % 8) * _L, _L)]
        i_vec = lanes + w * _DIAG_PER_W + j * _L
        g_acc = g_acc + jnp.where(i_vec < N_WORDS - 1, v, 0.0)

    for i in range(_PAIR_N // _L):
        v = pval_v[i // 8, pl.ds((i % 8) * _L, _L)]
        if (i * _L) % SAMPLE_LEN == SAMPLE_LEN - _L:
            v = jnp.where(lanes < _L - 1, v, 0.0)
        s_acc = s_acc + v

    part = jnp.where(lanes == 0, jnp.sum(s_acc),
                     jnp.where(lanes == 1, jnp.sum(g_acc), 0.0))
    scr_v[...] = part.astype(jnp.float32)
    pltpu.sync_copy(scr_v, out_hbm.at[w])
    plsc.subcore_barrier()

    @pl.when(w == 0)
    def _():
        pltpu.sync_copy(out_hbm.at[pl.ds(0, _NSUB)], tot_v)
        acc = jnp.zeros((_L,), jnp.float32)
        for i in range(_NSUB):
            acc = acc + tot_v[i]
        s_tot = acc[0]
        g_tot = acc[1]
        loss = s_tot * jnp.float32(_INV) - g_tot
        outv = jnp.where(lanes == 0, loss, jnp.where(lanes == 1, g_tot, 0.0))
        scr_v[...] = outv.astype(jnp.float32)
        pltpu.sync_copy(scr_v, out_hbm.at[0])


@jax.jit
def _sc_loss(bigram_flat, samples_flat, start, end):
    mesh = plsc.VectorSubcoreMesh(core_axis_name="c", subcore_axis_name="s",
                                  num_cores=1, num_subcores=_NSUB)
    run = functools.partial(
        pl.kernel,
        out_type=jax.ShapeDtypeStruct((_NSUB, _L), jnp.float32),
        mesh=mesh,
        compiler_params=pltpu.CompilerParams(needs_layout_passes=False),
        scratch_types=[
            pltpu.VMEM((_PAIR_N,), jnp.int32),
            pltpu.VMEM((_PAIR_N // 128, 128), jnp.int32),
            pltpu.VMEM((_PAIR_N // 128, 128), jnp.float32),
            pltpu.VMEM((_DIAG_PER_W // 128, 128), jnp.int32),
            pltpu.VMEM((_DIAG_PER_W // 128, 128), jnp.float32),
            pltpu.VMEM((3 * _L,), jnp.int32),
            pltpu.VMEM((3 * _L,), jnp.int32),
            pltpu.VMEM((3 * _L,), jnp.float32),
            pltpu.VMEM((_L,), jnp.float32),
            pltpu.VMEM((_NSUB, _L), jnp.float32),
            pltpu.SemaphoreType.DMA,
            pltpu.SemaphoreType.DMA,
        ],
    )(_sc_loss_body)
    return run(bigram_flat, samples_flat, start, end)


def kernel(bigram, start, end, samples):
    bigram_flat = (bigram.reshape(N_WORDS // 8, 8, N_WORDS // 128, 128)
                   .transpose(0, 2, 1, 3).reshape(-1))
    samples_flat = samples.reshape(-1).astype(jnp.int32)
    out = _sc_loss(bigram_flat, samples_flat, start, end)
    return (out[0, 0], out[0, 1])

# --- scband reference (transcript-rebuilt; emitter-appended) ---
"""Pipeline reference for scband-loss-45019847197007 (READ-ONLY COPY).

The authoritative reference and input builder live on the scoring server;
editing this copy changes nothing except your own understanding.
"""

import jax, jax.numpy as jnp
import numpy as np

N_WORDS = 4096
N_SAMPLES = 32
SAMPLE_LEN = 512


def setup_inputs(seed: int = 0) -> dict:
    key = jax.random.key(seed)
    k1, k2, k3, k4 = jax.random.split(key, 4)
    bigram = jax.random.normal(k1, (N_WORDS, N_WORDS), dtype=jnp.float32)
    start = jax.random.normal(k2, (N_WORDS,), dtype=jnp.float32)
    end = jax.random.normal(k3, (N_WORDS,), dtype=jnp.float32)
    # samples = self.sampler(n_words): fixed set of sampled index paths in [0, n_words)
    samples = jax.random.randint(k4, (N_SAMPLES, SAMPLE_LEN), 0, N_WORDS, dtype=jnp.int64 if jax.config.jax_enable_x64 else jnp.int32)
    return {"bigram": bigram, "start": start, "end": end, "samples": samples}


def reference(bigram, start, end, samples):
    n_words = start.shape[0]
    n_samples = samples.shape[0]
    inv = jnp.float32(1.0) / n_samples

    # gold path potentials
    start_t = jnp.zeros_like(start).at[0].set(-1.0)
    end_t = jnp.zeros_like(end).at[-1].set(-1.0)
    arange = jnp.arange(n_words)
    bigram_t = jnp.zeros_like(bigram).at[arange[:-1], arange[1:]].set(-1.0)

    gold_score = -(jnp.sum(start * start_t) + jnp.sum(end * end_t) + jnp.sum(bigram * bigram_t))

    # accumulate sampled path counts (scatter-add, duplicates accumulate like the torch loop)
    start_t = start_t.at[samples[:, 0]].add(inv)
    end_t = end_t.at[samples[:, -1]].add(inv)
    src = samples[:, :-1].reshape(-1)
    dst = samples[:, 1:].reshape(-1)
    bigram_t = bigram_t.at[src, dst].add(inv)

    loss = jnp.sum(start * start_t) + jnp.sum(end * end_t) + jnp.sum(bigram * bigram_t)
    return (loss, gold_score)

if __name__ == "__main__":
    import jax
    _d = setup_inputs()
    print(jax.jit(kernel)(*tuple(_d.values())))

</pallas_src>

<mosaic_0001>
#map = affine_map<(d0, d1) -> (0)>
#map1 = affine_map<(d0, d1) -> (0, 0)>
module attributes {stable_mosaic.version = 14 : i64} {
  func.func @_sc_loss_body(%arg0: i32, %arg1: i32, %arg2: memref<16777216xf32, #tpu.memory_space<hbm>>, %arg3: memref<16384xi32, #tpu.memory_space<hbm>>, %arg4: memref<4096xf32, #tpu.memory_space<hbm>>, %arg5: memref<4096xf32, #tpu.memory_space<hbm>>, %arg6: memref<16x16xf32, #tpu.memory_space<hbm>>, %arg7: memref<1024xi32, #tpu.memory_space<vmem>>, %arg8: memref<8x128xi32, #tpu.memory_space<vmem>>, %arg9: memref<8x128xf32, #tpu.memory_space<vmem>>, %arg10: memref<2x128xi32, #tpu.memory_space<vmem>>, %arg11: memref<2x128xf32, #tpu.memory_space<vmem>>, %arg12: memref<48xi32, #tpu.memory_space<vmem>>, %arg13: memref<48xi32, #tpu.memory_space<vmem>>, %arg14: memref<48xf32, #tpu.memory_space<vmem>>, %arg15: memref<16xf32, #tpu.memory_space<vmem>>, %arg16: memref<16x16xf32, #tpu.memory_space<vmem>>, %arg17: memref<!tpu.dma_semaphore, #tpu.memory_space<semaphore_mem>>, %arg18: memref<!tpu.dma_semaphore, #tpu.memory_space<semaphore_mem>>) attributes {dimension_semantics = [#tpu.dimension_semantics<core_parallel>, #tpu.dimension_semantics<subcore_parallel>], iteration_bounds = array<i64: 1, 16>, scalar_prefetch = 0 : i64, scratch_operands = 12 : i64, tpu.core_type = #tpu.core_type<sc_vector_subcore>, window_params = [{transform_indices = #map}, {transform_indices = #map}, {transform_indices = #map}, {transform_indices = #map}, {transform_indices = #map1}]} {
    %iota3A = tpu.iota {dimensions = array<i32: 0>} : vector<16xi32>
    %mul3A = arith.constant 256 : i32
    %mul3A_0 = arith.muli %arg1, %mul3A : i32
    %add3A = vector.broadcast %mul3A_0 : i32 to vector<16xi32>
    %add3A_1 = arith.addi %iota3A, %add3A : vector<16xi32>
    %add3A_2 = arith.constant 0 : i32
    %add3A_3 = vector.broadcast %add3A_2 : i32 to vector<16xi32>
    %add3A_4 = arith.addi %add3A_1, %add3A_3 : vector<16xi32>
    %add3A_5 = arith.constant 1 : i32
    %add3A_6 = vector.broadcast %add3A_5 : i32 to vector<16xi32>
    %add3A_7 = arith.addi %add3A_4, %add3A_6 : vector<16xi32>
    %shift_right_arithmetic3A = arith.constant 3 : i32
    %shift_right_arithmetic3A_8 = vector.broadcast %shift_right_arithmetic3A : i32 to vector<16xi32>
    %shift_right_arithmetic3A_9 = arith.shrsi %add3A_4, %shift_right_arithmetic3A_8 : vector<16xi32>
    %shift_left3A = arith.constant 15 : i32
    %shift_left3A_10 = vector.broadcast %shift_left3A : i32 to vector<16xi32>
    %shift_left3A_11 = arith.shli %shift_right_arithmetic3A_9, %shift_left3A_10 : vector<16xi32>
    %shift_right_arithmetic3A_12 = arith.constant 7 : i32
    %shift_right_arithmetic3A_13 = vector.broadcast %shift_right_arithmetic3A_12 : i32 to vector<16xi32>
    %shift_right_arithmetic3A_14 = arith.shrsi %add3A_7, %shift_right_arithmetic3A_13 : vector<16xi32>
    %shift_left3A_15 = arith.constant 10 : i32
    %shift_left3A_16 = vector.broadcast %shift_left3A_15 : i32 to vector<16xi32>
    %shift_left3A_17 = arith.shli %shift_right_arithmetic3A_14, %shift_left3A_16 : vector<16xi32>
    %add3A_18 = arith.addi %shift_left3A_11, %shift_left3A_17 : vector<16xi32>
    %and3A = arith.constant 7 : i32
    %and3A_19 = vector.broadcast %and3A : i32 to vector<16xi32>
    %and3A_20 = arith.andi %add3A_4, %and3A_19 : vector<16xi32>
    %shift_left3A_21 = arith.constant 7 : i32
    %shift_left3A_22 = vector.broadcast %shift_left3A_21 : i32 to vector<16xi32>
    %shift_left3A_23 = arith.shli %and3A_20, %shift_left3A_22 : vector<16xi32>
    %add3A_24 = arith.addi %add3A_18, %shift_left3A_23 : vector<16xi32>
    %and3A_25 = arith.constant 127 : i32
    %and3A_26 = vector.broadcast %and3A_25 : i32 to vector<16xi32>
    %and3A_27 = arith.andi %add3A_7, %and3A_26 : vector<16xi32>
    %add3A_28 = arith.addi %add3A_24, %and3A_27 : vector<16xi32>
    %lt3A = arith.constant 4095 : i32
    %lt3A_29 = vector.broadcast %lt3A : i32 to vector<16xi32>
    %lt3A_30 = arith.cmpi slt, %add3A_4, %lt3A_29 : vector<16xi32>
    %jit3A = arith.constant 0 : i32
    %broadcast_in_dim3A = vector.broadcast %jit3A : i32 to vector<16xi32>
    %select_n3A = arith.select %lt3A_30, %add3A_28, %broadcast_in_dim3A : vector<16xi1>, vector<16xi32>
    %swap3A = arith.constant 0 : i32
    %swap3A_31 = arith.index_cast %swap3A : i32 to index
    %swap3A_32 = arith.constant 0 : index
    %swap3A_33 = tpu.vector_load %arg10[%swap3A_31, %swap3A_32] {strides = array<i32>} : memref<2x128xi32, #tpu.memory_space<vmem>>, vector<16xi32>,
    tpu.vector_store %arg10[%swap3A_31, %swap3A_32], %select_n3A {strides = array<i32>} : memref<2x128xi32, #tpu.memory_space<vmem>>, vector<16xi32>,
    %mul3A_34 = arith.constant 256 : i32
    %mul3A_35 = arith.muli %arg1, %mul3A_34 : i32
    %add3A_36 = vector.broadcast %mul3A_35 : i32 to vector<16xi32>
    %add3A_37 = arith.addi %iota3A, %add3A_36 : vector<16xi32>
    %add3A_38 = arith.constant 16 : i32
    %add3A_39 = vector.broadcast %add3A_38 : i32 to vector<16xi32>
    %add3A_40 = arith.addi %add3A_37, %add3A_39 : vector<16xi32>
    %add3A_41 = arith.constant 1 : i32
    %add3A_42 = vector.broadcast %add3A_41 : i32 to vector<16xi32>
    %add3A_43 = arith.addi %add3A_40, %add3A_42 : vector<16xi32>
    %shift_right_arithmetic3A_44 = arith.constant 3 : i32
    %shift_right_arithmetic3A_45 = vector.broadcast %shift_right_arithmetic3A_44 : i32 to vector<16xi32>
    %shift_right_arithmetic3A_46 = arith.shrsi %add3A_40, %shift_right_arithmetic3A_45 : vector<16xi32>
    %shift_left3A_47 = arith.constant 15 : i32
    %shift_left3A_48 = vector.broadcast %shift_left3A_47 : i32 to vector<16xi32>
    %shift_left3A_49 = arith.shli %shift_right_arithmetic3A_46, %shift_left3A_48 : vector<16xi32>
    %shift_right_arithmetic3A_50 = arith.constant 7 : i32
    %shift_right_arithmetic3A_51 = vector.broadcast %shift_right_arithmetic3A_50 : i32 to vector<16xi32>
    %shift_right_arithmetic3A_52 = arith.shrsi %add3A_43, %shift_right_arithmetic3A_51 : vector<16xi32>
    %shift_left3A_53 = arith.constant 10 : i32
    %shift_left3A_54 = vector.broadcast %shift_left3A_53 : i32 to vector<16xi32>
    %shift_left3A_55 = arith.shli %shift_right_arithmetic3A_52, %shift_left3A_54 : vector<16xi32>
    %add3A_56 = arith.addi %shift_left3A_49, %shift_left3A_55 : vector<16xi32>
    %and3A_57 = arith.constant 7 : i32
    %and3A_58 = vector.broadcast %and3A_57 : i32 to vector<16xi32>
    %and3A_59 = arith.andi %add3A_40, %and3A_58 : vector<16xi32>
    %shift_left3A_60 = arith.constant 7 : i32
    %shift_left3A_61 = vector.broadcast %shift_left3A_60 : i32 to vector<16xi32>
    %shift_left3A_62 = arith.shli %and3A_59, %shift_left3A_61 : vector<16xi32>
    %add3A_63 = arith.addi %add3A_56, %shift_left3A_62 : vector<16xi32>
    %and3A_64 = arith.constant 127 : i32
    %and3A_65 = vector.broadcast %and3A_64 : i32 to vector<16xi32>
    %and3A_66 = arith.andi %add3A_43, %and3A_65 : vector<16xi32>
    %add3A_67 = arith.addi %add3A_63, %and3A_66 : vector<16xi32>
    %lt3A_68 = arith.constant 4095 : i32
    %lt3A_69 = vector.broadcast %lt3A_68 : i32 to vector<16xi32>
    %lt3A_70 = arith.cmpi slt, %add3A_40, %lt3A_69 : vector<16xi32>
    %jit3A_71 = arith.constant 0 : i32
    %broadcast_in_dim3A_72 = vector.broadcast %jit3A_71 : i32 to vector<16xi32>
    %select_n3A_73 = arith.select %lt3A_70, %add3A_67, %broadcast_in_dim3A_72 : vector<16xi1>, vector<16xi32>
    %swap3A_74 = arith.constant 0 : i32
    %swap3A_75 = arith.index_cast %swap3A_74 : i32 to index
    %swap3A_76 = arith.constant 16 : index
    %swap3A_77 = tpu.vector_load %arg10[%swap3A_75, %swap3A_76] {strides = array<i32>} : memref<2x128xi32, #tpu.memory_space<vmem>>, vector<16xi32>,
    tpu.vector_store %arg10[%swap3A_75, %swap3A_76], %select_n3A_73 {strides = array<i32>} : memref<2x128xi32, #tpu.memory_space<vmem>>, vector<16xi32>,
    %mul3A_78 = arith.constant 256 : i32
    %mul3A_79 = arith.muli %arg1, %mul3A_78 : i32
    %add3A_80 = vector.broadcast %mul3A_79 : i32 to vector<16xi32>
    %add3A_81 = arith.addi %iota3A, %add3A_80 : vector<16xi32>
    %add3A_82 = arith.constant 32 : i32
    %add3A_83 = vector.broadcast %add3A_82 : i32 to vector<16xi32>
    %add3A_84 = arith.addi %add3A_81, %add3A_83 : vector<16xi32>
    %add3A_85 = arith.constant 1 : i32
    %add3A_86 = vector.broadcast %add3A_85 : i32 to vector<16xi32>
    %add3A_87 = arith.addi %add3A_84, %add3A_86 : vector<16xi32>
    %shift_right_arithmetic3A_88 = arith.constant 3 : i32
    %shift_right_arithmetic3A_89 = vector.broadcast %shift_right_arithmetic3A_88 : i32 to vector<16xi32>
    %shift_right_arithmetic3A_90 = arith.shrsi %add3A_84, %shift_right_arithmetic3A_89 : vector<16xi32>
    %shift_left3A_91 = arith.constant 15 : i32
    %shift_left3A_92 = vector.broadcast %shift_left3A_91 : i32 to vector<16xi32>
    %shift_left3A_93 = arith.shli %shift_right_arithmetic3A_90, %shift_left3A_92 : vector<16xi32>
    %shift_right_arithmetic3A_94 = arith.constant 7 : i32
    %shift_right_arithmetic3A_95 = vector.broadcast %shift_right_arithmetic3A_94 : i32 to vector<16xi32>
    %shift_right_arithmetic3A_96 = arith.shrsi %add3A_87, %shift_right_arithmetic3A_95 : vector<16xi32>
    %shift_left3A_97 = arith.constant 10 : i32
    %shift_left3A_98 = vector.broadcast %shift_left3A_97 : i32 to vector<16xi32>
    %shift_left3A_99 = arith.shli %shift_right_arithmetic3A_96, %shift_left3A_98 : vector<16xi32>
    %add3A_100 = arith.addi %shift_left3A_93, %shift_left3A_99 : vector<16xi32>
    %and3A_101 = arith.constant 7 : i32
    %and3A_102 = vector.broadcast %and3A_101 : i32 to vector<16xi32>
    %and3A_103 = arith.andi %add3A_84, %and3A_102 : vector<16xi32>
    %shift_left3A_104 = arith.constant 7 : i32
    %shift_left3A_105 = vector.broadcast %shift_left3A_104 : i32 to vector<16xi32>
    %shift_left3A_106 = arith.shli %and3A_103, %shift_left3A_105 : vector<16xi32>
    %add3A_107 = arith.addi %add3A_100, %shift_left3A_106 : vector<16xi32>
    %and3A_108 = arith.constant 127 : i32
    %and3A_109 = vector.broadcast %and3A_108 : i32 to vector<16xi32>
    %and3A_110 = arith.andi %add3A_87, %and3A_109 : vector<16xi32>
    %add3A_111 = arith.addi %add3A_107, %and3A_110 : vector<16xi32>
    %lt3A_112 = arith.constant 4095 : i32
    %lt3A_113 = vector.broadcast %lt3A_112 : i32 to vector<16xi32>
    %lt3A_114 = arith.cmpi slt, %add3A_84, %lt3A_113 : vector<16xi32>
    %jit3A_115 = arith.constant 0 : i32
    %broadcast_in_dim3A_116 = vector.broadcast %jit3A_115 : i32 to vector<16xi32>
    %select_n3A_117 = arith.select %lt3A_114, %add3A_111, %broadcast_in_dim3A_116 : vector<16xi1>, vector<16xi32>
    %swap3A_118 = arith.constant 0 : i32
    %swap3A_119 = arith.index_cast %swap3A_118 : i32 to index
    %swap3A_120 = arith.constant 32 : index
    %swap3A_121 = tpu.vector_load %arg10[%swap3A_119, %swap3A_120] {strides = array<i32>} : memref<2x128xi32, #tpu.memory_space<vmem>>, vector<16xi32>,
    tpu.vector_store %arg10[%swap3A_119, %swap3A_120], %select_n3A_117 {strides = array<i32>} : memref<2x128xi32, #tpu.memory_space<vmem>>, vector<16xi32>,
    %mul3A_122 = arith.constant 256 : i32
    %mul3A_123 = arith.muli %arg1, %mul3A_122 : i32
    %add3A_124 = vector.broadcast %mul3A_123 : i32 to vector<16xi32>
    %add3A_125 = arith.addi %iota3A, %add3A_124 : vector<16xi32>
    %add3A_126 = arith.constant 48 : i32
    %add3A_127 = vector.broadcast %add3A_126 : i32 to vector<16xi32>
    %add3A_128 = arith.addi %add3A_125, %add3A_127 : vector<16xi32>
    %add3A_129 = arith.constant 1 : i32
    %add3A_130 = vector.broadcast %add3A_129 : i32 to vector<16xi32>
    %add3A_131 = arith.addi %add3A_128, %add3A_130 : vector<16xi32>
    %shift_right_arithmetic3A_132 = arith.constant 3 : i32
    %shift_right_arithmetic3A_133 = vector.broadcast %shift_right_arithmetic3A_132 : i32 to vector<16xi32>
    %shift_right_arithmetic3A_134 = arith.shrsi %add3A_128, %shift_right_arithmetic3A_133 : vector<16xi32>
    %shift_left3A_135 = arith.constant 15 : i32
    %shift_left3A_136 = vector.broadcast %shift_left3A_135 : i32 to vector<16xi32>
    %shift_left3A_137 = arith.shli %shift_right_arithmetic3A_134, %shift_left3A_136 : vector<16xi32>
    %shift_right_arithmetic3A_138 = arith.constant 7 : i32
    %shift_right_arithmetic3A_139 = vector.broadcast %shift_right_arithmetic3A_138 : i32 to vector<16xi32>
    %shift_right_arithmetic3A_140 = arith.shrsi %add3A_131, %shift_right_arithmetic3A_139 : vector<16xi32>
    %shift_left3A_141 = arith.constant 10 : i32
    %shift_left3A_142 = vector.broadcast %shift_left3A_141 : i32 to vector<16xi32>
    %shift_left3A_143 = arith.shli %shift_right_arithmetic3A_140, %shift_left3A_142 : vector<16xi32>
    %add3A_144 = arith.addi %shift_left3A_137, %shift_left3A_143 : vector<16xi32>
    %and3A_145 = arith.constant 7 : i32
    %and3A_146 = vector.broadcast %and3A_145 : i32 to vector<16xi32>
    %and3A_147 = arith.andi %add3A_128, %and3A_146 : vector<16xi32>
    %shift_left3A_148 = arith.constant 7 : i32
    %shift_left3A_149 = vector.broadcast %shift_left3A_148 : i32 to vector<16xi32>
    %shift_left3A_150 = arith.shli %and3A_147, %shift_left3A_149 : vector<16xi32>
    %add3A_151 = arith.addi %add3A_144, %shift_left3A_150 : vector<16xi32>
    %and3A_152 = arith.constant 127 : i32
    %and3A_153 = vector.broadcast %and3A_152 : i32 to vector<16xi32>
    %and3A_154 = arith.andi %add3A_131, %and3A_153 : vector<16xi32>
    %add3A_155 = arith.addi %add3A_151, %and3A_154 : vector<16xi32>
    %lt3A_156 = arith.constant 4095 : i32
    %lt3A_157 = vector.broadcast %lt3A_156 : i32 to vector<16xi32>
    %lt3A_158 = arith.cmpi slt, %add3A_128, %lt3A_157 : vector<16xi32>
    %jit3A_159 = arith.constant 0 : i32
    %broadcast_in_dim3A_160 = vector.broadcast %jit3A_159 : i32 to vector<16xi32>
    %select_n3A_161 = arith.select %lt3A_158, %add3A_155, %broadcast_in_dim3A_160 : vector<16xi1>, vector<16xi32>
    %swap3A_162 = arith.constant 0 : i32
    %swap3A_163 = arith.index_cast %swap3A_162 : i32 to index
    %swap3A_164 = arith.constant 48 : index
    %swap3A_165 = tpu.vector_load %arg10[%swap3A_163, %swap3A_164] {strides = array<i32>} : memref<2x128xi32, #tpu.memory_space<vmem>>, vector<16xi32>,
    tpu.vector_store %arg10[%swap3A_163, %swap3A_164], %select_n3A_161 {strides = array<i32>} : memref<2x128xi32, #tpu.memory_space<vmem>>, vector<16xi32>,
    %mul3A_166 = arith.constant 256 : i32
    %mul3A_167 = arith.muli %arg1, %mul3A_166 : i32
    %add3A_168 = vector.broadcast %mul3A_167 : i32 to vector<16xi32>
    %add3A_169 = arith.addi %iota3A, %add3A_168 : vector<16xi32>
    %add3A_170 = arith.constant 64 : i32
    %add3A_171 = vector.broadcast %add3A_170 : i32 to vector<16xi32>
    %add3A_172 = arith.addi %add3A_169, %add3A_171 : vector<16xi32>
    %add3A_173 = arith.constant 1 : i32
    %add3A_174 = vector.broadcast %add3A_173 : i32 to vector<16xi32>
    %add3A_175 = arith.addi %add3A_172, %add3A_174 : vector<16xi32>
    %shift_right_arithmetic3A_176 = arith.constant 3 : i32
    %shift_right_arithmetic3A_177 = vector.broadcast %shift_right_arithmetic3A_176 : i32 to vector<16xi32>
    %shift_right_arithmetic3A_178 = arith.shrsi %add3A_172, %shift_right_arithmetic3A_177 : vector<16xi32>
    %shift_left3A_179 = arith.constant 15 : i32
    %shift_left3A_180 = vector.broadcast %shift_left3A_179 : i32 to vector<16xi32>
    %shift_left3A_181 = arith.shli %shift_right_arithmetic3A_178, %shift_left3A_180 : vector<16xi32>
    %shift_right_arithmetic3A_182 = arith.constant 7 : i32
    %shift_right_arithmetic3A_183 = vector.broadcast %shift_right_arithmetic3A_182 : i32 to vector<16xi32>
    %shift_right_arithmetic3A_184 = arith.shrsi %add3A_175, %shift_right_arithmetic3A_183 : vector<16xi32>
    %shift_left3A_185 = arith.constant 10 : i32
    %shift_left3A_186 = vector.broadcast %shift_left3A_185 : i32 to vector<16xi32>
    %shift_left3A_187 = arith.shli %shift_right_arithmetic3A_184, %shift_left3A_186 : vector<16xi32>
    %add3A_188 = arith.addi %shift_left3A_181, %shift_left3A_187 : vector<16xi32>
    %and3A_189 = arith.constant 7 : i32
    %and3A_190 = vector.broadcast %and3A_189 : i32 to vector<16xi32>
    %and3A_191 = arith.andi %add3A_172, %and3A_190 : vector<16xi32>
    %shift_left3A_192 = arith.constant 7 : i32
    %shift_left3A_193 = vector.broadcast %shift_left3A_192 : i32 to vector<16xi32>
    %shift_left3A_194 = arith.shli %and3A_191, %shift_left3A_193 : vector<16xi32>
    %add3A_195 = arith.addi %add3A_188, %shift_left3A_194 : vector<16xi32>
    %and3A_196 = arith.constant 127 : i32
    %and3A_197 = vector.broadcast %and3A_196 : i32 to vector<16xi32>
    %and3A_198 = arith.andi %add3A_175, %and3A_197 : vector<16xi32>
    %add3A_199 = arith.addi %add3A_195, %and3A_198 : vector<16xi32>
    %lt3A_200 = arith.constant 4095 : i32
    %lt3A_201 = vector.broadcast %lt3A_200 : i32 to vector<16xi32>
    %lt3A_202 = arith.cmpi slt, %add3A_172, %lt3A_201 : vector<16xi32>
    %jit3A_203 = arith.constant 0 : i32
    %broadcast_in_dim3A_204 = vector.broadcast %jit3A_203 : i32 to vector<16xi32>
    %select_n3A_205 = arith.select %lt3A_202, %add3A_199, %broadcast_in_dim3A_204 : vector<16xi1>, vector<16xi32>
    %swap3A_206 = arith.constant 0 : i32
    %swap3A_207 = arith.index_cast %swap3A_206 : i32 to index
    %swap3A_208 = arith.constant 64 : index
    %swap3A_209 = tpu.vector_load %arg10[%swap3A_207, %swap3A_208] {strides = array<i32>} : memref<2x128xi32, #tpu.memory_space<vmem>>, vector<16xi32>,
    tpu.vector_store %arg10[%swap3A_207, %swap3A_208], %select_n3A_205 {strides = array<i32>} : memref<2x128xi32, #tpu.memory_space<vmem>>, vector<16xi32>,
    %mul3A_210 = arith.constant 256 : i32
    %mul3A_211 = arith.muli %arg1, %mul3A_210 : i32
    %add3A_212 = vector.broadcast %mul3A_211 : i32 to vector<16xi32>
    %add3A_213 = arith.addi %iota3A, %add3A_212 : vector<16xi32>
    %add3A_214 = arith.constant 80 : i32
    %add3A_215 = vector.broadcast %add3A_214 : i32 to vector<16xi32>
    %add3A_216 = arith.addi %add3A_213, %add3A_215 : vector<16xi32>
    %add3A_217 = arith.constant 1 : i32
    %add3A_218 = vector.broadcast %add3A_217 : i32 to vector<16xi32>
    %add3A_219 = arith.addi %add3A_216, %add3A_218 : vector<16xi32>
    %shift_right_arithmetic3A_220 = arith.constant 3 : i32
    %shift_right_arithmetic3A_221 = vector.broadcast %shift_right_arithmetic3A_220 : i32 to vector<16xi32>
    %shift_right_arithmetic3A_222 = arith.shrsi %add3A_216, %shift_right_arithmetic3A_221 : vector<16xi32>
    %shift_left3A_223 = arith.constant 15 : i32
    %shift_left3A_224 = vector.broadcast %shift_left3A_223 : i32 to vector<16xi32>
    %shift_left3A_225 = arith.shli %shift_right_arithmetic3A_222, %shift_left3A_224 : vector<16xi32>
    %shift_right_arithmetic3A_226 = arith.constant 7 : i32
    %shift_right_arithmetic3A_227 = vector.broadcast %shift_right_arithmetic3A_226 : i32 to vector<16xi32>
    %shift_right_arithmetic3A_228 = arith.shrsi %add3A_219, %shift_right_arithmetic3A_227 : vector<16xi32>
    %shift_left3A_229 = arith.constant 10 : i32
    %shift_left3A_230 = vector.broadcast %shift_left3A_229 : i32 to vector<16xi32>
    %shift_left3A_231 = arith.shli %shift_right_arithmetic3A_228, %shift_left3A_230 : vector<16xi32>
    %add3A_232 = arith.addi %shift_left3A_225, %shift_left3A_231 : vector<16xi32>
    %and3A_233 = arith.constant 7 : i32
    %and3A_234 = vector.broadcast %and3A_233 : i32 to vector<16xi32>
    %and3A_235 = arith.andi %add3A_216, %and3A_234 : vector<16xi32>
    %shift_left3A_236 = arith.constant 7 : i32
    %shift_left3A_237 = vector.broadcast %shift_left3A_236 : i32 to vector<16xi32>
    %shift_left3A_238 = arith.shli %and3A_235, %shift_left3A_237 : vector<16xi32>
    %add3A_239 = arith.addi %add3A_232, %shift_left3A_238 : vector<16xi32>
    %and3A_240 = arith.constant 127 : i32
    %and3A_241 = vector.broadcast %and3A_240 : i32 to vector<16xi32>
    %and3A_242 = arith.andi %add3A_219, %and3A_241 : vector<16xi32>
    %add3A_243 = arith.addi %add3A_239, %and3A_242 : vector<16xi32>
    %lt3A_244 = arith.constant 4095 : i32
    %lt3A_245 = vector.broadcast %lt3A_244 : i32 to vector<16xi32>
    %lt3A_246 = arith.cmpi slt, %add3A_216, %lt3A_245 : vector<16xi32>
    %jit3A_247 = arith.constant 0 : i32
    %broadcast_in_dim3A_248 = vector.broadcast %jit3A_247 : i32 to vector<16xi32>
    %select_n3A_249 = arith.select %lt3A_246, %add3A_243, %broadcast_in_dim3A_248 : vector<16xi1>, vector<16xi32>
    %swap3A_250 = arith.constant 0 : i32
    %swap3A_251 = arith.index_cast %swap3A_250 : i32 to index
    %swap3A_252 = arith.constant 80 : index
    %swap3A_253 = tpu.vector_load %arg10[%swap3A_251, %swap3A_252] {strides = array<i32>} : memref<2x128xi32, #tpu.memory_space<vmem>>, vector<16xi32>,
    tpu.vector_store %arg10[%swap3A_251, %swap3A_252], %select_n3A_249 {strides = array<i32>} : memref<2x128xi32, #tpu.memory_space<vmem>>, vector<16xi32>,
    %mul3A_254 = arith.constant 256 : i32
    %mul3A_255 = arith.muli %arg1, %mul3A_254 : i32
    %add3A_256 = vector.broadcast %mul3A_255 : i32 to vector<16xi32>
    %add3A_257 = arith.addi %iota3A, %add3A_256 : vector<16xi32>
    %add3A_258 = arith.constant 96 : i32
    %add3A_259 = vector.broadcast %add3A_258 : i32 to vector<16xi32>
    %add3A_260 = arith.addi %add3A_257, %add3A_259 : vector<16xi32>
    %add3A_261 = arith.constant 1 : i32
    %add3A_262 = vector.broadcast %add3A_261 : i32 to vector<16xi32>
    %add3A_263 = arith.addi %add3A_260, %add3A_262 : vector<16xi32>
    %shift_right_arithmetic3A_264 = arith.constant 3 : i32
    %shift_right_arithmetic3A_265 = vector.broadcast %shift_right_arithmetic3A_264 : i32 to vector<16xi32>
    %shift_right_arithmetic3A_266 = arith.shrsi %add3A_260, %shift_right_arithmetic3A_265 : vector<16xi32>
    %shift_left3A_267 = arith.constant 15 : i32
    %shift_left3A_268 = vector.broadcast %shift_left3A_267 : i32 to vector<16xi32>
    %shift_left3A_269 = arith.shli %shift_right_arithmetic3A_266, %shift_left3A_268 : vector<16xi32>
    %shift_right_arithmetic3A_270 = arith.constant 7 : i32
    %shift_right_arithmetic3A_271 = vector.broadcast %shift_right_arithmetic3A_270 : i32 to vector<16xi32>
    %shift_right_arithmetic3A_272 = arith.shrsi %add3A_263, %shift_right_arithmetic3A_271 : vector<16xi32>
    %shift_left3A_273 = arith.constant 10 : i32
    %shift_left3A_274 = vector.broadcast %shift_left3A_273 : i32 to vector<16xi32>
    %shift_left3A_275 = arith.shli %shift_right_arithmetic3A_272, %shift_left3A_274 : vector<16xi32>
    %add3A_276 = arith.addi %shift_left3A_269, %shift_left3A_275 : vector<16xi32>
    %and3A_277 = arith.constant 7 : i32
    %and3A_278 = vector.broadcast %and3A_277 : i32 to vector<16xi32>
    %and3A_279 = arith.andi %add3A_260, %and3A_278 : vector<16xi32>
    %shift_left3A_280 = arith.constant 7 : i32
    %shift_left3A_281 = vector.broadcast %shift_left3A_280 : i32 to vector<16xi32>
    %shift_left3A_282 = arith.shli %and3A_279, %shift_left3A_281 : vector<16xi32>
    %add3A_283 = arith.addi %add3A_276, %shift_left3A_282 : vector<16xi32>
    %and3A_284 = arith.constant 127 : i32
    %and3A_285 = vector.broadcast %and3A_284 : i32 to vector<16xi32>
    %and3A_286 = arith.andi %add3A_263, %and3A_285 : vector<16xi32>
    %add3A_287 = arith.addi %add3A_283, %and3A_286 : vector<16xi32>
    %lt3A_288 = arith.constant 4095 : i32
    %lt3A_289 = vector.broadcast %lt3A_288 : i32 to vector<16xi32>
    %lt3A_290 = arith.cmpi slt, %add3A_260, %lt3A_289 : vector<16xi32>
    %jit3A_291 = arith.constant 0 : i32
    %broadcast_in_dim3A_292 = vector.broadcast %jit3A_291 : i32 to vector<16xi32>
    %select_n3A_293 = arith.select %lt3A_290, %add3A_287, %broadcast_in_dim3A_292 : vector<16xi1>, vector<16xi32>
    %swap3A_294 = arith.constant 0 : i32
    %swap3A_295 = arith.index_cast %swap3A_294 : i32 to index
    %swap3A_296 = arith.constant 96 : index
    %swap3A_297 = tpu.vector_load %arg10[%swap3A_295, %swap3A_296] {strides = array<i32>} : memref<2x128xi32, #tpu.memory_space<vmem>>, vector<16xi32>,
    tpu.vector_store %arg10[%swap3A_295, %swap3A_296], %select_n3A_293 {strides = array<i32>} : memref<2x128xi32, #tpu.memory_space<vmem>>, vector<16xi32>,
    %mul3A_298 = arith.constant 256 : i32
    %mul3A_299 = arith.muli %arg1, %mul3A_298 : i32
    %add3A_300 = vector.broadcast %mul3A_299 : i32 to vector<16xi32>
    %add3A_301 = arith.addi %iota3A, %add3A_300 : vector<16xi32>
    %add3A_302 = arith.constant 112 : i32
    %add3A_303 = vector.broadcast %add3A_302 : i32 to vector<16xi32>
    %add3A_304 = arith.addi %add3A_301, %add3A_303 : vector<16xi32>
    %add3A_305 = arith.constant 1 : i32
    %add3A_306 = vector.broadcast %add3A_305 : i32 to vector<16xi32>
    %add3A_307 = arith.addi %add3A_304, %add3A_306 : vector<16xi32>
    %shift_right_arithmetic3A_308 = arith.constant 3 : i32
    %shift_right_arithmetic3A_309 = vector.broadcast %shift_right_arithmetic3A_308 : i32 to vector<16xi32>
    %shift_right_arithmetic3A_310 = arith.shrsi %add3A_304, %shift_right_arithmetic3A_309 : vector<16xi32>
    %shift_left3A_311 = arith.constant 15 : i32
    %shift_left3A_312 = vector.broadcast %shift_left3A_311 : i32 to vector<16xi32>
    %shift_left3A_313 = arith.shli %shift_right_arithmetic3A_310, %shift_left3A_312 : vector<16xi32>
    %shift_right_arithmetic3A_314 = arith.constant 7 : i32
    %shift_right_arithmetic3A_315 = vector.broadcast %shift_right_arithmetic3A_314 : i32 to vector<16xi32>
    %shift_right_arithmetic3A_316 = arith.shrsi %add3A_307, %shift_right_arithmetic3A_315 : vector<16xi32>
    %shift_left3A_317 = arith.constant 10 : i32
    %shift_left3A_318 = vector.broadcast %shift_left3A_317 : i32 to vector<16xi32>
    %shift_left3A_319 = arith.shli %shift_right_arithmetic3A_316, %shift_left3A_318 : vector<16xi32>
    %add3A_320 = arith.addi %shift_left3A_313, %shift_left3A_319 : vector<16xi32>
    %and3A_321 = arith.constant 7 : i32
    %and3A_322 = vector.broadcast %and3A_321 : i32 to vector<16xi32>
    %and3A_323 = arith.andi %add3A_304, %and3A_322 : vector<16xi32>
    %shift_left3A_324 = arith.constant 7 : i32
    %shift_left3A_325 = vector.broadcast %shift_left3A_324 : i32 to vector<16xi32>
    %shift_left3A_326 = arith.shli %and3A_323, %shift_left3A_325 : vector<16xi32>
    %add3A_327 = arith.addi %add3A_320, %shift_left3A_326 : vector<16xi32>
    %and3A_328 = arith.constant 127 : i32
    %and3A_329 = vector.broadcast %and3A_328 : i32 to vector<16xi32>
    %and3A_330 = arith.andi %add3A_307, %and3A_329 : vector<16xi32>
    %add3A_331 = arith.addi %add3A_327, %and3A_330 : vector<16xi32>
    %lt3A_332 = arith.constant 4095 : i32
    %lt3A_333 = vector.broadcast %lt3A_332 : i32 to vector<16xi32>
    %lt3A_334 = arith.cmpi slt, %add3A_304, %lt3A_333 : vector<16xi32>
    %jit3A_335 = arith.constant 0 : i32
    %broadcast_in_dim3A_336 = vector.broadcast %jit3A_335 : i32 to vector<16xi32>
    %select_n3A_337 = arith.select %lt3A_334, %add3A_331, %broadcast_in_dim3A_336 : vector<16xi1>, vector<16xi32>
    %swap3A_338 = arith.constant 0 : i32
    %swap3A_339 = arith.index_cast %swap3A_338 : i32 to index
    %swap3A_340 = arith.constant 112 : index
    %swap3A_341 = tpu.vector_load %arg10[%swap3A_339, %swap3A_340] {strides = array<i32>} : memref<2x128xi32, #tpu.memory_space<vmem>>, vector<16xi32>,
    tpu.vector_store %arg10[%swap3A_339, %swap3A_340], %select_n3A_337 {strides = array<i32>} : memref<2x128xi32, #tpu.memory_space<vmem>>, vector<16xi32>,
    %mul3A_342 = arith.constant 256 : i32
    %mul3A_343 = arith.muli %arg1, %mul3A_342 : i32
    %add3A_344 = vector.broadcast %mul3A_343 : i32 to vector<16xi32>
    %add3A_345 = arith.addi %iota3A, %add3A_344 : vector<16xi32>
    %add3A_346 = arith.constant 128 : i32
    %add3A_347 = vector.broadcast %add3A_346 : i32 to vector<16xi32>
    %add3A_348 = arith.addi %add3A_345, %add3A_347 : vector<16xi32>
    %add3A_349 = arith.constant 1 : i32
    %add3A_350 = vector.broadcast %add3A_349 : i32 to vector<16xi32>
    %add3A_351 = arith.addi %add3A_348, %add3A_350 : vector<16xi32>
    %shift_right_arithmetic3A_352 = arith.constant 3 : i32
    %shift_right_arithmetic3A_353 = vector.broadcast %shift_right_arithmetic3A_352 : i32 to vector<16xi32>
    %shift_right_arithmetic3A_354 = arith.shrsi %add3A_348, %shift_right_arithmetic3A_353 : vector<16xi32>
    %shift_left3A_355 = arith.constant 15 : i32
    %shift_left3A_356 = vector.broadcast %shift_left3A_355 : i32 to vector<16xi32>
    %shift_left3A_357 = arith.shli %shift_right_arithmetic3A_354, %shift_left3A_356 : vector<16xi32>
    %shift_right_arithmetic3A_358 = arith.constant 7 : i32
    %shift_right_arithmetic3A_359 = vector.broadcast %shift_right_arithmetic3A_358 : i32 to vector<16xi32>
    %shift_right_arithmetic3A_360 = arith.shrsi %add3A_351, %shift_right_arithmetic3A_359 : vector<16xi32>
    %shift_left3A_361 = arith.constant 10 : i32
    %shift_left3A_362 = vector.broadcast %shift_left3A_361 : i32 to vector<16xi32>
    %shift_left3A_363 = arith.shli %shift_right_arithmetic3A_360, %shift_left3A_362 : vector<16xi32>
    %add3A_364 = arith.addi %shift_left3A_357, %shift_left3A_363 : vector<16xi32>
    %and3A_365 = arith.constant 7 : i32
    %and3A_366 = vector.broadcast %and3A_365 : i32 to vector<16xi32>
    %and3A_367 = arith.andi %add3A_348, %and3A_366 : vector<16xi32>
    %shift_left3A_368 = arith.constant 7 : i32
    %shift_left3A_369 = vector.broadcast %shift_left3A_368 : i32 to vector<16xi32>
    %shift_left3A_370 = arith.shli %and3A_367, %shift_left3A_369 : vector<16xi32>
    %add3A_371 = arith.addi %add3A_364, %shift_left3A_370 : vector<16xi32>
    %and3A_372 = arith.constant 127 : i32
    %and3A_373 = vector.broadcast %and3A_372 : i32 to vector<16xi32>
    %and3A_374 = arith.andi %add3A_351, %and3A_373 : vector<16xi32>
    %add3A_375 = arith.addi %add3A_371, %and3A_374 : vector<16xi32>
    %lt3A_376 = arith.constant 4095 : i32
    %lt3A_377 = vector.broadcast %lt3A_376 : i32 to vector<16xi32>
    %lt3A_378 = arith.cmpi slt, %add3A_348, %lt3A_377 : vector<16xi32>
    %jit3A_379 = arith.constant 0 : i32
    %broadcast_in_dim3A_380 = vector.broadcast %jit3A_379 : i32 to vector<16xi32>
    %select_n3A_381 = arith.select %lt3A_378, %add3A_375, %broadcast_in_dim3A_380 : vector<16xi1>, vector<16xi32>
    %swap3A_382 = arith.constant 1 : i32
    %swap3A_383 = arith.index_cast %swap3A_382 : i32 to index
    %swap3A_384 = arith.constant 0 : index
    %swap3A_385 = tpu.vector_load %arg10[%swap3A_383, %swap3A_384] {strides = array<i32>} : memref<2x128xi32, #tpu.memory_space<vmem>>, vector<16xi32>,
    tpu.vector_store %arg10[%swap3A_383, %swap3A_384], %select_n3A_381 {strides = array<i32>} : memref<2x128xi32, #tpu.memory_space<vmem>>, vector<16xi32>,
    %mul3A_386 = arith.constant 256 : i32
    %mul3A_387 = arith.muli %arg1, %mul3A_386 : i32
    %add3A_388 = vector.broadcast %mul3A_387 : i32 to vector<16xi32>
    %add3A_389 = arith.addi %iota3A, %add3A_388 : vector<16xi32>
    %add3A_390 = arith.constant 144 : i32
    %add3A_391 = vector.broadcast %add3A_390 : i32 to vector<16xi32>
    %add3A_392 = arith.addi %add3A_389, %add3A_391 : vector<16xi32>
    %add3A_393 = arith.constant 1 : i32
    %add3A_394 = vector.broadcast %add3A_393 : i32 to vector<16xi32>
    %add3A_395 = arith.addi %add3A_392, %add3A_394 : vector<16xi32>
    %shift_right_arithmetic3A_396 = arith.constant 3 : i32
    %shift_right_arithmetic3A_397 = vector.broadcast %shift_right_arithmetic3A_396 : i32 to vector<16xi32>
    %shift_right_arithmetic3A_398 = arith.shrsi %add3A_392, %shift_right_arithmetic3A_397 : vector<16xi32>
    %shift_left3A_399 = arith.constant 15 : i32
    %shift_left3A_400 = vector.broadcast %shift_left3A_399 : i32 to vector<16xi32>
    %shift_left3A_401 = arith.shli %shift_right_arithmetic3A_398, %shift_left3A_400 : vector<16xi32>
    %shift_right_arithmetic3A_402 = arith.constant 7 : i32
    %shift_right_arithmetic3A_403 = vector.broadcast %shift_right_arithmetic3A_402 : i32 to vector<16xi32>
    %shift_right_arithmetic3A_404 = arith.shrsi %add3A_395, %shift_right_arithmetic3A_403 : vector<16xi32>
    %shift_left3A_405 = arith.constant 10 : i32
    %shift_left3A_406 = vector.broadcast %shift_left3A_405 : i32 to vector<16xi32>
    %shift_left3A_407 = arith.shli %shift_right_arithmetic3A_404, %shift_left3A_406 : vector<16xi32>
    %add3A_408 = arith.addi %shift_left3A_401, %shift_left3A_407 : vector<16xi32>
    %and3A_409 = arith.constant 7 : i32
    %and3A_410 = vector.broadcast %and3A_409 : i32 to vector<16xi32>
    %and3A_411 = arith.andi %add3A_392, %and3A_410 : vector<16xi32>
    %shift_left3A_412 = arith.constant 7 : i32
    %shift_left3A_413 = vector.broadcast %shift_left3A_412 : i32 to vector<16xi32>
    %shift_left3A_414 = arith.shli %and3A_411, %shift_left3A_413 : vector<16xi32>
    %add3A_415 = arith.addi %add3A_408, %shift_left3A_414 : vector<16xi32>
    %and3A_416 = arith.constant 127 : i32
    %and3A_417 = vector.broadcast %and3A_416 : i32 to vector<16xi32>
    %and3A_418 = arith.andi %add3A_395, %and3A_417 : vector<16xi32>
    %add3A_419 = arith.addi %add3A_415, %and3A_418 : vector<16xi32>
    %lt3A_420 = arith.constant 4095 : i32
    %lt3A_421 = vector.broadcast %lt3A_420 : i32 to vector<16xi32>
    %lt3A_422 = arith.cmpi slt, %add3A_392, %lt3A_421 : vector<16xi32>
    %jit3A_423 = arith.constant 0 : i32
    %broadcast_in_dim3A_424 = vector.broadcast %jit3A_423 : i32 to vector<16xi32>
    %select_n3A_425 = arith.select %lt3A_422, %add3A_419, %broadcast_in_dim3A_424 : vector<16xi1>, vector<16xi32>
    %swap3A_426 = arith.constant 1 : i32
    %swap3A_427 = arith.index_cast %swap3A_426 : i32 to index
    %swap3A_428 = arith.constant 16 : index
    %swap3A_429 = tpu.vector_load %arg10[%swap3A_427, %swap3A_428] {strides = array<i32>} : memref<2x128xi32, #tpu.memory_space<vmem>>, vector<16xi32>,
    tpu.vector_store %arg10[%swap3A_427, %swap3A_428], %select_n3A_425 {strides = array<i32>} : memref<2x128xi32, #tpu.memory_space<vmem>>, vector<16xi32>,
    %mul3A_430 = arith.constant 256 : i32
    %mul3A_431 = arith.muli %arg1, %mul3A_430 : i32
    %add3A_432 = vector.broadcast %mul3A_431 : i32 to vector<16xi32>
    %add3A_433 = arith.addi %iota3A, %add3A_432 : vector<16xi32>
    %add3A_434 = arith.constant 160 : i32
    %add3A_435 = vector.broadcast %add3A_434 : i32 to vector<16xi32>
    %add3A_436 = arith.addi %add3A_433, %add3A_435 : vector<16xi32>
    %add3A_437 = arith.constant 1 : i32
    %add3A_438 = vector.broadcast %add3A_437 : i32 to vector<16xi32>
    %add3A_439 = arith.addi %add3A_436, %add3A_438 : vector<16xi32>
    %shift_right_arithmetic3A_440 = arith.constant 3 : i32
    %shift_right_arithmetic3A_441 = vector.broadcast %shift_right_arithmetic3A_440 : i32 to vector<16xi32>
    %shift_right_arithmetic3A_442 = arith.shrsi %add3A_436, %shift_right_arithmetic3A_441 : vector<16xi32>
    %shift_left3A_443 = arith.constant 15 : i32
    %shift_left3A_444 = vector.broadcast %shift_left3A_443 : i32 to vector<16xi32>
    %shift_left3A_445 = arith.shli %shift_right_arithmetic3A_442, %shift_left3A_444 : vector<16xi32>
    %shift_right_arithmetic3A_446 = arith.constant 7 : i32
    %shift_right_arithmetic3A_447 = vector.broadcast %shift_right_arithmetic3A_446 : i32 to vector<16xi32>
    %shift_right_arithmetic3A_448 = arith.shrsi %add3A_439, %shift_right_arithmetic3A_447 : vector<16xi32>
    %shift_left3A_449 = arith.constant 10 : i32
    %shift_left3A_450 = vector.broadcast %shift_left3A_449 : i32 to vector<16xi32>
    %shift_left3A_451 = arith.shli %shift_right_arithmetic3A_448, %shift_left3A_450 : vector<16xi32>
    %add3A_452 = arith.addi %shift_left3A_445, %shift_left3A_451 : vector<16xi32>
    %and3A_453 = arith.constant 7 : i32
    %and3A_454 = vector.broadcast %and3A_453 : i32 to vector<16xi32>
    %and3A_455 = arith.andi %add3A_436, %and3A_454 : vector<16xi32>
    %shift_left3A_456 = arith.constant 7 : i32
    %shift_left3A_457 = vector.broadcast %shift_left3A_456 : i32 to vector<16xi32>
    %shift_left3A_458 = arith.shli %and3A_455, %shift_left3A_457 : vector<16xi32>
    %add3A_459 = arith.addi %add3A_452, %shift_left3A_458 : vector<16xi32>
    %and3A_460 = arith.constant 127 : i32
    %and3A_461 = vector.broadcast %and3A_460 : i32 to vector<16xi32>
    %and3A_462 = arith.andi %add3A_439, %and3A_461 : vector<16xi32>
    %add3A_463 = arith.addi %add3A_459, %and3A_462 : vector<16xi32>
    %lt3A_464 = arith.constant 4095 : i32
    %lt3A_465 = vector.broadcast %lt3A_464 : i32 to vector<16xi32>
    %lt3A_466 = arith.cmpi slt, %add3A_436, %lt3A_465 : vector<16xi32>
    %jit3A_467 = arith.constant 0 : i32
    %broadcast_in_dim3A_468 = vector.broadcast %jit3A_467 : i32 to vector<16xi32>
    %select_n3A_469 = arith.select %lt3A_466, %add3A_463, %broadcast_in_dim3A_468 : vector<16xi1>, vector<16xi32>
    %swap3A_470 = arith.constant 1 : i32
    %swap3A_471 = arith.index_cast %swap3A_470 : i32 to index
    %swap3A_472 = arith.constant 32 : index
    %swap3A_473 = tpu.vector_load %arg10[%swap3A_471, %swap3A_472] {strides = array<i32>} : memref<2x128xi32, #tpu.memory_space<vmem>>, vector<16xi32>,
    tpu.vector_store %arg10[%swap3A_471, %swap3A_472], %select_n3A_469 {strides = array<i32>} : memref<2x128xi32, #tpu.memory_space<vmem>>, vector<16xi32>,
    %mul3A_474 = arith.constant 256 : i32
    %mul3A_475 = arith.muli %arg1, %mul3A_474 : i32
    %add3A_476 = vector.broadcast %mul3A_475 : i32 to vector<16xi32>
    %add3A_477 = arith.addi %iota3A, %add3A_476 : vector<16xi32>
    %add3A_478 = arith.constant 176 : i32
    %add3A_479 = vector.broadcast %add3A_478 : i32 to vector<16xi32>
    %add3A_480 = arith.addi %add3A_477, %add3A_479 : vector<16xi32>
    %add3A_481 = arith.constant 1 : i32
    %add3A_482 = vector.broadcast %add3A_481 : i32 to vector<16xi32>
    %add3A_483 = arith.addi %add3A_480, %add3A_482 : vector<16xi32>
    %shift_right_arithmetic3A_484 = arith.constant 3 : i32
    %shift_right_arithmetic3A_485 = vector.broadcast %shift_right_arithmetic3A_484 : i32 to vector<16xi32>
    %shift_right_arithmetic3A_486 = arith.shrsi %add3A_480, %shift_right_arithmetic3A_485 : vector<16xi32>
    %shift_left3A_487 = arith.constant 15 : i32
    %shift_left3A_488 = vector.broadcast %shift_left3A_487 : i32 to vector<16xi32>
    %shift_left3A_489 = arith.shli %shift_right_arithmetic3A_486, %shift_left3A_488 : vector<16xi32>
    %shift_right_arithmetic3A_490 = arith.constant 7 : i32
    %shift_right_arithmetic3A_491 = vector.broadcast %shift_right_arithmetic3A_490 : i32 to vector<16xi32>
    %shift_right_arithmetic3A_492 = arith.shrsi %add3A_483, %shift_right_arithmetic3A_491 : vector<16xi32>
    %shift_left3A_493 = arith.constant 10 : i32
    %shift_left3A_494 = vector.broadcast %shift_left3A_493 : i32 to vector<16xi32>
    %shift_left3A_495 = arith.shli %shift_right_arithmetic3A_492, %shift_left3A_494 : vector<16xi32>
    %add3A_496 = arith.addi %shift_left3A_489, %shift_left3A_495 : vector<16xi32>
    %and3A_497 = arith.constant 7 : i32
    %and3A_498 = vector.broadcast %and3A_497 : i32 to vector<16xi32>
    %and3A_499 = arith.andi %add3A_480, %and3A_498 : vector<16xi32>
    %shift_left3A_500 = arith.constant 7 : i32
    %shift_left3A_501 = vector.broadcast %shift_left3A_500 : i32 to vector<16xi32>
    %shift_left3A_502 = arith.shli %and3A_499, %shift_left3A_501 : vector<16xi32>
    %add3A_503 = arith.addi %add3A_496, %shift_left3A_502 : vector<16xi32>
    %and3A_504 = arith.constant 127 : i32
    %and3A_505 = vector.broadcast %and3A_504 : i32 to vector<16xi32>
    %and3A_506 = arith.andi %add3A_483, %and3A_505 : vector<16xi32>
    %add3A_507 = arith.addi %add3A_503, %and3A_506 : vector<16xi32>
    %lt3A_508 = arith.constant 4095 : i32
    %lt3A_509 = vector.broadcast %lt3A_508 : i32 to vector<16xi32>
    %lt3A_510 = arith.cmpi slt, %add3A_480, %lt3A_509 : vector<16xi32>
    %jit3A_511 = arith.constant 0 : i32
    %broadcast_in_dim3A_512 = vector.broadcast %jit3A_511 : i32 to vector<16xi32>
    %select_n3A_513 = arith.select %lt3A_510, %add3A_507, %broadcast_in_dim3A_512 : vector<16xi1>, vector<16xi32>
    %swap3A_514 = arith.constant 1 : i32
    %swap3A_515 = arith.index_cast %swap3A_514 : i32 to index
    %swap3A_516 = arith.constant 48 : index
    %swap3A_517 = tpu.vector_load %arg10[%swap3A_515, %swap3A_516] {strides = array<i32>} : memref<2x128xi32, #tpu.memory_space<vmem>>, vector<16xi32>,
    tpu.vector_store %arg10[%swap3A_515, %swap3A_516], %select_n3A_513 {strides = array<i32>} : memref<2x128xi32, #tpu.memory_space<vmem>>, vector<16xi32>,
    %mul3A_518 = arith.constant 256 : i32
    %mul3A_519 = arith.muli %arg1, %mul3A_518 : i32
    %add3A_520 = vector.broadcast %mul3A_519 : i32 to vector<16xi32>
    %add3A_521 = arith.addi %iota3A, %add3A_520 : vector<16xi32>
    %add3A_522 = arith.constant 192 : i32
    %add3A_523 = vector.broadcast %add3A_522 : i32 to vector<16xi32>
    %add3A_524 = arith.addi %add3A_521, %add3A_523 : vector<16xi32>
    %add3A_525 = arith.constant 1 : i32
    %add3A_526 = vector.broadcast %add3A_525 : i32 to vector<16xi32>
    %add3A_527 = arith.addi %add3A_524, %add3A_526 : vector<16xi32>
    %shift_right_arithmetic3A_528 = arith.constant 3 : i32
    %shift_right_arithmetic3A_529 = vector.broadcast %shift_right_arithmetic3A_528 : i32 to vector<16xi32>
    %shift_right_arithmetic3A_530 = arith.shrsi %add3A_524, %shift_right_arithmetic3A_529 : vector<16xi32>
    %shift_left3A_531 = arith.constant 15 : i32
    %shift_left3A_532 = vector.broadcast %shift_left3A_531 : i32 to vector<16xi32>
    %shift_left3A_533 = arith.shli %shift_right_arithmetic3A_530, %shift_left3A_532 : vector<16xi32>
    %shift_right_arithmetic3A_534 = arith.constant 7 : i32
    %shift_right_arithmetic3A_535 = vector.broadcast %shift_right_arithmetic3A_534 : i32 to vector<16xi32>
    %shift_right_arithmetic3A_536 = arith.shrsi %add3A_527, %shift_right_arithmetic3A_535 : vector<16xi32>
    %shift_left3A_537 = arith.constant 10 : i32
    %shift_left3A_538 = vector.broadcast %shift_left3A_537 : i32 to vector<16xi32>
    %shift_left3A_539 = arith.shli %shift_right_arithmetic3A_536, %shift_left3A_538 : vector<16xi32>
    %add3A_540 = arith.addi %shift_left3A_533, %shift_left3A_539 : vector<16xi32>
    %and3A_541 = arith.constant 7 : i32
    %and3A_542 = vector.broadcast %and3A_541 : i32 to vector<16xi32>
    %and3A_543 = arith.andi %add3A_524, %and3A_542 : vector<16xi32>
    %shift_left3A_544 = arith.constant 7 : i32
    %shift_left3A_545 = vector.broadcast %shift_left3A_544 : i32 to vector<16xi32>
    %shift_left3A_546 = arith.shli %and3A_543, %shift_left3A_545 : vector<16xi32>
    %add3A_547 = arith.addi %add3A_540, %shift_left3A_546 : vector<16xi32>
    %and3A_548 = arith.constant 127 : i32
    %and3A_549 = vector.broadcast %and3A_548 : i32 to vector<16xi32>
    %and3A_550 = arith.andi %add3A_527, %and3A_549 : vector<16xi32>
    %add3A_551 = arith.addi %add3A_547, %and3A_550 : vector<16xi32>
    %lt3A_552 = arith.constant 4095 : i32
    %lt3A_553 = vector.broadcast %lt3A_552 : i32 to vector<16xi32>
    %lt3A_554 = arith.cmpi slt, %add3A_524, %lt3A_553 : vector<16xi32>
    %jit3A_555 = arith.constant 0 : i32
    %broadcast_in_dim3A_556 = vector.broadcast %jit3A_555 : i32 to vector<16xi32>
    %select_n3A_557 = arith.select %lt3A_554, %add3A_551, %broadcast_in_dim3A_556 : vector<16xi1>, vector<16xi32>
    %swap3A_558 = arith.constant 1 : i32
    %swap3A_559 = arith.index_cast %swap3A_558 : i32 to index
    %swap3A_560 = arith.constant 64 : index
    %swap3A_561 = tpu.vector_load %arg10[%swap3A_559, %swap3A_560] {strides = array<i32>} : memref<2x128xi32, #tpu.memory_space<vmem>>, vector<16xi32>,
    tpu.vector_store %arg10[%swap3A_559, %swap3A_560], %select_n3A_557 {strides = array<i32>} : memref<2x128xi32, #tpu.memory_space<vmem>>, vector<16xi32>,
    %mul3A_562 = arith.constant 256 : i32
    %mul3A_563 = arith.muli %arg1, %mul3A_562 : i32
    %add3A_564 = vector.broadcast %mul3A_563 : i32 to vector<16xi32>
    %add3A_565 = arith.addi %iota3A, %add3A_564 : vector<16xi32>
    %add3A_566 = arith.constant 208 : i32
    %add3A_567 = vector.broadcast %add3A_566 : i32 to vector<16xi32>
    %add3A_568 = arith.addi %add3A_565, %add3A_567 : vector<16xi32>
    %add3A_569 = arith.constant 1 : i32
    %add3A_570 = vector.broadcast %add3A_569 : i32 to vector<16xi32>
    %add3A_571 = arith.addi %add3A_568, %add3A_570 : vector<16xi32>
    %shift_right_arithmetic3A_572 = arith.constant 3 : i32
    %shift_right_arithmetic3A_573 = vector.broadcast %shift_right_arithmetic3A_572 : i32 to vector<16xi32>
    %shift_right_arithmetic3A_574 = arith.shrsi %add3A_568, %shift_right_arithmetic3A_573 : vector<16xi32>
    %shift_left3A_575 = arith.constant 15 : i32
    %shift_left3A_576 = vector.broadcast %shift_left3A_575 : i32 to vector<16xi32>
    %shift_left3A_577 = arith.shli %shift_right_arithmetic3A_574, %shift_left3A_576 : vector<16xi32>
    %shift_right_arithmetic3A_578 = arith.constant 7 : i32
    %shift_right_arithmetic3A_579 = vector.broadcast %shift_right_arithmetic3A_578 : i32 to vector<16xi32>
    %shift_right_arithmetic3A_580 = arith.shrsi %add3A_571, %shift_right_arithmetic3A_579 : vector<16xi32>
    %shift_left3A_581 = arith.constant 10 : i32
    %shift_left3A_582 = vector.broadcast %shift_left3A_581 : i32 to vector<16xi32>
    %shift_left3A_583 = arith.shli %shift_right_arithmetic3A_580, %shift_left3A_582 : vector<16xi32>
    %add3A_584 = arith.addi %shift_left3A_577, %shift_left3A_583 : vector<16xi32>
    %and3A_585 = arith.constant 7 : i32
    %and3A_586 = vector.broadcast %and3A_585 : i32 to vector<16xi32>
    %and3A_587 = arith.andi %add3A_568, %and3A_586 : vector<16xi32>
    %shift_left3A_588 = arith.constant 7 : i32
    %shift_left3A_589 = vector.broadcast %shift_left3A_588 : i32 to vector<16xi32>
    %shift_left3A_590 = arith.shli %and3A_587, %shift_left3A_589 : vector<16xi32>
    %add3A_591 = arith.addi %add3A_584, %shift_left3A_590 : vector<16xi32>
    %and3A_592 = arith.constant 127 : i32
    %and3A_593 = vector.broadcast %and3A_592 : i32 to vector<16xi32>
    %and3A_594 = arith.andi %add3A_571, %and3A_593 : vector<16xi32>
    %add3A_595 = arith.addi %add3A_591, %and3A_594 : vector<16xi32>
    %lt3A_596 = arith.constant 4095 : i32
    %lt3A_597 = vector.broadcast %lt3A_596 : i32 to vector<16xi32>
    %lt3A_598 = arith.cmpi slt, %add3A_568, %lt3A_597 : vector<16xi32>
    %jit3A_599 = arith.constant 0 : i32
    %broadcast_in_dim3A_600 = vector.broadcast %jit3A_599 : i32 to vector<16xi32>
    %select_n3A_601 = arith.select %lt3A_598, %add3A_595, %broadcast_in_dim3A_600 : vector<16xi1>, vector<16xi32>
    %swap3A_602 = arith.constant 1 : i32
    %swap3A_603 = arith.index_cast %swap3A_602 : i32 to index
    %swap3A_604 = arith.constant 80 : index
    %swap3A_605 = tpu.vector_load %arg10[%swap3A_603, %swap3A_604] {strides = array<i32>} : memref<2x128xi32, #tpu.memory_space<vmem>>, vector<16xi32>,
    tpu.vector_store %arg10[%swap3A_603, %swap3A_604], %select_n3A_601 {strides = array<i32>} : memref<2x128xi32, #tpu.memory_space<vmem>>, vector<16xi32>,
    %mul3A_606 = arith.constant 256 : i32
    %mul3A_607 = arith.muli %arg1, %mul3A_606 : i32
    %add3A_608 = vector.broadcast %mul3A_607 : i32 to vector<16xi32>
    %add3A_609 = arith.addi %iota3A, %add3A_608 : vector<16xi32>
    %add3A_610 = arith.constant 224 : i32
    %add3A_611 = vector.broadcast %add3A_610 : i32 to vector<16xi32>
    %add3A_612 = arith.addi %add3A_609, %add3A_611 : vector<16xi32>
    %add3A_613 = arith.constant 1 : i32
    %add3A_614 = vector.broadcast %add3A_613 : i32 to vector<16xi32>
    %add3A_615 = arith.addi %add3A_612, %add3A_614 : vector<16xi32>
    %shift_right_arithmetic3A_616 = arith.constant 3 : i32
    %shift_right_arithmetic3A_617 = vector.broadcast %shift_right_arithmetic3A_616 : i32 to vector<16xi32>
    %shift_right_arithmetic3A_618 = arith.shrsi %add3A_612, %shift_right_arithmetic3A_617 : vector<16xi32>
    %shift_left3A_619 = arith.constant 15 : i32
    %shift_left3A_620 = vector.broadcast %shift_left3A_619 : i32 to vector<16xi32>
    %shift_left3A_621 = arith.shli %shift_right_arithmetic3A_618, %shift_left3A_620 : vector<16xi32>
    %shift_right_arithmetic3A_622 = arith.constant 7 : i32
    %shift_right_arithmetic3A_623 = vector.broadcast %shift_right_arithmetic3A_622 : i32 to vector<16xi32>
    %shift_right_arithmetic3A_624 = arith.shrsi %add3A_615, %shift_right_arithmetic3A_623 : vector<16xi32>
    %shift_left3A_625 = arith.constant 10 : i32
    %shift_left3A_626 = vector.broadcast %shift_left3A_625 : i32 to vector<16xi32>
    %shift_left3A_627 = arith.shli %shift_right_arithmetic3A_624, %shift_left3A_626 : vector<16xi32>
    %add3A_628 = arith.addi %shift_left3A_621, %shift_left3A_627 : vector<16xi32>
    %and3A_629 = arith.constant 7 : i32
    %and3A_630 = vector.broadcast %and3A_629 : i32 to vector<16xi32>
    %and3A_631 = arith.andi %add3A_612, %and3A_630 : vector<16xi32>
    %shift_left3A_632 = arith.constant 7 : i32
    %shift_left3A_633 = vector.broadcast %shift_left3A_632 : i32 to vector<16xi32>
    %shift_left3A_634 = arith.shli %and3A_631, %shift_left3A_633 : vector<16xi32>
    %add3A_635 = arith.addi %add3A_628, %shift_left3A_634 : vector<16xi32>
    %and3A_636 = arith.constant 127 : i32
    %and3A_637 = vector.broadcast %and3A_636 : i32 to vector<16xi32>
    %and3A_638 = arith.andi %add3A_615, %and3A_637 : vector<16xi32>
    %add3A_639 = arith.addi %add3A_635, %and3A_638 : vector<16xi32>
    %lt3A_640 = arith.constant 4095 : i32
    %lt3A_641 = vector.broadcast %lt3A_640 : i32 to vector<16xi32>
    %lt3A_642 = arith.cmpi slt, %add3A_612, %lt3A_641 : vector<16xi32>
    %jit3A_643 = arith.constant 0 : i32
    %broadcast_in_dim3A_644 = vector.broadcast %jit3A_643 : i32 to vector<16xi32>
    %select_n3A_645 = arith.select %lt3A_642, %add3A_639, %broadcast_in_dim3A_644 : vector<16xi1>, vector<16xi32>
    %swap3A_646 = arith.constant 1 : i32
    %swap3A_647 = arith.index_cast %swap3A_646 : i32 to index
    %swap3A_648 = arith.constant 96 : index
    %swap3A_649 = tpu.vector_load %arg10[%swap3A_647, %swap3A_648] {strides = array<i32>} : memref<2x128xi32, #tpu.memory_space<vmem>>, vector<16xi32>,
    tpu.vector_store %arg10[%swap3A_647, %swap3A_648], %select_n3A_645 {strides = array<i32>} : memref<2x128xi32, #tpu.memory_space<vmem>>, vector<16xi32>,
    %mul3A_650 = arith.constant 256 : i32
    %mul3A_651 = arith.muli %arg1, %mul3A_650 : i32
    %add3A_652 = vector.broadcast %mul3A_651 : i32 to vector<16xi32>
    %add3A_653 = arith.addi %iota3A, %add3A_652 : vector<16xi32>
    %add3A_654 = arith.constant 240 : i32
    %add3A_655 = vector.broadcast %add3A_654 : i32 to vector<16xi32>
    %add3A_656 = arith.addi %add3A_653, %add3A_655 : vector<16xi32>
    %add3A_657 = arith.constant 1 : i32
    %add3A_658 = vector.broadcast %add3A_657 : i32 to vector<16xi32>
    %add3A_659 = arith.addi %add3A_656, %add3A_658 : vector<16xi32>
    %shift_right_arithmetic3A_660 = arith.constant 3 : i32
    %shift_right_arithmetic3A_661 = vector.broadcast %shift_right_arithmetic3A_660 : i32 to vector<16xi32>
    %shift_right_arithmetic3A_662 = arith.shrsi %add3A_656, %shift_right_arithmetic3A_661 : vector<16xi32>
    %shift_left3A_663 = arith.constant 15 : i32
    %shift_left3A_664 = vector.broadcast %shift_left3A_663 : i32 to vector<16xi32>
    %shift_left3A_665 = arith.shli %shift_right_arithmetic3A_662, %shift_left3A_664 : vector<16xi32>
    %shift_right_arithmetic3A_666 = arith.constant 7 : i32
    %shift_right_arithmetic3A_667 = vector.broadcast %shift_right_arithmetic3A_666 : i32 to vector<16xi32>
    %shift_right_arithmetic3A_668 = arith.shrsi %add3A_659, %shift_right_arithmetic3A_667 : vector<16xi32>
    %shift_left3A_669 = arith.constant 10 : i32
    %shift_left3A_670 = vector.broadcast %shift_left3A_669 : i32 to vector<16xi32>
    %shift_left3A_671 = arith.shli %shift_right_arithmetic3A_668, %shift_left3A_670 : vector<16xi32>
    %add3A_672 = arith.addi %shift_left3A_665, %shift_left3A_671 : vector<16xi32>
    %and3A_673 = arith.constant 7 : i32
    %and3A_674 = vector.broadcast %and3A_673 : i32 to vector<16xi32>
    %and3A_675 = arith.andi %add3A_656, %and3A_674 : vector<16xi32>
    %shift_left3A_676 = arith.constant 7 : i32
    %shift_left3A_677 = vector.broadcast %shift_left3A_676 : i32 to vector<16xi32>
    %shift_left3A_678 = arith.shli %and3A_675, %shift_left3A_677 : vector<16xi32>
    %add3A_679 = arith.addi %add3A_672, %shift_left3A_678 : vector<16xi32>
    %and3A_680 = arith.constant 127 : i32
    %and3A_681 = vector.broadcast %and3A_680 : i32 to vector<16xi32>
    %and3A_682 = arith.andi %add3A_659, %and3A_681 : vector<16xi32>
    %add3A_683 = arith.addi %add3A_679, %and3A_682 : vector<16xi32>
    %lt3A_684 = arith.constant 4095 : i32
    %lt3A_685 = vector.broadcast %lt3A_684 : i32 to vector<16xi32>
    %lt3A_686 = arith.cmpi slt, %add3A_656, %lt3A_685 : vector<16xi32>
    %jit3A_687 = arith.constant 0 : i32
    %broadcast_in_dim3A_688 = vector.broadcast %jit3A_687 : i32 to vector<16xi32>
    %select_n3A_689 = arith.select %lt3A_686, %add3A_683, %broadcast_in_dim3A_688 : vector<16xi1>, vector<16xi32>
    %swap3A_690 = arith.constant 1 : i32
    %swap3A_691 = arith.index_cast %swap3A_690 : i32 to index
    %swap3A_692 = arith.constant 112 : index
    %swap3A_693 = tpu.vector_load %arg10[%swap3A_691, %swap3A_692] {strides = array<i32>} : memref<2x128xi32, #tpu.memory_space<vmem>>, vector<16xi32>,
    tpu.vector_store %arg10[%swap3A_691, %swap3A_692], %select_n3A_689 {strides = array<i32>} : memref<2x128xi32, #tpu.memory_space<vmem>>, vector<16xi32>,
    %dma_start3A = arith.constant 0 : i32
    %dma_start3A_694 = arith.constant 0 : i32
    %dma_start3A_695 = arith.constant 0 : i32
    %dma_start3A_696 = tpu.memref_slice %arg11[%dma_start3A_694, %dma_start3A_695] : memref<2x128xf32, #tpu.memory_space<vmem>> -> memref<1x128xf32, #tpu.memory_space<vmem>>
    %dma_start3A_697 = tpu.memref_squeeze %dma_start3A_696 : memref<1x128xf32, #tpu.memory_space<vmem>> -> memref<128xf32, #tpu.memory_space<vmem>>
    %dma_start3A_698 = arith.constant 0 : i32
    %dma_start3A_699 = tpu.memref_slice %arg10[%dma_start3A, %dma_start3A_698] : memref<2x128xi32, #tpu.memory_space<vmem>> -> memref<1x128xi32, #tpu.memory_space<vmem>>
    %dma_start3A_700 = tpu.memref_squeeze %dma_start3A_699 : memref<1x128xi32, #tpu.memory_space<vmem>> -> memref<128xi32, #tpu.memory_space<vmem>>
    %dma_start3A_701 = arith.constant 0 : i32
    %dma_start3A_702 = tpu.memref_slice %arg2[%dma_start3A_701] : memref<16777216xf32, #tpu.memory_space<hbm>> -> memref<16777216xf32, #tpu.memory_space<hbm>>
    tpu.enqueue_indirect_dma source(%dma_start3A_702 : memref<16777216xf32, #tpu.memory_space<hbm>>) target(%dma_start3A_697 : memref<128xf32, #tpu.memory_space<vmem>>) offsets(%dma_start3A_700 : memref<128xi32, #tpu.memory_space<vmem>>) semaphore(%arg17 : memref<!tpu.dma_semaphore, #tpu.memory_space<semaphore_mem>>)
    %dma_start3A_703 = arith.constant 1 : i32
    %dma_start3A_704 = arith.constant 1 : i32
    %dma_start3A_705 = arith.constant 0 : i32
    %dma_start3A_706 = tpu.memref_slice %arg11[%dma_start3A_704, %dma_start3A_705] : memref<2x128xf32, #tpu.memory_space<vmem>> -> memref<1x128xf32, #tpu.memory_space<vmem>>
    %dma_start3A_707 = tpu.memref_squeeze %dma_start3A_706 : memref<1x128xf32, #tpu.memory_space<vmem>> -> memref<128xf32, #tpu.memory_space<vmem>>
    %dma_start3A_708 = arith.constant 0 : i32
    %dma_start3A_709 = tpu.memref_slice %arg10[%dma_start3A_703, %dma_start3A_708] : memref<2x128xi32, #tpu.memory_space<vmem>> -> memref<1x128xi32, #tpu.memory_space<vmem>>
    %dma_start3A_710 = tpu.memref_squeeze %dma_start3A_709 : memref<1x128xi32, #tpu.memory_space<vmem>> -> memref<128xi32, #tpu.memory_space<vmem>>
    %dma_start3A_711 = arith.constant 0 : i32
    %dma_start3A_712 = tpu.memref_slice %arg2[%dma_start3A_711] : memref<16777216xf32, #tpu.memory_space<hbm>> -> memref<16777216xf32, #tpu.memory_space<hbm>>
    tpu.enqueue_indirect_dma source(%dma_start3A_712 : memref<16777216xf32, #tpu.memory_space<hbm>>) target(%dma_start3A_707 : memref<128xf32, #tpu.memory_space<vmem>>) offsets(%dma_start3A_710 : memref<128xi32, #tpu.memory_space<vmem>>) semaphore(%arg17 : memref<!tpu.dma_semaphore, #tpu.memory_space<semaphore_mem>>)
    %mul3A_713 = arith.constant 1024 : i32
    %mul3A_714 = arith.muli %arg1, %mul3A_713 : i32
    "tpu.region"() ({
      %run_scoped3A = tpu.sem_alloc : memref<!tpu.dma_semaphore, #tpu.memory_space<semaphore_mem>>
      %dma_start3A_3960 = tpu.memref_slice %arg3[%mul3A_714] : memref<16384xi32, #tpu.memory_space<hbm>> -> memref<1024xi32, #tpu.memory_space<hbm>>
      %dma_start3A_3961 = tpu.memref_slice %arg3[%mul3A_714] : memref<16384xi32, #tpu.memory_space<hbm>> -> memref<1024xi32, #tpu.memory_space<hbm>>
      tpu.enqueue_dma source(%dma_start3A_3961 : memref<1024xi32, #tpu.memory_space<hbm>>) target(%arg7 : memref<1024xi32, #tpu.memory_space<vmem>>) target_semaphore(%run_scoped3A : memref<!tpu.dma_semaphore, #tpu.memory_space<semaphore_mem>>)
      %dma_wait3A_3962 = tpu.memref_slice %arg3[%mul3A_714] : memref<16384xi32, #tpu.memory_space<hbm>> -> memref<1024xi32, #tpu.memory_space<hbm>>
      %dma_wait3A_3963 = tpu.memref_slice %arg3[%mul3A_714] : memref<16384xi32, #tpu.memory_space<hbm>> -> memref<1024xi32, #tpu.memory_space<hbm>>
      tpu.wait_dma2 semaphore(%run_scoped3A : memref<!tpu.dma_semaphore, #tpu.memory_space<semaphore_mem>>) src(%dma_wait3A_3963 : memref<1024xi32, #tpu.memory_space<hbm>>) dst(%arg7 : memref<1024xi32, #tpu.memory_space<vmem>>)
      tpu.yield
    }) : () -> ()
    %get3A = arith.constant 0 : index
    %get3A_715 = tpu.vector_load %arg7[%get3A] {strides = array<i32>} : memref<1024xi32, #tpu.memory_space<vmem>>, vector<16xi32>,
    %add3A_716 = arith.constant 1 : i32
    %add3A_717 = vector.broadcast %add3A_716 : i32 to vector<16xi32>
    %add3A_718 = arith.addi %iota3A, %add3A_717 : vector<16xi32>
    %min3A = arith.constant 1023 : i32
    %min3A_719 = vector.broadcast %min3A : i32 to vector<16xi32>
    %min3A_720 = arith.minsi %add3A_718, %min3A_719 : vector<16xi32>
    %gather3A = tpu.vector_load_idx %arg7[%min3A_720] : memref<1024xi32, #tpu.memory_space<vmem>>[vector<16xi32>], vector<16xi32>,
    %shift_right_arithmetic3A_721 = arith.constant 3 : i32
    %shift_right_arithmetic3A_722 = vector.broadcast %shift_right_arithmetic3A_721 : i32 to vector<16xi32>
    %shift_right_arithmetic3A_723 = arith.shrsi %get3A_715, %shift_right_arithmetic3A_722 : vector<16xi32>
    %shift_left3A_724 = arith.constant 15 : i32
    %shift_left3A_725 = vector.broadcast %shift_left3A_724 : i32 to vector<16xi32>
    %shift_left3A_726 = arith.shli %shift_right_arithmetic3A_723, %shift_left3A_725 : vector<16xi32>
    %shift_right_arithmetic3A_727 = arith.constant 7 : i32
    %shift_right_arithmetic3A_728 = vector.broadcast %shift_right_arithmetic3A_727 : i32 to vector<16xi32>
    %shift_right_arithmetic3A_729 = arith.shrsi %gather3A, %shift_right_arithmetic3A_728 : vector<16xi32>
    %shift_left3A_730 = arith.constant 10 : i32
    %shift_left3A_731 = vector.broadcast %shift_left3A_730 : i32 to vector<16xi32>
    %shift_left3A_732 = arith.shli %shift_right_arithmetic3A_729, %shift_left3A_731 : vector<16xi32>
    %add3A_733 = arith.addi %shift_left3A_726, %shift_left3A_732 : vector<16xi32>
    %and3A_734 = arith.constant 7 : i32
    %and3A_735 = vector.broadcast %and3A_734 : i32 to vector<16xi32>
    %and3A_736 = arith.andi %get3A_715, %and3A_735 : vector<16xi32>
    %shift_left3A_737 = arith.constant 7 : i32
    %shift_left3A_738 = vector.broadcast %shift_left3A_737 : i32 to vector<16xi32>
    %shift_left3A_739 = arith.shli %and3A_736, %shift_left3A_738 : vector<16xi32>
    %add3A_740 = arith.addi %add3A_733, %shift_left3A_739 : vector<16xi32>
    %and3A_741 = arith.constant 127 : i32
    %and3A_742 = vector.broadcast %and3A_741 : i32 to vector<16xi32>
    %and3A_743 = arith.andi %gather3A, %and3A_742 : vector<16xi32>
    %add3A_744 = arith.addi %add3A_740, %and3A_743 : vector<16xi32>
    %swap3A_745 = arith.constant 0 : i32
    %swap3A_746 = arith.index_cast %swap3A_745 : i32 to index
    %swap3A_747 = arith.constant 0 : index
    %swap3A_748 = tpu.vector_load %arg8[%swap3A_746, %swap3A_747] {strides = array<i32>} : memref<8x128xi32, #tpu.memory_space<vmem>>, vector<16xi32>,
    tpu.vector_store %arg8[%swap3A_746, %swap3A_747], %add3A_744 {strides = array<i32>} : memref<8x128xi32, #tpu.memory_space<vmem>>, vector<16xi32>,
    %get3A_749 = arith.constant 16 : index
    %get3A_750 = tpu.vector_load %arg7[%get3A_749] {strides = array<i32>} : memref<1024xi32, #tpu.memory_space<vmem>>, vector<16xi32>,
    %add3A_751 = arith.constant 17 : i32
    %add3A_752 = vector.broadcast %add3A_751 : i32 to vector<16xi32>
    %add3A_753 = arith.addi %iota3A, %add3A_752 : vector<16xi32>
    %min3A_754 = arith.constant 1023 : i32
    %min3A_755 = vector.broadcast %min3A_754 : i32 to vector<16xi32>
    %min3A_756 = arith.minsi %add3A_753, %min3A_755 : vector<16xi32>
    %gather3A_757 = tpu.vector_load_idx %arg7[%min3A_756] : memref<1024xi32, #tpu.memory_space<vmem>>[vector<16xi32>], vector<16xi32>,
    %shift_right_arithmetic3A_758 = arith.constant 3 : i32
    %shift_right_arithmetic3A_759 = vector.broadcast %shift_right_arithmetic3A_758 : i32 to vector<16xi32>
    %shift_right_arithmetic3A_760 = arith.shrsi %get3A_750, %shift_right_arithmetic3A_759 : vector<16xi32>
    %shift_left3A_761 = arith.constant 15 : i32
    %shift_left3A_762 = vector.broadcast %shift_left3A_761 : i32 to vector<16xi32>
    %shift_left3A_763 = arith.shli %shift_right_arithmetic3A_760, %shift_left3A_762 : vector<16xi32>
    %shift_right_arithmetic3A_764 = arith.constant 7 : i32
    %shift_right_arithmetic3A_765 = vector.broadcast %shift_right_arithmetic3A_764 : i32 to vector<16xi32>
    %shift_right_arithmetic3A_766 = arith.shrsi %gather3A_757, %shift_right_arithmetic3A_765 : vector<16xi32>
    %shift_left3A_767 = arith.constant 10 : i32
    %shift_left3A_768 = vector.broadcast %shift_left3A_767 : i32 to vector<16xi32>
    %shift_left3A_769 = arith.shli %shift_right_arithmetic3A_766, %shift_left3A_768 : vector<16xi32>
    %add3A_770 = arith.addi %shift_left3A_763, %shift_left3A_769 : vector<16xi32>
    %and3A_771 = arith.constant 7 : i32
    %and3A_772 = vector.broadcast %and3A_771 : i32 to vector<16xi32>
    %and3A_773 = arith.andi %get3A_750, %and3A_772 : vector<16xi32>
    %shift_left3A_774 = arith.constant 7 : i32
    %shift_left3A_775 = vector.broadcast %shift_left3A_774 : i32 to vector<16xi32>
    %shift_left3A_776 = arith.shli %and3A_773, %shift_left3A_775 : vector<16xi32>
    %add3A_777 = arith.addi %add3A_770, %shift_left3A_776 : vector<16xi32>
    %and3A_778 = arith.constant 127 : i32
    %and3A_779 = vector.broadcast %and3A_778 : i32 to vector<16xi32>
    %and3A_780 = arith.andi %gather3A_757, %and3A_779 : vector<16xi32>
    %add3A_781 = arith.addi %add3A_777, %and3A_780 : vector<16xi32>
    %swap3A_782 = arith.constant 0 : i32
    %swap3A_783 = arith.index_cast %swap3A_782 : i32 to index
    %swap3A_784 = arith.constant 16 : index
    %swap3A_785 = tpu.vector_load %arg8[%swap3A_783, %swap3A_784] {strides = array<i32>} : memref<8x128xi32, #tpu.memory_space<vmem>>, vector<16xi32>,
    tpu.vector_store %arg8[%swap3A_783, %swap3A_784], %add3A_781 {strides = array<i32>} : memref<8x128xi32, #tpu.memory_space<vmem>>, vector<16xi32>,
    %get3A_786 = arith.constant 32 : index
    %get3A_787 = tpu.vector_load %arg7[%get3A_786] {strides = array<i32>} : memref<1024xi32, #tpu.memory_space<vmem>>, vector<16xi32>,
    %add3A_788 = arith.constant 33 : i32
    %add3A_789 = vector.broadcast %add3A_788 : i32 to vector<16xi32>
    %add3A_790 = arith.addi %iota3A, %add3A_789 : vector<16xi32>
    %min3A_791 = arith.constant 1023 : i32
    %min3A_792 = vector.broadcast %min3A_791 : i32 to vector<16xi32>
    %min3A_793 = arith.minsi %add3A_790, %min3A_792 : vector<16xi32>
    %gather3A_794 = tpu.vector_load_idx %arg7[%min3A_793] : memref<1024xi32, #tpu.memory_space<vmem>>[vector<16xi32>], vector<16xi32>,
    %shift_right_arithmetic3A_795 = arith.constant 3 : i32
    %shift_right_arithmetic3A_796 = vector.broadcast %shift_right_arithmetic3A_795 : i32 to vector<16xi32>
    %shift_right_arithmetic3A_797 = arith.shrsi %get3A_787, %shift_right_arithmetic3A_796 : vector<16xi32>
    %shift_left3A_798 = arith.constant 15 : i32
    %shift_left3A_799 = vector.broadcast %shift_left3A_798 : i32 to vector<16xi32>
    %shift_left3A_800 = arith.shli %shift_right_arithmetic3A_797, %shift_left3A_799 : vector<16xi32>
    %shift_right_arithmetic3A_801 = arith.constant 7 : i32
    %shift_right_arithmetic3A_802 = vector.broadcast %shift_right_arithmetic3A_801 : i32 to vector<16xi32>
    %shift_right_arithmetic3A_803 = arith.shrsi %gather3A_794, %shift_right_arithmetic3A_802 : vector<16xi32>
    %shift_left3A_804 = arith.constant 10 : i32
    %shift_left3A_805 = vector.broadcast %shift_left3A_804 : i32 to vector<16xi32>
    %shift_left3A_806 = arith.shli %shift_right_arithmetic3A_803, %shift_left3A_805 : vector<16xi32>
    %add3A_807 = arith.addi %shift_left3A_800, %shift_left3A_806 : vector<16xi32>
    %and3A_808 = arith.constant 7 : i32
    %and3A_809 = vector.broadcast %and3A_808 : i32 to vector<16xi32>
    %and3A_810 = arith.andi %get3A_787, %and3A_809 : vector<16xi32>
    %shift_left3A_811 = arith.constant 7 : i32
    %shift_left3A_812 = vector.broadcast %shift_left3A_811 : i32 to vector<16xi32>
    %shift_left3A_813 = arith.shli %and3A_810, %shift_left3A_812 : vector<16xi32>
    %add3A_814 = arith.addi %add3A_807, %shift_left3A_813 : vector<16xi32>
    %and3A_815 = arith.constant 127 : i32
    %and3A_816 = vector.broadcast %and3A_815 : i32 to vector<16xi32>
    %and3A_817 = arith.andi %gather3A_794, %and3A_816 : vector<16xi32>
    %add3A_818 = arith.addi %add3A_814, %and3A_817 : vector<16xi32>
    %swap3A_819 = arith.constant 0 : i32
    %swap3A_820 = arith.index_cast %swap3A_819 : i32 to index
    %swap3A_821 = arith.constant 32 : index
    %swap3A_822 = tpu.vector_load %arg8[%swap3A_820, %swap3A_821] {strides = array<i32>} : memref<8x128xi32, #tpu.memory_space<vmem>>, vector<16xi32>,
    tpu.vector_store %arg8[%swap3A_820, %swap3A_821], %add3A_818 {strides = array<i32>} : memref<8x128xi32, #tpu.memory_space<vmem>>, vector<16xi32>,
    %get3A_823 = arith.constant 48 : index
    %get3A_824 = tpu.vector_load %arg7[%get3A_823] {strides = array<i32>} : memref<1024xi32, #tpu.memory_space<vmem>>, vector<16xi32>,
    %add3A_825 = arith.constant 49 : i32
    %add3A_826 = vector.broadcast %add3A_825 : i32 to vector<16xi32>
    %add3A_827 = arith.addi %iota3A, %add3A_826 : vector<16xi32>
    %min3A_828 = arith.constant 1023 : i32
    %min3A_829 = vector.broadcast %min3A_828 : i32 to vector<16xi32>
    %min3A_830 = arith.minsi %add3A_827, %min3A_829 : vector<16xi32>
    %gather3A_831 = tpu.vector_load_idx %arg7[%min3A_830] : memref<1024xi32, #tpu.memory_space<vmem>>[vector<16xi32>], vector<16xi32>,
    %shift_right_arithmetic3A_832 = arith.constant 3 : i32
    %shift_right_arithmetic3A_833 = vector.broadcast %shift_right_arithmetic3A_832 : i32 to vector<16xi32>
    %shift_right_arithmetic3A_834 = arith.shrsi %get3A_824, %shift_right_arithmetic3A_833 : vector<16xi32>
    %shift_left3A_835 = arith.constant 15 : i32
    %shift_left3A_836 = vector.broadcast %shift_left3A_835 : i32 to vector<16xi32>
    %shift_left3A_837 = arith.shli %shift_right_arithmetic3A_834, %shift_left3A_836 : vector<16xi32>
    %shift_right_arithmetic3A_838 = arith.constant 7 : i32
    %shift_right_arithmetic3A_839 = vector.broadcast %shift_right_arithmetic3A_838 : i32 to vector<16xi32>
    %shift_right_arithmetic3A_840 = arith.shrsi %gather3A_831, %shift_right_arithmetic3A_839 : vector<16xi32>
    %shift_left3A_841 = arith.constant 10 : i32
    %shift_left3A_842 = vector.broadcast %shift_left3A_841 : i32 to vector<16xi32>
    %shift_left3A_843 = arith.shli %shift_right_arithmetic3A_840, %shift_left3A_842 : vector<16xi32>
    %add3A_844 = arith.addi %shift_left3A_837, %shift_left3A_843 : vector<16xi32>
    %and3A_845 = arith.constant 7 : i32
    %and3A_846 = vector.broadcast %and3A_845 : i32 to vector<16xi32>
    %and3A_847 = arith.andi %get3A_824, %and3A_846 : vector<16xi32>
    %shift_left3A_848 = arith.constant 7 : i32
    %shift_left3A_849 = vector.broadcast %shift_left3A_848 : i32 to vector<16xi32>
    %shift_left3A_850 = arith.shli %and3A_847, %shift_left3A_849 : vector<16xi32>
    %add3A_851 = arith.addi %add3A_844, %shift_left3A_850 : vector<16xi32>
    %and3A_852 = arith.constant 127 : i32
    %and3A_853 = vector.broadcast %and3A_852 : i32 to vector<16xi32>
    %and3A_854 = arith.andi %gather3A_831, %and3A_853 : vector<16xi32>
    %add3A_855 = arith.addi %add3A_851, %and3A_854 : vector<16xi32>
    %swap3A_856 = arith.constant 0 : i32
    %swap3A_857 = arith.index_cast %swap3A_856 : i32 to index
    %swap3A_858 = arith.constant 48 : index
    %swap3A_859 = tpu.vector_load %arg8[%swap3A_857, %swap3A_858] {strides = array<i32>} : memref<8x128xi32, #tpu.memory_space<vmem>>, vector<16xi32>,
    tpu.vector_store %arg8[%swap3A_857, %swap3A_858], %add3A_855 {strides = array<i32>} : memref<8x128xi32, #tpu.memory_space<vmem>>, vector<16xi32>,
    %get3A_860 = arith.constant 64 : index
    %get3A_861 = tpu.vector_load %arg7[%get3A_860] {strides = array<i32>} : memref<1024xi32, #tpu.memory_space<vmem>>, vector<16xi32>,
    %add3A_862 = arith.constant 65 : i32
    %add3A_863 = vector.broadcast %add3A_862 : i32 to vector<16xi32>
    %add3A_864 = arith.addi %iota3A, %add3A_863 : vector<16xi32>
    %min3A_865 = arith.constant 1023 : i32
    %min3A_866 = vector.broadcast %min3A_865 : i32 to vector<16xi32>
    %min3A_867 = arith.minsi %add3A_864, %min3A_866 : vector<16xi32>
    %gather3A_868 = tpu.vector_load_idx %arg7[%min3A_867] : memref<1024xi32, #tpu.memory_space<vmem>>[vector<16xi32>], vector<16xi32>,
    %shift_right_arithmetic3A_869 = arith.constant 3 : i32
    %shift_right_arithmetic3A_870 = vector.broadcast %shift_right_arithmetic3A_869 : i32 to vector<16xi32>
    %shift_right_arithmetic3A_871 = arith.shrsi %get3A_861, %shift_right_arithmetic3A_870 : vector<16xi32>
    %shift_left3A_872 = arith.constant 15 : i32
    %shift_left3A_873 = vector.broadcast %shift_left3A_872 : i32 to vector<16xi32>
    %shift_left3A_874 = arith.shli %shift_right_arithmetic3A_871, %shift_left3A_873 : vector<16xi32>
    %shift_right_arithmetic3A_875 = arith.constant 7 : i32
    %shift_right_arithmetic3A_876 = vector.broadcast %shift_right_arithmetic3A_875 : i32 to vector<16xi32>
    %shift_right_arithmetic3A_877 = arith.shrsi %gather3A_868, %shift_right_arithmetic3A_876 : vector<16xi32>
    %shift_left3A_878 = arith.constant 10 : i32
    %shift_left3A_879 = vector.broadcast %shift_left3A_878 : i32 to vector<16xi32>
    %shift_left3A_880 = arith.shli %shift_right_arithmetic3A_877, %shift_left3A_879 : vector<16xi32>
    %add3A_881 = arith.addi %shift_left3A_874, %shift_left3A_880 : vector<16xi32>
    %and3A_882 = arith.constant 7 : i32
    %and3A_883 = vector.broadcast %and3A_882 : i32 to vector<16xi32>
    %and3A_884 = arith.andi %get3A_861, %and3A_883 : vector<16xi32>
    %shift_left3A_885 = arith.constant 7 : i32
    %shift_left3A_886 = vector.broadcast %shift_left3A_885 : i32 to vector<16xi32>
    %shift_left3A_887 = arith.shli %and3A_884, %shift_left3A_886 : vector<16xi32>
    %add3A_888 = arith.addi %add3A_881, %shift_left3A_887 : vector<16xi32>
    %and3A_889 = arith.constant 127 : i32
    %and3A_890 = vector.broadcast %and3A_889 : i32 to vector<16xi32>
    %and3A_891 = arith.andi %gather3A_868, %and3A_890 : vector<16xi32>
    %add3A_892 = arith.addi %add3A_888, %and3A_891 : vector<16xi32>
    %swap3A_893 = arith.constant 0 : i32
    %swap3A_894 = arith.index_cast %swap3A_893 : i32 to index
    %swap3A_895 = arith.constant 64 : index
    %swap3A_896 = tpu.vector_load %arg8[%swap3A_894, %swap3A_895] {strides = array<i32>} : memref<8x128xi32, #tpu.memory_space<vmem>>, vector<16xi32>,
    tpu.vector_store %arg8[%swap3A_894, %swap3A_895], %add3A_892 {strides = array<i32>} : memref<8x128xi32, #tpu.memory_space<vmem>>, vector<16xi32>,
    %get3A_897 = arith.constant 80 : index
    %get3A_898 = tpu.vector_load %arg7[%get3A_897] {strides = array<i32>} : memref<1024xi32, #tpu.memory_space<vmem>>, vector<16xi32>,
    %add3A_899 = arith.constant 81 : i32
    %add3A_900 = vector.broadcast %add3A_899 : i32 to vector<16xi32>
    %add3A_901 = arith.addi %iota3A, %add3A_900 : vector<16xi32>
    %min3A_902 = arith.constant 1023 : i32
    %min3A_903 = vector.broadcast %min3A_902 : i32 to vector<16xi32>
    %min3A_904 = arith.minsi %add3A_901, %min3A_903 : vector<16xi32>
    %gather3A_905 = tpu.vector_load_idx %arg7[%min3A_904] : memref<1024xi32, #tpu.memory_space<vmem>>[vector<16xi32>], vector<16xi32>,
    %shift_right_arithmetic3A_906 = arith.constant 3 : i32
    %shift_right_arithmetic3A_907 = vector.broadcast %shift_right_arithmetic3A_906 : i32 to vector<16xi32>
    %shift_right_arithmetic3A_908 = arith.shrsi %get3A_898, %shift_right_arithmetic3A_907 : vector<16xi32>
    %shift_left3A_909 = arith.constant 15 : i32
    %shift_left3A_910 = vector.broadcast %shift_left3A_909 : i32 to vector<16xi32>
    %shift_left3A_911 = arith.shli %shift_right_arithmetic3A_908, %shift_left3A_910 : vector<16xi32>
    %shift_right_arithmetic3A_912 = arith.constant 7 : i32
    %shift_right_arithmetic3A_913 = vector.broadcast %shift_right_arithmetic3A_912 : i32 to vector<16xi32>
    %shift_right_arithmetic3A_914 = arith.shrsi %gather3A_905, %shift_right_arithmetic3A_913 : vector<16xi32>
    %shift_left3A_915 = arith.constant 10 : i32
    %shift_left3A_916 = vector.broadcast %shift_left3A_915 : i32 to vector<16xi32>
    %shift_left3A_917 = arith.shli %shift_right_arithmetic3A_914, %shift_left3A_916 : vector<16xi32>
    %add3A_918 = arith.addi %shift_left3A_911, %shift_left3A_917 : vector<16xi32>
    %and3A_919 = arith.constant 7 : i32
    %and3A_920 = vector.broadcast %and3A_919 : i32 to vector<16xi32>
    %and3A_921 = arith.andi %get3A_898, %and3A_920 : vector<16xi32>
    %shift_left3A_922 = arith.constant 7 : i32
    %shift_left3A_923 = vector.broadcast %shift_left3A_922 : i32 to vector<16xi32>
    %shift_left3A_924 = arith.shli %and3A_921, %shift_left3A_923 : vector<16xi32>
    %add3A_925 = arith.addi %add3A_918, %shift_left3A_924 : vector<16xi32>
    %and3A_926 = arith.constant 127 : i32
    %and3A_927 = vector.broadcast %and3A_926 : i32 to vector<16xi32>
    %and3A_928 = arith.andi %gather3A_905, %and3A_927 : vector<16xi32>
    %add3A_929 = arith.addi %add3A_925, %and3A_928 : vector<16xi32>
    %swap3A_930 = arith.constant 0 : i32
    %swap3A_931 = arith.index_cast %swap3A_930 : i32 to index
    %swap3A_932 = arith.constant 80 : index
    %swap3A_933 = tpu.vector_load %arg8[%swap3A_931, %swap3A_932] {strides = array<i32>} : memref<8x128xi32, #tpu.memory_space<vmem>>, vector<16xi32>,
    tpu.vector_store %arg8[%swap3A_931, %swap3A_932], %add3A_929 {strides = array<i32>} : memref<8x128xi32, #tpu.memory_space<vmem>>, vector<16xi32>,
    %get3A_934 = arith.constant 96 : index
    %get3A_935 = tpu.vector_load %arg7[%get3A_934] {strides = array<i32>} : memref<1024xi32, #tpu.memory_space<vmem>>, vector<16xi32>,
    %add3A_936 = arith.constant 97 : i32
    %add3A_937 = vector.broadcast %add3A_936 : i32 to vector<16xi32>
    %add3A_938 = arith.addi %iota3A, %add3A_937 : vector<16xi32>
    %min3A_939 = arith.constant 1023 : i32
    %min3A_940 = vector.broadcast %min3A_939 : i32 to vector<16xi32>
    %min3A_941 = arith.minsi %add3A_938, %min3A_940 : vector<16xi32>
    %gather3A_942 = tpu.vector_load_idx %arg7[%min3A_941] : memref<1024xi32, #tpu.memory_space<vmem>>[vector<16xi32>], vector<16xi32>,
    %shift_right_arithmetic3A_943 = arith.constant 3 : i32
    %shift_right_arithmetic3A_944 = vector.broadcast %shift_right_arithmetic3A_943 : i32 to vector<16xi32>
    %shift_right_arithmetic3A_945 = arith.shrsi %get3A_935, %shift_right_arithmetic3A_944 : vector<16xi32>
    %shift_left3A_946 = arith.constant 15 : i32
    %shift_left3A_947 = vector.broadcast %shift_left3A_946 : i32 to vector<16xi32>
    %shift_left3A_948 = arith.shli %shift_right_arithmetic3A_945, %shift_left3A_947 : vector<16xi32>
    %shift_right_arithmetic3A_949 = arith.constant 7 : i32
    %shift_right_arithmetic3A_950 = vector.broadcast %shift_right_arithmetic3A_949 : i32 to vector<16xi32>
    %shift_right_arithmetic3A_951 = arith.shrsi %gather3A_942, %shift_right_arithmetic3A_950 : vector<16xi32>
    %shift_left3A_952 = arith.constant 10 : i32
    %shift_left3A_953 = vector.broadcast %shift_left3A_952 : i32 to vector<16xi32>
    %shift_left3A_954 = arith.shli %shift_right_arithmetic3A_951, %shift_left3A_953 : vector<16xi32>
    %add3A_955 = arith.addi %shift_left3A_948, %shift_left3A_954 : vector<16xi32>
    %and3A_956 = arith.constant 7 : i32
    %and3A_957 = vector.broadcast %and3A_956 : i32 to vector<16xi32>
    %and3A_958 = arith.andi %get3A_935, %and3A_957 : vector<16xi32>
    %shift_left3A_959 = arith.constant 7 : i32
    %shift_left3A_960 = vector.broadcast %shift_left3A_959 : i32 to vector<16xi32>
    %shift_left3A_961 = arith.shli %and3A_958, %shift_left3A_960 : vector<16xi32>
    %add3A_962 = arith.addi %add3A_955, %shift_left3A_961 : vector<16xi32>
    %and3A_963 = arith.constant 127 : i32
    %and3A_964 = vector.broadcast %and3A_963 : i32 to vector<16xi32>
    %and3A_965 = arith.andi %gather3A_942, %and3A_964 : vector<16xi32>
    %add3A_966 = arith.addi %add3A_962, %and3A_965 : vector<16xi32>
    %swap3A_967 = arith.constant 0 : i32
    %swap3A_968 = arith.index_cast %swap3A_967 : i32 to index
    %swap3A_969 = arith.constant 96 : index
    %swap3A_970 = tpu.vector_load %arg8[%swap3A_968, %swap3A_969] {strides = array<i32>} : memref<8x128xi32, #tpu.memory_space<vmem>>, vector<16xi32>,
    tpu.vector_store %arg8[%swap3A_968, %swap3A_969], %add3A_966 {strides = array<i32>} : memref<8x128xi32, #tpu.memory_space<vmem>>, vector<16xi32>,
    %get3A_971 = arith.constant 112 : index
    %get3A_972 = tpu.vector_load %arg7[%get3A_971] {strides = array<i32>} : memref<1024xi32, #tpu.memory_space<vmem>>, vector<16xi32>,
    %add3A_973 = arith.constant 113 : i32
    %add3A_974 = vector.broadcast %add3A_973 : i32 to vector<16xi32>
    %add3A_975 = arith.addi %iota3A, %add3A_974 : vector<16xi32>
    %min3A_976 = arith.constant 1023 : i32
    %min3A_977 = vector.broadcast %min3A_976 : i32 to vector<16xi32>
    %min3A_978 = arith.minsi %add3A_975, %min3A_977 : vector<16xi32>
    %gather3A_979 = tpu.vector_load_idx %arg7[%min3A_978] : memref<1024xi32, #tpu.memory_space<vmem>>[vector<16xi32>], vector<16xi32>,
    %shift_right_arithmetic3A_980 = arith.constant 3 : i32
    %shift_right_arithmetic3A_981 = vector.broadcast %shift_right_arithmetic3A_980 : i32 to vector<16xi32>
    %shift_right_arithmetic3A_982 = arith.shrsi %get3A_972, %shift_right_arithmetic3A_981 : vector<16xi32>
    %shift_left3A_983 = arith.constant 15 : i32
    %shift_left3A_984 = vector.broadcast %shift_left3A_983 : i32 to vector<16xi32>
    %shift_left3A_985 = arith.shli %shift_right_arithmetic3A_982, %shift_left3A_984 : vector<16xi32>
    %shift_right_arithmetic3A_986 = arith.constant 7 : i32
    %shift_right_arithmetic3A_987 = vector.broadcast %shift_right_arithmetic3A_986 : i32 to vector<16xi32>
    %shift_right_arithmetic3A_988 = arith.shrsi %gather3A_979, %shift_right_arithmetic3A_987 : vector<16xi32>
    %shift_left3A_989 = arith.constant 10 : i32
    %shift_left3A_990 = vector.broadcast %shift_left3A_989 : i32 to vector<16xi32>
    %shift_left3A_991 = arith.shli %shift_right_arithmetic3A_988, %shift_left3A_990 : vector<16xi32>
    %add3A_992 = arith.addi %shift_left3A_985, %shift_left3A_991 : vector<16xi32>
    %and3A_993 = arith.constant 7 : i32
    %and3A_994 = vector.broadcast %and3A_993 : i32 to vector<16xi32>
    %and3A_995 = arith.andi %get3A_972, %and3A_994 : vector<16xi32>
    %shift_left3A_996 = arith.constant 7 : i32
    %shift_left3A_997 = vector.broadcast %shift_left3A_996 : i32 to vector<16xi32>
    %shift_left3A_998 = arith.shli %and3A_995, %shift_left3A_997 : vector<16xi32>
    %add3A_999 = arith.addi %add3A_992, %shift_left3A_998 : vector<16xi32>
    %and3A_1000 = arith.constant 127 : i32
    %and3A_1001 = vector.broadcast %and3A_1000 : i32 to vector<16xi32>
    %and3A_1002 = arith.andi %gather3A_979, %and3A_1001 : vector<16xi32>
    %add3A_1003 = arith.addi %add3A_999, %and3A_1002 : vector<16xi32>
    %swap3A_1004 = arith.constant 0 : i32
    %swap3A_1005 = arith.index_cast %swap3A_1004 : i32 to index
    %swap3A_1006 = arith.constant 112 : index
    %swap3A_1007 = tpu.vector_load %arg8[%swap3A_1005, %swap3A_1006] {strides = array<i32>} : memref<8x128xi32, #tpu.memory_space<vmem>>, vector<16xi32>,
    tpu.vector_store %arg8[%swap3A_1005, %swap3A_1006], %add3A_1003 {strides = array<i32>} : memref<8x128xi32, #tpu.memory_space<vmem>>, vector<16xi32>,
    %get3A_1008 = arith.constant 128 : index
    %get3A_1009 = tpu.vector_load %arg7[%get3A_1008] {strides = array<i32>} : memref<1024xi32, #tpu.memory_space<vmem>>, vector<16xi32>,
    %add3A_1010 = arith.constant 129 : i32
    %add3A_1011 = vector.broadcast %add3A_1010 : i32 to vector<16xi32>
    %add3A_1012 = arith.addi %iota3A, %add3A_1011 : vector<16xi32>
    %min3A_1013 = arith.constant 1023 : i32
    %min3A_1014 = vector.broadcast %min3A_1013 : i32 to vector<16xi32>
    %min3A_1015 = arith.minsi %add3A_1012, %min3A_1014 : vector<16xi32>
    %gather3A_1016 = tpu.vector_load_idx %arg7[%min3A_1015] : memref<1024xi32, #tpu.memory_space<vmem>>[vector<16xi32>], vector<16xi32>,
    %shift_right_arithmetic3A_1017 = arith.constant 3 : i32
    %shift_right_arithmetic3A_1018 = vector.broadcast %shift_right_arithmetic3A_1017 : i32 to vector<16xi32>
    %shift_right_arithmetic3A_1019 = arith.shrsi %get3A_1009, %shift_right_arithmetic3A_1018 : vector<16xi32>
    %shift_left3A_1020 = arith.constant 15 : i32
    %shift_left3A_1021 = vector.broadcast %shift_left3A_1020 : i32 to vector<16xi32>
    %shift_left3A_1022 = arith.shli %shift_right_arithmetic3A_1019, %shift_left3A_1021 : vector<16xi32>
    %shift_right_arithmetic3A_1023 = arith.constant 7 : i32
    %shift_right_arithmetic3A_1024 = vector.broadcast %shift_right_arithmetic3A_1023 : i32 to vector<16xi32>
    %shift_right_arithmetic3A_1025 = arith.shrsi %gather3A_1016, %shift_right_arithmetic3A_1024 : vector<16xi32>
    %shift_left3A_1026 = arith.constant 10 : i32
    %shift_left3A_1027 = vector.broadcast %shift_left3A_1026 : i32 to vector<16xi32>
    %shift_left3A_1028 = arith.shli %shift_right_arithmetic3A_1025, %shift_left3A_1027 : vector<16xi32>
    %add3A_1029 = arith.addi %shift_left3A_1022, %shift_left3A_1028 : vector<16xi32>
    %and3A_1030 = arith.constant 7 : i32
    %and3A_1031 = vector.broadcast %and3A_1030 : i32 to vector<16xi32>
    %and3A_1032 = arith.andi %get3A_1009, %and3A_1031 : vector<16xi32>
    %shift_left3A_1033 = arith.constant 7 : i32
    %shift_left3A_1034 = vector.broadcast %shift_left3A_1033 : i32 to vector<16xi32>
    %shift_left3A_1035 = arith.shli %and3A_1032, %shift_left3A_1034 : vector<16xi32>
    %add3A_1036 = arith.addi %add3A_1029, %shift_left3A_1035 : vector<16xi32>
    %and3A_1037 = arith.constant 127 : i32
    %and3A_1038 = vector.broadcast %and3A_1037 : i32 to vector<16xi32>
    %and3A_1039 = arith.andi %gather3A_1016, %and3A_1038 : vector<16xi32>
    %add3A_1040 = arith.addi %add3A_1036, %and3A_1039 : vector<16xi32>
    %swap3A_1041 = arith.constant 1 : i32
    %swap3A_1042 = arith.index_cast %swap3A_1041 : i32 to index
    %swap3A_1043 = arith.constant 0 : index
    %swap3A_1044 = tpu.vector_load %arg8[%swap3A_1042, %swap3A_1043] {strides = array<i32>} : memref<8x128xi32, #tpu.memory_space<vmem>>, vector<16xi32>,
    tpu.vector_store %arg8[%swap3A_1042, %swap3A_1043], %add3A_1040 {strides = array<i32>} : memref<8x128xi32, #tpu.memory_space<vmem>>, vector<16xi32>,
    %get3A_1045 = arith.constant 144 : index
    %get3A_1046 = tpu.vector_load %arg7[%get3A_1045] {strides = array<i32>} : memref<1024xi32, #tpu.memory_space<vmem>>, vector<16xi32>,
    %add3A_1047 = arith.constant 145 : i32
    %add3A_1048 = vector.broadcast %add3A_1047 : i32 to vector<16xi32>
    %add3A_1049 = arith.addi %iota3A, %add3A_1048 : vector<16xi32>
    %min3A_1050 = arith.constant 1023 : i32
    %min3A_1051 = vector.broadcast %min3A_1050 : i32 to vector<16xi32>
    %min3A_1052 = arith.minsi %add3A_1049, %min3A_1051 : vector<16xi32>
    %gather3A_1053 = tpu.vector_load_idx %arg7[%min3A_1052] : memref<1024xi32, #tpu.memory_space<vmem>>[vector<16xi32>], vector<16xi32>,
    %shift_right_arithmetic3A_1054 = arith.constant 3 : i32
    %shift_right_arithmetic3A_1055 = vector.broadcast %shift_right_arithmetic3A_1054 : i32 to vector<16xi32>
    %shift_right_arithmetic3A_1056 = arith.shrsi %get3A_1046, %shift_right_arithmetic3A_1055 : vector<16xi32>
    %shift_left3A_1057 = arith.constant 15 : i32
    %shift_left3A_1058 = vector.broadcast %shift_left3A_1057 : i32 to vector<16xi32>
    %shift_left3A_1059 = arith.shli %shift_right_arithmetic3A_1056, %shift_left3A_1058 : vector<16xi32>
    %shift_right_arithmetic3A_1060 = arith.constant 7 : i32
    %shift_right_arithmetic3A_1061 = vector.broadcast %shift_right_arithmetic3A_1060 : i32 to vector<16xi32>
    %shift_right_arithmetic3A_1062 = arith.shrsi %gather3A_1053, %shift_right_arithmetic3A_1061 : vector<16xi32>
    %shift_left3A_1063 = arith.constant 10 : i32
    %shift_left3A_1064 = vector.broadcast %shift_left3A_1063 : i32 to vector<16xi32>
    %shift_left3A_1065 = arith.shli %shift_right_arithmetic3A_1062, %shift_left3A_1064 : vector<16xi32>
    %add3A_1066 = arith.addi %shift_left3A_1059, %shift_left3A_1065 : vector<16xi32>
    %and3A_1067 = arith.constant 7 : i32
    %and3A_1068 = vector.broadcast %and3A_1067 : i32 to vector<16xi32>
    %and3A_1069 = arith.andi %get3A_1046, %and3A_1068 : vector<16xi32>
    %shift_left3A_1070 = arith.constant 7 : i32
    %shift_left3A_1071 = vector.broadcast %shift_left3A_1070 : i32 to vector<16xi32>
    %shift_left3A_1072 = arith.shli %and3A_1069, %shift_left3A_1071 : vector<16xi32>
    %add3A_1073 = arith.addi %add3A_1066, %shift_left3A_1072 : vector<16xi32>
    %and3A_1074 = arith.constant 127 : i32
    %and3A_1075 = vector.broadcast %and3A_1074 : i32 to vector<16xi32>
    %and3A_1076 = arith.andi %gather3A_1053, %and3A_1075 : vector<16xi32>
    %add3A_1077 = arith.addi %add3A_1073, %and3A_1076 : vector<16xi32>
    %swap3A_1078 = arith.constant 1 : i32
    %swap3A_1079 = arith.index_cast %swap3A_1078 : i32 to index
    %swap3A_1080 = arith.constant 16 : index
    %swap3A_1081 = tpu.vector_load %arg8[%swap3A_1079, %swap3A_1080] {strides = array<i32>} : memref<8x128xi32, #tpu.memory_space<vmem>>, vector<16xi32>,
    tpu.vector_store %arg8[%swap3A_1079, %swap3A_1080], %add3A_1077 {strides = array<i32>} : memref<8x128xi32, #tpu.memory_space<vmem>>, vector<16xi32>,
    %get3A_1082 = arith.constant 160 : index
    %get3A_1083 = tpu.vector_load %arg7[%get3A_1082] {strides = array<i32>} : memref<1024xi32, #tpu.memory_space<vmem>>, vector<16xi32>,
    %add3A_1084 = arith.constant 161 : i32
    %add3A_1085 = vector.broadcast %add3A_1084 : i32 to vector<16xi32>
    %add3A_1086 = arith.addi %iota3A, %add3A_1085 : vector<16xi32>
    %min3A_1087 = arith.constant 1023 : i32
    %min3A_1088 = vector.broadcast %min3A_1087 : i32 to vector<16xi32>
    %min3A_1089 = arith.minsi %add3A_1086, %min3A_1088 : vector<16xi32>
    %gather3A_1090 = tpu.vector_load_idx %arg7[%min3A_1089] : memref<1024xi32, #tpu.memory_space<vmem>>[vector<16xi32>], vector<16xi32>,
    %shift_right_arithmetic3A_1091 = arith.constant 3 : i32
    %shift_right_arithmetic3A_1092 = vector.broadcast %shift_right_arithmetic3A_1091 : i32 to vector<16xi32>
    %shift_right_arithmetic3A_1093 = arith.shrsi %get3A_1083, %shift_right_arithmetic3A_1092 : vector<16xi32>
    %shift_left3A_1094 = arith.constant 15 : i32
    %shift_left3A_1095 = vector.broadcast %shift_left3A_1094 : i32 to vector<16xi32>
    %shift_left3A_1096 = arith.shli %shift_right_arithmetic3A_1093, %shift_left3A_1095 : vector<16xi32>
    %shift_right_arithmetic3A_1097 = arith.constant 7 : i32
    %shift_right_arithmetic3A_1098 = vector.broadcast %shift_right_arithmetic3A_1097 : i32 to vector<16xi32>
    %shift_right_arithmetic3A_1099 = arith.shrsi %gather3A_1090, %shift_right_arithmetic3A_1098 : vector<16xi32>
    %shift_left3A_1100 = arith.constant 10 : i32
    %shift_left3A_1101 = vector.broadcast %shift_left3A_1100 : i32 to vector<16xi32>
    %shift_left3A_1102 = arith.shli %shift_right_arithmetic3A_1099, %shift_left3A_1101 : vector<16xi32>
    %add3A_1103 = arith.addi %shift_left3A_1096, %shift_left3A_1102 : vector<16xi32>
    %and3A_1104 = arith.constant 7 : i32
    %and3A_1105 = vector.broadcast %and3A_1104 : i32 to vector<16xi32>
    %and3A_1106 = arith.andi %get3A_1083, %and3A_1105 : vector<16xi32>
    %shift_left3A_1107 = arith.constant 7 : i32
    %shift_left3A_1108 = vector.broadcast %shift_left3A_1107 : i32 to vector<16xi32>
    %shift_left3A_1109 = arith.shli %and3A_1106, %shift_left3A_1108 : vector<16xi32>
    %add3A_1110 = arith.addi %add3A_1103, %shift_left3A_1109 : vector<16xi32>
    %and3A_1111 = arith.constant 127 : i32
    %and3A_1112 = vector.broadcast %and3A_1111 : i32 to vector<16xi32>
    %and3A_1113 = arith.andi %gather3A_1090, %and3A_1112 : vector<16xi32>
    %add3A_1114 = arith.addi %add3A_1110, %and3A_1113 : vector<16xi32>
    %swap3A_1115 = arith.constant 1 : i32
    %swap3A_1116 = arith.index_cast %swap3A_1115 : i32 to index
    %swap3A_1117 = arith.constant 32 : index
    %swap3A_1118 = tpu.vector_load %arg8[%swap3A_1116, %swap3A_1117] {strides = array<i32>} : memref<8x128xi32, #tpu.memory_space<vmem>>, vector<16xi32>,
    tpu.vector_store %arg8[%swap3A_1116, %swap3A_1117], %add3A_1114 {strides = array<i32>} : memref<8x128xi32, #tpu.memory_space<vmem>>, vector<16xi32>,
    %get3A_1119 = arith.constant 176 : index
    %get3A_1120 = tpu.vector_load %arg7[%get3A_1119] {strides = array<i32>} : memref<1024xi32, #tpu.memory_space<vmem>>, vector<16xi32>,
    %add3A_1121 = arith.constant 177 : i32
    %add3A_1122 = vector.broadcast %add3A_1121 : i32 to vector<16xi32>
    %add3A_1123 = arith.addi %iota3A, %add3A_1122 : vector<16xi32>
    %min3A_1124 = arith.constant 1023 : i32
    %min3A_1125 = vector.broadcast %min3A_1124 : i32 to vector<16xi32>
    %min3A_1126 = arith.minsi %add3A_1123, %min3A_1125 : vector<16xi32>
    %gather3A_1127 = tpu.vector_load_idx %arg7[%min3A_1126] : memref<1024xi32, #tpu.memory_space<vmem>>[vector<16xi32>], vector<16xi32>,
    %shift_right_arithmetic3A_1128 = arith.constant 3 : i32
    %shift_right_arithmetic3A_1129 = vector.broadcast %shift_right_arithmetic3A_1128 : i32 to vector<16xi32>
    %shift_right_arithmetic3A_1130 = arith.shrsi %get3A_1120, %shift_right_arithmetic3A_1129 : vector<16xi32>
    %shift_left3A_1131 = arith.constant 15 : i32
    %shift_left3A_1132 = vector.broadcast %shift_left3A_1131 : i32 to vector<16xi32>
    %shift_left3A_1133 = arith.shli %shift_right_arithmetic3A_1130, %shift_left3A_1132 : vector<16xi32>
    %shift_right_arithmetic3A_1134 = arith.constant 7 : i32
    %shift_right_arithmetic3A_1135 = vector.broadcast %shift_right_arithmetic3A_1134 : i32 to vector<16xi32>
    %shift_right_arithmetic3A_1136 = arith.shrsi %gather3A_1127, %shift_right_arithmetic3A_1135 : vector<16xi32>
    %shift_left3A_1137 = arith.constant 10 : i32
    %shift_left3A_1138 = vector.broadcast %shift_left3A_1137 : i32 to vector<16xi32>
    %shift_left3A_1139 = arith.shli %shift_right_arithmetic3A_1136, %shift_left3A_1138 : vector<16xi32>
    %add3A_1140 = arith.addi %shift_left3A_1133, %shift_left3A_1139 : vector<16xi32>
    %and3A_1141 = arith.constant 7 : i32
    %and3A_1142 = vector.broadcast %and3A_1141 : i32 to vector<16xi32>
    %and3A_1143 = arith.andi %get3A_1120, %and3A_1142 : vector<16xi32>
    %shift_left3A_1144 = arith.constant 7 : i32
    %shift_left3A_1145 = vector.broadcast %shift_left3A_1144 : i32 to vector<16xi32>
    %shift_left3A_1146 = arith.shli %and3A_1143, %shift_left3A_1145 : vector<16xi32>
    %add3A_1147 = arith.addi %add3A_1140, %shift_left3A_1146 : vector<16xi32>
    %and3A_1148 = arith.constant 127 : i32
    %and3A_1149 = vector.broadcast %and3A_1148 : i32 to vector<16xi32>
    %and3A_1150 = arith.andi %gather3A_1127, %and3A_1149 : vector<16xi32>
    %add3A_1151 = arith.addi %add3A_1147, %and3A_1150 : vector<16xi32>
    %swap3A_1152 = arith.constant 1 : i32
    %swap3A_1153 = arith.index_cast %swap3A_1152 : i32 to index
    %swap3A_1154 = arith.constant 48 : index
    %swap3A_1155 = tpu.vector_load %arg8[%swap3A_1153, %swap3A_1154] {strides = array<i32>} : memref<8x128xi32, #tpu.memory_space<vmem>>, vector<16xi32>,
    tpu.vector_store %arg8[%swap3A_1153, %swap3A_1154], %add3A_1151 {strides = array<i32>} : memref<8x128xi32, #tpu.memory_space<vmem>>, vector<16xi32>,
    %get3A_1156 = arith.constant 192 : index
    %get3A_1157 = tpu.vector_load %arg7[%get3A_1156] {strides = array<i32>} : memref<1024xi32, #tpu.memory_space<vmem>>, vector<16xi32>,
    %add3A_1158 = arith.constant 193 : i32
    %add3A_1159 = vector.broadcast %add3A_1158 : i32 to vector<16xi32>
    %add3A_1160 = arith.addi %iota3A, %add3A_1159 : vector<16xi32>
    %min3A_1161 = arith.constant 1023 : i32
    %min3A_1162 = vector.broadcast %min3A_1161 : i32 to vector<16xi32>
    %min3A_1163 = arith.minsi %add3A_1160, %min3A_1162 : vector<16xi32>
    %gather3A_1164 = tpu.vector_load_idx %arg7[%min3A_1163] : memref<1024xi32, #tpu.memory_space<vmem>>[vector<16xi32>], vector<16xi32>,
    %shift_right_arithmetic3A_1165 = arith.constant 3 : i32
    %shift_right_arithmetic3A_1166 = vector.broadcast %shift_right_arithmetic3A_1165 : i32 to vector<16xi32>
    %shift_right_arithmetic3A_1167 = arith.shrsi %get3A_1157, %shift_right_arithmetic3A_1166 : vector<16xi32>
    %shift_left3A_1168 = arith.constant 15 : i32
    %shift_left3A_1169 = vector.broadcast %shift_left3A_1168 : i32 to vector<16xi32>
    %shift_left3A_1170 = arith.shli %shift_right_arithmetic3A_1167, %shift_left3A_1169 : vector<16xi32>
    %shift_right_arithmetic3A_1171 = arith.constant 7 : i32
    %shift_right_arithmetic3A_1172 = vector.broadcast %shift_right_arithmetic3A_1171 : i32 to vector<16xi32>
    %shift_right_arithmetic3A_1173 = arith.shrsi %gather3A_1164, %shift_right_arithmetic3A_1172 : vector<16xi32>
    %shift_left3A_1174 = arith.constant 10 : i32
    %shift_left3A_1175 = vector.broadcast %shift_left3A_1174 : i32 to vector<16xi32>
    %shift_left3A_1176 = arith.shli %shift_right_arithmetic3A_1173, %shift_left3A_1175 : vector<16xi32>
    %add3A_1177 = arith.addi %shift_left3A_1170, %shift_left3A_1176 : vector<16xi32>
    %and3A_1178 = arith.constant 7 : i32
    %and3A_1179 = vector.broadcast %and3A_1178 : i32 to vector<16xi32>
    %and3A_1180 = arith.andi %get3A_1157, %and3A_1179 : vector<16xi32>
    %shift_left3A_1181 = arith.constant 7 : i32
    %shift_left3A_1182 = vector.broadcast %shift_left3A_1181 : i32 to vector<16xi32>
    %shift_left3A_1183 = arith.shli %and3A_1180, %shift_left3A_1182 : vector<16xi32>
    %add3A_1184 = arith.addi %add3A_1177, %shift_left3A_1183 : vector<16xi32>
    %and3A_1185 = arith.constant 127 : i32
    %and3A_1186 = vector.broadcast %and3A_1185 : i32 to vector<16xi32>
    %and3A_1187 = arith.andi %gather3A_1164, %and3A_1186 : vector<16xi32>
    %add3A_1188 = arith.addi %add3A_1184, %and3A_1187 : vector<16xi32>
    %swap3A_1189 = arith.constant 1 : i32
    %swap3A_1190 = arith.index_cast %swap3A_1189 : i32 to index
    %swap3A_1191 = arith.constant 64 : index
    %swap3A_1192 = tpu.vector_load %arg8[%swap3A_1190, %swap3A_1191] {strides = array<i32>} : memref<8x128xi32, #tpu.memory_space<vmem>>, vector<16xi32>,
    tpu.vector_store %arg8[%swap3A_1190, %swap3A_1191], %add3A_1188 {strides = array<i32>} : memref<8x128xi32, #tpu.memory_space<vmem>>, vector<16xi32>,
    %get3A_1193 = arith.constant 208 : index
    %get3A_1194 = tpu.vector_load %arg7[%get3A_1193] {strides = array<i32>} : memref<1024xi32, #tpu.memory_space<vmem>>, vector<16xi32>,
    %add3A_1195 = arith.constant 209 : i32
    %add3A_1196 = vector.broadcast %add3A_1195 : i32 to vector<16xi32>
    %add3A_1197 = arith.addi %iota3A, %add3A_1196 : vector<16xi32>
    %min3A_1198 = arith.constant 1023 : i32
    %min3A_1199 = vector.broadcast %min3A_1198 : i32 to vector<16xi32>
    %min3A_1200 = arith.minsi %add3A_1197, %min3A_1199 : vector<16xi32>
    %gather3A_1201 = tpu.vector_load_idx %arg7[%min3A_1200] : memref<1024xi32, #tpu.memory_space<vmem>>[vector<16xi32>], vector<16xi32>,
    %shift_right_arithmetic3A_1202 = arith.constant 3 : i32
    %shift_right_arithmetic3A_1203 = vector.broadcast %shift_right_arithmetic3A_1202 : i32 to vector<16xi32>
    %shift_right_arithmetic3A_1204 = arith.shrsi %get3A_1194, %shift_right_arithmetic3A_1203 : vector<16xi32>
    %shift_left3A_1205 = arith.constant 15 : i32
    %shift_left3A_1206 = vector.broadcast %shift_left3A_1205 : i32 to vector<16xi32>
    %shift_left3A_1207 = arith.shli %shift_right_arithmetic3A_1204, %shift_left3A_1206 : vector<16xi32>
    %shift_right_arithmetic3A_1208 = arith.constant 7 : i32
    %shift_right_arithmetic3A_1209 = vector.broadcast %shift_right_arithmetic3A_1208 : i32 to vector<16xi32>
    %shift_right_arithmetic3A_1210 = arith.shrsi %gather3A_1201, %shift_right_arithmetic3A_1209 : vector<16xi32>
    %shift_left3A_1211 = arith.constant 10 : i32
    %shift_left3A_1212 = vector.broadcast %shift_left3A_1211 : i32 to vector<16xi32>
    %shift_left3A_1213 = arith.shli %shift_right_arithmetic3A_1210, %shift_left3A_1212 : vector<16xi32>
    %add3A_1214 = arith.addi %shift_left3A_1207, %shift_left3A_1213 : vector<16xi32>
    %and3A_1215 = arith.constant 7 : i32
    %and3A_1216 = vector.broadcast %and3A_1215 : i32 to vector<16xi32>
    %and3A_1217 = arith.andi %get3A_1194, %and3A_1216 : vector<16xi32>
    %shift_left3A_1218 = arith.constant 7 : i32
    %shift_left3A_1219 = vector.broadcast %shift_left3A_1218 : i32 to vector<16xi32>
    %shift_left3A_1220 = arith.shli %and3A_1217, %shift_left3A_1219 : vector<16xi32>
    %add3A_1221 = arith.addi %add3A_1214, %shift_left3A_1220 : vector<16xi32>
    %and3A_1222 = arith.constant 127 : i32
    %and3A_1223 = vector.broadcast %and3A_1222 : i32 to vector<16xi32>
    %and3A_1224 = arith.andi %gather3A_1201, %and3A_1223 : vector<16xi32>
    %add3A_1225 = arith.addi %add3A_1221, %and3A_1224 : vector<16xi32>
    %swap3A_1226 = arith.constant 1 : i32
    %swap3A_1227 = arith.index_cast %swap3A_1226 : i32 to index
    %swap3A_1228 = arith.constant 80 : index
    %swap3A_1229 = tpu.vector_load %arg8[%swap3A_1227, %swap3A_1228] {strides = array<i32>} : memref<8x128xi32, #tpu.memory_space<vmem>>, vector<16xi32>,
    tpu.vector_store %arg8[%swap3A_1227, %swap3A_1228], %add3A_1225 {strides = array<i32>} : memref<8x128xi32, #tpu.memory_space<vmem>>, vector<16xi32>,
    %get3A_1230 = arith.constant 224 : index
    %get3A_1231 = tpu.vector_load %arg7[%get3A_1230] {strides = array<i32>} : memref<1024xi32, #tpu.memory_space<vmem>>, vector<16xi32>,
    %add3A_1232 = arith.constant 225 : i32
    %add3A_1233 = vector.broadcast %add3A_1232 : i32 to vector<16xi32>
    %add3A_1234 = arith.addi %iota3A, %add3A_1233 : vector<16xi32>
    %min3A_1235 = arith.constant 1023 : i32
    %min3A_1236 = vector.broadcast %min3A_1235 : i32 to vector<16xi32>
    %min3A_1237 = arith.minsi %add3A_1234, %min3A_1236 : vector<16xi32>
    %gather3A_1238 = tpu.vector_load_idx %arg7[%min3A_1237] : memref<1024xi32, #tpu.memory_space<vmem>>[vector<16xi32>], vector<16xi32>,
    %shift_right_arithmetic3A_1239 = arith.constant 3 : i32
    %shift_right_arithmetic3A_1240 = vector.broadcast %shift_right_arithmetic3A_1239 : i32 to vector<16xi32>
    %shift_right_arithmetic3A_1241 = arith.shrsi %get3A_1231, %shift_right_arithmetic3A_1240 : vector<16xi32>
    %shift_left3A_1242 = arith.constant 15 : i32
    %shift_left3A_1243 = vector.broadcast %shift_left3A_1242 : i32 to vector<16xi32>
    %shift_left3A_1244 = arith.shli %shift_right_arithmetic3A_1241, %shift_left3A_1243 : vector<16xi32>
    %shift_right_arithmetic3A_1245 = arith.constant 7 : i32
    %shift_right_arithmetic3A_1246 = vector.broadcast %shift_right_arithmetic3A_1245 : i32 to vector<16xi32>
    %shift_right_arithmetic3A_1247 = arith.shrsi %gather3A_1238, %shift_right_arithmetic3A_1246 : vector<16xi32>
    %shift_left3A_1248 = arith.constant 10 : i32
    %shift_left3A_1249 = vector.broadcast %shift_left3A_1248 : i32 to vector<16xi32>
    %shift_left3A_1250 = arith.shli %shift_right_arithmetic3A_1247, %shift_left3A_1249 : vector<16xi32>
    %add3A_1251 = arith.addi %shift_left3A_1244, %shift_left3A_1250 : vector<16xi32>
    %and3A_1252 = arith.constant 7 : i32
    %and3A_1253 = vector.broadcast %and3A_1252 : i32 to vector<16xi32>
    %and3A_1254 = arith.andi %get3A_1231, %and3A_1253 : vector<16xi32>
    %shift_left3A_1255 = arith.constant 7 : i32
    %shift_left3A_1256 = vector.broadcast %shift_left3A_1255 : i32 to vector<16xi32>
    %shift_left3A_1257 = arith.shli %and3A_1254, %shift_left3A_1256 : vector<16xi32>
    %add3A_1258 = arith.addi %add3A_1251, %shift_left3A_1257 : vector<16xi32>
    %and3A_1259 = arith.constant 127 : i32
    %and3A_1260 = vector.broadcast %and3A_1259 : i32 to vector<16xi32>
    %and3A_1261 = arith.andi %gather3A_1238, %and3A_1260 : vector<16xi32>
    %add3A_1262 = arith.addi %add3A_1258, %and3A_1261 : vector<16xi32>
    %swap3A_1263 = arith.constant 1 : i32
    %swap3A_1264 = arith.index_cast %swap3A_1263 : i32 to index
    %swap3A_1265 = arith.constant 96 : index
    %swap3A_1266 = tpu.vector_load %arg8[%swap3A_1264, %swap3A_1265] {strides = array<i32>} : memref<8x128xi32, #tpu.memory_space<vmem>>, vector<16xi32>,
    tpu.vector_store %arg8[%swap3A_1264, %swap3A_1265], %add3A_1262 {strides = array<i32>} : memref<8x128xi32, #tpu.memory_space<vmem>>, vector<16xi32>,
    %get3A_1267 = arith.constant 240 : index
    %get3A_1268 = tpu.vector_load %arg7[%get3A_1267] {strides = array<i32>} : memref<1024xi32, #tpu.memory_space<vmem>>, vector<16xi32>,
    %add3A_1269 = arith.constant 241 : i32
    %add3A_1270 = vector.broadcast %add3A_1269 : i32 to vector<16xi32>
    %add3A_1271 = arith.addi %iota3A, %add3A_1270 : vector<16xi32>
    %min3A_1272 = arith.constant 1023 : i32
    %min3A_1273 = vector.broadcast %min3A_1272 : i32 to vector<16xi32>
    %min3A_1274 = arith.minsi %add3A_1271, %min3A_1273 : vector<16xi32>
    %gather3A_1275 = tpu.vector_load_idx %arg7[%min3A_1274] : memref<1024xi32, #tpu.memory_space<vmem>>[vector<16xi32>], vector<16xi32>,
    %shift_right_arithmetic3A_1276 = arith.constant 3 : i32
    %shift_right_arithmetic3A_1277 = vector.broadcast %shift_right_arithmetic3A_1276 : i32 to vector<16xi32>
    %shift_right_arithmetic3A_1278 = arith.shrsi %get3A_1268, %shift_right_arithmetic3A_1277 : vector<16xi32>
    %shift_left3A_1279 = arith.constant 15 : i32
    %shift_left3A_1280 = vector.broadcast %shift_left3A_1279 : i32 to vector<16xi32>
    %shift_left3A_1281 = arith.shli %shift_right_arithmetic3A_1278, %shift_left3A_1280 : vector<16xi32>
    %shift_right_arithmetic3A_1282 = arith.constant 7 : i32
    %shift_right_arithmetic3A_1283 = vector.broadcast %shift_right_arithmetic3A_1282 : i32 to vector<16xi32>
    %shift_right_arithmetic3A_1284 = arith.shrsi %gather3A_1275, %shift_right_arithmetic3A_1283 : vector<16xi32>
    %shift_left3A_1285 = arith.constant 10 : i32
    %shift_left3A_1286 = vector.broadcast %shift_left3A_1285 : i32 to vector<16xi32>
    %shift_left3A_1287 = arith.shli %shift_right_arithmetic3A_1284, %shift_left3A_1286 : vector<16xi32>
    %add3A_1288 = arith.addi %shift_left3A_1281, %shift_left3A_1287 : vector<16xi32>
    %and3A_1289 = arith.constant 7 : i32
    %and3A_1290 = vector.broadcast %and3A_1289 : i32 to vector<16xi32>
    %and3A_1291 = arith.andi %get3A_1268, %and3A_1290 : vector<16xi32>
    %shift_left3A_1292 = arith.constant 7 : i32
    %shift_left3A_1293 = vector.broadcast %shift_left3A_1292 : i32 to vector<16xi32>
    %shift_left3A_1294 = arith.shli %and3A_1291, %shift_left3A_1293 : vector<16xi32>
    %add3A_1295 = arith.addi %add3A_1288, %shift_left3A_1294 : vector<16xi32>
    %and3A_1296 = arith.constant 127 : i32
    %and3A_1297 = vector.broadcast %and3A_1296 : i32 to vector<16xi32>
    %and3A_1298 = arith.andi %gather3A_1275, %and3A_1297 : vector<16xi32>
    %add3A_1299 = arith.addi %add3A_1295, %and3A_1298 : vector<16xi32>
    %swap3A_1300 = arith.constant 1 : i32
    %swap3A_1301 = arith.index_cast %swap3A_1300 : i32 to index
    %swap3A_1302 = arith.constant 112 : index
    %swap3A_1303 = tpu.vector_load %arg8[%swap3A_1301, %swap3A_1302] {strides = array<i32>} : memref<8x128xi32, #tpu.memory_space<vmem>>, vector<16xi32>,
    tpu.vector_store %arg8[%swap3A_1301, %swap3A_1302], %add3A_1299 {strides = array<i32>} : memref<8x128xi32, #tpu.memory_space<vmem>>, vector<16xi32>,
    %get3A_1304 = arith.constant 256 : index
    %get3A_1305 = tpu.vector_load %arg7[%get3A_1304] {strides = array<i32>} : memref<1024xi32, #tpu.memory_space<vmem>>, vector<16xi32>,
    %add3A_1306 = arith.constant 257 : i32
    %add3A_1307 = vector.broadcast %add3A_1306 : i32 to vector<16xi32>
    %add3A_1308 = arith.addi %iota3A, %add3A_1307 : vector<16xi32>
    %min3A_1309 = arith.constant 1023 : i32
    %min3A_1310 = vector.broadcast %min3A_1309 : i32 to vector<16xi32>
    %min3A_1311 = arith.minsi %add3A_1308, %min3A_1310 : vector<16xi32>
    %gather3A_1312 = tpu.vector_load_idx %arg7[%min3A_1311] : memref<1024xi32, #tpu.memory_space<vmem>>[vector<16xi32>], vector<16xi32>,
    %shift_right_arithmetic3A_1313 = arith.constant 3 : i32
    %shift_right_arithmetic3A_1314 = vector.broadcast %shift_right_arithmetic3A_1313 : i32 to vector<16xi32>
    %shift_right_arithmetic3A_1315 = arith.shrsi %get3A_1305, %shift_right_arithmetic3A_1314 : vector<16xi32>
    %shift_left3A_1316 = arith.constant 15 : i32
    %shift_left3A_1317 = vector.broadcast %shift_left3A_1316 : i32 to vector<16xi32>
    %shift_left3A_1318 = arith.shli %shift_right_arithmetic3A_1315, %shift_left3A_1317 : vector<16xi32>
    %shift_right_arithmetic3A_1319 = arith.constant 7 : i32
    %shift_right_arithmetic3A_1320 = vector.broadcast %shift_right_arithmetic3A_1319 : i32 to vector<16xi32>
    %shift_right_arithmetic3A_1321 = arith.shrsi %gather3A_1312, %shift_right_arithmetic3A_1320 : vector<16xi32>
    %shift_left3A_1322 = arith.constant 10 : i32
    %shift_left3A_1323 = vector.broadcast %shift_left3A_1322 : i32 to vector<16xi32>
    %shift_left3A_1324 = arith.shli %shift_right_arithmetic3A_1321, %shift_left3A_1323 : vector<16xi32>
    %add3A_1325 = arith.addi %shift_left3A_1318, %shift_left3A_1324 : vector<16xi32>
    %and3A_1326 = arith.constant 7 : i32
    %and3A_1327 = vector.broadcast %and3A_1326 : i32 to vector<16xi32>
    %and3A_1328 = arith.andi %get3A_1305, %and3A_1327 : vector<16xi32>
    %shift_left3A_1329 = arith.constant 7 : i32
    %shift_left3A_1330 = vector.broadcast %shift_left3A_1329 : i32 to vector<16xi32>
    %shift_left3A_1331 = arith.shli %and3A_1328, %shift_left3A_1330 : vector<16xi32>
    %add3A_1332 = arith.addi %add3A_1325, %shift_left3A_1331 : vector<16xi32>
    %and3A_1333 = arith.constant 127 : i32
    %and3A_1334 = vector.broadcast %and3A_1333 : i32 to vector<16xi32>
    %and3A_1335 = arith.andi %gather3A_1312, %and3A_1334 : vector<16xi32>
    %add3A_1336 = arith.addi %add3A_1332, %and3A_1335 : vector<16xi32>
    %swap3A_1337 = arith.constant 2 : i32
    %swap3A_1338 = arith.index_cast %swap3A_1337 : i32 to index
    %swap3A_1339 = arith.constant 0 : index
    %swap3A_1340 = tpu.vector_load %arg8[%swap3A_1338, %swap3A_1339] {strides = array<i32>} : memref<8x128xi32, #tpu.memory_space<vmem>>, vector<16xi32>,
    tpu.vector_store %arg8[%swap3A_1338, %swap3A_1339], %add3A_1336 {strides = array<i32>} : memref<8x128xi32, #tpu.memory_space<vmem>>, vector<16xi32>,
    %get3A_1341 = arith.constant 272 : index
    %get3A_1342 = tpu.vector_load %arg7[%get3A_1341] {strides = array<i32>} : memref<1024xi32, #tpu.memory_space<vmem>>, vector<16xi32>,
    %add3A_1343 = arith.constant 273 : i32
    %add3A_1344 = vector.broadcast %add3A_1343 : i32 to vector<16xi32>
    %add3A_1345 = arith.addi %iota3A, %add3A_1344 : vector<16xi32>
    %min3A_1346 = arith.constant 1023 : i32
    %min3A_1347 = vector.broadcast %min3A_1346 : i32 to vector<16xi32>
    %min3A_1348 = arith.minsi %add3A_1345, %min3A_1347 : vector<16xi32>
    %gather3A_1349 = tpu.vector_load_idx %arg7[%min3A_1348] : memref<1024xi32, #tpu.memory_space<vmem>>[vector<16xi32>], vector<16xi32>,
    %shift_right_arithmetic3A_1350 = arith.constant 3 : i32
    %shift_right_arithmetic3A_1351 = vector.broadcast %shift_right_arithmetic3A_1350 : i32 to vector<16xi32>
    %shift_right_arithmetic3A_1352 = arith.shrsi %get3A_1342, %shift_right_arithmetic3A_1351 : vector<16xi32>
    %shift_left3A_1353 = arith.constant 15 : i32
    %shift_left3A_1354 = vector.broadcast %shift_left3A_1353 : i32 to vector<16xi32>
    %shift_left3A_1355 = arith.shli %shift_right_arithmetic3A_1352, %shift_left3A_1354 : vector<16xi32>
    %shift_right_arithmetic3A_1356 = arith.constant 7 : i32
    %shift_right_arithmetic3A_1357 = vector.broadcast %shift_right_arithmetic3A_1356 : i32 to vector<16xi32>
    %shift_right_arithmetic3A_1358 = arith.shrsi %gather3A_1349, %shift_right_arithmetic3A_1357 : vector<16xi32>
    %shift_left3A_1359 = arith.constant 10 : i32
    %shift_left3A_1360 = vector.broadcast %shift_left3A_1359 : i32 to vector<16xi32>
    %shift_left3A_1361 = arith.shli %shift_right_arithmetic3A_1358, %shift_left3A_1360 : vector<16xi32>
    %add3A_1362 = arith.addi %shift_left3A_1355, %shift_left3A_1361 : vector<16xi32>
    %and3A_1363 = arith.constant 7 : i32
    %and3A_1364 = vector.broadcast %and3A_1363 : i32 to vector<16xi32>
    %and3A_1365 = arith.andi %get3A_1342, %and3A_1364 : vector<16xi32>
    %shift_left3A_1366 = arith.constant 7 : i32
    %shift_left3A_1367 = vector.broadcast %shift_left3A_1366 : i32 to vector<16xi32>
    %shift_left3A_1368 = arith.shli %and3A_1365, %shift_left3A_1367 : vector<16xi32>
    %add3A_1369 = arith.addi %add3A_1362, %shift_left3A_1368 : vector<16xi32>
    %and3A_1370 = arith.constant 127 : i32
    %and3A_1371 = vector.broadcast %and3A_1370 : i32 to vector<16xi32>
    %and3A_1372 = arith.andi %gather3A_1349, %and3A_1371 : vector<16xi32>
    %add3A_1373 = arith.addi %add3A_1369, %and3A_1372 : vector<16xi32>
    %swap3A_1374 = arith.constant 2 : i32
    %swap3A_1375 = arith.index_cast %swap3A_1374 : i32 to index
    %swap3A_1376 = arith.constant 16 : index
    %swap3A_1377 = tpu.vector_load %arg8[%swap3A_1375, %swap3A_1376] {strides = array<i32>} : memref<8x128xi32, #tpu.memory_space<vmem>>, vector<16xi32>,
    tpu.vector_store %arg8[%swap3A_1375, %swap3A_1376], %add3A_1373 {strides = array<i32>} : memref<8x128xi32, #tpu.memory_space<vmem>>, vector<16xi32>,
    %get3A_1378 = arith.constant 288 : index
    %get3A_1379 = tpu.vector_load %arg7[%get3A_1378] {strides = array<i32>} : memref<1024xi32, #tpu.memory_space<vmem>>, vector<16xi32>,
    %add3A_1380 = arith.constant 289 : i32
    %add3A_1381 = vector.broadcast %add3A_1380 : i32 to vector<16xi32>
    %add3A_1382 = arith.addi %iota3A, %add3A_1381 : vector<16xi32>
    %min3A_1383 = arith.constant 1023 : i32
    %min3A_1384 = vector.broadcast %min3A_1383 : i32 to vector<16xi32>
    %min3A_1385 = arith.minsi %add3A_1382, %min3A_1384 : vector<16xi32>
    %gather3A_1386 = tpu.vector_load_idx %arg7[%min3A_1385] : memref<1024xi32, #tpu.memory_space<vmem>>[vector<16xi32>], vector<16xi32>,
    %shift_right_arithmetic3A_1387 = arith.constant 3 : i32
    %shift_right_arithmetic3A_1388 = vector.broadcast %shift_right_arithmetic3A_1387 : i32 to vector<16xi32>
    %shift_right_arithmetic3A_1389 = arith.shrsi %get3A_1379, %shift_right_arithmetic3A_1388 : vector<16xi32>
    %shift_left3A_1390 = arith.constant 15 : i32
    %shift_left3A_1391 = vector.broadcast %shift_left3A_1390 : i32 to vector<16xi32>
    %shift_left3A_1392 = arith.shli %shift_right_arithmetic3A_1389, %shift_left3A_1391 : vector<16xi32>
    %shift_right_arithmetic3A_1393 = arith.constant 7 : i32
    %shift_right_arithmetic3A_1394 = vector.broadcast %shift_right_arithmetic3A_1393 : i32 to vector<16xi32>
    %shift_right_arithmetic3A_1395 = arith.shrsi %gather3A_1386, %shift_right_arithmetic3A_1394 : vector<16xi32>
    %shift_left3A_1396 = arith.constant 10 : i32
    %shift_left3A_1397 = vector.broadcast %shift_left3A_1396 : i32 to vector<16xi32>
    %shift_left3A_1398 = arith.shli %shift_right_arithmetic3A_1395, %shift_left3A_1397 : vector<16xi32>
    %add3A_1399 = arith.addi %shift_left3A_1392, %shift_left3A_1398 : vector<16xi32>
    %and3A_1400 = arith.constant 7 : i32
    %and3A_1401 = vector.broadcast %and3A_1400 : i32 to vector<16xi32>
    %and3A_1402 = arith.andi %get3A_1379, %and3A_1401 : vector<16xi32>
    %shift_left3A_1403 = arith.constant 7 : i32
    %shift_left3A_1404 = vector.broadcast %shift_left3A_1403 : i32 to vector<16xi32>
    %shift_left3A_1405 = arith.shli %and3A_1402, %shift_left3A_1404 : vector<16xi32>
    %add3A_1406 = arith.addi %add3A_1399, %shift_left3A_1405 : vector<16xi32>
    %and3A_1407 = arith.constant 127 : i32
    %and3A_1408 = vector.broadcast %and3A_1407 : i32 to vector<16xi32>
    %and3A_1409 = arith.andi %gather3A_1386, %and3A_1408 : vector<16xi32>
    %add3A_1410 = arith.addi %add3A_1406, %and3A_1409 : vector<16xi32>
    %swap3A_1411 = arith.constant 2 : i32
    %swap3A_1412 = arith.index_cast %swap3A_1411 : i32 to index
    %swap3A_1413 = arith.constant 32 : index
    %swap3A_1414 = tpu.vector_load %arg8[%swap3A_1412, %swap3A_1413] {strides = array<i32>} : memref<8x128xi32, #tpu.memory_space<vmem>>, vector<16xi32>,
    tpu.vector_store %arg8[%swap3A_1412, %swap3A_1413], %add3A_1410 {strides = array<i32>} : memref<8x128xi32, #tpu.memory_space<vmem>>, vector<16xi32>,
    %get3A_1415 = arith.constant 304 : index
    %get3A_1416 = tpu.vector_load %arg7[%get3A_1415] {strides = array<i32>} : memref<1024xi32, #tpu.memory_space<vmem>>, vector<16xi32>,
    %add3A_1417 = arith.constant 305 : i32
    %add3A_1418 = vector.broadcast %add3A_1417 : i32 to vector<16xi32>
    %add3A_1419 = arith.addi %iota3A, %add3A_1418 : vector<16xi32>
    %min3A_1420 = arith.constant 1023 : i32
    %min3A_1421 = vector.broadcast %min3A_1420 : i32 to vector<16xi32>
    %min3A_1422 = arith.minsi %add3A_1419, %min3A_1421 : vector<16xi32>
    %gather3A_1423 = tpu.vector_load_idx %arg7[%min3A_1422] : memref<1024xi32, #tpu.memory_space<vmem>>[vector<16xi32>], vector<16xi32>,
    %shift_right_arithmetic3A_1424 = arith.constant 3 : i32
    %shift_right_arithmetic3A_1425 = vector.broadcast %shift_right_arithmetic3A_1424 : i32 to vector<16xi32>
    %shift_right_arithmetic3A_1426 = arith.shrsi %get3A_1416, %shift_right_arithmetic3A_1425 : vector<16xi32>
    %shift_left3A_1427 = arith.constant 15 : i32
    %shift_left3A_1428 = vector.broadcast %shift_left3A_1427 : i32 to vector<16xi32>
    %shift_left3A_1429 = arith.shli %shift_right_arithmetic3A_1426, %shift_left3A_1428 : vector<16xi32>
    %shift_right_arithmetic3A_1430 = arith.constant 7 : i32
    %shift_right_arithmetic3A_1431 = vector.broadcast %shift_right_arithmetic3A_1430 : i32 to vector<16xi32>
    %shift_right_arithmetic3A_1432 = arith.shrsi %gather3A_1423, %shift_right_arithmetic3A_1431 : vector<16xi32>
    %shift_left3A_1433 = arith.constant 10 : i32
    %shift_left3A_1434 = vector.broadcast %shift_left3A_1433 : i32 to vector<16xi32>
    %shift_left3A_1435 = arith.shli %shift_right_arithmetic3A_1432, %shift_left3A_1434 : vector<16xi32>
    %add3A_1436 = arith.addi %shift_left3A_1429, %shift_left3A_1435 : vector<16xi32>
    %and3A_1437 = arith.constant 7 : i32
    %and3A_1438 = vector.broadcast %and3A_1437 : i32 to vector<16xi32>
    %and3A_1439 = arith.andi %get3A_1416, %and3A_1438 : vector<16xi32>
    %shift_left3A_1440 = arith.constant 7 : i32
    %shift_left3A_1441 = vector.broadcast %shift_left3A_1440 : i32 to vector<16xi32>
    %shift_left3A_1442 = arith.shli %and3A_1439, %shift_left3A_1441 : vector<16xi32>
    %add3A_1443 = arith.addi %add3A_1436, %shift_left3A_1442 : vector<16xi32>
    %and3A_1444 = arith.constant 127 : i32
    %and3A_1445 = vector.broadcast %and3A_1444 : i32 to vector<16xi32>
    %and3A_1446 = arith.andi %gather3A_1423, %and3A_1445 : vector<16xi32>
    %add3A_1447 = arith.addi %add3A_1443, %and3A_1446 : vector<16xi32>
    %swap3A_1448 = arith.constant 2 : i32
    %swap3A_1449 = arith.index_cast %swap3A_1448 : i32 to index
    %swap3A_1450 = arith.constant 48 : index
    %swap3A_1451 = tpu.vector_load %arg8[%swap3A_1449, %swap3A_1450] {strides = array<i32>} : memref<8x128xi32, #tpu.memory_space<vmem>>, vector<16xi32>,
    tpu.vector_store %arg8[%swap3A_1449, %swap3A_1450], %add3A_1447 {strides = array<i32>} : memref<8x128xi32, #tpu.memory_space<vmem>>, vector<16xi32>,
    %get3A_1452 = arith.constant 320 : index
    %get3A_1453 = tpu.vector_load %arg7[%get3A_1452] {strides = array<i32>} : memref<1024xi32, #tpu.memory_space<vmem>>, vector<16xi32>,
    %add3A_1454 = arith.constant 321 : i32
    %add3A_1455 = vector.broadcast %add3A_1454 : i32 to vector<16xi32>
    %add3A_1456 = arith.addi %iota3A, %add3A_1455 : vector<16xi32>
    %min3A_1457 = arith.constant 1023 : i32
    %min3A_1458 = vector.broadcast %min3A_1457 : i32 to vector<16xi32>
    %min3A_1459 = arith.minsi %add3A_1456, %min3A_1458 : vector<16xi32>
    %gather3A_1460 = tpu.vector_load_idx %arg7[%min3A_1459] : memref<1024xi32, #tpu.memory_space<vmem>>[vector<16xi32>], vector<16xi32>,
    %shift_right_arithmetic3A_1461 = arith.constant 3 : i32
    %shift_right_arithmetic3A_1462 = vector.broadcast %shift_right_arithmetic3A_1461 : i32 to vector<16xi32>
    %shift_right_arithmetic3A_1463 = arith.shrsi %get3A_1453, %shift_right_arithmetic3A_1462 : vector<16xi32>
    %shift_left3A_1464 = arith.constant 15 : i32
    %shift_left3A_1465 = vector.broadcast %shift_left3A_1464 : i32 to vector<16xi32>
    %shift_left3A_1466 = arith.shli %shift_right_arithmetic3A_1463, %shift_left3A_1465 : vector<16xi32>
    %shift_right_arithmetic3A_1467 = arith.constant 7 : i32
    %shift_right_arithmetic3A_1468 = vector.broadcast %shift_right_arithmetic3A_1467 : i32 to vector<16xi32>
    %shift_right_arithmetic3A_1469 = arith.shrsi %gather3A_1460, %shift_right_arithmetic3A_1468 : vector<16xi32>
    %shift_left3A_1470 = arith.constant 10 : i32
    %shift_left3A_1471 = vector.broadcast %shift_left3A_1470 : i32 to vector<16xi32>
    %shift_left3A_1472 = arith.shli %shift_right_arithmetic3A_1469, %shift_left3A_1471 : vector<16xi32>
    %add3A_1473 = arith.addi %shift_left3A_1466, %shift_left3A_1472 : vector<16xi32>
    %and3A_1474 = arith.constant 7 : i32
    %and3A_1475 = vector.broadcast %and3A_1474 : i32 to vector<16xi32>
    %and3A_1476 = arith.andi %get3A_1453, %and3A_1475 : vector<16xi32>
    %shift_left3A_1477 = arith.constant 7 : i32
    %shift_left3A_1478 = vector.broadcast %shift_left3A_1477 : i32 to vector<16xi32>
    %shift_left3A_1479 = arith.shli %and3A_1476, %shift_left3A_1478 : vector<16xi32>
    %add3A_1480 = arith.addi %add3A_1473, %shift_left3A_1479 : vector<16xi32>
    %and3A_1481 = arith.constant 127 : i32
    %and3A_1482 = vector.broadcast %and3A_1481 : i32 to vector<16xi32>
    %and3A_1483 = arith.andi %gather3A_1460, %and3A_1482 : vector<16xi32>
    %add3A_1484 = arith.addi %add3A_1480, %and3A_1483 : vector<16xi32>
    %swap3A_1485 = arith.constant 2 : i32
    %swap3A_1486 = arith.index_cast %swap3A_1485 : i32 to index
    %swap3A_1487 = arith.constant 64 : index
    %swap3A_1488 = tpu.vector_load %arg8[%swap3A_1486, %swap3A_1487] {strides = array<i32>} : memref<8x128xi32, #tpu.memory_space<vmem>>, vector<16xi32>,
    tpu.vector_store %arg8[%swap3A_1486, %swap3A_1487], %add3A_1484 {strides = array<i32>} : memref<8x128xi32, #tpu.memory_space<vmem>>, vector<16xi32>,
    %get3A_1489 = arith.constant 336 : index
    %get3A_1490 = tpu.vector_load %arg7[%get3A_1489] {strides = array<i32>} : memref<1024xi32, #tpu.memory_space<vmem>>, vector<16xi32>,
    %add3A_1491 = arith.constant 337 : i32
    %add3A_1492 = vector.broadcast %add3A_1491 : i32 to vector<16xi32>
    %add3A_1493 = arith.addi %iota3A, %add3A_1492 : vector<16xi32>
    %min3A_1494 = arith.constant 1023 : i32
    %min3A_1495 = vector.broadcast %min3A_1494 : i32 to vector<16xi32>
    %min3A_1496 = arith.minsi %add3A_1493, %min3A_1495 : vector<16xi32>
    %gather3A_1497 = tpu.vector_load_idx %arg7[%min3A_1496] : memref<1024xi32, #tpu.memory_space<vmem>>[vector<16xi32>], vector<16xi32>,
    %shift_right_arithmetic3A_1498 = arith.constant 3 : i32
    %shift_right_arithmetic3A_1499 = vector.broadcast %shift_right_arithmetic3A_1498 : i32 to vector<16xi32>
    %shift_right_arithmetic3A_1500 = arith.shrsi %get3A_1490, %shift_right_arithmetic3A_1499 : vector<16xi32>
    %shift_left3A_1501 = arith.constant 15 : i32
    %shift_left3A_1502 = vector.broadcast %shift_left3A_1501 : i32 to vector<16xi32>
    %shift_left3A_1503 = arith.shli %shift_right_arithmetic3A_1500, %shift_left3A_1502 : vector<16xi32>
    %shift_right_arithmetic3A_1504 = arith.constant 7 : i32
    %shift_right_arithmetic3A_1505 = vector.broadcast %shift_right_arithmetic3A_1504 : i32 to vector<16xi32>
    %shift_right_arithmetic3A_1506 = arith.shrsi %gather3A_1497, %shift_right_arithmetic3A_1505 : vector<16xi32>
    %shift_left3A_1507 = arith.constant 10 : i32
    %shift_left3A_1508 = vector.broadcast %shift_left3A_1507 : i32 to vector<16xi32>
    %shift_left3A_1509 = arith.shli %shift_right_arithmetic3A_1506, %shift_left3A_1508 : vector<16xi32>
    %add3A_1510 = arith.addi %shift_left3A_1503, %shift_left3A_1509 : vector<16xi32>
    %and3A_1511 = arith.constant 7 : i32
    %and3A_1512 = vector.broadcast %and3A_1511 : i32 to vector<16xi32>
    %and3A_1513 = arith.andi %get3A_1490, %and3A_1512 : vector<16xi32>
    %shift_left3A_1514 = arith.constant 7 : i32
    %shift_left3A_1515 = vector.broadcast %shift_left3A_1514 : i32 to vector<16xi32>
    %shift_left3A_1516 = arith.shli %and3A_1513, %shift_left3A_1515 : vector<16xi32>
    %add3A_1517 = arith.addi %add3A_1510, %shift_left3A_1516 : vector<16xi32>
    %and3A_1518 = arith.constant 127 : i32
    %and3A_1519 = vector.broadcast %and3A_1518 : i32 to vector<16xi32>
    %and3A_1520 = arith.andi %gather3A_1497, %and3A_1519 : vector<16xi32>
    %add3A_1521 = arith.addi %add3A_1517, %and3A_1520 : vector<16xi32>
    %swap3A_1522 = arith.constant 2 : i32
    %swap3A_1523 = arith.index_cast %swap3A_1522 : i32 to index
    %swap3A_1524 = arith.constant 80 : index
    %swap3A_1525 = tpu.vector_load %arg8[%swap3A_1523, %swap3A_1524] {strides = array<i32>} : memref<8x128xi32, #tpu.memory_space<vmem>>, vector<16xi32>,
    tpu.vector_store %arg8[%swap3A_1523, %swap3A_1524], %add3A_1521 {strides = array<i32>} : memref<8x128xi32, #tpu.memory_space<vmem>>, vector<16xi32>,
    %get3A_1526 = arith.constant 352 : index
    %get3A_1527 = tpu.vector_load %arg7[%get3A_1526] {strides = array<i32>} : memref<1024xi32, #tpu.memory_space<vmem>>, vector<16xi32>,
    %add3A_1528 = arith.constant 353 : i32
    %add3A_1529 = vector.broadcast %add3A_1528 : i32 to vector<16xi32>
    %add3A_1530 = arith.addi %iota3A, %add3A_1529 : vector<16xi32>
    %min3A_1531 = arith.constant 1023 : i32
    %min3A_1532 = vector.broadcast %min3A_1531 : i32 to vector<16xi32>
    %min3A_1533 = arith.minsi %add3A_1530, %min3A_1532 : vector<16xi32>
    %gather3A_1534 = tpu.vector_load_idx %arg7[%min3A_1533] : memref<1024xi32, #tpu.memory_space<vmem>>[vector<16xi32>], vector<16xi32>,
    %shift_right_arithmetic3A_1535 = arith.constant 3 : i32
    %shift_right_arithmetic3A_1536 = vector.broadcast %shift_right_arithmetic3A_1535 : i32 to vector<16xi32>
    %shift_right_arithmetic3A_1537 = arith.shrsi %get3A_1527, %shift_right_arithmetic3A_1536 : vector<16xi32>
    %shift_left3A_1538 = arith.constant 15 : i32
    %shift_left3A_1539 = vector.broadcast %shift_left3A_1538 : i32 to vector<16xi32>
    %shift_left3A_1540 = arith.shli %shift_right_arithmetic3A_1537, %shift_left3A_1539 : vector<16xi32>
    %shift_right_arithmetic3A_1541 = arith.constant 7 : i32
    %shift_right_arithmetic3A_1542 = vector.broadcast %shift_right_arithmetic3A_1541 : i32 to vector<16xi32>
    %shift_right_arithmetic3A_1543 = arith.shrsi %gather3A_1534, %shift_right_arithmetic3A_1542 : vector<16xi32>
    %shift_left3A_1544 = arith.constant 10 : i32
    %shift_left3A_1545 = vector.broadcast %shift_left3A_1544 : i32 to vector<16xi32>
    %shift_left3A_1546 = arith.shli %shift_right_arithmetic3A_1543, %shift_left3A_1545 : vector<16xi32>
    %add3A_1547 = arith.addi %shift_left3A_1540, %shift_left3A_1546 : vector<16xi32>
    %and3A_1548 = arith.constant 7 : i32
    %and3A_1549 = vector.broadcast %and3A_1548 : i32 to vector<16xi32>
    %and3A_1550 = arith.andi %get3A_1527, %and3A_1549 : vector<16xi32>
    %shift_left3A_1551 = arith.constant 7 : i32
    %shift_left3A_1552 = vector.broadcast %shift_left3A_1551 : i32 to vector<16xi32>
    %shift_left3A_1553 = arith.shli %and3A_1550, %shift_left3A_1552 : vector<16xi32>
    %add3A_1554 = arith.addi %add3A_1547, %shift_left3A_1553 : vector<16xi32>
    %and3A_1555 = arith.constant 127 : i32
    %and3A_1556 = vector.broadcast %and3A_1555 : i32 to vector<16xi32>
    %and3A_1557 = arith.andi %gather3A_1534, %and3A_1556 : vector<16xi32>
    %add3A_1558 = arith.addi %add3A_1554, %and3A_1557 : vector<16xi32>
    %swap3A_1559 = arith.constant 2 : i32
    %swap3A_1560 = arith.index_cast %swap3A_1559 : i32 to index
    %swap3A_1561 = arith.constant 96 : index
    %swap3A_1562 = tpu.vector_load %arg8[%swap3A_1560, %swap3A_1561] {strides = array<i32>} : memref<8x128xi32, #tpu.memory_space<vmem>>, vector<16xi32>,
    tpu.vector_store %arg8[%swap3A_1560, %swap3A_1561], %add3A_1558 {strides = array<i32>} : memref<8x128xi32, #tpu.memory_space<vmem>>, vector<16xi32>,
    %get3A_1563 = arith.constant 368 : index
    %get3A_1564 = tpu.vector_load %arg7[%get3A_1563] {strides = array<i32>} : memref<1024xi32, #tpu.memory_space<vmem>>, vector<16xi32>,
    %add3A_1565 = arith.constant 369 : i32
    %add3A_1566 = vector.broadcast %add3A_1565 : i32 to vector<16xi32>
    %add3A_1567 = arith.addi %iota3A, %add3A_1566 : vector<16xi32>
    %min3A_1568 = arith.constant 1023 : i32
    %min3A_1569 = vector.broadcast %min3A_1568 : i32 to vector<16xi32>
    %min3A_1570 = arith.minsi %add3A_1567, %min3A_1569 : vector<16xi32>
    %gather3A_1571 = tpu.vector_load_idx %arg7[%min3A_1570] : memref<1024xi32, #tpu.memory_space<vmem>>[vector<16xi32>], vector<16xi32>,
    %shift_right_arithmetic3A_1572 = arith.constant 3 : i32
    %shift_right_arithmetic3A_1573 = vector.broadcast %shift_right_arithmetic3A_1572 : i32 to vector<16xi32>
    %shift_right_arithmetic3A_1574 = arith.shrsi %get3A_1564, %shift_right_arithmetic3A_1573 : vector<16xi32>
    %shift_left3A_1575 = arith.constant 15 : i32
    %shift_left3A_1576 = vector.broadcast %shift_left3A_1575 : i32 to vector<16xi32>
    %shift_left3A_1577 = arith.shli %shift_right_arithmetic3A_1574, %shift_left3A_1576 : vector<16xi32>
    %shift_right_arithmetic3A_1578 = arith.constant 7 : i32
    %shift_right_arithmetic3A_1579 = vector.broadcast %shift_right_arithmetic3A_1578 : i32 to vector<16xi32>
    %shift_right_arithmetic3A_1580 = arith.shrsi %gather3A_1571, %shift_right_arithmetic3A_1579 : vector<16xi32>
    %shift_left3A_1581 = arith.constant 10 : i32
    %shift_left3A_1582 = vector.broadcast %shift_left3A_1581 : i32 to vector<16xi32>
    %shift_left3A_1583 = arith.shli %shift_right_arithmetic3A_1580, %shift_left3A_1582 : vector<16xi32>
    %add3A_1584 = arith.addi %shift_left3A_1577, %shift_left3A_1583 : vector<16xi32>
    %and3A_1585 = arith.constant 7 : i32
    %and3A_1586 = vector.broadcast %and3A_1585 : i32 to vector<16xi32>
    %and3A_1587 = arith.andi %get3A_1564, %and3A_1586 : vector<16xi32>
    %shift_left3A_1588 = arith.constant 7 : i32
    %shift_left3A_1589 = vector.broadcast %shift_left3A_1588 : i32 to vector<16xi32>
    %shift_left3A_1590 = arith.shli %and3A_1587, %shift_left3A_1589 : vector<16xi32>
    %add3A_1591 = arith.addi %add3A_1584, %shift_left3A_1590 : vector<16xi32>
    %and3A_1592 = arith.constant 127 : i32
    %and3A_1593 = vector.broadcast %and3A_1592 : i32 to vector<16xi32>
    %and3A_1594 = arith.andi %gather3A_1571, %and3A_1593 : vector<16xi32>
    %add3A_1595 = arith.addi %add3A_1591, %and3A_1594 : vector<16xi32>
    %swap3A_1596 = arith.constant 2 : i32
    %swap3A_1597 = arith.index_cast %swap3A_1596 : i32 to index
    %swap3A_1598 = arith.constant 112 : index
    %swap3A_1599 = tpu.vector_load %arg8[%swap3A_1597, %swap3A_1598] {strides = array<i32>} : memref<8x128xi32, #tpu.memory_space<vmem>>, vector<16xi32>,
    tpu.vector_store %arg8[%swap3A_1597, %swap3A_1598], %add3A_1595 {strides = array<i32>} : memref<8x128xi32, #tpu.memory_space<vmem>>, vector<16xi32>,
    %get3A_1600 = arith.constant 384 : index
    %get3A_1601 = tpu.vector_load %arg7[%get3A_1600] {strides = array<i32>} : memref<1024xi32, #tpu.memory_space<vmem>>, vector<16xi32>,
    %add3A_1602 = arith.constant 385 : i32
    %add3A_1603 = vector.broadcast %add3A_1602 : i32 to vector<16xi32>
    %add3A_1604 = arith.addi %iota3A, %add3A_1603 : vector<16xi32>
    %min3A_1605 = arith.constant 1023 : i32
    %min3A_1606 = vector.broadcast %min3A_1605 : i32 to vector<16xi32>
    %min3A_1607 = arith.minsi %add3A_1604, %min3A_1606 : vector<16xi32>
    %gather3A_1608 = tpu.vector_load_idx %arg7[%min3A_1607] : memref<1024xi32, #tpu.memory_space<vmem>>[vector<16xi32>], vector<16xi32>,
    %shift_right_arithmetic3A_1609 = arith.constant 3 : i32
    %shift_right_arithmetic3A_1610 = vector.broadcast %shift_right_arithmetic3A_1609 : i32 to vector<16xi32>
    %shift_right_arithmetic3A_1611 = arith.shrsi %get3A_1601, %shift_right_arithmetic3A_1610 : vector<16xi32>
    %shift_left3A_1612 = arith.constant 15 : i32
    %shift_left3A_1613 = vector.broadcast %shift_left3A_1612 : i32 to vector<16xi32>
    %shift_left3A_1614 = arith.shli %shift_right_arithmetic3A_1611, %shift_left3A_1613 : vector<16xi32>
    %shift_right_arithmetic3A_1615 = arith.constant 7 : i32
    %shift_right_arithmetic3A_1616 = vector.broadcast %shift_right_arithmetic3A_1615 : i32 to vector<16xi32>
    %shift_right_arithmetic3A_1617 = arith.shrsi %gather3A_1608, %shift_right_arithmetic3A_1616 : vector<16xi32>
    %shift_left3A_1618 = arith.constant 10 : i32
    %shift_left3A_1619 = vector.broadcast %shift_left3A_1618 : i32 to vector<16xi32>
    %shift_left3A_1620 = arith.shli %shift_right_arithmetic3A_1617, %shift_left3A_1619 : vector<16xi32>
    %add3A_1621 = arith.addi %shift_left3A_1614, %shift_left3A_1620 : vector<16xi32>
    %and3A_1622 = arith.constant 7 : i32
    %and3A_1623 = vector.broadcast %and3A_1622 : i32 to vector<16xi32>
    %and3A_1624 = arith.andi %get3A_1601, %and3A_1623 : vector<16xi32>
    %shift_left3A_1625 = arith.constant 7 : i32
    %shift_left3A_1626 = vector.broadcast %shift_left3A_1625 : i32 to vector<16xi32>
    %shift_left3A_1627 = arith.shli %and3A_1624, %shift_left3A_1626 : vector<16xi32>
    %add3A_1628 = arith.addi %add3A_1621, %shift_left3A_1627 : vector<16xi32>
    %and3A_1629 = arith.constant 127 : i32
    %and3A_1630 = vector.broadcast %and3A_1629 : i32 to vector<16xi32>
    %and3A_1631 = arith.andi %gather3A_1608, %and3A_1630 : vector<16xi32>
    %add3A_1632 = arith.addi %add3A_1628, %and3A_1631 : vector<16xi32>
    %swap3A_1633 = arith.constant 3 : i32
    %swap3A_1634 = arith.index_cast %swap3A_1633 : i32 to index
    %swap3A_1635 = arith.constant 0 : index
    %swap3A_1636 = tpu.vector_load %arg8[%swap3A_1634, %swap3A_1635] {strides = array<i32>} : memref<8x128xi32, #tpu.memory_space<vmem>>, vector<16xi32>,
    tpu.vector_store %arg8[%swap3A_1634, %swap3A_1635], %add3A_1632 {strides = array<i32>} : memref<8x128xi32, #tpu.memory_space<vmem>>, vector<16xi32>,
    %get3A_1637 = arith.constant 400 : index
    %get3A_1638 = tpu.vector_load %arg7[%get3A_1637] {strides = array<i32>} : memref<1024xi32, #tpu.memory_space<vmem>>, vector<16xi32>,
    %add3A_1639 = arith.constant 401 : i32
    %add3A_1640 = vector.broadcast %add3A_1639 : i32 to vector<16xi32>
    %add3A_1641 = arith.addi %iota3A, %add3A_1640 : vector<16xi32>
    %min3A_1642 = arith.constant 1023 : i32
    %min3A_1643 = vector.broadcast %min3A_1642 : i32 to vector<16xi32>
    %min3A_1644 = arith.minsi %add3A_1641, %min3A_1643 : vector<16xi32>
    %gather3A_1645 = tpu.vector_load_idx %arg7[%min3A_1644] : memref<1024xi32, #tpu.memory_space<vmem>>[vector<16xi32>], vector<16xi32>,
    %shift_right_arithmetic3A_1646 = arith.constant 3 : i32
    %shift_right_arithmetic3A_1647 = vector.broadcast %shift_right_arithmetic3A_1646 : i32 to vector<16xi32>
    %shift_right_arithmetic3A_1648 = arith.shrsi %get3A_1638, %shift_right_arithmetic3A_1647 : vector<16xi32>
    %shift_left3A_1649 = arith.constant 15 : i32
    %shift_left3A_1650 = vector.broadcast %shift_left3A_1649 : i32 to vector<16xi32>
    %shift_left3A_1651 = arith.shli %shift_right_arithmetic3A_1648, %shift_left3A_1650 : vector<16xi32>
    %shift_right_arithmetic3A_1652 = arith.constant 7 : i32
    %shift_right_arithmetic3A_1653 = vector.broadcast %shift_right_arithmetic3A_1652 : i32 to vector<16xi32>
    %shift_right_arithmetic3A_1654 = arith.shrsi %gather3A_1645, %shift_right_arithmetic3A_1653 : vector<16xi32>
    %shift_left3A_1655 = arith.constant 10 : i32
    %shift_left3A_1656 = vector.broadcast %shift_left3A_1655 : i32 to vector<16xi32>
    %shift_left3A_1657 = arith.shli %shift_right_arithmetic3A_1654, %shift_left3A_1656 : vector<16xi32>
    %add3A_1658 = arith.addi %shift_left3A_1651, %shift_left3A_1657 : vector<16xi32>
    %and3A_1659 = arith.constant 7 : i32
    %and3A_1660 = vector.broadcast %and3A_1659 : i32 to vector<16xi32>
    %and3A_1661 = arith.andi %get3A_1638, %and3A_1660 : vector<16xi32>
    %shift_left3A_1662 = arith.constant 7 : i32
    %shift_left3A_1663 = vector.broadcast %shift_left3A_1662 : i32 to vector<16xi32>
    %shift_left3A_1664 = arith.shli %and3A_1661, %shift_left3A_1663 : vector<16xi32>
    %add3A_1665 = arith.addi %add3A_1658, %shift_left3A_1664 : vector<16xi32>
    %and3A_1666 = arith.constant 127 : i32
    %and3A_1667 = vector.broadcast %and3A_1666 : i32 to vector<16xi32>
    %and3A_1668 = arith.andi %gather3A_1645, %and3A_1667 : vector<16xi32>
    %add3A_1669 = arith.addi %add3A_1665, %and3A_1668 : vector<16xi32>
    %swap3A_1670 = arith.constant 3 : i32
    %swap3A_1671 = arith.index_cast %swap3A_1670 : i32 to index
    %swap3A_1672 = arith.constant 16 : index
    %swap3A_1673 = tpu.vector_load %arg8[%swap3A_1671, %swap3A_1672] {strides = array<i32>} : memref<8x128xi32, #tpu.memory_space<vmem>>, vector<16xi32>,
    tpu.vector_store %arg8[%swap3A_1671, %swap3A_1672], %add3A_1669 {strides = array<i32>} : memref<8x128xi32, #tpu.memory_space<vmem>>, vector<16xi32>,
    %get3A_1674 = arith.constant 416 : index
    %get3A_1675 = tpu.vector_load %arg7[%get3A_1674] {strides = array<i32>} : memref<1024xi32, #tpu.memory_space<vmem>>, vector<16xi32>,
    %add3A_1676 = arith.constant 417 : i32
    %add3A_1677 = vector.broadcast %add3A_1676 : i32 to vector<16xi32>
    %add3A_1678 = arith.addi %iota3A, %add3A_1677 : vector<16xi32>
    %min3A_1679 = arith.constant 1023 : i32
    %min3A_1680 = vector.broadcast %min3A_1679 : i32 to vector<16xi32>
    %min3A_1681 = arith.minsi %add3A_1678, %min3A_1680 : vector<16xi32>
    %gather3A_1682 = tpu.vector_load_idx %arg7[%min3A_1681] : memref<1024xi32, #tpu.memory_space<vmem>>[vector<16xi32>], vector<16xi32>,
    %shift_right_arithmetic3A_1683 = arith.constant 3 : i32
    %shift_right_arithmetic3A_1684 = vector.broadcast %shift_right_arithmetic3A_1683 : i32 to vector<16xi32>
    %shift_right_arithmetic3A_1685 = arith.shrsi %get3A_1675, %shift_right_arithmetic3A_1684 : vector<16xi32>
    %shift_left3A_1686 = arith.constant 15 : i32
    %shift_left3A_1687 = vector.broadcast %shift_left3A_1686 : i32 to vector<16xi32>
    %shift_left3A_1688 = arith.shli %shift_right_arithmetic3A_1685, %shift_left3A_1687 : vector<16xi32>
    %shift_right_arithmetic3A_1689 = arith.constant 7 : i32
    %shift_right_arithmetic3A_1690 = vector.broadcast %shift_right_arithmetic3A_1689 : i32 to vector<16xi32>
    %shift_right_arithmetic3A_1691 = arith.shrsi %gather3A_1682, %shift_right_arithmetic3A_1690 : vector<16xi32>
    %shift_left3A_1692 = arith.constant 10 : i32
    %shift_left3A_1693 = vector.broadcast %shift_left3A_1692 : i32 to vector<16xi32>
    %shift_left3A_1694 = arith.shli %shift_right_arithmetic3A_1691, %shift_left3A_1693 : vector<16xi32>
    %add3A_1695 = arith.addi %shift_left3A_1688, %shift_left3A_1694 : vector<16xi32>
    %and3A_1696 = arith.constant 7 : i32
    %and3A_1697 = vector.broadcast %and3A_1696 : i32 to vector<16xi32>
    %and3A_1698 = arith.andi %get3A_1675, %and3A_1697 : vector<16xi32>
    %shift_left3A_1699 = arith.constant 7 : i32
    %shift_left3A_1700 = vector.broadcast %shift_left3A_1699 : i32 to vector<16xi32>
    %shift_left3A_1701 = arith.shli %and3A_1698, %shift_left3A_1700 : vector<16xi32>
    %add3A_1702 = arith.addi %add3A_1695, %shift_left3A_1701 : vector<16xi32>
    %and3A_1703 = arith.constant 127 : i32
    %and3A_1704 = vector.broadcast %and3A_1703 : i32 to vector<16xi32>
    %and3A_1705 = arith.andi %gather3A_1682, %and3A_1704 : vector<16xi32>
    %add3A_1706 = arith.addi %add3A_1702, %and3A_1705 : vector<16xi32>
    %swap3A_1707 = arith.constant 3 : i32
    %swap3A_1708 = arith.index_cast %swap3A_1707 : i32 to index
    %swap3A_1709 = arith.constant 32 : index
    %swap3A_1710 = tpu.vector_load %arg8[%swap3A_1708, %swap3A_1709] {strides = array<i32>} : memref<8x128xi32, #tpu.memory_space<vmem>>, vector<16xi32>,
    tpu.vector_store %arg8[%swap3A_1708, %swap3A_1709], %add3A_1706 {strides = array<i32>} : memref<8x128xi32, #tpu.memory_space<vmem>>, vector<16xi32>,
    %get3A_1711 = arith.constant 432 : index
    %get3A_1712 = tpu.vector_load %arg7[%get3A_1711] {strides = array<i32>} : memref<1024xi32, #tpu.memory_space<vmem>>, vector<16xi32>,
    %add3A_1713 = arith.constant 433 : i32
    %add3A_1714 = vector.broadcast %add3A_1713 : i32 to vector<16xi32>
    %add3A_1715 = arith.addi %iota3A, %add3A_1714 : vector<16xi32>
    %min3A_1716 = arith.constant 1023 : i32
    %min3A_1717 = vector.broadcast %min3A_1716 : i32 to vector<16xi32>
    %min3A_1718 = arith.minsi %add3A_1715, %min3A_1717 : vector<16xi32>
    %gather3A_1719 = tpu.vector_load_idx %arg7[%min3A_1718] : memref<1024xi32, #tpu.memory_space<vmem>>[vector<16xi32>], vector<16xi32>,
    %shift_right_arithmetic3A_1720 = arith.constant 3 : i32
    %shift_right_arithmetic3A_1721 = vector.broadcast %shift_right_arithmetic3A_1720 : i32 to vector<16xi32>
    %shift_right_arithmetic3A_1722 = arith.shrsi %get3A_1712, %shift_right_arithmetic3A_1721 : vector<16xi32>
    %shift_left3A_1723 = arith.constant 15 : i32
    %shift_left3A_1724 = vector.broadcast %shift_left3A_1723 : i32 to vector<16xi32>
    %shift_left3A_1725 = arith.shli %shift_right_arithmetic3A_1722, %shift_left3A_1724 : vector<16xi32>
    %shift_right_arithmetic3A_1726 = arith.constant 7 : i32
    %shift_right_arithmetic3A_1727 = vector.broadcast %shift_right_arithmetic3A_1726 : i32 to vector<16xi32>
    %shift_right_arithmetic3A_1728 = arith.shrsi %gather3A_1719, %shift_right_arithmetic3A_1727 : vector<16xi32>
    %shift_left3A_1729 = arith.constant 10 : i32
    %shift_left3A_1730 = vector.broadcast %shift_left3A_1729 : i32 to vector<16xi32>
    %shift_left3A_1731 = arith.shli %shift_right_arithmetic3A_1728, %shift_left3A_1730 : vector<16xi32>
    %add3A_1732 = arith.addi %shift_left3A_1725, %shift_left3A_1731 : vector<16xi32>
    %and3A_1733 = arith.constant 7 : i32
    %and3A_1734 = vector.broadcast %and3A_1733 : i32 to vector<16xi32>
    %and3A_1735 = arith.andi %get3A_1712, %and3A_1734 : vector<16xi32>
    %shift_left3A_1736 = arith.constant 7 : i32
    %shift_left3A_1737 = vector.broadcast %shift_left3A_1736 : i32 to vector<16xi32>
    %shift_left3A_1738 = arith.shli %and3A_1735, %shift_left3A_1737 : vector<16xi32>
    %add3A_1739 = arith.addi %add3A_1732, %shift_left3A_1738 : vector<16xi32>
    %and3A_1740 = arith.constant 127 : i32
    %and3A_1741 = vector.broadcast %and3A_1740 : i32 to vector<16xi32>
    %and3A_1742 = arith.andi %gather3A_1719, %and3A_1741 : vector<16xi32>
    %add3A_1743 = arith.addi %add3A_1739, %and3A_1742 : vector<16xi32>
    %swap3A_1744 = arith.constant 3 : i32
    %swap3A_1745 = arith.index_cast %swap3A_1744 : i32 to index
    %swap3A_1746 = arith.constant 48 : index
    %swap3A_1747 = tpu.vector_load %arg8[%swap3A_1745, %swap3A_1746] {strides = array<i32>} : memref<8x128xi32, #tpu.memory_space<vmem>>, vector<16xi32>,
    tpu.vector_store %arg8[%swap3A_1745, %swap3A_1746], %add3A_1743 {strides = array<i32>} : memref<8x128xi32, #tpu.memory_space<vmem>>, vector<16xi32>,
    %get3A_1748 = arith.constant 448 : index
    %get3A_1749 = tpu.vector_load %arg7[%get3A_1748] {strides = array<i32>} : memref<1024xi32, #tpu.memory_space<vmem>>, vector<16xi32>,
    %add3A_1750 = arith.constant 449 : i32
    %add3A_1751 = vector.broadcast %add3A_1750 : i32 to vector<16xi32>
    %add3A_1752 = arith.addi %iota3A, %add3A_1751 : vector<16xi32>
    %min3A_1753 = arith.constant 1023 : i32
    %min3A_1754 = vector.broadcast %min3A_1753 : i32 to vector<16xi32>
    %min3A_1755 = arith.minsi %add3A_1752, %min3A_1754 : vector<16xi32>
    %gather3A_1756 = tpu.vector_load_idx %arg7[%min3A_1755] : memref<1024xi32, #tpu.memory_space<vmem>>[vector<16xi32>], vector<16xi32>,
    %shift_right_arithmetic3A_1757 = arith.constant 3 : i32
    %shift_right_arithmetic3A_1758 = vector.broadcast %shift_right_arithmetic3A_1757 : i32 to vector<16xi32>
    %shift_right_arithmetic3A_1759 = arith.shrsi %get3A_1749, %shift_right_arithmetic3A_1758 : vector<16xi32>
    %shift_left3A_1760 = arith.constant 15 : i32
    %shift_left3A_1761 = vector.broadcast %shift_left3A_1760 : i32 to vector<16xi32>
    %shift_left3A_1762 = arith.shli %shift_right_arithmetic3A_1759, %shift_left3A_1761 : vector<16xi32>
    %shift_right_arithmetic3A_1763 = arith.constant 7 : i32
    %shift_right_arithmetic3A_1764 = vector.broadcast %shift_right_arithmetic3A_1763 : i32 to vector<16xi32>
    %shift_right_arithmetic3A_1765 = arith.shrsi %gather3A_1756, %shift_right_arithmetic3A_1764 : vector<16xi32>
    %shift_left3A_1766 = arith.constant 10 : i32
    %shift_left3A_1767 = vector.broadcast %shift_left3A_1766 : i32 to vector<16xi32>
    %shift_left3A_1768 = arith.shli %shift_right_arithmetic3A_1765, %shift_left3A_1767 : vector<16xi32>
    %add3A_1769 = arith.addi %shift_left3A_1762, %shift_left3A_1768 : vector<16xi32>
    %and3A_1770 = arith.constant 7 : i32
    %and3A_1771 = vector.broadcast %and3A_1770 : i32 to vector<16xi32>
    %and3A_1772 = arith.andi %get3A_1749, %and3A_1771 : vector<16xi32>
    %shift_left3A_1773 = arith.constant 7 : i32
    %shift_left3A_1774 = vector.broadcast %shift_left3A_1773 : i32 to vector<16xi32>
    %shift_left3A_1775 = arith.shli %and3A_1772, %shift_left3A_1774 : vector<16xi32>
    %add3A_1776 = arith.addi %add3A_1769, %shift_left3A_1775 : vector<16xi32>
    %and3A_1777 = arith.constant 127 : i32
    %and3A_1778 = vector.broadcast %and3A_1777 : i32 to vector<16xi32>
    %and3A_1779 = arith.andi %gather3A_1756, %and3A_1778 : vector<16xi32>
    %add3A_1780 = arith.addi %add3A_1776, %and3A_1779 : vector<16xi32>
    %swap3A_1781 = arith.constant 3 : i32
    %swap3A_1782 = arith.index_cast %swap3A_1781 : i32 to index
    %swap3A_1783 = arith.constant 64 : index
    %swap3A_1784 = tpu.vector_load %arg8[%swap3A_1782, %swap3A_1783] {strides = array<i32>} : memref<8x128xi32, #tpu.memory_space<vmem>>, vector<16xi32>,
    tpu.vector_store %arg8[%swap3A_1782, %swap3A_1783], %add3A_1780 {strides = array<i32>} : memref<8x128xi32, #tpu.memory_space<vmem>>, vector<16xi32>,
    %get3A_1785 = arith.constant 464 : index
    %get3A_1786 = tpu.vector_load %arg7[%get3A_1785] {strides = array<i32>} : memref<1024xi32, #tpu.memory_space<vmem>>, vector<16xi32>,
    %add3A_1787 = arith.constant 465 : i32
    %add3A_1788 = vector.broadcast %add3A_1787 : i32 to vector<16xi32>
    %add3A_1789 = arith.addi %iota3A, %add3A_1788 : vector<16xi32>
    %min3A_1790 = arith.constant 1023 : i32
    %min3A_1791 = vector.broadcast %min3A_1790 : i32 to vector<16xi32>
    %min3A_1792 = arith.minsi %add3A_1789, %min3A_1791 : vector<16xi32>
    %gather3A_1793 = tpu.vector_load_idx %arg7[%min3A_1792] : memref<1024xi32, #tpu.memory_space<vmem>>[vector<16xi32>], vector<16xi32>,
    %shift_right_arithmetic3A_1794 = arith.constant 3 : i32
    %shift_right_arithmetic3A_1795 = vector.broadcast %shift_right_arithmetic3A_1794 : i32 to vector<16xi32>
    %shift_right_arithmetic3A_1796 = arith.shrsi %get3A_1786, %shift_right_arithmetic3A_1795 : vector<16xi32>
    %shift_left3A_1797 = arith.constant 15 : i32
    %shift_left3A_1798 = vector.broadcast %shift_left3A_1797 : i32 to vector<16xi32>
    %shift_left3A_1799 = arith.shli %shift_right_arithmetic3A_1796, %shift_left3A_1798 : vector<16xi32>
    %shift_right_arithmetic3A_1800 = arith.constant 7 : i32
    %shift_right_arithmetic3A_1801 = vector.broadcast %shift_right_arithmetic3A_1800 : i32 to vector<16xi32>
    %shift_right_arithmetic3A_1802 = arith.shrsi %gather3A_1793, %shift_right_arithmetic3A_1801 : vector<16xi32>
    %shift_left3A_1803 = arith.constant 10 : i32
    %shift_left3A_1804 = vector.broadcast %shift_left3A_1803 : i32 to vector<16xi32>
    %shift_left3A_1805 = arith.shli %shift_right_arithmetic3A_1802, %shift_left3A_1804 : vector<16xi32>
    %add3A_1806 = arith.addi %shift_left3A_1799, %shift_left3A_1805 : vector<16xi32>
    %and3A_1807 = arith.constant 7 : i32
    %and3A_1808 = vector.broadcast %and3A_1807 : i32 to vector<16xi32>
    %and3A_1809 = arith.andi %get3A_1786, %and3A_1808 : vector<16xi32>
    %shift_left3A_1810 = arith.constant 7 : i32
    %shift_left3A_1811 = vector.broadcast %shift_left3A_1810 : i32 to vector<16xi32>
    %shift_left3A_1812 = arith.shli %and3A_1809, %shift_left3A_1811 : vector<16xi32>
    %add3A_1813 = arith.addi %add3A_1806, %shift_left3A_1812 : vector<16xi32>
    %and3A_1814 = arith.constant 127 : i32
    %and3A_1815 = vector.broadcast %and3A_1814 : i32 to vector<16xi32>
    %and3A_1816 = arith.andi %gather3A_1793, %and3A_1815 : vector<16xi32>
    %add3A_1817 = arith.addi %add3A_1813, %and3A_1816 : vector<16xi32>
    %swap3A_1818 = arith.constant 3 : i32
    %swap3A_1819 = arith.index_cast %swap3A_1818 : i32 to index
    %swap3A_1820 = arith.constant 80 : index
    %swap3A_1821 = tpu.vector_load %arg8[%swap3A_1819, %swap3A_1820] {strides = array<i32>} : memref<8x128xi32, #tpu.memory_space<vmem>>, vector<16xi32>,
    tpu.vector_store %arg8[%swap3A_1819, %swap3A_1820], %add3A_1817 {strides = array<i32>} : memref<8x128xi32, #tpu.memory_space<vmem>>, vector<16xi32>,
    %get3A_1822 = arith.constant 480 : index
    %get3A_1823 = tpu.vector_load %arg7[%get3A_1822] {strides = array<i32>} : memref<1024xi32, #tpu.memory_space<vmem>>, vector<16xi32>,
    %add3A_1824 = arith.constant 481 : i32
    %add3A_1825 = vector.broadcast %add3A_1824 : i32 to vector<16xi32>
    %add3A_1826 = arith.addi %iota3A, %add3A_1825 : vector<16xi32>
    %min3A_1827 = arith.constant 1023 : i32
    %min3A_1828 = vector.broadcast %min3A_1827 : i32 to vector<16xi32>
    %min3A_1829 = arith.minsi %add3A_1826, %min3A_1828 : vector<16xi32>
    %gather3A_1830 = tpu.vector_load_idx %arg7[%min3A_1829] : memref<1024xi32, #tpu.memory_space<vmem>>[vector<16xi32>], vector<16xi32>,
    %shift_right_arithmetic3A_1831 = arith.constant 3 : i32
    %shift_right_arithmetic3A_1832 = vector.broadcast %shift_right_arithmetic3A_1831 : i32 to vector<16xi32>
    %shift_right_arithmetic3A_1833 = arith.shrsi %get3A_1823, %shift_right_arithmetic3A_1832 : vector<16xi32>
    %shift_left3A_1834 = arith.constant 15 : i32
    %shift_left3A_1835 = vector.broadcast %shift_left3A_1834 : i32 to vector<16xi32>
    %shift_left3A_1836 = arith.shli %shift_right_arithmetic3A_1833, %shift_left3A_1835 : vector<16xi32>
    %shift_right_arithmetic3A_1837 = arith.constant 7 : i32
    %shift_right_arithmetic3A_1838 = vector.broadcast %shift_right_arithmetic3A_1837 : i32 to vector<16xi32>
    %shift_right_arithmetic3A_1839 = arith.shrsi %gather3A_1830, %shift_right_arithmetic3A_1838 : vector<16xi32>
    %shift_left3A_1840 = arith.constant 10 : i32
    %shift_left3A_1841 = vector.broadcast %shift_left3A_1840 : i32 to vector<16xi32>
    %shift_left3A_1842 = arith.shli %shift_right_arithmetic3A_1839, %shift_left3A_1841 : vector<16xi32>
    %add3A_1843 = arith.addi %shift_left3A_1836, %shift_left3A_1842 : vector<16xi32>
    %and3A_1844 = arith.constant 7 : i32
    %and3A_1845 = vector.broadcast %and3A_1844 : i32 to vector<16xi32>
    %and3A_1846 = arith.andi %get3A_1823, %and3A_1845 : vector<16xi32>
    %shift_left3A_1847 = arith.constant 7 : i32
    %shift_left3A_1848 = vector.broadcast %shift_left3A_1847 : i32 to vector<16xi32>
    %shift_left3A_1849 = arith.shli %and3A_1846, %shift_left3A_1848 : vector<16xi32>
    %add3A_1850 = arith.addi %add3A_1843, %shift_left3A_1849 : vector<16xi32>
    %and3A_1851 = arith.constant 127 : i32
    %and3A_1852 = vector.broadcast %and3A_1851 : i32 to vector<16xi32>
    %and3A_1853 = arith.andi %gather3A_1830, %and3A_1852 : vector<16xi32>
    %add3A_1854 = arith.addi %add3A_1850, %and3A_1853 : vector<16xi32>
    %swap3A_1855 = arith.constant 3 : i32
    %swap3A_1856 = arith.index_cast %swap3A_1855 : i32 to index
    %swap3A_1857 = arith.constant 96 : index
    %swap3A_1858 = tpu.vector_load %arg8[%swap3A_1856, %swap3A_1857] {strides = array<i32>} : memref<8x128xi32, #tpu.memory_space<vmem>>, vector<16xi32>,
    tpu.vector_store %arg8[%swap3A_1856, %swap3A_1857], %add3A_1854 {strides = array<i32>} : memref<8x128xi32, #tpu.memory_space<vmem>>, vector<16xi32>,
    %get3A_1859 = arith.constant 496 : index
    %get3A_1860 = tpu.vector_load %arg7[%get3A_1859] {strides = array<i32>} : memref<1024xi32, #tpu.memory_space<vmem>>, vector<16xi32>,
    %add3A_1861 = arith.constant 497 : i32
    %add3A_1862 = vector.broadcast %add3A_1861 : i32 to vector<16xi32>
    %add3A_1863 = arith.addi %iota3A, %add3A_1862 : vector<16xi32>
    %min3A_1864 = arith.constant 1023 : i32
    %min3A_1865 = vector.broadcast %min3A_1864 : i32 to vector<16xi32>
    %min3A_1866 = arith.minsi %add3A_1863, %min3A_1865 : vector<16xi32>
    %gather3A_1867 = tpu.vector_load_idx %arg7[%min3A_1866] : memref<1024xi32, #tpu.memory_space<vmem>>[vector<16xi32>], vector<16xi32>,
    %shift_right_arithmetic3A_1868 = arith.constant 3 : i32
    %shift_right_arithmetic3A_1869 = vector.broadcast %shift_right_arithmetic3A_1868 : i32 to vector<16xi32>
    %shift_right_arithmetic3A_1870 = arith.shrsi %get3A_1860, %shift_right_arithmetic3A_1869 : vector<16xi32>
    %shift_left3A_1871 = arith.constant 15 : i32
    %shift_left3A_1872 = vector.broadcast %shift_left3A_1871 : i32 to vector<16xi32>
    %shift_left3A_1873 = arith.shli %shift_right_arithmetic3A_1870, %shift_left3A_1872 : vector<16xi32>
    %shift_right_arithmetic3A_1874 = arith.constant 7 : i32
    %shift_right_arithmetic3A_1875 = vector.broadcast %shift_right_arithmetic3A_1874 : i32 to vector<16xi32>
    %shift_right_arithmetic3A_1876 = arith.shrsi %gather3A_1867, %shift_right_arithmetic3A_1875 : vector<16xi32>
    %shift_left3A_1877 = arith.constant 10 : i32
    %shift_left3A_1878 = vector.broadcast %shift_left3A_1877 : i32 to vector<16xi32>
    %shift_left3A_1879 = arith.shli %shift_right_arithmetic3A_1876, %shift_left3A_1878 : vector<16xi32>
    %add3A_1880 = arith.addi %shift_left3A_1873, %shift_left3A_1879 : vector<16xi32>
    %and3A_1881 = arith.constant 7 : i32
    %and3A_1882 = vector.broadcast %and3A_1881 : i32 to vector<16xi32>
    %and3A_1883 = arith.andi %get3A_1860, %and3A_1882 : vector<16xi32>
    %shift_left3A_1884 = arith.constant 7 : i32
    %shift_left3A_1885 = vector.broadcast %shift_left3A_1884 : i32 to vector<16xi32>
    %shift_left3A_1886 = arith.shli %and3A_1883, %shift_left3A_1885 : vector<16xi32>
    %add3A_1887 = arith.addi %add3A_1880, %shift_left3A_1886 : vector<16xi32>
    %and3A_1888 = arith.constant 127 : i32
    %and3A_1889 = vector.broadcast %and3A_1888 : i32 to vector<16xi32>
    %and3A_1890 = arith.andi %gather3A_1867, %and3A_1889 : vector<16xi32>
    %add3A_1891 = arith.addi %add3A_1887, %and3A_1890 : vector<16xi32>
    %lt3A_1892 = arith.constant 15 : i32
    %lt3A_1893 = vector.broadcast %lt3A_1892 : i32 to vector<16xi32>
    %lt3A_1894 = arith.cmpi slt, %iota3A, %lt3A_1893 : vector<16xi32>
    %jit3A_1895 = arith.constant 0 : i32
    %broadcast_in_dim3A_1896 = vector.broadcast %jit3A_1895 : i32 to vector<16xi32>
    %select_n3A_1897 = arith.select %lt3A_1894, %add3A_1891, %broadcast_in_dim3A_1896 : vector<16xi1>, vector<16xi32>
    %swap3A_1898 = arith.constant 3 : i32
    %swap3A_1899 = arith.index_cast %swap3A_1898 : i32 to index
    %swap3A_1900 = arith.constant 112 : index
    %swap3A_1901 = tpu.vector_load %arg8[%swap3A_1899, %swap3A_1900] {strides = array<i32>} : memref<8x128xi32, #tpu.memory_space<vmem>>, vector<16xi32>,
    tpu.vector_store %arg8[%swap3A_1899, %swap3A_1900], %select_n3A_1897 {strides = array<i32>} : memref<8x128xi32, #tpu.memory_space<vmem>>, vector<16xi32>,
    %get3A_1902 = arith.constant 512 : index
    %get3A_1903 = tpu.vector_load %arg7[%get3A_1902] {strides = array<i32>} : memref<1024xi32, #tpu.memory_space<vmem>>, vector<16xi32>,
    %add3A_1904 = arith.constant 513 : i32
    %add3A_1905 = vector.broadcast %add3A_1904 : i32 to vector<16xi32>
    %add3A_1906 = arith.addi %iota3A, %add3A_1905 : vector<16xi32>
    %min3A_1907 = arith.constant 1023 : i32
    %min3A_1908 = vector.broadcast %min3A_1907 : i32 to vector<16xi32>
    %min3A_1909 = arith.minsi %add3A_1906, %min3A_1908 : vector<16xi32>
    %gather3A_1910 = tpu.vector_load_idx %arg7[%min3A_1909] : memref<1024xi32, #tpu.memory_space<vmem>>[vector<16xi32>], vector<16xi32>,
    %shift_right_arithmetic3A_1911 = arith.constant 3 : i32
    %shift_right_arithmetic3A_1912 = vector.broadcast %shift_right_arithmetic3A_1911 : i32 to vector<16xi32>
    %shift_right_arithmetic3A_1913 = arith.shrsi %get3A_1903, %shift_right_arithmetic3A_1912 : vector<16xi32>
    %shift_left3A_1914 = arith.constant 15 : i32
    %shift_left3A_1915 = vector.broadcast %shift_left3A_1914 : i32 to vector<16xi32>
    %shift_left3A_1916 = arith.shli %shift_right_arithmetic3A_1913, %shift_left3A_1915 : vector<16xi32>
    %shift_right_arithmetic3A_1917 = arith.constant 7 : i32
    %shift_right_arithmetic3A_1918 = vector.broadcast %shift_right_arithmetic3A_1917 : i32 to vector<16xi32>
    %shift_right_arithmetic3A_1919 = arith.shrsi %gather3A_1910, %shift_right_arithmetic3A_1918 : vector<16xi32>
    %shift_left3A_1920 = arith.constant 10 : i32
    %shift_left3A_1921 = vector.broadcast %shift_left3A_1920 : i32 to vector<16xi32>
    %shift_left3A_1922 = arith.shli %shift_right_arithmetic3A_1919, %shift_left3A_1921 : vector<16xi32>
    %add3A_1923 = arith.addi %shift_left3A_1916, %shift_left3A_1922 : vector<16xi32>
    %and3A_1924 = arith.constant 7 : i32
    %and3A_1925 = vector.broadcast %and3A_1924 : i32 to vector<16xi32>
    %and3A_1926 = arith.andi %get3A_1903, %and3A_1925 : vector<16xi32>
    %shift_left3A_1927 = arith.constant 7 : i32
    %shift_left3A_1928 = vector.broadcast %shift_left3A_1927 : i32 to vector<16xi32>
    %shift_left3A_1929 = arith.shli %and3A_1926, %shift_left3A_1928 : vector<16xi32>
    %add3A_1930 = arith.addi %add3A_1923, %shift_left3A_1929 : vector<16xi32>
    %and3A_1931 = arith.constant 127 : i32
    %and3A_1932 = vector.broadcast %and3A_1931 : i32 to vector<16xi32>
    %and3A_1933 = arith.andi %gather3A_1910, %and3A_1932 : vector<16xi32>
    %add3A_1934 = arith.addi %add3A_1930, %and3A_1933 : vector<16xi32>
    %swap3A_1935 = arith.constant 4 : i32
    %swap3A_1936 = arith.index_cast %swap3A_1935 : i32 to index
    %swap3A_1937 = arith.constant 0 : index
    %swap3A_1938 = tpu.vector_load %arg8[%swap3A_1936, %swap3A_1937] {strides = array<i32>} : memref<8x128xi32, #tpu.memory_space<vmem>>, vector<16xi32>,
    tpu.vector_store %arg8[%swap3A_1936, %swap3A_1937], %add3A_1934 {strides = array<i32>} : memref<8x128xi32, #tpu.memory_space<vmem>>, vector<16xi32>,
    %get3A_1939 = arith.constant 528 : index
    %get3A_1940 = tpu.vector_load %arg7[%get3A_1939] {strides = array<i32>} : memref<1024xi32, #tpu.memory_space<vmem>>, vector<16xi32>,
    %add3A_1941 = arith.constant 529 : i32
    %add3A_1942 = vector.broadcast %add3A_1941 : i32 to vector<16xi32>
    %add3A_1943 = arith.addi %iota3A, %add3A_1942 : vector<16xi32>
    %min3A_1944 = arith.constant 1023 : i32
    %min3A_1945 = vector.broadcast %min3A_1944 : i32 to vector<16xi32>
    %min3A_1946 = arith.minsi %add3A_1943, %min3A_1945 : vector<16xi32>
    %gather3A_1947 = tpu.vector_load_idx %arg7[%min3A_1946] : memref<1024xi32, #tpu.memory_space<vmem>>[vector<16xi32>], vector<16xi32>,
    %shift_right_arithmetic3A_1948 = arith.constant 3 : i32
    %shift_right_arithmetic3A_1949 = vector.broadcast %shift_right_arithmetic3A_1948 : i32 to vector<16xi32>
    %shift_right_arithmetic3A_1950 = arith.shrsi %get3A_1940, %shift_right_arithmetic3A_1949 : vector<16xi32>
    %shift_left3A_1951 = arith.constant 15 : i32
    %shift_left3A_1952 = vector.broadcast %shift_left3A_1951 : i32 to vector<16xi32>
    %shift_left3A_1953 = arith.shli %shift_right_arithmetic3A_1950, %shift_left3A_1952 : vector<16xi32>
    %shift_right_arithmetic3A_1954 = arith.constant 7 : i32
    %shift_right_arithmetic3A_1955 = vector.broadcast %shift_right_arithmetic3A_1954 : i32 to vector<16xi32>
    %shift_right_arithmetic3A_1956 = arith.shrsi %gather3A_1947, %shift_right_arithmetic3A_1955 : vector<16xi32>
    %shift_left3A_1957 = arith.constant 10 : i32
    %shift_left3A_1958 = vector.broadcast %shift_left3A_1957 : i32 to vector<16xi32>
    %shift_left3A_1959 = arith.shli %shift_right_arithmetic3A_1956, %shift_left3A_1958 : vector<16xi32>
    %add3A_1960 = arith.addi %shift_left3A_1953, %shift_left3A_1959 : vector<16xi32>
    %and3A_1961 = arith.constant 7 : i32
    %and3A_1962 = vector.broadcast %and3A_1961 : i32 to vector<16xi32>
    %and3A_1963 = arith.andi %get3A_1940, %and3A_1962 : vector<16xi32>
    %shift_left3A_1964 = arith.constant 7 : i32
    %shift_left3A_1965 = vector.broadcast %shift_left3A_1964 : i32 to vector<16xi32>
    %shift_left3A_1966 = arith.shli %and3A_1963, %shift_left3A_1965 : vector<16xi32>
    %add3A_1967 = arith.addi %add3A_1960, %shift_left3A_1966 : vector<16xi32>
    %and3A_1968 = arith.constant 127 : i32
    %and3A_1969 = vector.broadcast %and3A_1968 : i32 to vector<16xi32>
    %and3A_1970 = arith.andi %gather3A_1947, %and3A_1969 : vector<16xi32>
    %add3A_1971 = arith.addi %add3A_1967, %and3A_1970 : vector<16xi32>
    %swap3A_1972 = arith.constant 4 : i32
    %swap3A_1973 = arith.index_cast %swap3A_1972 : i32 to index
    %swap3A_1974 = arith.constant 16 : index
    %swap3A_1975 = tpu.vector_load %arg8[%swap3A_1973, %swap3A_1974] {strides = array<i32>} : memref<8x128xi32, #tpu.memory_space<vmem>>, vector<16xi32>,
    tpu.vector_store %arg8[%swap3A_1973, %swap3A_1974], %add3A_1971 {strides = array<i32>} : memref<8x128xi32, #tpu.memory_space<vmem>>, vector<16xi32>,
    %get3A_1976 = arith.constant 544 : index
    %get3A_1977 = tpu.vector_load %arg7[%get3A_1976] {strides = array<i32>} : memref<1024xi32, #tpu.memory_space<vmem>>, vector<16xi32>,
    %add3A_1978 = arith.constant 545 : i32
    %add3A_1979 = vector.broadcast %add3A_1978 : i32 to vector<16xi32>
    %add3A_1980 = arith.addi %iota3A, %add3A_1979 : vector<16xi32>
    %min3A_1981 = arith.constant 1023 : i32
    %min3A_1982 = vector.broadcast %min3A_1981 : i32 to vector<16xi32>
    %min3A_1983 = arith.minsi %add3A_1980, %min3A_1982 : vector<16xi32>
    %gather3A_1984 = tpu.vector_load_idx %arg7[%min3A_1983] : memref<1024xi32, #tpu.memory_space<vmem>>[vector<16xi32>], vector<16xi32>,
    %shift_right_arithmetic3A_1985 = arith.constant 3 : i32
    %shift_right_arithmetic3A_1986 = vector.broadcast %shift_right_arithmetic3A_1985 : i32 to vector<16xi32>
    %shift_right_arithmetic3A_1987 = arith.shrsi %get3A_1977, %shift_right_arithmetic3A_1986 : vector<16xi32>
    %shift_left3A_1988 = arith.constant 15 : i32
    %shift_left3A_1989 = vector.broadcast %shift_left3A_1988 : i32 to vector<16xi32>
    %shift_left3A_1990 = arith.shli %shift_right_arithmetic3A_1987, %shift_left3A_1989 : vector<16xi32>
    %shift_right_arithmetic3A_1991 = arith.constant 7 : i32
    %shift_right_arithmetic3A_1992 = vector.broadcast %shift_right_arithmetic3A_1991 : i32 to vector<16xi32>
    %shift_right_arithmetic3A_1993 = arith.shrsi %gather3A_1984, %shift_right_arithmetic3A_1992 : vector<16xi32>
    %shift_left3A_1994 = arith.constant 10 : i32
    %shift_left3A_1995 = vector.broadcast %shift_left3A_1994 : i32 to vector<16xi32>
    %shift_left3A_1996 = arith.shli %shift_right_arithmetic3A_1993, %shift_left3A_1995 : vector<16xi32>
    %add3A_1997 = arith.addi %shift_left3A_1990, %shift_left3A_1996 : vector<16xi32>
    %and3A_1998 = arith.constant 7 : i32
    %and3A_1999 = vector.broadcast %and3A_1998 : i32 to vector<16xi32>
    %and3A_2000 = arith.andi %get3A_1977, %and3A_1999 : vector<16xi32>
    %shift_left3A_2001 = arith.constant 7 : i32
    %shift_left3A_2002 = vector.broadcast %shift_left3A_2001 : i32 to vector<16xi32>
    %shift_left3A_2003 = arith.shli %and3A_2000, %shift_left3A_2002 : vector<16xi32>
    %add3A_2004 = arith.addi %add3A_1997, %shift_left3A_2003 : vector<16xi32>
    %and3A_2005 = arith.constant 127 : i32
    %and3A_2006 = vector.broadcast %and3A_2005 : i32 to vector<16xi32>
    %and3A_2007 = arith.andi %gather3A_1984, %and3A_2006 : vector<16xi32>
    %add3A_2008 = arith.addi %add3A_2004, %and3A_2007 : vector<16xi32>
    %swap3A_2009 = arith.constant 4 : i32
    %swap3A_2010 = arith.index_cast %swap3A_2009 : i32 to index
    %swap3A_2011 = arith.constant 32 : index
    %swap3A_2012 = tpu.vector_load %arg8[%swap3A_2010, %swap3A_2011] {strides = array<i32>} : memref<8x128xi32, #tpu.memory_space<vmem>>, vector<16xi32>,
    tpu.vector_store %arg8[%swap3A_2010, %swap3A_2011], %add3A_2008 {strides = array<i32>} : memref<8x128xi32, #tpu.memory_space<vmem>>, vector<16xi32>,
    %get3A_2013 = arith.constant 560 : index
    %get3A_2014 = tpu.vector_load %arg7[%get3A_2013] {strides = array<i32>} : memref<1024xi32, #tpu.memory_space<vmem>>, vector<16xi32>,
    %add3A_2015 = arith.constant 561 : i32
    %add3A_2016 = vector.broadcast %add3A_2015 : i32 to vector<16xi32>
    %add3A_2017 = arith.addi %iota3A, %add3A_2016 : vector<16xi32>
    %min3A_2018 = arith.constant 1023 : i32
    %min3A_2019 = vector.broadcast %min3A_2018 : i32 to vector<16xi32>
    %min3A_2020 = arith.minsi %add3A_2017, %min3A_2019 : vector<16xi32>
    %gather3A_2021 = tpu.vector_load_idx %arg7[%min3A_2020] : memref<1024xi32, #tpu.memory_space<vmem>>[vector<16xi32>], vector<16xi32>,
    %shift_right_arithmetic3A_2022 = arith.constant 3 : i32
    %shift_right_arithmetic3A_2023 = vector.broadcast %shift_right_arithmetic3A_2022 : i32 to vector<16xi32>
    %shift_right_arithmetic3A_2024 = arith.shrsi %get3A_2014, %shift_right_arithmetic3A_2023 : vector<16xi32>
    %shift_left3A_2025 = arith.constant 15 : i32
    %shift_left3A_2026 = vector.broadcast %shift_left3A_2025 : i32 to vector<16xi32>
    %shift_left3A_2027 = arith.shli %shift_right_arithmetic3A_2024, %shift_left3A_2026 : vector<16xi32>
    %shift_right_arithmetic3A_2028 = arith.constant 7 : i32
    %shift_right_arithmetic3A_2029 = vector.broadcast %shift_right_arithmetic3A_2028 : i32 to vector<16xi32>
    %shift_right_arithmetic3A_2030 = arith.shrsi %gather3A_2021, %shift_right_arithmetic3A_2029 : vector<16xi32>
    %shift_left3A_2031 = arith.constant 10 : i32
    %shift_left3A_2032 = vector.broadcast %shift_left3A_2031 : i32 to vector<16xi32>
    %shift_left3A_2033 = arith.shli %shift_right_arithmetic3A_2030, %shift_left3A_2032 : vector<16xi32>
    %add3A_2034 = arith.addi %shift_left3A_2027, %shift_left3A_2033 : vector<16xi32>
    %and3A_2035 = arith.constant 7 : i32
    %and3A_2036 = vector.broadcast %and3A_2035 : i32 to vector<16xi32>
    %and3A_2037 = arith.andi %get3A_2014, %and3A_2036 : vector<16xi32>
    %shift_left3A_2038 = arith.constant 7 : i32
    %shift_left3A_2039 = vector.broadcast %shift_left3A_2038 : i32 to vector<16xi32>
    %shift_left3A_2040 = arith.shli %and3A_2037, %shift_left3A_2039 : vector<16xi32>
    %add3A_2041 = arith.addi %add3A_2034, %shift_left3A_2040 : vector<16xi32>
    %and3A_2042 = arith.constant 127 : i32
    %and3A_2043 = vector.broadcast %and3A_2042 : i32 to vector<16xi32>
    %and3A_2044 = arith.andi %gather3A_2021, %and3A_2043 : vector<16xi32>
    %add3A_2045 = arith.addi %add3A_2041, %and3A_2044 : vector<16xi32>
    %swap3A_2046 = arith.constant 4 : i32
    %swap3A_2047 = arith.index_cast %swap3A_2046 : i32 to index
    %swap3A_2048 = arith.constant 48 : index
    %swap3A_2049 = tpu.vector_load %arg8[%swap3A_2047, %swap3A_2048] {strides = array<i32>} : memref<8x128xi32, #tpu.memory_space<vmem>>, vector<16xi32>,
    tpu.vector_store %arg8[%swap3A_2047, %swap3A_2048], %add3A_2045 {strides = array<i32>} : memref<8x128xi32, #tpu.memory_space<vmem>>, vector<16xi32>,
    %get3A_2050 = arith.constant 576 : index
    %get3A_2051 = tpu.vector_load %arg7[%get3A_2050] {strides = array<i32>} : memref<1024xi32, #tpu.memory_space<vmem>>, vector<16xi32>,
    %add3A_2052 = arith.constant 577 : i32
    %add3A_2053 = vector.broadcast %add3A_2052 : i32 to vector<16xi32>
    %add3A_2054 = arith.addi %iota3A, %add3A_2053 : vector<16xi32>
    %min3A_2055 = arith.constant 1023 : i32
    %min3A_2056 = vector.broadcast %min3A_2055 : i32 to vector<16xi32>
    %min3A_2057 = arith.minsi %add3A_2054, %min3A_2056 : vector<16xi32>
    %gather3A_2058 = tpu.vector_load_idx %arg7[%min3A_2057] : memref<1024xi32, #tpu.memory_space<vmem>>[vector<16xi32>], vector<16xi32>,
    %shift_right_arithmetic3A_2059 = arith.constant 3 : i32
    %shift_right_arithmetic3A_2060 = vector.broadcast %shift_right_arithmetic3A_2059 : i32 to vector<16xi32>
    %shift_right_arithmetic3A_2061 = arith.shrsi %get3A_2051, %shift_right_arithmetic3A_2060 : vector<16xi32>
    %shift_left3A_2062 = arith.constant 15 : i32
    %shift_left3A_2063 = vector.broadcast %shift_left3A_2062 : i32 to vector<16xi32>
    %shift_left3A_2064 = arith.shli %shift_right_arithmetic3A_2061, %shift_left3A_2063 : vector<16xi32>
    %shift_right_arithmetic3A_2065 = arith.constant 7 : i32
    %shift_right_arithmetic3A_2066 = vector.broadcast %shift_right_arithmetic3A_2065 : i32 to vector<16xi32>
    %shift_right_arithmetic3A_2067 = arith.shrsi %gather3A_2058, %shift_right_arithmetic3A_2066 : vector<16xi32>
    %shift_left3A_2068 = arith.constant 10 : i32
    %shift_left3A_2069 = vector.broadcast %shift_left3A_2068 : i32 to vector<16xi32>
    %shift_left3A_2070 = arith.shli %shift_right_arithmetic3A_2067, %shift_left3A_2069 : vector<16xi32>
    %add3A_2071 = arith.addi %shift_left3A_2064, %shift_left3A_2070 : vector<16xi32>
    %and3A_2072 = arith.constant 7 : i32
    %and3A_2073 = vector.broadcast %and3A_2072 : i32 to vector<16xi32>
    %and3A_2074 = arith.andi %get3A_2051, %and3A_2073 : vector<16xi32>
    %shift_left3A_2075 = arith.constant 7 : i32
    %shift_left3A_2076 = vector.broadcast %shift_left3A_2075 : i32 to vector<16xi32>
    %shift_left3A_2077 = arith.shli %and3A_2074, %shift_left3A_2076 : vector<16xi32>
    %add3A_2078 = arith.addi %add3A_2071, %shift_left3A_2077 : vector<16xi32>
    %and3A_2079 = arith.constant 127 : i32
    %and3A_2080 = vector.broadcast %and3A_2079 : i32 to vector<16xi32>
    %and3A_2081 = arith.andi %gather3A_2058, %and3A_2080 : vector<16xi32>
    %add3A_2082 = arith.addi %add3A_2078, %and3A_2081 : vector<16xi32>
    %swap3A_2083 = arith.constant 4 : i32
    %swap3A_2084 = arith.index_cast %swap3A_2083 : i32 to index
    %swap3A_2085 = arith.constant 64 : index
    %swap3A_2086 = tpu.vector_load %arg8[%swap3A_2084, %swap3A_2085] {strides = array<i32>} : memref<8x128xi32, #tpu.memory_space<vmem>>, vector<16xi32>,
    tpu.vector_store %arg8[%swap3A_2084, %swap3A_2085], %add3A_2082 {strides = array<i32>} : memref<8x128xi32, #tpu.memory_space<vmem>>, vector<16xi32>,
    %get3A_2087 = arith.constant 592 : index
    %get3A_2088 = tpu.vector_load %arg7[%get3A_2087] {strides = array<i32>} : memref<1024xi32, #tpu.memory_space<vmem>>, vector<16xi32>,
    %add3A_2089 = arith.constant 593 : i32
    %add3A_2090 = vector.broadcast %add3A_2089 : i32 to vector<16xi32>
    %add3A_2091 = arith.addi %iota3A, %add3A_2090 : vector<16xi32>
    %min3A_2092 = arith.constant 1023 : i32
    %min3A_2093 = vector.broadcast %min3A_2092 : i32 to vector<16xi32>
    %min3A_2094 = arith.minsi %add3A_2091, %min3A_2093 : vector<16xi32>
    %gather3A_2095 = tpu.vector_load_idx %arg7[%min3A_2094] : memref<1024xi32, #tpu.memory_space<vmem>>[vector<16xi32>], vector<16xi32>,
    %shift_right_arithmetic3A_2096 = arith.constant 3 : i32
    %shift_right_arithmetic3A_2097 = vector.broadcast %shift_right_arithmetic3A_2096 : i32 to vector<16xi32>
    %shift_right_arithmetic3A_2098 = arith.shrsi %get3A_2088, %shift_right_arithmetic3A_2097 : vector<16xi32>
    %shift_left3A_2099 = arith.constant 15 : i32
    %shift_left3A_2100 = vector.broadcast %shift_left3A_2099 : i32 to vector<16xi32>
    %shift_left3A_2101 = arith.shli %shift_right_arithmetic3A_2098, %shift_left3A_2100 : vector<16xi32>
    %shift_right_arithmetic3A_2102 = arith.constant 7 : i32
    %shift_right_arithmetic3A_2103 = vector.broadcast %shift_right_arithmetic3A_2102 : i32 to vector<16xi32>
    %shift_right_arithmetic3A_2104 = arith.shrsi %gather3A_2095, %shift_right_arithmetic3A_2103 : vector<16xi32>
    %shift_left3A_2105 = arith.constant 10 : i32
    %shift_left3A_2106 = vector.broadcast %shift_left3A_2105 : i32 to vector<16xi32>
    %shift_left3A_2107 = arith.shli %shift_right_arithmetic3A_2104, %shift_left3A_2106 : vector<16xi32>
    %add3A_2108 = arith.addi %shift_left3A_2101, %shift_left3A_2107 : vector<16xi32>
    %and3A_2109 = arith.constant 7 : i32
    %and3A_2110 = vector.broadcast %and3A_2109 : i32 to vector<16xi32>
    %and3A_2111 = arith.andi %get3A_2088, %and3A_2110 : vector<16xi32>
    %shift_left3A_2112 = arith.constant 7 : i32
    %shift_left3A_2113 = vector.broadcast %shift_left3A_2112 : i32 to vector<16xi32>
    %shift_left3A_2114 = arith.shli %and3A_2111, %shift_left3A_2113 : vector<16xi32>
    %add3A_2115 = arith.addi %add3A_2108, %shift_left3A_2114 : vector<16xi32>
    %and3A_2116 = arith.constant 127 : i32
    %and3A_2117 = vector.broadcast %and3A_2116 : i32 to vector<16xi32>
    %and3A_2118 = arith.andi %gather3A_2095, %and3A_2117 : vector<16xi32>
    %add3A_2119 = arith.addi %add3A_2115, %and3A_2118 : vector<16xi32>
    %swap3A_2120 = arith.constant 4 : i32
    %swap3A_2121 = arith.index_cast %swap3A_2120 : i32 to index
    %swap3A_2122 = arith.constant 80 : index
    %swap3A_2123 = tpu.vector_load %arg8[%swap3A_2121, %swap3A_2122] {strides = array<i32>} : memref<8x128xi32, #tpu.memory_space<vmem>>, vector<16xi32>,
    tpu.vector_store %arg8[%swap3A_2121, %swap3A_2122], %add3A_2119 {strides = array<i32>} : memref<8x128xi32, #tpu.memory_space<vmem>>, vector<16xi32>,
    %get3A_2124 = arith.constant 608 : index
    %get3A_2125 = tpu.vector_load %arg7[%get3A_2124] {strides = array<i32>} : memref<1024xi32, #tpu.memory_space<vmem>>, vector<16xi32>,
    %add3A_2126 = arith.constant 609 : i32
    %add3A_2127 = vector.broadcast %add3A_2126 : i32 to vector<16xi32>
    %add3A_2128 = arith.addi %iota3A, %add3A_2127 : vector<16xi32>
    %min3A_2129 = arith.constant 1023 : i32
    %min3A_2130 = vector.broadcast %min3A_2129 : i32 to vector<16xi32>
    %min3A_2131 = arith.minsi %add3A_2128, %min3A_2130 : vector<16xi32>
    %gather3A_2132 = tpu.vector_load_idx %arg7[%min3A_2131] : memref<1024xi32, #tpu.memory_space<vmem>>[vector<16xi32>], vector<16xi32>,
    %shift_right_arithmetic3A_2133 = arith.constant 3 : i32
    %shift_right_arithmetic3A_2134 = vector.broadcast %shift_right_arithmetic3A_2133 : i32 to vector<16xi32>
    %shift_right_arithmetic3A_2135 = arith.shrsi %get3A_2125, %shift_right_arithmetic3A_2134 : vector<16xi32>
    %shift_left3A_2136 = arith.constant 15 : i32
    %shift_left3A_2137 = vector.broadcast %shift_left3A_2136 : i32 to vector<16xi32>
    %shift_left3A_2138 = arith.shli %shift_right_arithmetic3A_2135, %shift_left3A_2137 : vector<16xi32>
    %shift_right_arithmetic3A_2139 = arith.constant 7 : i32
    %shift_right_arithmetic3A_2140 = vector.broadcast %shift_right_arithmetic3A_2139 : i32 to vector<16xi32>
    %shift_right_arithmetic3A_2141 = arith.shrsi %gather3A_2132, %shift_right_arithmetic3A_2140 : vector<16xi32>
    %shift_left3A_2142 = arith.constant 10 : i32
    %shift_left3A_2143 = vector.broadcast %shift_left3A_2142 : i32 to vector<16xi32>
    %shift_left3A_2144 = arith.shli %shift_right_arithmetic3A_2141, %shift_left3A_2143 : vector<16xi32>
    %add3A_2145 = arith.addi %shift_left3A_2138, %shift_left3A_2144 : vector<16xi32>
    %and3A_2146 = arith.constant 7 : i32
    %and3A_2147 = vector.broadcast %and3A_2146 : i32 to vector<16xi32>
    %and3A_2148 = arith.andi %get3A_2125, %and3A_2147 : vector<16xi32>
    %shift_left3A_2149 = arith.constant 7 : i32
    %shift_left3A_2150 = vector.broadcast %shift_left3A_2149 : i32 to vector<16xi32>
    %shift_left3A_2151 = arith.shli %and3A_2148, %shift_left3A_2150 : vector<16xi32>
    %add3A_2152 = arith.addi %add3A_2145, %shift_left3A_2151 : vector<16xi32>
    %and3A_2153 = arith.constant 127 : i32
    %and3A_2154 = vector.broadcast %and3A_2153 : i32 to vector<16xi32>
    %and3A_2155 = arith.andi %gather3A_2132, %and3A_2154 : vector<16xi32>
    %add3A_2156 = arith.addi %add3A_2152, %and3A_2155 : vector<16xi32>
    %swap3A_2157 = arith.constant 4 : i32
    %swap3A_2158 = arith.index_cast %swap3A_2157 : i32 to index
    %swap3A_2159 = arith.constant 96 : index
    %swap3A_2160 = tpu.vector_load %arg8[%swap3A_2158, %swap3A_2159] {strides = array<i32>} : memref<8x128xi32, #tpu.memory_space<vmem>>, vector<16xi32>,
    tpu.vector_store %arg8[%swap3A_2158, %swap3A_2159], %add3A_2156 {strides = array<i32>} : memref<8x128xi32, #tpu.memory_space<vmem>>, vector<16xi32>,
    %get3A_2161 = arith.constant 624 : index
    %get3A_2162 = tpu.vector_load %arg7[%get3A_2161] {strides = array<i32>} : memref<1024xi32, #tpu.memory_space<vmem>>, vector<16xi32>,
    %add3A_2163 = arith.constant 625 : i32
    %add3A_2164 = vector.broadcast %add3A_2163 : i32 to vector<16xi32>
    %add3A_2165 = arith.addi %iota3A, %add3A_2164 : vector<16xi32>
    %min3A_2166 = arith.constant 1023 : i32
    %min3A_2167 = vector.broadcast %min3A_2166 : i32 to vector<16xi32>
    %min3A_2168 = arith.minsi %add3A_2165, %min3A_2167 : vector<16xi32>
    %gather3A_2169 = tpu.vector_load_idx %arg7[%min3A_2168] : memref<1024xi32, #tpu.memory_space<vmem>>[vector<16xi32>], vector<16xi32>,
    %shift_right_arithmetic3A_2170 = arith.constant 3 : i32
    %shift_right_arithmetic3A_2171 = vector.broadcast %shift_right_arithmetic3A_2170 : i32 to vector<16xi32>
    %shift_right_arithmetic3A_2172 = arith.shrsi %get3A_2162, %shift_right_arithmetic3A_2171 : vector<16xi32>
    %shift_left3A_2173 = arith.constant 15 : i32
    %shift_left3A_2174 = vector.broadcast %shift_left3A_2173 : i32 to vector<16xi32>
    %shift_left3A_2175 = arith.shli %shift_right_arithmetic3A_2172, %shift_left3A_2174 : vector<16xi32>
    %shift_right_arithmetic3A_2176 = arith.constant 7 : i32
    %shift_right_arithmetic3A_2177 = vector.broadcast %shift_right_arithmetic3A_2176 : i32 to vector<16xi32>
    %shift_right_arithmetic3A_2178 = arith.shrsi %gather3A_2169, %shift_right_arithmetic3A_2177 : vector<16xi32>
    %shift_left3A_2179 = arith.constant 10 : i32
    %shift_left3A_2180 = vector.broadcast %shift_left3A_2179 : i32 to vector<16xi32>
    %shift_left3A_2181 = arith.shli %shift_right_arithmetic3A_2178, %shift_left3A_2180 : vector<16xi32>
    %add3A_2182 = arith.addi %shift_left3A_2175, %shift_left3A_2181 : vector<16xi32>
    %and3A_2183 = arith.constant 7 : i32
    %and3A_2184 = vector.broadcast %and3A_2183 : i32 to vector<16xi32>
    %and3A_2185 = arith.andi %get3A_2162, %and3A_2184 : vector<16xi32>
    %shift_left3A_2186 = arith.constant 7 : i32
    %shift_left3A_2187 = vector.broadcast %shift_left3A_2186 : i32 to vector<16xi32>
    %shift_left3A_2188 = arith.shli %and3A_2185, %shift_left3A_2187 : vector<16xi32>
    %add3A_2189 = arith.addi %add3A_2182, %shift_left3A_2188 : vector<16xi32>
    %and3A_2190 = arith.constant 127 : i32
    %and3A_2191 = vector.broadcast %and3A_2190 : i32 to vector<16xi32>
    %and3A_2192 = arith.andi %gather3A_2169, %and3A_2191 : vector<16xi32>
    %add3A_2193 = arith.addi %add3A_2189, %and3A_2192 : vector<16xi32>
    %swap3A_2194 = arith.constant 4 : i32
    %swap3A_2195 = arith.index_cast %swap3A_2194 : i32 to index
    %swap3A_2196 = arith.constant 112 : index
    %swap3A_2197 = tpu.vector_load %arg8[%swap3A_2195, %swap3A_2196] {strides = array<i32>} : memref<8x128xi32, #tpu.memory_space<vmem>>, vector<16xi32>,
    tpu.vector_store %arg8[%swap3A_2195, %swap3A_2196], %add3A_2193 {strides = array<i32>} : memref<8x128xi32, #tpu.memory_space<vmem>>, vector<16xi32>,
    %get3A_2198 = arith.constant 640 : index
    %get3A_2199 = tpu.vector_load %arg7[%get3A_2198] {strides = array<i32>} : memref<1024xi32, #tpu.memory_space<vmem>>, vector<16xi32>,
    %add3A_2200 = arith.constant 641 : i32
    %add3A_2201 = vector.broadcast %add3A_2200 : i32 to vector<16xi32>
    %add3A_2202 = arith.addi %iota3A, %add3A_2201 : vector<16xi32>
    %min3A_2203 = arith.constant 1023 : i32
    %min3A_2204 = vector.broadcast %min3A_2203 : i32 to vector<16xi32>
    %min3A_2205 = arith.minsi %add3A_2202, %min3A_2204 : vector<16xi32>
    %gather3A_2206 = tpu.vector_load_idx %arg7[%min3A_2205] : memref<1024xi32, #tpu.memory_space<vmem>>[vector<16xi32>], vector<16xi32>,
    %shift_right_arithmetic3A_2207 = arith.constant 3 : i32
    %shift_right_arithmetic3A_2208 = vector.broadcast %shift_right_arithmetic3A_2207 : i32 to vector<16xi32>
    %shift_right_arithmetic3A_2209 = arith.shrsi %get3A_2199, %shift_right_arithmetic3A_2208 : vector<16xi32>
    %shift_left3A_2210 = arith.constant 15 : i32
    %shift_left3A_2211 = vector.broadcast %shift_left3A_2210 : i32 to vector<16xi32>
    %shift_left3A_2212 = arith.shli %shift_right_arithmetic3A_2209, %shift_left3A_2211 : vector<16xi32>
    %shift_right_arithmetic3A_2213 = arith.constant 7 : i32
    %shift_right_arithmetic3A_2214 = vector.broadcast %shift_right_arithmetic3A_2213 : i32 to vector<16xi32>
    %shift_right_arithmetic3A_2215 = arith.shrsi %gather3A_2206, %shift_right_arithmetic3A_2214 : vector<16xi32>
    %shift_left3A_2216 = arith.constant 10 : i32
    %shift_left3A_2217 = vector.broadcast %shift_left3A_2216 : i32 to vector<16xi32>
    %shift_left3A_2218 = arith.shli %shift_right_arithmetic3A_2215, %shift_left3A_2217 : vector<16xi32>
    %add3A_2219 = arith.addi %shift_left3A_2212, %shift_left3A_2218 : vector<16xi32>
    %and3A_2220 = arith.constant 7 : i32
    %and3A_2221 = vector.broadcast %and3A_2220 : i32 to vector<16xi32>
    %and3A_2222 = arith.andi %get3A_2199, %and3A_2221 : vector<16xi32>
    %shift_left3A_2223 = arith.constant 7 : i32
    %shift_left3A_2224 = vector.broadcast %shift_left3A_2223 : i32 to vector<16xi32>
    %shift_left3A_2225 = arith.shli %and3A_2222, %shift_left3A_2224 : vector<16xi32>
    %add3A_2226 = arith.addi %add3A_2219, %shift_left3A_2225 : vector<16xi32>
    %and3A_2227 = arith.constant 127 : i32
    %and3A_2228 = vector.broadcast %and3A_2227 : i32 to vector<16xi32>
    %and3A_2229 = arith.andi %gather3A_2206, %and3A_2228 : vector<16xi32>
    %add3A_2230 = arith.addi %add3A_2226, %and3A_2229 : vector<16xi32>
    %swap3A_2231 = arith.constant 5 : i32
    %swap3A_2232 = arith.index_cast %swap3A_2231 : i32 to index
    %swap3A_2233 = arith.constant 0 : index
    %swap3A_2234 = tpu.vector_load %arg8[%swap3A_2232, %swap3A_2233] {strides = array<i32>} : memref<8x128xi32, #tpu.memory_space<vmem>>, vector<16xi32>,
    tpu.vector_store %arg8[%swap3A_2232, %swap3A_2233], %add3A_2230 {strides = array<i32>} : memref<8x128xi32, #tpu.memory_space<vmem>>, vector<16xi32>,
    %get3A_2235 = arith.constant 656 : index
    %get3A_2236 = tpu.vector_load %arg7[%get3A_2235] {strides = array<i32>} : memref<1024xi32, #tpu.memory_space<vmem>>, vector<16xi32>,
    %add3A_2237 = arith.constant 657 : i32
    %add3A_2238 = vector.broadcast %add3A_2237 : i32 to vector<16xi32>
    %add3A_2239 = arith.addi %iota3A, %add3A_2238 : vector<16xi32>
    %min3A_2240 = arith.constant 1023 : i32
    %min3A_2241 = vector.broadcast %min3A_2240 : i32 to vector<16xi32>
    %min3A_2242 = arith.minsi %add3A_2239, %min3A_2241 : vector<16xi32>
    %gather3A_2243 = tpu.vector_load_idx %arg7[%min3A_2242] : memref<1024xi32, #tpu.memory_space<vmem>>[vector<16xi32>], vector<16xi32>,
    %shift_right_arithmetic3A_2244 = arith.constant 3 : i32
    %shift_right_arithmetic3A_2245 = vector.broadcast %shift_right_arithmetic3A_2244 : i32 to vector<16xi32>
    %shift_right_arithmetic3A_2246 = arith.shrsi %get3A_2236, %shift_right_arithmetic3A_2245 : vector<16xi32>
    %shift_left3A_2247 = arith.constant 15 : i32
    %shift_left3A_2248 = vector.broadcast %shift_left3A_2247 : i32 to vector<16xi32>
    %shift_left3A_2249 = arith.shli %shift_right_arithmetic3A_2246, %shift_left3A_2248 : vector<16xi32>
    %shift_right_arithmetic3A_2250 = arith.constant 7 : i32
    %shift_right_arithmetic3A_2251 = vector.broadcast %shift_right_arithmetic3A_2250 : i32 to vector<16xi32>
    %shift_right_arithmetic3A_2252 = arith.shrsi %gather3A_2243, %shift_right_arithmetic3A_2251 : vector<16xi32>
    %shift_left3A_2253 = arith.constant 10 : i32
    %shift_left3A_2254 = vector.broadcast %shift_left3A_2253 : i32 to vector<16xi32>
    %shift_left3A_2255 = arith.shli %shift_right_arithmetic3A_2252, %shift_left3A_2254 : vector<16xi32>
    %add3A_2256 = arith.addi %shift_left3A_2249, %shift_left3A_2255 : vector<16xi32>
    %and3A_2257 = arith.constant 7 : i32
    %and3A_2258 = vector.broadcast %and3A_2257 : i32 to vector<16xi32>
    %and3A_2259 = arith.andi %get3A_2236, %and3A_2258 : vector<16xi32>
    %shift_left3A_2260 = arith.constant 7 : i32
    %shift_left3A_2261 = vector.broadcast %shift_left3A_2260 : i32 to vector<16xi32>
    %shift_left3A_2262 = arith.shli %and3A_2259, %shift_left3A_2261 : vector<16xi32>
    %add3A_2263 = arith.addi %add3A_2256, %shift_left3A_2262 : vector<16xi32>
    %and3A_2264 = arith.constant 127 : i32
    %and3A_2265 = vector.broadcast %and3A_2264 : i32 to vector<16xi32>
    %and3A_2266 = arith.andi %gather3A_2243, %and3A_2265 : vector<16xi32>
    %add3A_2267 = arith.addi %add3A_2263, %and3A_2266 : vector<16xi32>
    %swap3A_2268 = arith.constant 5 : i32
    %swap3A_2269 = arith.index_cast %swap3A_2268 : i32 to index
    %swap3A_2270 = arith.constant 16 : index
    %swap3A_2271 = tpu.vector_load %arg8[%swap3A_2269, %swap3A_2270] {strides = array<i32>} : memref<8x128xi32, #tpu.memory_space<vmem>>, vector<16xi32>,
    tpu.vector_store %arg8[%swap3A_2269, %swap3A_2270], %add3A_2267 {strides = array<i32>} : memref<8x128xi32, #tpu.memory_space<vmem>>, vector<16xi32>,
    %get3A_2272 = arith.constant 672 : index
    %get3A_2273 = tpu.vector_load %arg7[%get3A_2272] {strides = array<i32>} : memref<1024xi32, #tpu.memory_space<vmem>>, vector<16xi32>,
    %add3A_2274 = arith.constant 673 : i32
    %add3A_2275 = vector.broadcast %add3A_2274 : i32 to vector<16xi32>
    %add3A_2276 = arith.addi %iota3A, %add3A_2275 : vector<16xi32>
    %min3A_2277 = arith.constant 1023 : i32
    %min3A_2278 = vector.broadcast %min3A_2277 : i32 to vector<16xi32>
    %min3A_2279 = arith.minsi %add3A_2276, %min3A_2278 : vector<16xi32>
    %gather3A_2280 = tpu.vector_load_idx %arg7[%min3A_2279] : memref<1024xi32, #tpu.memory_space<vmem>>[vector<16xi32>], vector<16xi32>,
    %shift_right_arithmetic3A_2281 = arith.constant 3 : i32
    %shift_right_arithmetic3A_2282 = vector.broadcast %shift_right_arithmetic3A_2281 : i32 to vector<16xi32>
    %shift_right_arithmetic3A_2283 = arith.shrsi %get3A_2273, %shift_right_arithmetic3A_2282 : vector<16xi32>
    %shift_left3A_2284 = arith.constant 15 : i32
    %shift_left3A_2285 = vector.broadcast %shift_left3A_2284 : i32 to vector<16xi32>
    %shift_left3A_2286 = arith.shli %shift_right_arithmetic3A_2283, %shift_left3A_2285 : vector<16xi32>
    %shift_right_arithmetic3A_2287 = arith.constant 7 : i32
    %shift_right_arithmetic3A_2288 = vector.broadcast %shift_right_arithmetic3A_2287 : i32 to vector<16xi32>
    %shift_right_arithmetic3A_2289 = arith.shrsi %gather3A_2280, %shift_right_arithmetic3A_2288 : vector<16xi32>
    %shift_left3A_2290 = arith.constant 10 : i32
    %shift_left3A_2291 = vector.broadcast %shift_left3A_2290 : i32 to vector<16xi32>
    %shift_left3A_2292 = arith.shli %shift_right_arithmetic3A_2289, %shift_left3A_2291 : vector<16xi32>
    %add3A_2293 = arith.addi %shift_left3A_2286, %shift_left3A_2292 : vector<16xi32>
    %and3A_2294 = arith.constant 7 : i32
    %and3A_2295 = vector.broadcast %and3A_2294 : i32 to vector<16xi32>
    %and3A_2296 = arith.andi %get3A_2273, %and3A_2295 : vector<16xi32>
    %shift_left3A_2297 = arith.constant 7 : i32
    %shift_left3A_2298 = vector.broadcast %shift_left3A_2297 : i32 to vector<16xi32>
    %shift_left3A_2299 = arith.shli %and3A_2296, %shift_left3A_2298 : vector<16xi32>
    %add3A_2300 = arith.addi %add3A_2293, %shift_left3A_2299 : vector<16xi32>
    %and3A_2301 = arith.constant 127 : i32
    %and3A_2302 = vector.broadcast %and3A_2301 : i32 to vector<16xi32>
    %and3A_2303 = arith.andi %gather3A_2280, %and3A_2302 : vector<16xi32>
    %add3A_2304 = arith.addi %add3A_2300, %and3A_2303 : vector<16xi32>
    %swap3A_2305 = arith.constant 5 : i32
    %swap3A_2306 = arith.index_cast %swap3A_2305 : i32 to index
    %swap3A_2307 = arith.constant 32 : index
    %swap3A_2308 = tpu.vector_load %arg8[%swap3A_2306, %swap3A_2307] {strides = array<i32>} : memref<8x128xi32, #tpu.memory_space<vmem>>, vector<16xi32>,
    tpu.vector_store %arg8[%swap3A_2306, %swap3A_2307], %add3A_2304 {strides = array<i32>} : memref<8x128xi32, #tpu.memory_space<vmem>>, vector<16xi32>,
    %get3A_2309 = arith.constant 688 : index
    %get3A_2310 = tpu.vector_load %arg7[%get3A_2309] {strides = array<i32>} : memref<1024xi32, #tpu.memory_space<vmem>>, vector<16xi32>,
    %add3A_2311 = arith.constant 689 : i32
    %add3A_2312 = vector.broadcast %add3A_2311 : i32 to vector<16xi32>
    %add3A_2313 = arith.addi %iota3A, %add3A_2312 : vector<16xi32>
    %min3A_2314 = arith.constant 1023 : i32
    %min3A_2315 = vector.broadcast %min3A_2314 : i32 to vector<16xi32>
    %min3A_2316 = arith.minsi %add3A_2313, %min3A_2315 : vector<16xi32>
    %gather3A_2317 = tpu.vector_load_idx %arg7[%min3A_2316] : memref<1024xi32, #tpu.memory_space<vmem>>[vector<16xi32>], vector<16xi32>,
    %shift_right_arithmetic3A_2318 = arith.constant 3 : i32
    %shift_right_arithmetic3A_2319 = vector.broadcast %shift_right_arithmetic3A_2318 : i32 to vector<16xi32>
    %shift_right_arithmetic3A_2320 = arith.shrsi %get3A_2310, %shift_right_arithmetic3A_2319 : vector<16xi32>
    %shift_left3A_2321 = arith.constant 15 : i32
    %shift_left3A_2322 = vector.broadcast %shift_left3A_2321 : i32 to vector<16xi32>
    %shift_left3A_2323 = arith.shli %shift_right_arithmetic3A_2320, %shift_left3A_2322 : vector<16xi32>
    %shift_right_arithmetic3A_2324 = arith.constant 7 : i32
    %shift_right_arithmetic3A_2325 = vector.broadcast %shift_right_arithmetic3A_2324 : i32 to vector<16xi32>
    %shift_right_arithmetic3A_2326 = arith.shrsi %gather3A_2317, %shift_right_arithmetic3A_2325 : vector<16xi32>
    %shift_left3A_2327 = arith.constant 10 : i32
    %shift_left3A_2328 = vector.broadcast %shift_left3A_2327 : i32 to vector<16xi32>
    %shift_left3A_2329 = arith.shli %shift_right_arithmetic3A_2326, %shift_left3A_2328 : vector<16xi32>
    %add3A_2330 = arith.addi %shift_left3A_2323, %shift_left3A_2329 : vector<16xi32>
    %and3A_2331 = arith.constant 7 : i32
    %and3A_2332 = vector.broadcast %and3A_2331 : i32 to vector<16xi32>
    %and3A_2333 = arith.andi %get3A_2310, %and3A_2332 : vector<16xi32>
    %shift_left3A_2334 = arith.constant 7 : i32
    %shift_left3A_2335 = vector.broadcast %shift_left3A_2334 : i32 to vector<16xi32>
    %shift_left3A_2336 = arith.shli %and3A_2333, %shift_left3A_2335 : vector<16xi32>
    %add3A_2337 = arith.addi %add3A_2330, %shift_left3A_2336 : vector<16xi32>
    %and3A_2338 = arith.constant 127 : i32
    %and3A_2339 = vector.broadcast %and3A_2338 : i32 to vector<16xi32>
    %and3A_2340 = arith.andi %gather3A_2317, %and3A_2339 : vector<16xi32>
    %add3A_2341 = arith.addi %add3A_2337, %and3A_2340 : vector<16xi32>
    %swap3A_2342 = arith.constant 5 : i32
    %swap3A_2343 = arith.index_cast %swap3A_2342 : i32 to index
    %swap3A_2344 = arith.constant 48 : index
    %swap3A_2345 = tpu.vector_load %arg8[%swap3A_2343, %swap3A_2344] {strides = array<i32>} : memref<8x128xi32, #tpu.memory_space<vmem>>, vector<16xi32>,
    tpu.vector_store %arg8[%swap3A_2343, %swap3A_2344], %add3A_2341 {strides = array<i32>} : memref<8x128xi32, #tpu.memory_space<vmem>>, vector<16xi32>,
    %get3A_2346 = arith.constant 704 : index
    %get3A_2347 = tpu.vector_load %arg7[%get3A_2346] {strides = array<i32>} : memref<1024xi32, #tpu.memory_space<vmem>>, vector<16xi32>,
    %add3A_2348 = arith.constant 705 : i32
    %add3A_2349 = vector.broadcast %add3A_2348 : i32 to vector<16xi32>
    %add3A_2350 = arith.addi %iota3A, %add3A_2349 : vector<16xi32>
    %min3A_2351 = arith.constant 1023 : i32
    %min3A_2352 = vector.broadcast %min3A_2351 : i32 to vector<16xi32>
    %min3A_2353 = arith.minsi %add3A_2350, %min3A_2352 : vector<16xi32>
    %gather3A_2354 = tpu.vector_load_idx %arg7[%min3A_2353] : memref<1024xi32, #tpu.memory_space<vmem>>[vector<16xi32>], vector<16xi32>,
    %shift_right_arithmetic3A_2355 = arith.constant 3 : i32
    %shift_right_arithmetic3A_2356 = vector.broadcast %shift_right_arithmetic3A_2355 : i32 to vector<16xi32>
    %shift_right_arithmetic3A_2357 = arith.shrsi %get3A_2347, %shift_right_arithmetic3A_2356 : vector<16xi32>
    %shift_left3A_2358 = arith.constant 15 : i32
    %shift_left3A_2359 = vector.broadcast %shift_left3A_2358 : i32 to vector<16xi32>
    %shift_left3A_2360 = arith.shli %shift_right_arithmetic3A_2357, %shift_left3A_2359 : vector<16xi32>
    %shift_right_arithmetic3A_2361 = arith.constant 7 : i32
    %shift_right_arithmetic3A_2362 = vector.broadcast %shift_right_arithmetic3A_2361 : i32 to vector<16xi32>
    %shift_right_arithmetic3A_2363 = arith.shrsi %gather3A_2354, %shift_right_arithmetic3A_2362 : vector<16xi32>
    %shift_left3A_2364 = arith.constant 10 : i32
    %shift_left3A_2365 = vector.broadcast %shift_left3A_2364 : i32 to vector<16xi32>
    %shift_left3A_2366 = arith.shli %shift_right_arithmetic3A_2363, %shift_left3A_2365 : vector<16xi32>
    %add3A_2367 = arith.addi %shift_left3A_2360, %shift_left3A_2366 : vector<16xi32>
    %and3A_2368 = arith.constant 7 : i32
    %and3A_2369 = vector.broadcast %and3A_2368 : i32 to vector<16xi32>
    %and3A_2370 = arith.andi %get3A_2347, %and3A_2369 : vector<16xi32>
    %shift_left3A_2371 = arith.constant 7 : i32
    %shift_left3A_2372 = vector.broadcast %shift_left3A_2371 : i32 to vector<16xi32>
    %shift_left3A_2373 = arith.shli %and3A_2370, %shift_left3A_2372 : vector<16xi32>
    %add3A_2374 = arith.addi %add3A_2367, %shift_left3A_2373 : vector<16xi32>
    %and3A_2375 = arith.constant 127 : i32
    %and3A_2376 = vector.broadcast %and3A_2375 : i32 to vector<16xi32>
    %and3A_2377 = arith.andi %gather3A_2354, %and3A_2376 : vector<16xi32>
    %add3A_2378 = arith.addi %add3A_2374, %and3A_2377 : vector<16xi32>
    %swap3A_2379 = arith.constant 5 : i32
    %swap3A_2380 = arith.index_cast %swap3A_2379 : i32 to index
    %swap3A_2381 = arith.constant 64 : index
    %swap3A_2382 = tpu.vector_load %arg8[%swap3A_2380, %swap3A_2381] {strides = array<i32>} : memref<8x128xi32, #tpu.memory_space<vmem>>, vector<16xi32>,
    tpu.vector_store %arg8[%swap3A_2380, %swap3A_2381], %add3A_2378 {strides = array<i32>} : memref<8x128xi32, #tpu.memory_space<vmem>>, vector<16xi32>,
    %get3A_2383 = arith.constant 720 : index
    %get3A_2384 = tpu.vector_load %arg7[%get3A_2383] {strides = array<i32>} : memref<1024xi32, #tpu.memory_space<vmem>>, vector<16xi32>,
    %add3A_2385 = arith.constant 721 : i32
    %add3A_2386 = vector.broadcast %add3A_2385 : i32 to vector<16xi32>
    %add3A_2387 = arith.addi %iota3A, %add3A_2386 : vector<16xi32>
    %min3A_2388 = arith.constant 1023 : i32
    %min3A_2389 = vector.broadcast %min3A_2388 : i32 to vector<16xi32>
    %min3A_2390 = arith.minsi %add3A_2387, %min3A_2389 : vector<16xi32>
    %gather3A_2391 = tpu.vector_load_idx %arg7[%min3A_2390] : memref<1024xi32, #tpu.memory_space<vmem>>[vector<16xi32>], vector<16xi32>,
    %shift_right_arithmetic3A_2392 = arith.constant 3 : i32
    %shift_right_arithmetic3A_2393 = vector.broadcast %shift_right_arithmetic3A_2392 : i32 to vector<16xi32>
    %shift_right_arithmetic3A_2394 = arith.shrsi %get3A_2384, %shift_right_arithmetic3A_2393 : vector<16xi32>
    %shift_left3A_2395 = arith.constant 15 : i32
    %shift_left3A_2396 = vector.broadcast %shift_left3A_2395 : i32 to vector<16xi32>
    %shift_left3A_2397 = arith.shli %shift_right_arithmetic3A_2394, %shift_left3A_2396 : vector<16xi32>
    %shift_right_arithmetic3A_2398 = arith.constant 7 : i32
    %shift_right_arithmetic3A_2399 = vector.broadcast %shift_right_arithmetic3A_2398 : i32 to vector<16xi32>
    %shift_right_arithmetic3A_2400 = arith.shrsi %gather3A_2391, %shift_right_arithmetic3A_2399 : vector<16xi32>
    %shift_left3A_2401 = arith.constant 10 : i32
    %shift_left3A_2402 = vector.broadcast %shift_left3A_2401 : i32 to vector<16xi32>
    %shift_left3A_2403 = arith.shli %shift_right_arithmetic3A_2400, %shift_left3A_2402 : vector<16xi32>
    %add3A_2404 = arith.addi %shift_left3A_2397, %shift_left3A_2403 : vector<16xi32>
    %and3A_2405 = arith.constant 7 : i32
    %and3A_2406 = vector.broadcast %and3A_2405 : i32 to vector<16xi32>
    %and3A_2407 = arith.andi %get3A_2384, %and3A_2406 : vector<16xi32>
    %shift_left3A_2408 = arith.constant 7 : i32
    %shift_left3A_2409 = vector.broadcast %shift_left3A_2408 : i32 to vector<16xi32>
    %shift_left3A_2410 = arith.shli %and3A_2407, %shift_left3A_2409 : vector<16xi32>
    %add3A_2411 = arith.addi %add3A_2404, %shift_left3A_2410 : vector<16xi32>
    %and3A_2412 = arith.constant 127 : i32
    %and3A_2413 = vector.broadcast %and3A_2412 : i32 to vector<16xi32>
    %and3A_2414 = arith.andi %gather3A_2391, %and3A_2413 : vector<16xi32>
    %add3A_2415 = arith.addi %add3A_2411, %and3A_2414 : vector<16xi32>
    %swap3A_2416 = arith.constant 5 : i32
    %swap3A_2417 = arith.index_cast %swap3A_2416 : i32 to index
    %swap3A_2418 = arith.constant 80 : index
    %swap3A_2419 = tpu.vector_load %arg8[%swap3A_2417, %swap3A_2418] {strides = array<i32>} : memref<8x128xi32, #tpu.memory_space<vmem>>, vector<16xi32>,
    tpu.vector_store %arg8[%swap3A_2417, %swap3A_2418], %add3A_2415 {strides = array<i32>} : memref<8x128xi32, #tpu.memory_space<vmem>>, vector<16xi32>,
    %get3A_2420 = arith.constant 736 : index
    %get3A_2421 = tpu.vector_load %arg7[%get3A_2420] {strides = array<i32>} : memref<1024xi32, #tpu.memory_space<vmem>>, vector<16xi32>,
    %add3A_2422 = arith.constant 737 : i32
    %add3A_2423 = vector.broadcast %add3A_2422 : i32 to vector<16xi32>
    %add3A_2424 = arith.addi %iota3A, %add3A_2423 : vector<16xi32>
    %min3A_2425 = arith.constant 1023 : i32
    %min3A_2426 = vector.broadcast %min3A_2425 : i32 to vector<16xi32>
    %min3A_2427 = arith.minsi %add3A_2424, %min3A_2426 : vector<16xi32>
    %gather3A_2428 = tpu.vector_load_idx %arg7[%min3A_2427] : memref<1024xi32, #tpu.memory_space<vmem>>[vector<16xi32>], vector<16xi32>,
    %shift_right_arithmetic3A_2429 = arith.constant 3 : i32
    %shift_right_arithmetic3A_2430 = vector.broadcast %shift_right_arithmetic3A_2429 : i32 to vector<16xi32>
    %shift_right_arithmetic3A_2431 = arith.shrsi %get3A_2421, %shift_right_arithmetic3A_2430 : vector<16xi32>
    %shift_left3A_2432 = arith.constant 15 : i32
    %shift_left3A_2433 = vector.broadcast %shift_left3A_2432 : i32 to vector<16xi32>
    %shift_left3A_2434 = arith.shli %shift_right_arithmetic3A_2431, %shift_left3A_2433 : vector<16xi32>
    %shift_right_arithmetic3A_2435 = arith.constant 7 : i32
    %shift_right_arithmetic3A_2436 = vector.broadcast %shift_right_arithmetic3A_2435 : i32 to vector<16xi32>
    %shift_right_arithmetic3A_2437 = arith.shrsi %gather3A_2428, %shift_right_arithmetic3A_2436 : vector<16xi32>
    %shift_left3A_2438 = arith.constant 10 : i32
    %shift_left3A_2439 = vector.broadcast %shift_left3A_2438 : i32 to vector<16xi32>
    %shift_left3A_2440 = arith.shli %shift_right_arithmetic3A_2437, %shift_left3A_2439 : vector<16xi32>
    %add3A_2441 = arith.addi %shift_left3A_2434, %shift_left3A_2440 : vector<16xi32>
    %and3A_2442 = arith.constant 7 : i32
    %and3A_2443 = vector.broadcast %and3A_2442 : i32 to vector<16xi32>
    %and3A_2444 = arith.andi %get3A_2421, %and3A_2443 : vector<16xi32>
    %shift_left3A_2445 = arith.constant 7 : i32
    %shift_left3A_2446 = vector.broadcast %shift_left3A_2445 : i32 to vector<16xi32>
    %shift_left3A_2447 = arith.shli %and3A_2444, %shift_left3A_2446 : vector<16xi32>
    %add3A_2448 = arith.addi %add3A_2441, %shift_left3A_2447 : vector<16xi32>
    %and3A_2449 = arith.constant 127 : i32
    %and3A_2450 = vector.broadcast %and3A_2449 : i32 to vector<16xi32>
    %and3A_2451 = arith.andi %gather3A_2428, %and3A_2450 : vector<16xi32>
    %add3A_2452 = arith.addi %add3A_2448, %and3A_2451 : vector<16xi32>
    %swap3A_2453 = arith.constant 5 : i32
    %swap3A_2454 = arith.index_cast %swap3A_2453 : i32 to index
    %swap3A_2455 = arith.constant 96 : index
    %swap3A_2456 = tpu.vector_load %arg8[%swap3A_2454, %swap3A_2455] {strides = array<i32>} : memref<8x128xi32, #tpu.memory_space<vmem>>, vector<16xi32>,
    tpu.vector_store %arg8[%swap3A_2454, %swap3A_2455], %add3A_2452 {strides = array<i32>} : memref<8x128xi32, #tpu.memory_space<vmem>>, vector<16xi32>,
    %get3A_2457 = arith.constant 752 : index
    %get3A_2458 = tpu.vector_load %arg7[%get3A_2457] {strides = array<i32>} : memref<1024xi32, #tpu.memory_space<vmem>>, vector<16xi32>,
    %add3A_2459 = arith.constant 753 : i32
    %add3A_2460 = vector.broadcast %add3A_2459 : i32 to vector<16xi32>
    %add3A_2461 = arith.addi %iota3A, %add3A_2460 : vector<16xi32>
    %min3A_2462 = arith.constant 1023 : i32
    %min3A_2463 = vector.broadcast %min3A_2462 : i32 to vector<16xi32>
    %min3A_2464 = arith.minsi %add3A_2461, %min3A_2463 : vector<16xi32>
    %gather3A_2465 = tpu.vector_load_idx %arg7[%min3A_2464] : memref<1024xi32, #tpu.memory_space<vmem>>[vector<16xi32>], vector<16xi32>,
    %shift_right_arithmetic3A_2466 = arith.constant 3 : i32
    %shift_right_arithmetic3A_2467 = vector.broadcast %shift_right_arithmetic3A_2466 : i32 to vector<16xi32>
    %shift_right_arithmetic3A_2468 = arith.shrsi %get3A_2458, %shift_right_arithmetic3A_2467 : vector<16xi32>
    %shift_left3A_2469 = arith.constant 15 : i32
    %shift_left3A_2470 = vector.broadcast %shift_left3A_2469 : i32 to vector<16xi32>
    %shift_left3A_2471 = arith.shli %shift_right_arithmetic3A_2468, %shift_left3A_2470 : vector<16xi32>
    %shift_right_arithmetic3A_2472 = arith.constant 7 : i32
    %shift_right_arithmetic3A_2473 = vector.broadcast %shift_right_arithmetic3A_2472 : i32 to vector<16xi32>
    %shift_right_arithmetic3A_2474 = arith.shrsi %gather3A_2465, %shift_right_arithmetic3A_2473 : vector<16xi32>
    %shift_left3A_2475 = arith.constant 10 : i32
    %shift_left3A_2476 = vector.broadcast %shift_left3A_2475 : i32 to vector<16xi32>
    %shift_left3A_2477 = arith.shli %shift_right_arithmetic3A_2474, %shift_left3A_2476 : vector<16xi32>
    %add3A_2478 = arith.addi %shift_left3A_2471, %shift_left3A_2477 : vector<16xi32>
    %and3A_2479 = arith.constant 7 : i32
    %and3A_2480 = vector.broadcast %and3A_2479 : i32 to vector<16xi32>
    %and3A_2481 = arith.andi %get3A_2458, %and3A_2480 : vector<16xi32>
    %shift_left3A_2482 = arith.constant 7 : i32
    %shift_left3A_2483 = vector.broadcast %shift_left3A_2482 : i32 to vector<16xi32>
    %shift_left3A_2484 = arith.shli %and3A_2481, %shift_left3A_2483 : vector<16xi32>
    %add3A_2485 = arith.addi %add3A_2478, %shift_left3A_2484 : vector<16xi32>
    %and3A_2486 = arith.constant 127 : i32
    %and3A_2487 = vector.broadcast %and3A_2486 : i32 to vector<16xi32>
    %and3A_2488 = arith.andi %gather3A_2465, %and3A_2487 : vector<16xi32>
    %add3A_2489 = arith.addi %add3A_2485, %and3A_2488 : vector<16xi32>
    %swap3A_2490 = arith.constant 5 : i32
    %swap3A_2491 = arith.index_cast %swap3A_2490 : i32 to index
    %swap3A_2492 = arith.constant 112 : index
    %swap3A_2493 = tpu.vector_load %arg8[%swap3A_2491, %swap3A_2492] {strides = array<i32>} : memref<8x128xi32, #tpu.memory_space<vmem>>, vector<16xi32>,
    tpu.vector_store %arg8[%swap3A_2491, %swap3A_2492], %add3A_2489 {strides = array<i32>} : memref<8x128xi32, #tpu.memory_space<vmem>>, vector<16xi32>,
    %get3A_2494 = arith.constant 768 : index
    %get3A_2495 = tpu.vector_load %arg7[%get3A_2494] {strides = array<i32>} : memref<1024xi32, #tpu.memory_space<vmem>>, vector<16xi32>,
    %add3A_2496 = arith.constant 769 : i32
    %add3A_2497 = vector.broadcast %add3A_2496 : i32 to vector<16xi32>
    %add3A_2498 = arith.addi %iota3A, %add3A_2497 : vector<16xi32>
    %min3A_2499 = arith.constant 1023 : i32
    %min3A_2500 = vector.broadcast %min3A_2499 : i32 to vector<16xi32>
    %min3A_2501 = arith.minsi %add3A_2498, %min3A_2500 : vector<16xi32>
    %gather3A_2502 = tpu.vector_load_idx %arg7[%min3A_2501] : memref<1024xi32, #tpu.memory_space<vmem>>[vector<16xi32>], vector<16xi32>,
    %shift_right_arithmetic3A_2503 = arith.constant 3 : i32
    %shift_right_arithmetic3A_2504 = vector.broadcast %shift_right_arithmetic3A_2503 : i32 to vector<16xi32>
    %shift_right_arithmetic3A_2505 = arith.shrsi %get3A_2495, %shift_right_arithmetic3A_2504 : vector<16xi32>
    %shift_left3A_2506 = arith.constant 15 : i32
    %shift_left3A_2507 = vector.broadcast %shift_left3A_2506 : i32 to vector<16xi32>
    %shift_left3A_2508 = arith.shli %shift_right_arithmetic3A_2505, %shift_left3A_2507 : vector<16xi32>
    %shift_right_arithmetic3A_2509 = arith.constant 7 : i32
    %shift_right_arithmetic3A_2510 = vector.broadcast %shift_right_arithmetic3A_2509 : i32 to vector<16xi32>
    %shift_right_arithmetic3A_2511 = arith.shrsi %gather3A_2502, %shift_right_arithmetic3A_2510 : vector<16xi32>
    %shift_left3A_2512 = arith.constant 10 : i32
    %shift_left3A_2513 = vector.broadcast %shift_left3A_2512 : i32 to vector<16xi32>
    %shift_left3A_2514 = arith.shli %shift_right_arithmetic3A_2511, %shift_left3A_2513 : vector<16xi32>
    %add3A_2515 = arith.addi %shift_left3A_2508, %shift_left3A_2514 : vector<16xi32>
    %and3A_2516 = arith.constant 7 : i32
    %and3A_2517 = vector.broadcast %and3A_2516 : i32 to vector<16xi32>
    %and3A_2518 = arith.andi %get3A_2495, %and3A_2517 : vector<16xi32>
    %shift_left3A_2519 = arith.constant 7 : i32
    %shift_left3A_2520 = vector.broadcast %shift_left3A_2519 : i32 to vector<16xi32>
    %shift_left3A_2521 = arith.shli %and3A_2518, %shift_left3A_2520 : vector<16xi32>
    %add3A_2522 = arith.addi %add3A_2515, %shift_left3A_2521 : vector<16xi32>
    %and3A_2523 = arith.constant 127 : i32
    %and3A_2524 = vector.broadcast %and3A_2523 : i32 to vector<16xi32>
    %and3A_2525 = arith.andi %gather3A_2502, %and3A_2524 : vector<16xi32>
    %add3A_2526 = arith.addi %add3A_2522, %and3A_2525 : vector<16xi32>
    %swap3A_2527 = arith.constant 6 : i32
    %swap3A_2528 = arith.index_cast %swap3A_2527 : i32 to index
    %swap3A_2529 = arith.constant 0 : index
    %swap3A_2530 = tpu.vector_load %arg8[%swap3A_2528, %swap3A_2529] {strides = array<i32>} : memref<8x128xi32, #tpu.memory_space<vmem>>, vector<16xi32>,
    tpu.vector_store %arg8[%swap3A_2528, %swap3A_2529], %add3A_2526 {strides = array<i32>} : memref<8x128xi32, #tpu.memory_space<vmem>>, vector<16xi32>,
    %get3A_2531 = arith.constant 784 : index
    %get3A_2532 = tpu.vector_load %arg7[%get3A_2531] {strides = array<i32>} : memref<1024xi32, #tpu.memory_space<vmem>>, vector<16xi32>,
    %add3A_2533 = arith.constant 785 : i32
    %add3A_2534 = vector.broadcast %add3A_2533 : i32 to vector<16xi32>
    %add3A_2535 = arith.addi %iota3A, %add3A_2534 : vector<16xi32>
    %min3A_2536 = arith.constant 1023 : i32
    %min3A_2537 = vector.broadcast %min3A_2536 : i32 to vector<16xi32>
    %min3A_2538 = arith.minsi %add3A_2535, %min3A_2537 : vector<16xi32>
    %gather3A_2539 = tpu.vector_load_idx %arg7[%min3A_2538] : memref<1024xi32, #tpu.memory_space<vmem>>[vector<16xi32>], vector<16xi32>,
    %shift_right_arithmetic3A_2540 = arith.constant 3 : i32
    %shift_right_arithmetic3A_2541 = vector.broadcast %shift_right_arithmetic3A_2540 : i32 to vector<16xi32>
    %shift_right_arithmetic3A_2542 = arith.shrsi %get3A_2532, %shift_right_arithmetic3A_2541 : vector<16xi32>
    %shift_left3A_2543 = arith.constant 15 : i32
    %shift_left3A_2544 = vector.broadcast %shift_left3A_2543 : i32 to vector<16xi32>
    %shift_left3A_2545 = arith.shli %shift_right_arithmetic3A_2542, %shift_left3A_2544 : vector<16xi32>
    %shift_right_arithmetic3A_2546 = arith.constant 7 : i32
    %shift_right_arithmetic3A_2547 = vector.broadcast %shift_right_arithmetic3A_2546 : i32 to vector<16xi32>
    %shift_right_arithmetic3A_2548 = arith.shrsi %gather3A_2539, %shift_right_arithmetic3A_2547 : vector<16xi32>
    %shift_left3A_2549 = arith.constant 10 : i32
    %shift_left3A_2550 = vector.broadcast %shift_left3A_2549 : i32 to vector<16xi32>
    %shift_left3A_2551 = arith.shli %shift_right_arithmetic3A_2548, %shift_left3A_2550 : vector<16xi32>
    %add3A_2552 = arith.addi %shift_left3A_2545, %shift_left3A_2551 : vector<16xi32>
    %and3A_2553 = arith.constant 7 : i32
    %and3A_2554 = vector.broadcast %and3A_2553 : i32 to vector<16xi32>
    %and3A_2555 = arith.andi %get3A_2532, %and3A_2554 : vector<16xi32>
    %shift_left3A_2556 = arith.constant 7 : i32
    %shift_left3A_2557 = vector.broadcast %shift_left3A_2556 : i32 to vector<16xi32>
    %shift_left3A_2558 = arith.shli %and3A_2555, %shift_left3A_2557 : vector<16xi32>
    %add3A_2559 = arith.addi %add3A_2552, %shift_left3A_2558 : vector<16xi32>
    %and3A_2560 = arith.constant 127 : i32
    %and3A_2561 = vector.broadcast %and3A_2560 : i32 to vector<16xi32>
    %and3A_2562 = arith.andi %gather3A_2539, %and3A_2561 : vector<16xi32>
    %add3A_2563 = arith.addi %add3A_2559, %and3A_2562 : vector<16xi32>
    %swap3A_2564 = arith.constant 6 : i32
    %swap3A_2565 = arith.index_cast %swap3A_2564 : i32 to index
    %swap3A_2566 = arith.constant 16 : index
    %swap3A_2567 = tpu.vector_load %arg8[%swap3A_2565, %swap3A_2566] {strides = array<i32>} : memref<8x128xi32, #tpu.memory_space<vmem>>, vector<16xi32>,
    tpu.vector_store %arg8[%swap3A_2565, %swap3A_2566], %add3A_2563 {strides = array<i32>} : memref<8x128xi32, #tpu.memory_space<vmem>>, vector<16xi32>,
    %get3A_2568 = arith.constant 800 : index
    %get3A_2569 = tpu.vector_load %arg7[%get3A_2568] {strides = array<i32>} : memref<1024xi32, #tpu.memory_space<vmem>>, vector<16xi32>,
    %add3A_2570 = arith.constant 801 : i32
    %add3A_2571 = vector.broadcast %add3A_2570 : i32 to vector<16xi32>
    %add3A_2572 = arith.addi %iota3A, %add3A_2571 : vector<16xi32>
    %min3A_2573 = arith.constant 1023 : i32
    %min3A_2574 = vector.broadcast %min3A_2573 : i32 to vector<16xi32>
    %min3A_2575 = arith.minsi %add3A_2572, %min3A_2574 : vector<16xi32>
    %gather3A_2576 = tpu.vector_load_idx %arg7[%min3A_2575] : memref<1024xi32, #tpu.memory_space<vmem>>[vector<16xi32>], vector<16xi32>,
    %shift_right_arithmetic3A_2577 = arith.constant 3 : i32
    %shift_right_arithmetic3A_2578 = vector.broadcast %shift_right_arithmetic3A_2577 : i32 to vector<16xi32>
    %shift_right_arithmetic3A_2579 = arith.shrsi %get3A_2569, %shift_right_arithmetic3A_2578 : vector<16xi32>
    %shift_left3A_2580 = arith.constant 15 : i32
    %shift_left3A_2581 = vector.broadcast %shift_left3A_2580 : i32 to vector<16xi32>
    %shift_left3A_2582 = arith.shli %shift_right_arithmetic3A_2579, %shift_left3A_2581 : vector<16xi32>
    %shift_right_arithmetic3A_2583 = arith.constant 7 : i32
    %shift_right_arithmetic3A_2584 = vector.broadcast %shift_right_arithmetic3A_2583 : i32 to vector<16xi32>
    %shift_right_arithmetic3A_2585 = arith.shrsi %gather3A_2576, %shift_right_arithmetic3A_2584 : vector<16xi32>
    %shift_left3A_2586 = arith.constant 10 : i32
    %shift_left3A_2587 = vector.broadcast %shift_left3A_2586 : i32 to vector<16xi32>
    %shift_left3A_2588 = arith.shli %shift_right_arithmetic3A_2585, %shift_left3A_2587 : vector<16xi32>
    %add3A_2589 = arith.addi %shift_left3A_2582, %shift_left3A_2588 : vector<16xi32>
    %and3A_2590 = arith.constant 7 : i32
    %and3A_2591 = vector.broadcast %and3A_2590 : i32 to vector<16xi32>
    %and3A_2592 = arith.andi %get3A_2569, %and3A_2591 : vector<16xi32>
    %shift_left3A_2593 = arith.constant 7 : i32
    %shift_left3A_2594 = vector.broadcast %shift_left3A_2593 : i32 to vector<16xi32>
    %shift_left3A_2595 = arith.shli %and3A_2592, %shift_left3A_2594 : vector<16xi32>
    %add3A_2596 = arith.addi %add3A_2589, %shift_left3A_2595 : vector<16xi32>
    %and3A_2597 = arith.constant 127 : i32
    %and3A_2598 = vector.broadcast %and3A_2597 : i32 to vector<16xi32>
    %and3A_2599 = arith.andi %gather3A_2576, %and3A_2598 : vector<16xi32>
    %add3A_2600 = arith.addi %add3A_2596, %and3A_2599 : vector<16xi32>
    %swap3A_2601 = arith.constant 6 : i32
    %swap3A_2602 = arith.index_cast %swap3A_2601 : i32 to index
    %swap3A_2603 = arith.constant 32 : index
    %swap3A_2604 = tpu.vector_load %arg8[%swap3A_2602, %swap3A_2603] {strides = array<i32>} : memref<8x128xi32, #tpu.memory_space<vmem>>, vector<16xi32>,
    tpu.vector_store %arg8[%swap3A_2602, %swap3A_2603], %add3A_2600 {strides = array<i32>} : memref<8x128xi32, #tpu.memory_space<vmem>>, vector<16xi32>,
    %get3A_2605 = arith.constant 816 : index
    %get3A_2606 = tpu.vector_load %arg7[%get3A_2605] {strides = array<i32>} : memref<1024xi32, #tpu.memory_space<vmem>>, vector<16xi32>,
    %add3A_2607 = arith.constant 817 : i32
    %add3A_2608 = vector.broadcast %add3A_2607 : i32 to vector<16xi32>
    %add3A_2609 = arith.addi %iota3A, %add3A_2608 : vector<16xi32>
    %min3A_2610 = arith.constant 1023 : i32
    %min3A_2611 = vector.broadcast %min3A_2610 : i32 to vector<16xi32>
    %min3A_2612 = arith.minsi %add3A_2609, %min3A_2611 : vector<16xi32>
    %gather3A_2613 = tpu.vector_load_idx %arg7[%min3A_2612] : memref<1024xi32, #tpu.memory_space<vmem>>[vector<16xi32>], vector<16xi32>,
    %shift_right_arithmetic3A_2614 = arith.constant 3 : i32
    %shift_right_arithmetic3A_2615 = vector.broadcast %shift_right_arithmetic3A_2614 : i32 to vector<16xi32>
    %shift_right_arithmetic3A_2616 = arith.shrsi %get3A_2606, %shift_right_arithmetic3A_2615 : vector<16xi32>
    %shift_left3A_2617 = arith.constant 15 : i32
    %shift_left3A_2618 = vector.broadcast %shift_left3A_2617 : i32 to vector<16xi32>
    %shift_left3A_2619 = arith.shli %shift_right_arithmetic3A_2616, %shift_left3A_2618 : vector<16xi32>
    %shift_right_arithmetic3A_2620 = arith.constant 7 : i32
    %shift_right_arithmetic3A_2621 = vector.broadcast %shift_right_arithmetic3A_2620 : i32 to vector<16xi32>
    %shift_right_arithmetic3A_2622 = arith.shrsi %gather3A_2613, %shift_right_arithmetic3A_2621 : vector<16xi32>
    %shift_left3A_2623 = arith.constant 10 : i32
    %shift_left3A_2624 = vector.broadcast %shift_left3A_2623 : i32 to vector<16xi32>
    %shift_left3A_2625 = arith.shli %shift_right_arithmetic3A_2622, %shift_left3A_2624 : vector<16xi32>
    %add3A_2626 = arith.addi %shift_left3A_2619, %shift_left3A_2625 : vector<16xi32>
    %and3A_2627 = arith.constant 7 : i32
    %and3A_2628 = vector.broadcast %and3A_2627 : i32 to vector<16xi32>
    %and3A_2629 = arith.andi %get3A_2606, %and3A_2628 : vector<16xi32>
    %shift_left3A_2630 = arith.constant 7 : i32
    %shift_left3A_2631 = vector.broadcast %shift_left3A_2630 : i32 to vector<16xi32>
    %shift_left3A_2632 = arith.shli %and3A_2629, %shift_left3A_2631 : vector<16xi32>
    %add3A_2633 = arith.addi %add3A_2626, %shift_left3A_2632 : vector<16xi32>
    %and3A_2634 = arith.constant 127 : i32
    %and3A_2635 = vector.broadcast %and3A_2634 : i32 to vector<16xi32>
    %and3A_2636 = arith.andi %gather3A_2613, %and3A_2635 : vector<16xi32>
    %add3A_2637 = arith.addi %add3A_2633, %and3A_2636 : vector<16xi32>
    %swap3A_2638 = arith.constant 6 : i32
    %swap3A_2639 = arith.index_cast %swap3A_2638 : i32 to index
    %swap3A_2640 = arith.constant 48 : index
    %swap3A_2641 = tpu.vector_load %arg8[%swap3A_2639, %swap3A_2640] {strides = array<i32>} : memref<8x128xi32, #tpu.memory_space<vmem>>, vector<16xi32>,
    tpu.vector_store %arg8[%swap3A_2639, %swap3A_2640], %add3A_2637 {strides = array<i32>} : memref<8x128xi32, #tpu.memory_space<vmem>>, vector<16xi32>,
    %get3A_2642 = arith.constant 832 : index
    %get3A_2643 = tpu.vector_load %arg7[%get3A_2642] {strides = array<i32>} : memref<1024xi32, #tpu.memory_space<vmem>>, vector<16xi32>,
    %add3A_2644 = arith.constant 833 : i32
    %add3A_2645 = vector.broadcast %add3A_2644 : i32 to vector<16xi32>
    %add3A_2646 = arith.addi %iota3A, %add3A_2645 : vector<16xi32>
    %min3A_2647 = arith.constant 1023 : i32
    %min3A_2648 = vector.broadcast %min3A_2647 : i32 to vector<16xi32>
    %min3A_2649 = arith.minsi %add3A_2646, %min3A_2648 : vector<16xi32>
    %gather3A_2650 = tpu.vector_load_idx %arg7[%min3A_2649] : memref<1024xi32, #tpu.memory_space<vmem>>[vector<16xi32>], vector<16xi32>,
    %shift_right_arithmetic3A_2651 = arith.constant 3 : i32
    %shift_right_arithmetic3A_2652 = vector.broadcast %shift_right_arithmetic3A_2651 : i32 to vector<16xi32>
    %shift_right_arithmetic3A_2653 = arith.shrsi %get3A_2643, %shift_right_arithmetic3A_2652 : vector<16xi32>
    %shift_left3A_2654 = arith.constant 15 : i32
    %shift_left3A_2655 = vector.broadcast %shift_left3A_2654 : i32 to vector<16xi32>
    %shift_left3A_2656 = arith.shli %shift_right_arithmetic3A_2653, %shift_left3A_2655 : vector<16xi32>
    %shift_right_arithmetic3A_2657 = arith.constant 7 : i32
    %shift_right_arithmetic3A_2658 = vector.broadcast %shift_right_arithmetic3A_2657 : i32 to vector<16xi32>
    %shift_right_arithmetic3A_2659 = arith.shrsi %gather3A_2650, %shift_right_arithmetic3A_2658 : vector<16xi32>
    %shift_left3A_2660 = arith.constant 10 : i32
    %shift_left3A_2661 = vector.broadcast %shift_left3A_2660 : i32 to vector<16xi32>
    %shift_left3A_2662 = arith.shli %shift_right_arithmetic3A_2659, %shift_left3A_2661 : vector<16xi32>
    %add3A_2663 = arith.addi %shift_left3A_2656, %shift_left3A_2662 : vector<16xi32>
    %and3A_2664 = arith.constant 7 : i32
    %and3A_2665 = vector.broadcast %and3A_2664 : i32 to vector<16xi32>
    %and3A_2666 = arith.andi %get3A_2643, %and3A_2665 : vector<16xi32>
    %shift_left3A_2667 = arith.constant 7 : i32
    %shift_left3A_2668 = vector.broadcast %shift_left3A_2667 : i32 to vector<16xi32>
    %shift_left3A_2669 = arith.shli %and3A_2666, %shift_left3A_2668 : vector<16xi32>
    %add3A_2670 = arith.addi %add3A_2663, %shift_left3A_2669 : vector<16xi32>
    %and3A_2671 = arith.constant 127 : i32
    %and3A_2672 = vector.broadcast %and3A_2671 : i32 to vector<16xi32>
    %and3A_2673 = arith.andi %gather3A_2650, %and3A_2672 : vector<16xi32>
    %add3A_2674 = arith.addi %add3A_2670, %and3A_2673 : vector<16xi32>
    %swap3A_2675 = arith.constant 6 : i32
    %swap3A_2676 = arith.index_cast %swap3A_2675 : i32 to index
    %swap3A_2677 = arith.constant 64 : index
    %swap3A_2678 = tpu.vector_load %arg8[%swap3A_2676, %swap3A_2677] {strides = array<i32>} : memref<8x128xi32, #tpu.memory_space<vmem>>, vector<16xi32>,
    tpu.vector_store %arg8[%swap3A_2676, %swap3A_2677], %add3A_2674 {strides = array<i32>} : memref<8x128xi32, #tpu.memory_space<vmem>>, vector<16xi32>,
    %get3A_2679 = arith.constant 848 : index
    %get3A_2680 = tpu.vector_load %arg7[%get3A_2679] {strides = array<i32>} : memref<1024xi32, #tpu.memory_space<vmem>>, vector<16xi32>,
    %add3A_2681 = arith.constant 849 : i32
    %add3A_2682 = vector.broadcast %add3A_2681 : i32 to vector<16xi32>
    %add3A_2683 = arith.addi %iota3A, %add3A_2682 : vector<16xi32>
    %min3A_2684 = arith.constant 1023 : i32
    %min3A_2685 = vector.broadcast %min3A_2684 : i32 to vector<16xi32>
    %min3A_2686 = arith.minsi %add3A_2683, %min3A_2685 : vector<16xi32>
    %gather3A_2687 = tpu.vector_load_idx %arg7[%min3A_2686] : memref<1024xi32, #tpu.memory_space<vmem>>[vector<16xi32>], vector<16xi32>,
    %shift_right_arithmetic3A_2688 = arith.constant 3 : i32
    %shift_right_arithmetic3A_2689 = vector.broadcast %shift_right_arithmetic3A_2688 : i32 to vector<16xi32>
    %shift_right_arithmetic3A_2690 = arith.shrsi %get3A_2680, %shift_right_arithmetic3A_2689 : vector<16xi32>
    %shift_left3A_2691 = arith.constant 15 : i32
    %shift_left3A_2692 = vector.broadcast %shift_left3A_2691 : i32 to vector<16xi32>
    %shift_left3A_2693 = arith.shli %shift_right_arithmetic3A_2690, %shift_left3A_2692 : vector<16xi32>
    %shift_right_arithmetic3A_2694 = arith.constant 7 : i32
    %shift_right_arithmetic3A_2695 = vector.broadcast %shift_right_arithmetic3A_2694 : i32 to vector<16xi32>
    %shift_right_arithmetic3A_2696 = arith.shrsi %gather3A_2687, %shift_right_arithmetic3A_2695 : vector<16xi32>
    %shift_left3A_2697 = arith.constant 10 : i32
    %shift_left3A_2698 = vector.broadcast %shift_left3A_2697 : i32 to vector<16xi32>
    %shift_left3A_2699 = arith.shli %shift_right_arithmetic3A_2696, %shift_left3A_2698 : vector<16xi32>
    %add3A_2700 = arith.addi %shift_left3A_2693, %shift_left3A_2699 : vector<16xi32>
    %and3A_2701 = arith.constant 7 : i32
    %and3A_2702 = vector.broadcast %and3A_2701 : i32 to vector<16xi32>
    %and3A_2703 = arith.andi %get3A_2680, %and3A_2702 : vector<16xi32>
    %shift_left3A_2704 = arith.constant 7 : i32
    %shift_left3A_2705 = vector.broadcast %shift_left3A_2704 : i32 to vector<16xi32>
    %shift_left3A_2706 = arith.shli %and3A_2703, %shift_left3A_2705 : vector<16xi32>
    %add3A_2707 = arith.addi %add3A_2700, %shift_left3A_2706 : vector<16xi32>
    %and3A_2708 = arith.constant 127 : i32
    %and3A_2709 = vector.broadcast %and3A_2708 : i32 to vector<16xi32>
    %and3A_2710 = arith.andi %gather3A_2687, %and3A_2709 : vector<16xi32>
    %add3A_2711 = arith.addi %add3A_2707, %and3A_2710 : vector<16xi32>
    %swap3A_2712 = arith.constant 6 : i32
    %swap3A_2713 = arith.index_cast %swap3A_2712 : i32 to index
    %swap3A_2714 = arith.constant 80 : index
    %swap3A_2715 = tpu.vector_load %arg8[%swap3A_2713, %swap3A_2714] {strides = array<i32>} : memref<8x128xi32, #tpu.memory_space<vmem>>, vector<16xi32>,
    tpu.vector_store %arg8[%swap3A_2713, %swap3A_2714], %add3A_2711 {strides = array<i32>} : memref<8x128xi32, #tpu.memory_space<vmem>>, vector<16xi32>,
    %get3A_2716 = arith.constant 864 : index
    %get3A_2717 = tpu.vector_load %arg7[%get3A_2716] {strides = array<i32>} : memref<1024xi32, #tpu.memory_space<vmem>>, vector<16xi32>,
    %add3A_2718 = arith.constant 865 : i32
    %add3A_2719 = vector.broadcast %add3A_2718 : i32 to vector<16xi32>
    %add3A_2720 = arith.addi %iota3A, %add3A_2719 : vector<16xi32>
    %min3A_2721 = arith.constant 1023 : i32
    %min3A_2722 = vector.broadcast %min3A_2721 : i32 to vector<16xi32>
    %min3A_2723 = arith.minsi %add3A_2720, %min3A_2722 : vector<16xi32>
    %gather3A_2724 = tpu.vector_load_idx %arg7[%min3A_2723] : memref<1024xi32, #tpu.memory_space<vmem>>[vector<16xi32>], vector<16xi32>,
    %shift_right_arithmetic3A_2725 = arith.constant 3 : i32
    %shift_right_arithmetic3A_2726 = vector.broadcast %shift_right_arithmetic3A_2725 : i32 to vector<16xi32>
    %shift_right_arithmetic3A_2727 = arith.shrsi %get3A_2717, %shift_right_arithmetic3A_2726 : vector<16xi32>
    %shift_left3A_2728 = arith.constant 15 : i32
    %shift_left3A_2729 = vector.broadcast %shift_left3A_2728 : i32 to vector<16xi32>
    %shift_left3A_2730 = arith.shli %shift_right_arithmetic3A_2727, %shift_left3A_2729 : vector<16xi32>
    %shift_right_arithmetic3A_2731 = arith.constant 7 : i32
    %shift_right_arithmetic3A_2732 = vector.broadcast %shift_right_arithmetic3A_2731 : i32 to vector<16xi32>
    %shift_right_arithmetic3A_2733 = arith.shrsi %gather3A_2724, %shift_right_arithmetic3A_2732 : vector<16xi32>
    %shift_left3A_2734 = arith.constant 10 : i32
    %shift_left3A_2735 = vector.broadcast %shift_left3A_2734 : i32 to vector<16xi32>
    %shift_left3A_2736 = arith.shli %shift_right_arithmetic3A_2733, %shift_left3A_2735 : vector<16xi32>
    %add3A_2737 = arith.addi %shift_left3A_2730, %shift_left3A_2736 : vector<16xi32>
    %and3A_2738 = arith.constant 7 : i32
    %and3A_2739 = vector.broadcast %and3A_2738 : i32 to vector<16xi32>
    %and3A_2740 = arith.andi %get3A_2717, %and3A_2739 : vector<16xi32>
    %shift_left3A_2741 = arith.constant 7 : i32
    %shift_left3A_2742 = vector.broadcast %shift_left3A_2741 : i32 to vector<16xi32>
    %shift_left3A_2743 = arith.shli %and3A_2740, %shift_left3A_2742 : vector<16xi32>
    %add3A_2744 = arith.addi %add3A_2737, %shift_left3A_2743 : vector<16xi32>
    %and3A_2745 = arith.constant 127 : i32
    %and3A_2746 = vector.broadcast %and3A_2745 : i32 to vector<16xi32>
    %and3A_2747 = arith.andi %gather3A_2724, %and3A_2746 : vector<16xi32>
    %add3A_2748 = arith.addi %add3A_2744, %and3A_2747 : vector<16xi32>
    %swap3A_2749 = arith.constant 6 : i32
    %swap3A_2750 = arith.index_cast %swap3A_2749 : i32 to index
    %swap3A_2751 = arith.constant 96 : index
    %swap3A_2752 = tpu.vector_load %arg8[%swap3A_2750, %swap3A_2751] {strides = array<i32>} : memref<8x128xi32, #tpu.memory_space<vmem>>, vector<16xi32>,
    tpu.vector_store %arg8[%swap3A_2750, %swap3A_2751], %add3A_2748 {strides = array<i32>} : memref<8x128xi32, #tpu.memory_space<vmem>>, vector<16xi32>,
    %get3A_2753 = arith.constant 880 : index
    %get3A_2754 = tpu.vector_load %arg7[%get3A_2753] {strides = array<i32>} : memref<1024xi32, #tpu.memory_space<vmem>>, vector<16xi32>,
    %add3A_2755 = arith.constant 881 : i32
    %add3A_2756 = vector.broadcast %add3A_2755 : i32 to vector<16xi32>
    %add3A_2757 = arith.addi %iota3A, %add3A_2756 : vector<16xi32>
    %min3A_2758 = arith.constant 1023 : i32
    %min3A_2759 = vector.broadcast %min3A_2758 : i32 to vector<16xi32>
    %min3A_2760 = arith.minsi %add3A_2757, %min3A_2759 : vector<16xi32>
    %gather3A_2761 = tpu.vector_load_idx %arg7[%min3A_2760] : memref<1024xi32, #tpu.memory_space<vmem>>[vector<16xi32>], vector<16xi32>,
    %shift_right_arithmetic3A_2762 = arith.constant 3 : i32
    %shift_right_arithmetic3A_2763 = vector.broadcast %shift_right_arithmetic3A_2762 : i32 to vector<16xi32>
    %shift_right_arithmetic3A_2764 = arith.shrsi %get3A_2754, %shift_right_arithmetic3A_2763 : vector<16xi32>
    %shift_left3A_2765 = arith.constant 15 : i32
    %shift_left3A_2766 = vector.broadcast %shift_left3A_2765 : i32 to vector<16xi32>
    %shift_left3A_2767 = arith.shli %shift_right_arithmetic3A_2764, %shift_left3A_2766 : vector<16xi32>
    %shift_right_arithmetic3A_2768 = arith.constant 7 : i32
    %shift_right_arithmetic3A_2769 = vector.broadcast %shift_right_arithmetic3A_2768 : i32 to vector<16xi32>
    %shift_right_arithmetic3A_2770 = arith.shrsi %gather3A_2761, %shift_right_arithmetic3A_2769 : vector<16xi32>
    %shift_left3A_2771 = arith.constant 10 : i32
    %shift_left3A_2772 = vector.broadcast %shift_left3A_2771 : i32 to vector<16xi32>
    %shift_left3A_2773 = arith.shli %shift_right_arithmetic3A_2770, %shift_left3A_2772 : vector<16xi32>
    %add3A_2774 = arith.addi %shift_left3A_2767, %shift_left3A_2773 : vector<16xi32>
    %and3A_2775 = arith.constant 7 : i32
    %and3A_2776 = vector.broadcast %and3A_2775 : i32 to vector<16xi32>
    %and3A_2777 = arith.andi %get3A_2754, %and3A_2776 : vector<16xi32>
    %shift_left3A_2778 = arith.constant 7 : i32
    %shift_left3A_2779 = vector.broadcast %shift_left3A_2778 : i32 to vector<16xi32>
    %shift_left3A_2780 = arith.shli %and3A_2777, %shift_left3A_2779 : vector<16xi32>
    %add3A_2781 = arith.addi %add3A_2774, %shift_left3A_2780 : vector<16xi32>
    %and3A_2782 = arith.constant 127 : i32
    %and3A_2783 = vector.broadcast %and3A_2782 : i32 to vector<16xi32>
    %and3A_2784 = arith.andi %gather3A_2761, %and3A_2783 : vector<16xi32>
    %add3A_2785 = arith.addi %add3A_2781, %and3A_2784 : vector<16xi32>
    %swap3A_2786 = arith.constant 6 : i32
    %swap3A_2787 = arith.index_cast %swap3A_2786 : i32 to index
    %swap3A_2788 = arith.constant 112 : index
    %swap3A_2789 = tpu.vector_load %arg8[%swap3A_2787, %swap3A_2788] {strides = array<i32>} : memref<8x128xi32, #tpu.memory_space<vmem>>, vector<16xi32>,
    tpu.vector_store %arg8[%swap3A_2787, %swap3A_2788], %add3A_2785 {strides = array<i32>} : memref<8x128xi32, #tpu.memory_space<vmem>>, vector<16xi32>,
    %get3A_2790 = arith.constant 896 : index
    %get3A_2791 = tpu.vector_load %arg7[%get3A_2790] {strides = array<i32>} : memref<1024xi32, #tpu.memory_space<vmem>>, vector<16xi32>,
    %add3A_2792 = arith.constant 897 : i32
    %add3A_2793 = vector.broadcast %add3A_2792 : i32 to vector<16xi32>
    %add3A_2794 = arith.addi %iota3A, %add3A_2793 : vector<16xi32>
    %min3A_2795 = arith.constant 1023 : i32
    %min3A_2796 = vector.broadcast %min3A_2795 : i32 to vector<16xi32>
    %min3A_2797 = arith.minsi %add3A_2794, %min3A_2796 : vector<16xi32>
    %gather3A_2798 = tpu.vector_load_idx %arg7[%min3A_2797] : memref<1024xi32, #tpu.memory_space<vmem>>[vector<16xi32>], vector<16xi32>,
    %shift_right_arithmetic3A_2799 = arith.constant 3 : i32
    %shift_right_arithmetic3A_2800 = vector.broadcast %shift_right_arithmetic3A_2799 : i32 to vector<16xi32>
    %shift_right_arithmetic3A_2801 = arith.shrsi %get3A_2791, %shift_right_arithmetic3A_2800 : vector<16xi32>
    %shift_left3A_2802 = arith.constant 15 : i32
    %shift_left3A_2803 = vector.broadcast %shift_left3A_2802 : i32 to vector<16xi32>
    %shift_left3A_2804 = arith.shli %shift_right_arithmetic3A_2801, %shift_left3A_2803 : vector<16xi32>
    %shift_right_arithmetic3A_2805 = arith.constant 7 : i32
    %shift_right_arithmetic3A_2806 = vector.broadcast %shift_right_arithmetic3A_2805 : i32 to vector<16xi32>
    %shift_right_arithmetic3A_2807 = arith.shrsi %gather3A_2798, %shift_right_arithmetic3A_2806 : vector<16xi32>
    %shift_left3A_2808 = arith.constant 10 : i32
    %shift_left3A_2809 = vector.broadcast %shift_left3A_2808 : i32 to vector<16xi32>
    %shift_left3A_2810 = arith.shli %shift_right_arithmetic3A_2807, %shift_left3A_2809 : vector<16xi32>
    %add3A_2811 = arith.addi %shift_left3A_2804, %shift_left3A_2810 : vector<16xi32>
    %and3A_2812 = arith.constant 7 : i32
    %and3A_2813 = vector.broadcast %and3A_2812 : i32 to vector<16xi32>
    %and3A_2814 = arith.andi %get3A_2791, %and3A_2813 : vector<16xi32>
    %shift_left3A_2815 = arith.constant 7 : i32
    %shift_left3A_2816 = vector.broadcast %shift_left3A_2815 : i32 to vector<16xi32>
    %shift_left3A_2817 = arith.shli %and3A_2814, %shift_left3A_2816 : vector<16xi32>
    %add3A_2818 = arith.addi %add3A_2811, %shift_left3A_2817 : vector<16xi32>
    %and3A_2819 = arith.constant 127 : i32
    %and3A_2820 = vector.broadcast %and3A_2819 : i32 to vector<16xi32>
    %and3A_2821 = arith.andi %gather3A_2798, %and3A_2820 : vector<16xi32>
    %add3A_2822 = arith.addi %add3A_2818, %and3A_2821 : vector<16xi32>
    %swap3A_2823 = arith.constant 7 : i32
    %swap3A_2824 = arith.index_cast %swap3A_2823 : i32 to index
    %swap3A_2825 = arith.constant 0 : index
    %swap3A_2826 = tpu.vector_load %arg8[%swap3A_2824, %swap3A_2825] {strides = array<i32>} : memref<8x128xi32, #tpu.memory_space<vmem>>, vector<16xi32>,
    tpu.vector_store %arg8[%swap3A_2824, %swap3A_2825], %add3A_2822 {strides = array<i32>} : memref<8x128xi32, #tpu.memory_space<vmem>>, vector<16xi32>,
    %get3A_2827 = arith.constant 912 : index
    %get3A_2828 = tpu.vector_load %arg7[%get3A_2827] {strides = array<i32>} : memref<1024xi32, #tpu.memory_space<vmem>>, vector<16xi32>,
    %add3A_2829 = arith.constant 913 : i32
    %add3A_2830 = vector.broadcast %add3A_2829 : i32 to vector<16xi32>
    %add3A_2831 = arith.addi %iota3A, %add3A_2830 : vector<16xi32>
    %min3A_2832 = arith.constant 1023 : i32
    %min3A_2833 = vector.broadcast %min3A_2832 : i32 to vector<16xi32>
    %min3A_2834 = arith.minsi %add3A_2831, %min3A_2833 : vector<16xi32>
    %gather3A_2835 = tpu.vector_load_idx %arg7[%min3A_2834] : memref<1024xi32, #tpu.memory_space<vmem>>[vector<16xi32>], vector<16xi32>,
    %shift_right_arithmetic3A_2836 = arith.constant 3 : i32
    %shift_right_arithmetic3A_2837 = vector.broadcast %shift_right_arithmetic3A_2836 : i32 to vector<16xi32>
    %shift_right_arithmetic3A_2838 = arith.shrsi %get3A_2828, %shift_right_arithmetic3A_2837 : vector<16xi32>
    %shift_left3A_2839 = arith.constant 15 : i32
    %shift_left3A_2840 = vector.broadcast %shift_left3A_2839 : i32 to vector<16xi32>
    %shift_left3A_2841 = arith.shli %shift_right_arithmetic3A_2838, %shift_left3A_2840 : vector<16xi32>
    %shift_right_arithmetic3A_2842 = arith.constant 7 : i32
    %shift_right_arithmetic3A_2843 = vector.broadcast %shift_right_arithmetic3A_2842 : i32 to vector<16xi32>
    %shift_right_arithmetic3A_2844 = arith.shrsi %gather3A_2835, %shift_right_arithmetic3A_2843 : vector<16xi32>
    %shift_left3A_2845 = arith.constant 10 : i32
    %shift_left3A_2846 = vector.broadcast %shift_left3A_2845 : i32 to vector<16xi32>
    %shift_left3A_2847 = arith.shli %shift_right_arithmetic3A_2844, %shift_left3A_2846 : vector<16xi32>
    %add3A_2848 = arith.addi %shift_left3A_2841, %shift_left3A_2847 : vector<16xi32>
    %and3A_2849 = arith.constant 7 : i32
    %and3A_2850 = vector.broadcast %and3A_2849 : i32 to vector<16xi32>
    %and3A_2851 = arith.andi %get3A_2828, %and3A_2850 : vector<16xi32>
    %shift_left3A_2852 = arith.constant 7 : i32
    %shift_left3A_2853 = vector.broadcast %shift_left3A_2852 : i32 to vector<16xi32>
    %shift_left3A_2854 = arith.shli %and3A_2851, %shift_left3A_2853 : vector<16xi32>
    %add3A_2855 = arith.addi %add3A_2848, %shift_left3A_2854 : vector<16xi32>
    %and3A_2856 = arith.constant 127 : i32
    %and3A_2857 = vector.broadcast %and3A_2856 : i32 to vector<16xi32>
    %and3A_2858 = arith.andi %gather3A_2835, %and3A_2857 : vector<16xi32>
    %add3A_2859 = arith.addi %add3A_2855, %and3A_2858 : vector<16xi32>
    %swap3A_2860 = arith.constant 7 : i32
    %swap3A_2861 = arith.index_cast %swap3A_2860 : i32 to index
    %swap3A_2862 = arith.constant 16 : index
    %swap3A_2863 = tpu.vector_load %arg8[%swap3A_2861, %swap3A_2862] {strides = array<i32>} : memref<8x128xi32, #tpu.memory_space<vmem>>, vector<16xi32>,
    tpu.vector_store %arg8[%swap3A_2861, %swap3A_2862], %add3A_2859 {strides = array<i32>} : memref<8x128xi32, #tpu.memory_space<vmem>>, vector<16xi32>,
    %get3A_2864 = arith.constant 928 : index
    %get3A_2865 = tpu.vector_load %arg7[%get3A_2864] {strides = array<i32>} : memref<1024xi32, #tpu.memory_space<vmem>>, vector<16xi32>,
    %add3A_2866 = arith.constant 929 : i32
    %add3A_2867 = vector.broadcast %add3A_2866 : i32 to vector<16xi32>
    %add3A_2868 = arith.addi %iota3A, %add3A_2867 : vector<16xi32>
    %min3A_2869 = arith.constant 1023 : i32
    %min3A_2870 = vector.broadcast %min3A_2869 : i32 to vector<16xi32>
    %min3A_2871 = arith.minsi %add3A_2868, %min3A_2870 : vector<16xi32>
    %gather3A_2872 = tpu.vector_load_idx %arg7[%min3A_2871] : memref<1024xi32, #tpu.memory_space<vmem>>[vector<16xi32>], vector<16xi32>,
    %shift_right_arithmetic3A_2873 = arith.constant 3 : i32
    %shift_right_arithmetic3A_2874 = vector.broadcast %shift_right_arithmetic3A_2873 : i32 to vector<16xi32>
    %shift_right_arithmetic3A_2875 = arith.shrsi %get3A_2865, %shift_right_arithmetic3A_2874 : vector<16xi32>
    %shift_left3A_2876 = arith.constant 15 : i32
    %shift_left3A_2877 = vector.broadcast %shift_left3A_2876 : i32 to vector<16xi32>
    %shift_left3A_2878 = arith.shli %shift_right_arithmetic3A_2875, %shift_left3A_2877 : vector<16xi32>
    %shift_right_arithmetic3A_2879 = arith.constant 7 : i32
    %shift_right_arithmetic3A_2880 = vector.broadcast %shift_right_arithmetic3A_2879 : i32 to vector<16xi32>
    %shift_right_arithmetic3A_2881 = arith.shrsi %gather3A_2872, %shift_right_arithmetic3A_2880 : vector<16xi32>
    %shift_left3A_2882 = arith.constant 10 : i32
    %shift_left3A_2883 = vector.broadcast %shift_left3A_2882 : i32 to vector<16xi32>
    %shift_left3A_2884 = arith.shli %shift_right_arithmetic3A_2881, %shift_left3A_2883 : vector<16xi32>
    %add3A_2885 = arith.addi %shift_left3A_2878, %shift_left3A_2884 : vector<16xi32>
    %and3A_2886 = arith.constant 7 : i32
    %and3A_2887 = vector.broadcast %and3A_2886 : i32 to vector<16xi32>
    %and3A_2888 = arith.andi %get3A_2865, %and3A_2887 : vector<16xi32>
    %shift_left3A_2889 = arith.constant 7 : i32
    %shift_left3A_2890 = vector.broadcast %shift_left3A_2889 : i32 to vector<16xi32>
    %shift_left3A_2891 = arith.shli %and3A_2888, %shift_left3A_2890 : vector<16xi32>
    %add3A_2892 = arith.addi %add3A_2885, %shift_left3A_2891 : vector<16xi32>
    %and3A_2893 = arith.constant 127 : i32
    %and3A_2894 = vector.broadcast %and3A_2893 : i32 to vector<16xi32>
    %and3A_2895 = arith.andi %gather3A_2872, %and3A_2894 : vector<16xi32>
    %add3A_2896 = arith.addi %add3A_2892, %and3A_2895 : vector<16xi32>
    %swap3A_2897 = arith.constant 7 : i32
    %swap3A_2898 = arith.index_cast %swap3A_2897 : i32 to index
    %swap3A_2899 = arith.constant 32 : index
    %swap3A_2900 = tpu.vector_load %arg8[%swap3A_2898, %swap3A_2899] {strides = array<i32>} : memref<8x128xi32, #tpu.memory_space<vmem>>, vector<16xi32>,
    tpu.vector_store %arg8[%swap3A_2898, %swap3A_2899], %add3A_2896 {strides = array<i32>} : memref<8x128xi32, #tpu.memory_space<vmem>>, vector<16xi32>,
    %get3A_2901 = arith.constant 944 : index
    %get3A_2902 = tpu.vector_load %arg7[%get3A_2901] {strides = array<i32>} : memref<1024xi32, #tpu.memory_space<vmem>>, vector<16xi32>,
    %add3A_2903 = arith.constant 945 : i32
    %add3A_2904 = vector.broadcast %add3A_2903 : i32 to vector<16xi32>
    %add3A_2905 = arith.addi %iota3A, %add3A_2904 : vector<16xi32>
    %min3A_2906 = arith.constant 1023 : i32
    %min3A_2907 = vector.broadcast %min3A_2906 : i32 to vector<16xi32>
    %min3A_2908 = arith.minsi %add3A_2905, %min3A_2907 : vector<16xi32>
    %gather3A_2909 = tpu.vector_load_idx %arg7[%min3A_2908] : memref<1024xi32, #tpu.memory_space<vmem>>[vector<16xi32>], vector<16xi32>,
    %shift_right_arithmetic3A_2910 = arith.constant 3 : i32
    %shift_right_arithmetic3A_2911 = vector.broadcast %shift_right_arithmetic3A_2910 : i32 to vector<16xi32>
    %shift_right_arithmetic3A_2912 = arith.shrsi %get3A_2902, %shift_right_arithmetic3A_2911 : vector<16xi32>
    %shift_left3A_2913 = arith.constant 15 : i32
    %shift_left3A_2914 = vector.broadcast %shift_left3A_2913 : i32 to vector<16xi32>
    %shift_left3A_2915 = arith.shli %shift_right_arithmetic3A_2912, %shift_left3A_2914 : vector<16xi32>
    %shift_right_arithmetic3A_2916 = arith.constant 7 : i32
    %shift_right_arithmetic3A_2917 = vector.broadcast %shift_right_arithmetic3A_2916 : i32 to vector<16xi32>
    %shift_right_arithmetic3A_2918 = arith.shrsi %gather3A_2909, %shift_right_arithmetic3A_2917 : vector<16xi32>
    %shift_left3A_2919 = arith.constant 10 : i32
    %shift_left3A_2920 = vector.broadcast %shift_left3A_2919 : i32 to vector<16xi32>
    %shift_left3A_2921 = arith.shli %shift_right_arithmetic3A_2918, %shift_left3A_2920 : vector<16xi32>
    %add3A_2922 = arith.addi %shift_left3A_2915, %shift_left3A_2921 : vector<16xi32>
    %and3A_2923 = arith.constant 7 : i32
    %and3A_2924 = vector.broadcast %and3A_2923 : i32 to vector<16xi32>
    %and3A_2925 = arith.andi %get3A_2902, %and3A_2924 : vector<16xi32>
    %shift_left3A_2926 = arith.constant 7 : i32
    %shift_left3A_2927 = vector.broadcast %shift_left3A_2926 : i32 to vector<16xi32>
    %shift_left3A_2928 = arith.shli %and3A_2925, %shift_left3A_2927 : vector<16xi32>
    %add3A_2929 = arith.addi %add3A_2922, %shift_left3A_2928 : vector<16xi32>
    %and3A_2930 = arith.constant 127 : i32
    %and3A_2931 = vector.broadcast %and3A_2930 : i32 to vector<16xi32>
    %and3A_2932 = arith.andi %gather3A_2909, %and3A_2931 : vector<16xi32>
    %add3A_2933 = arith.addi %add3A_2929, %and3A_2932 : vector<16xi32>
    %swap3A_2934 = arith.constant 7 : i32
    %swap3A_2935 = arith.index_cast %swap3A_2934 : i32 to index
    %swap3A_2936 = arith.constant 48 : index
    %swap3A_2937 = tpu.vector_load %arg8[%swap3A_2935, %swap3A_2936] {strides = array<i32>} : memref<8x128xi32, #tpu.memory_space<vmem>>, vector<16xi32>,
    tpu.vector_store %arg8[%swap3A_2935, %swap3A_2936], %add3A_2933 {strides = array<i32>} : memref<8x128xi32, #tpu.memory_space<vmem>>, vector<16xi32>,
    %get3A_2938 = arith.constant 960 : index
    %get3A_2939 = tpu.vector_load %arg7[%get3A_2938] {strides = array<i32>} : memref<1024xi32, #tpu.memory_space<vmem>>, vector<16xi32>,
    %add3A_2940 = arith.constant 961 : i32
    %add3A_2941 = vector.broadcast %add3A_2940 : i32 to vector<16xi32>
    %add3A_2942 = arith.addi %iota3A, %add3A_2941 : vector<16xi32>
    %min3A_2943 = arith.constant 1023 : i32
    %min3A_2944 = vector.broadcast %min3A_2943 : i32 to vector<16xi32>
    %min3A_2945 = arith.minsi %add3A_2942, %min3A_2944 : vector<16xi32>
    %gather3A_2946 = tpu.vector_load_idx %arg7[%min3A_2945] : memref<1024xi32, #tpu.memory_space<vmem>>[vector<16xi32>], vector<16xi32>,
    %shift_right_arithmetic3A_2947 = arith.constant 3 : i32
    %shift_right_arithmetic3A_2948 = vector.broadcast %shift_right_arithmetic3A_2947 : i32 to vector<16xi32>
    %shift_right_arithmetic3A_2949 = arith.shrsi %get3A_2939, %shift_right_arithmetic3A_2948 : vector<16xi32>
    %shift_left3A_2950 = arith.constant 15 : i32
    %shift_left3A_2951 = vector.broadcast %shift_left3A_2950 : i32 to vector<16xi32>
    %shift_left3A_2952 = arith.shli %shift_right_arithmetic3A_2949, %shift_left3A_2951 : vector<16xi32>
    %shift_right_arithmetic3A_2953 = arith.constant 7 : i32
    %shift_right_arithmetic3A_2954 = vector.broadcast %shift_right_arithmetic3A_2953 : i32 to vector<16xi32>
    %shift_right_arithmetic3A_2955 = arith.shrsi %gather3A_2946, %shift_right_arithmetic3A_2954 : vector<16xi32>
    %shift_left3A_2956 = arith.constant 10 : i32
    %shift_left3A_2957 = vector.broadcast %shift_left3A_2956 : i32 to vector<16xi32>
    %shift_left3A_2958 = arith.shli %shift_right_arithmetic3A_2955, %shift_left3A_2957 : vector<16xi32>
    %add3A_2959 = arith.addi %shift_left3A_2952, %shift_left3A_2958 : vector<16xi32>
    %and3A_2960 = arith.constant 7 : i32
    %and3A_2961 = vector.broadcast %and3A_2960 : i32 to vector<16xi32>
    %and3A_2962 = arith.andi %get3A_2939, %and3A_2961 : vector<16xi32>
    %shift_left3A_2963 = arith.constant 7 : i32
    %shift_left3A_2964 = vector.broadcast %shift_left3A_2963 : i32 to vector<16xi32>
    %shift_left3A_2965 = arith.shli %and3A_2962, %shift_left3A_2964 : vector<16xi32>
    %add3A_2966 = arith.addi %add3A_2959, %shift_left3A_2965 : vector<16xi32>
    %and3A_2967 = arith.constant 127 : i32
    %and3A_2968 = vector.broadcast %and3A_2967 : i32 to vector<16xi32>
    %and3A_2969 = arith.andi %gather3A_2946, %and3A_2968 : vector<16xi32>
    %add3A_2970 = arith.addi %add3A_2966, %and3A_2969 : vector<16xi32>
    %swap3A_2971 = arith.constant 7 : i32
    %swap3A_2972 = arith.index_cast %swap3A_2971 : i32 to index
    %swap3A_2973 = arith.constant 64 : index
    %swap3A_2974 = tpu.vector_load %arg8[%swap3A_2972, %swap3A_2973] {strides = array<i32>} : memref<8x128xi32, #tpu.memory_space<vmem>>, vector<16xi32>,
    tpu.vector_store %arg8[%swap3A_2972, %swap3A_2973], %add3A_2970 {strides = array<i32>} : memref<8x128xi32, #tpu.memory_space<vmem>>, vector<16xi32>,
    %get3A_2975 = arith.constant 976 : index
    %get3A_2976 = tpu.vector_load %arg7[%get3A_2975] {strides = array<i32>} : memref<1024xi32, #tpu.memory_space<vmem>>, vector<16xi32>,
    %add3A_2977 = arith.constant 977 : i32
    %add3A_2978 = vector.broadcast %add3A_2977 : i32 to vector<16xi32>
    %add3A_2979 = arith.addi %iota3A, %add3A_2978 : vector<16xi32>
    %min3A_2980 = arith.constant 1023 : i32
    %min3A_2981 = vector.broadcast %min3A_2980 : i32 to vector<16xi32>
    %min3A_2982 = arith.minsi %add3A_2979, %min3A_2981 : vector<16xi32>
    %gather3A_2983 = tpu.vector_load_idx %arg7[%min3A_2982] : memref<1024xi32, #tpu.memory_space<vmem>>[vector<16xi32>], vector<16xi32>,
    %shift_right_arithmetic3A_2984 = arith.constant 3 : i32
    %shift_right_arithmetic3A_2985 = vector.broadcast %shift_right_arithmetic3A_2984 : i32 to vector<16xi32>
    %shift_right_arithmetic3A_2986 = arith.shrsi %get3A_2976, %shift_right_arithmetic3A_2985 : vector<16xi32>
    %shift_left3A_2987 = arith.constant 15 : i32
    %shift_left3A_2988 = vector.broadcast %shift_left3A_2987 : i32 to vector<16xi32>
    %shift_left3A_2989 = arith.shli %shift_right_arithmetic3A_2986, %shift_left3A_2988 : vector<16xi32>
    %shift_right_arithmetic3A_2990 = arith.constant 7 : i32
    %shift_right_arithmetic3A_2991 = vector.broadcast %shift_right_arithmetic3A_2990 : i32 to vector<16xi32>
    %shift_right_arithmetic3A_2992 = arith.shrsi %gather3A_2983, %shift_right_arithmetic3A_2991 : vector<16xi32>
    %shift_left3A_2993 = arith.constant 10 : i32
    %shift_left3A_2994 = vector.broadcast %shift_left3A_2993 : i32 to vector<16xi32>
    %shift_left3A_2995 = arith.shli %shift_right_arithmetic3A_2992, %shift_left3A_2994 : vector<16xi32>
    %add3A_2996 = arith.addi %shift_left3A_2989, %shift_left3A_2995 : vector<16xi32>
    %and3A_2997 = arith.constant 7 : i32
    %and3A_2998 = vector.broadcast %and3A_2997 : i32 to vector<16xi32>
    %and3A_2999 = arith.andi %get3A_2976, %and3A_2998 : vector<16xi32>
    %shift_left3A_3000 = arith.constant 7 : i32
    %shift_left3A_3001 = vector.broadcast %shift_left3A_3000 : i32 to vector<16xi32>
    %shift_left3A_3002 = arith.shli %and3A_2999, %shift_left3A_3001 : vector<16xi32>
    %add3A_3003 = arith.addi %add3A_2996, %shift_left3A_3002 : vector<16xi32>
    %and3A_3004 = arith.constant 127 : i32
    %and3A_3005 = vector.broadcast %and3A_3004 : i32 to vector<16xi32>
    %and3A_3006 = arith.andi %gather3A_2983, %and3A_3005 : vector<16xi32>
    %add3A_3007 = arith.addi %add3A_3003, %and3A_3006 : vector<16xi32>
    %swap3A_3008 = arith.constant 7 : i32
    %swap3A_3009 = arith.index_cast %swap3A_3008 : i32 to index
    %swap3A_3010 = arith.constant 80 : index
    %swap3A_3011 = tpu.vector_load %arg8[%swap3A_3009, %swap3A_3010] {strides = array<i32>} : memref<8x128xi32, #tpu.memory_space<vmem>>, vector<16xi32>,
    tpu.vector_store %arg8[%swap3A_3009, %swap3A_3010], %add3A_3007 {strides = array<i32>} : memref<8x128xi32, #tpu.memory_space<vmem>>, vector<16xi32>,
    %get3A_3012 = arith.constant 992 : index
    %get3A_3013 = tpu.vector_load %arg7[%get3A_3012] {strides = array<i32>} : memref<1024xi32, #tpu.memory_space<vmem>>, vector<16xi32>,
    %add3A_3014 = arith.constant 993 : i32
    %add3A_3015 = vector.broadcast %add3A_3014 : i32 to vector<16xi32>
    %add3A_3016 = arith.addi %iota3A, %add3A_3015 : vector<16xi32>
    %min3A_3017 = arith.constant 1023 : i32
    %min3A_3018 = vector.broadcast %min3A_3017 : i32 to vector<16xi32>
    %min3A_3019 = arith.minsi %add3A_3016, %min3A_3018 : vector<16xi32>
    %gather3A_3020 = tpu.vector_load_idx %arg7[%min3A_3019] : memref<1024xi32, #tpu.memory_space<vmem>>[vector<16xi32>], vector<16xi32>,
    %shift_right_arithmetic3A_3021 = arith.constant 3 : i32
    %shift_right_arithmetic3A_3022 = vector.broadcast %shift_right_arithmetic3A_3021 : i32 to vector<16xi32>
    %shift_right_arithmetic3A_3023 = arith.shrsi %get3A_3013, %shift_right_arithmetic3A_3022 : vector<16xi32>
    %shift_left3A_3024 = arith.constant 15 : i32
    %shift_left3A_3025 = vector.broadcast %shift_left3A_3024 : i32 to vector<16xi32>
    %shift_left3A_3026 = arith.shli %shift_right_arithmetic3A_3023, %shift_left3A_3025 : vector<16xi32>
    %shift_right_arithmetic3A_3027 = arith.constant 7 : i32
    %shift_right_arithmetic3A_3028 = vector.broadcast %shift_right_arithmetic3A_3027 : i32 to vector<16xi32>
    %shift_right_arithmetic3A_3029 = arith.shrsi %gather3A_3020, %shift_right_arithmetic3A_3028 : vector<16xi32>
    %shift_left3A_3030 = arith.constant 10 : i32
    %shift_left3A_3031 = vector.broadcast %shift_left3A_3030 : i32 to vector<16xi32>
    %shift_left3A_3032 = arith.shli %shift_right_arithmetic3A_3029, %shift_left3A_3031 : vector<16xi32>
    %add3A_3033 = arith.addi %shift_left3A_3026, %shift_left3A_3032 : vector<16xi32>
    %and3A_3034 = arith.constant 7 : i32
    %and3A_3035 = vector.broadcast %and3A_3034 : i32 to vector<16xi32>
    %and3A_3036 = arith.andi %get3A_3013, %and3A_3035 : vector<16xi32>
    %shift_left3A_3037 = arith.constant 7 : i32
    %shift_left3A_3038 = vector.broadcast %shift_left3A_3037 : i32 to vector<16xi32>
    %shift_left3A_3039 = arith.shli %and3A_3036, %shift_left3A_3038 : vector<16xi32>
    %add3A_3040 = arith.addi %add3A_3033, %shift_left3A_3039 : vector<16xi32>
    %and3A_3041 = arith.constant 127 : i32
    %and3A_3042 = vector.broadcast %and3A_3041 : i32 to vector<16xi32>
    %and3A_3043 = arith.andi %gather3A_3020, %and3A_3042 : vector<16xi32>
    %add3A_3044 = arith.addi %add3A_3040, %and3A_3043 : vector<16xi32>
    %swap3A_3045 = arith.constant 7 : i32
    %swap3A_3046 = arith.index_cast %swap3A_3045 : i32 to index
    %swap3A_3047 = arith.constant 96 : index
    %swap3A_3048 = tpu.vector_load %arg8[%swap3A_3046, %swap3A_3047] {strides = array<i32>} : memref<8x128xi32, #tpu.memory_space<vmem>>, vector<16xi32>,
    tpu.vector_store %arg8[%swap3A_3046, %swap3A_3047], %add3A_3044 {strides = array<i32>} : memref<8x128xi32, #tpu.memory_space<vmem>>, vector<16xi32>,
    %get3A_3049 = arith.constant 1008 : index
    %get3A_3050 = tpu.vector_load %arg7[%get3A_3049] {strides = array<i32>} : memref<1024xi32, #tpu.memory_space<vmem>>, vector<16xi32>,
    %add3A_3051 = arith.constant 1009 : i32
    %add3A_3052 = vector.broadcast %add3A_3051 : i32 to vector<16xi32>
    %add3A_3053 = arith.addi %iota3A, %add3A_3052 : vector<16xi32>
    %min3A_3054 = arith.constant 1023 : i32
    %min3A_3055 = vector.broadcast %min3A_3054 : i32 to vector<16xi32>
    %min3A_3056 = arith.minsi %add3A_3053, %min3A_3055 : vector<16xi32>
    %gather3A_3057 = tpu.vector_load_idx %arg7[%min3A_3056] : memref<1024xi32, #tpu.memory_space<vmem>>[vector<16xi32>], vector<16xi32>,
    %shift_right_arithmetic3A_3058 = arith.constant 3 : i32
    %shift_right_arithmetic3A_3059 = vector.broadcast %shift_right_arithmetic3A_3058 : i32 to vector<16xi32>
    %shift_right_arithmetic3A_3060 = arith.shrsi %get3A_3050, %shift_right_arithmetic3A_3059 : vector<16xi32>
    %shift_left3A_3061 = arith.constant 15 : i32
    %shift_left3A_3062 = vector.broadcast %shift_left3A_3061 : i32 to vector<16xi32>
    %shift_left3A_3063 = arith.shli %shift_right_arithmetic3A_3060, %shift_left3A_3062 : vector<16xi32>
    %shift_right_arithmetic3A_3064 = arith.constant 7 : i32
    %shift_right_arithmetic3A_3065 = vector.broadcast %shift_right_arithmetic3A_3064 : i32 to vector<16xi32>
    %shift_right_arithmetic3A_3066 = arith.shrsi %gather3A_3057, %shift_right_arithmetic3A_3065 : vector<16xi32>
    %shift_left3A_3067 = arith.constant 10 : i32
    %shift_left3A_3068 = vector.broadcast %shift_left3A_3067 : i32 to vector<16xi32>
    %shift_left3A_3069 = arith.shli %shift_right_arithmetic3A_3066, %shift_left3A_3068 : vector<16xi32>
    %add3A_3070 = arith.addi %shift_left3A_3063, %shift_left3A_3069 : vector<16xi32>
    %and3A_3071 = arith.constant 7 : i32
    %and3A_3072 = vector.broadcast %and3A_3071 : i32 to vector<16xi32>
    %and3A_3073 = arith.andi %get3A_3050, %and3A_3072 : vector<16xi32>
    %shift_left3A_3074 = arith.constant 7 : i32
    %shift_left3A_3075 = vector.broadcast %shift_left3A_3074 : i32 to vector<16xi32>
    %shift_left3A_3076 = arith.shli %and3A_3073, %shift_left3A_3075 : vector<16xi32>
    %add3A_3077 = arith.addi %add3A_3070, %shift_left3A_3076 : vector<16xi32>
    %and3A_3078 = arith.constant 127 : i32
    %and3A_3079 = vector.broadcast %and3A_3078 : i32 to vector<16xi32>
    %and3A_3080 = arith.andi %gather3A_3057, %and3A_3079 : vector<16xi32>
    %add3A_3081 = arith.addi %add3A_3077, %and3A_3080 : vector<16xi32>
    %lt3A_3082 = arith.constant 15 : i32
    %lt3A_3083 = vector.broadcast %lt3A_3082 : i32 to vector<16xi32>
    %lt3A_3084 = arith.cmpi slt, %iota3A, %lt3A_3083 : vector<16xi32>
    %jit3A_3085 = arith.constant 0 : i32
    %broadcast_in_dim3A_3086 = vector.broadcast %jit3A_3085 : i32 to vector<16xi32>
    %select_n3A_3087 = arith.select %lt3A_3084, %add3A_3081, %broadcast_in_dim3A_3086 : vector<16xi1>, vector<16xi32>
    %swap3A_3088 = arith.constant 7 : i32
    %swap3A_3089 = arith.index_cast %swap3A_3088 : i32 to index
    %swap3A_3090 = arith.constant 112 : index
    %swap3A_3091 = tpu.vector_load %arg8[%swap3A_3089, %swap3A_3090] {strides = array<i32>} : memref<8x128xi32, #tpu.memory_space<vmem>>, vector<16xi32>,
    tpu.vector_store %arg8[%swap3A_3089, %swap3A_3090], %select_n3A_3087 {strides = array<i32>} : memref<8x128xi32, #tpu.memory_space<vmem>>, vector<16xi32>,
    %dma_start3A_3092 = arith.constant 0 : i32
    %dma_start3A_3093 = arith.constant 0 : i32
    %dma_start3A_3094 = arith.constant 0 : i32
    %dma_start3A_3095 = tpu.memref_slice %arg9[%dma_start3A_3093, %dma_start3A_3094] : memref<8x128xf32, #tpu.memory_space<vmem>> -> memref<1x128xf32, #tpu.memory_space<vmem>>
    %dma_start3A_3096 = tpu.memref_squeeze %dma_start3A_3095 : memref<1x128xf32, #tpu.memory_space<vmem>> -> memref<128xf32, #tpu.memory_space<vmem>>
    %dma_start3A_3097 = arith.constant 0 : i32
    %dma_start3A_3098 = tpu.memref_slice %arg8[%dma_start3A_3092, %dma_start3A_3097] : memref<8x128xi32, #tpu.memory_space<vmem>> -> memref<1x128xi32, #tpu.memory_space<vmem>>
    %dma_start3A_3099 = tpu.memref_squeeze %dma_start3A_3098 : memref<1x128xi32, #tpu.memory_space<vmem>> -> memref<128xi32, #tpu.memory_space<vmem>>
    %dma_start3A_3100 = arith.constant 0 : i32
    %dma_start3A_3101 = tpu.memref_slice %arg2[%dma_start3A_3100] : memref<16777216xf32, #tpu.memory_space<hbm>> -> memref<16777216xf32, #tpu.memory_space<hbm>>
    tpu.enqueue_indirect_dma source(%dma_start3A_3101 : memref<16777216xf32, #tpu.memory_space<hbm>>) target(%dma_start3A_3096 : memref<128xf32, #tpu.memory_space<vmem>>) offsets(%dma_start3A_3099 : memref<128xi32, #tpu.memory_space<vmem>>) semaphore(%arg17 : memref<!tpu.dma_semaphore, #tpu.memory_space<semaphore_mem>>)
    %dma_start3A_3102 = arith.constant 1 : i32
    %dma_start3A_3103 = arith.constant 1 : i32
    %dma_start3A_3104 = arith.constant 0 : i32
    %dma_start3A_3105 = tpu.memref_slice %arg9[%dma_start3A_3103, %dma_start3A_3104] : memref<8x128xf32, #tpu.memory_space<vmem>> -> memref<1x128xf32, #tpu.memory_space<vmem>>
    %dma_start3A_3106 = tpu.memref_squeeze %dma_start3A_3105 : memref<1x128xf32, #tpu.memory_space<vmem>> -> memref<128xf32, #tpu.memory_space<vmem>>
    %dma_start3A_3107 = arith.constant 0 : i32
    %dma_start3A_3108 = tpu.memref_slice %arg8[%dma_start3A_3102, %dma_start3A_3107] : memref<8x128xi32, #tpu.memory_space<vmem>> -> memref<1x128xi32, #tpu.memory_space<vmem>>
    %dma_start3A_3109 = tpu.memref_squeeze %dma_start3A_3108 : memref<1x128xi32, #tpu.memory_space<vmem>> -> memref<128xi32, #tpu.memory_space<vmem>>
    %dma_start3A_3110 = arith.constant 0 : i32
    %dma_start3A_3111 = tpu.memref_slice %arg2[%dma_start3A_3110] : memref<16777216xf32, #tpu.memory_space<hbm>> -> memref<16777216xf32, #tpu.memory_space<hbm>>
    tpu.enqueue_indirect_dma source(%dma_start3A_3111 : memref<16777216xf32, #tpu.memory_space<hbm>>) target(%dma_start3A_3106 : memref<128xf32, #tpu.memory_space<vmem>>) offsets(%dma_start3A_3109 : memref<128xi32, #tpu.memory_space<vmem>>) semaphore(%arg17 : memref<!tpu.dma_semaphore, #tpu.memory_space<semaphore_mem>>)
    %dma_start3A_3112 = arith.constant 2 : i32
    %dma_start3A_3113 = arith.constant 2 : i32
    %dma_start3A_3114 = arith.constant 0 : i32
    %dma_start3A_3115 = tpu.memref_slice %arg9[%dma_start3A_3113, %dma_start3A_3114] : memref<8x128xf32, #tpu.memory_space<vmem>> -> memref<1x128xf32, #tpu.memory_space<vmem>>
    %dma_start3A_3116 = tpu.memref_squeeze %dma_start3A_3115 : memref<1x128xf32, #tpu.memory_space<vmem>> -> memref<128xf32, #tpu.memory_space<vmem>>
    %dma_start3A_3117 = arith.constant 0 : i32
    %dma_start3A_3118 = tpu.memref_slice %arg8[%dma_start3A_3112, %dma_start3A_3117] : memref<8x128xi32, #tpu.memory_space<vmem>> -> memref<1x128xi32, #tpu.memory_space<vmem>>
    %dma_start3A_3119 = tpu.memref_squeeze %dma_start3A_3118 : memref<1x128xi32, #tpu.memory_space<vmem>> -> memref<128xi32, #tpu.memory_space<vmem>>
    %dma_start3A_3120 = arith.constant 0 : i32
    %dma_start3A_3121 = tpu.memref_slice %arg2[%dma_start3A_3120] : memref<16777216xf32, #tpu.memory_space<hbm>> -> memref<16777216xf32, #tpu.memory_space<hbm>>
    tpu.enqueue_indirect_dma source(%dma_start3A_3121 : memref<16777216xf32, #tpu.memory_space<hbm>>) target(%dma_start3A_3116 : memref<128xf32, #tpu.memory_space<vmem>>) offsets(%dma_start3A_3119 : memref<128xi32, #tpu.memory_space<vmem>>) semaphore(%arg17 : memref<!tpu.dma_semaphore, #tpu.memory_space<semaphore_mem>>)
    %dma_start3A_3122 = arith.constant 3 : i32
    %dma_start3A_3123 = arith.constant 3 : i32
    %dma_start3A_3124 = arith.constant 0 : i32
    %dma_start3A_3125 = tpu.memref_slice %arg9[%dma_start3A_3123, %dma_start3A_3124] : memref<8x128xf32, #tpu.memory_space<vmem>> -> memref<1x128xf32, #tpu.memory_space<vmem>>
    %dma_start3A_3126 = tpu.memref_squeeze %dma_start3A_3125 : memref<1x128xf32, #tpu.memory_space<vmem>> -> memref<128xf32, #tpu.memory_space<vmem>>
    %dma_start3A_3127 = arith.constant 0 : i32
    %dma_start3A_3128 = tpu.memref_slice %arg8[%dma_start3A_3122, %dma_start3A_3127] : memref<8x128xi32, #tpu.memory_space<vmem>> -> memref<1x128xi32, #tpu.memory_space<vmem>>
    %dma_start3A_3129 = tpu.memref_squeeze %dma_start3A_3128 : memref<1x128xi32, #tpu.memory_space<vmem>> -> memref<128xi32, #tpu.memory_space<vmem>>
    %dma_start3A_3130 = arith.constant 0 : i32
    %dma_start3A_3131 = tpu.memref_slice %arg2[%dma_start3A_3130] : memref<16777216xf32, #tpu.memory_space<hbm>> -> memref<16777216xf32, #tpu.memory_space<hbm>>
    tpu.enqueue_indirect_dma source(%dma_start3A_3131 : memref<16777216xf32, #tpu.memory_space<hbm>>) target(%dma_start3A_3126 : memref<128xf32, #tpu.memory_space<vmem>>) offsets(%dma_start3A_3129 : memref<128xi32, #tpu.memory_space<vmem>>) semaphore(%arg17 : memref<!tpu.dma_semaphore, #tpu.memory_space<semaphore_mem>>)
    %dma_start3A_3132 = arith.constant 4 : i32
    %dma_start3A_3133 = arith.constant 4 : i32
    %dma_start3A_3134 = arith.constant 0 : i32
    %dma_start3A_3135 = tpu.memref_slice %arg9[%dma_start3A_3133, %dma_start3A_3134] : memref<8x128xf32, #tpu.memory_space<vmem>> -> memref<1x128xf32, #tpu.memory_space<vmem>>
    %dma_start3A_3136 = tpu.memref_squeeze %dma_start3A_3135 : memref<1x128xf32, #tpu.memory_space<vmem>> -> memref<128xf32, #tpu.memory_space<vmem>>
    %dma_start3A_3137 = arith.constant 0 : i32
    %dma_start3A_3138 = tpu.memref_slice %arg8[%dma_start3A_3132, %dma_start3A_3137] : memref<8x128xi32, #tpu.memory_space<vmem>> -> memref<1x128xi32, #tpu.memory_space<vmem>>
    %dma_start3A_3139 = tpu.memref_squeeze %dma_start3A_3138 : memref<1x128xi32, #tpu.memory_space<vmem>> -> memref<128xi32, #tpu.memory_space<vmem>>
    %dma_start3A_3140 = arith.constant 0 : i32
    %dma_start3A_3141 = tpu.memref_slice %arg2[%dma_start3A_3140] : memref<16777216xf32, #tpu.memory_space<hbm>> -> memref<16777216xf32, #tpu.memory_space<hbm>>
    tpu.enqueue_indirect_dma source(%dma_start3A_3141 : memref<16777216xf32, #tpu.memory_space<hbm>>) target(%dma_start3A_3136 : memref<128xf32, #tpu.memory_space<vmem>>) offsets(%dma_start3A_3139 : memref<128xi32, #tpu.memory_space<vmem>>) semaphore(%arg17 : memref<!tpu.dma_semaphore, #tpu.memory_space<semaphore_mem>>)
    %dma_start3A_3142 = arith.constant 5 : i32
    %dma_start3A_3143 = arith.constant 5 : i32
    %dma_start3A_3144 = arith.constant 0 : i32
    %dma_start3A_3145 = tpu.memref_slice %arg9[%dma_start3A_3143, %dma_start3A_3144] : memref<8x128xf32, #tpu.memory_space<vmem>> -> memref<1x128xf32, #tpu.memory_space<vmem>>
    %dma_start3A_3146 = tpu.memref_squeeze %dma_start3A_3145 : memref<1x128xf32, #tpu.memory_space<vmem>> -> memref<128xf32, #tpu.memory_space<vmem>>
    %dma_start3A_3147 = arith.constant 0 : i32
    %dma_start3A_3148 = tpu.memref_slice %arg8[%dma_start3A_3142, %dma_start3A_3147] : memref<8x128xi32, #tpu.memory_space<vmem>> -> memref<1x128xi32, #tpu.memory_space<vmem>>
    %dma_start3A_3149 = tpu.memref_squeeze %dma_start3A_3148 : memref<1x128xi32, #tpu.memory_space<vmem>> -> memref<128xi32, #tpu.memory_space<vmem>>
    %dma_start3A_3150 = arith.constant 0 : i32
    %dma_start3A_3151 = tpu.memref_slice %arg2[%dma_start3A_3150] : memref<16777216xf32, #tpu.memory_space<hbm>> -> memref<16777216xf32, #tpu.memory_space<hbm>>
    tpu.enqueue_indirect_dma source(%dma_start3A_3151 : memref<16777216xf32, #tpu.memory_space<hbm>>) target(%dma_start3A_3146 : memref<128xf32, #tpu.memory_space<vmem>>) offsets(%dma_start3A_3149 : memref<128xi32, #tpu.memory_space<vmem>>) semaphore(%arg17 : memref<!tpu.dma_semaphore, #tpu.memory_space<semaphore_mem>>)
    %dma_start3A_3152 = arith.constant 6 : i32
    %dma_start3A_3153 = arith.constant 6 : i32
    %dma_start3A_3154 = arith.constant 0 : i32
    %dma_start3A_3155 = tpu.memref_slice %arg9[%dma_start3A_3153, %dma_start3A_3154] : memref<8x128xf32, #tpu.memory_space<vmem>> -> memref<1x128xf32, #tpu.memory_space<vmem>>
    %dma_start3A_3156 = tpu.memref_squeeze %dma_start3A_3155 : memref<1x128xf32, #tpu.memory_space<vmem>> -> memref<128xf32, #tpu.memory_space<vmem>>
    %dma_start3A_3157 = arith.constant 0 : i32
    %dma_start3A_3158 = tpu.memref_slice %arg8[%dma_start3A_3152, %dma_start3A_3157] : memref<8x128xi32, #tpu.memory_space<vmem>> -> memref<1x128xi32, #tpu.memory_space<vmem>>
    %dma_start3A_3159 = tpu.memref_squeeze %dma_start3A_3158 : memref<1x128xi32, #tpu.memory_space<vmem>> -> memref<128xi32, #tpu.memory_space<vmem>>
    %dma_start3A_3160 = arith.constant 0 : i32
    %dma_start3A_3161 = tpu.memref_slice %arg2[%dma_start3A_3160] : memref<16777216xf32, #tpu.memory_space<hbm>> -> memref<16777216xf32, #tpu.memory_space<hbm>>
    tpu.enqueue_indirect_dma source(%dma_start3A_3161 : memref<16777216xf32, #tpu.memory_space<hbm>>) target(%dma_start3A_3156 : memref<128xf32, #tpu.memory_space<vmem>>) offsets(%dma_start3A_3159 : memref<128xi32, #tpu.memory_space<vmem>>) semaphore(%arg17 : memref<!tpu.dma_semaphore, #tpu.memory_space<semaphore_mem>>)
    %dma_start3A_3162 = arith.constant 7 : i32
    %dma_start3A_3163 = arith.constant 7 : i32
    %dma_start3A_3164 = arith.constant 0 : i32
    %dma_start3A_3165 = tpu.memref_slice %arg9[%dma_start3A_3163, %dma_start3A_3164] : memref<8x128xf32, #tpu.memory_space<vmem>> -> memref<1x128xf32, #tpu.memory_space<vmem>>
    %dma_start3A_3166 = tpu.memref_squeeze %dma_start3A_3165 : memref<1x128xf32, #tpu.memory_space<vmem>> -> memref<128xf32, #tpu.memory_space<vmem>>
    %dma_start3A_3167 = arith.constant 0 : i32
    %dma_start3A_3168 = tpu.memref_slice %arg8[%dma_start3A_3162, %dma_start3A_3167] : memref<8x128xi32, #tpu.memory_space<vmem>> -> memref<1x128xi32, #tpu.memory_space<vmem>>
    %dma_start3A_3169 = tpu.memref_squeeze %dma_start3A_3168 : memref<1x128xi32, #tpu.memory_space<vmem>> -> memref<128xi32, #tpu.memory_space<vmem>>
    %dma_start3A_3170 = arith.constant 0 : i32
    %dma_start3A_3171 = tpu.memref_slice %arg2[%dma_start3A_3170] : memref<16777216xf32, #tpu.memory_space<hbm>> -> memref<16777216xf32, #tpu.memory_space<hbm>>
    tpu.enqueue_indirect_dma source(%dma_start3A_3171 : memref<16777216xf32, #tpu.memory_space<hbm>>) target(%dma_start3A_3166 : memref<128xf32, #tpu.memory_space<vmem>>) offsets(%dma_start3A_3169 : memref<128xi32, #tpu.memory_space<vmem>>) semaphore(%arg17 : memref<!tpu.dma_semaphore, #tpu.memory_space<semaphore_mem>>)
    %broadcast_in_dim3A_3172 = arith.constant 0.000000e+00 : f32
    %broadcast_in_dim3A_3173 = vector.broadcast %broadcast_in_dim3A_3172 : f32 to vector<16xf32>
    %broadcast_in_dim3A_3174 = arith.constant 0.000000e+00 : f32
    %broadcast_in_dim3A_3175 = vector.broadcast %broadcast_in_dim3A_3174 : f32 to vector<16xf32>
    %broadcast_in_dim3A_3176 = arith.constant 0.000000e+00 : f32
    %broadcast_in_dim3A_3177 = vector.broadcast %broadcast_in_dim3A_3176 : f32 to vector<16xf32>
    %swap3A_3178 = arith.constant 0 : index
    %swap3A_3179 = tpu.vector_load %arg14[%swap3A_3178] {strides = array<i32>} : memref<48xf32, #tpu.memory_space<vmem>>, vector<16xf32>,
    tpu.vector_store %arg14[%swap3A_3178], %broadcast_in_dim3A_3177 {strides = array<i32>} : memref<48xf32, #tpu.memory_space<vmem>>, vector<16xf32>,
    %broadcast_in_dim3A_3180 = arith.constant 0.000000e+00 : f32
    %broadcast_in_dim3A_3181 = vector.broadcast %broadcast_in_dim3A_3180 : f32 to vector<16xf32>
    %swap3A_3182 = arith.constant 16 : index
    %swap3A_3183 = tpu.vector_load %arg14[%swap3A_3182] {strides = array<i32>} : memref<48xf32, #tpu.memory_space<vmem>>, vector<16xf32>,
    tpu.vector_store %arg14[%swap3A_3182], %broadcast_in_dim3A_3181 {strides = array<i32>} : memref<48xf32, #tpu.memory_space<vmem>>, vector<16xf32>,
    %broadcast_in_dim3A_3184 = arith.constant 0.000000e+00 : f32
    %broadcast_in_dim3A_3185 = vector.broadcast %broadcast_in_dim3A_3184 : f32 to vector<16xf32>
    %swap3A_3186 = arith.constant 32 : index
    %swap3A_3187 = tpu.vector_load %arg14[%swap3A_3186] {strides = array<i32>} : memref<48xf32, #tpu.memory_space<vmem>>, vector<16xf32>,
    tpu.vector_store %arg14[%swap3A_3186], %broadcast_in_dim3A_3185 {strides = array<i32>} : memref<48xf32, #tpu.memory_space<vmem>>, vector<16xf32>,
    %lt3A_3188 = arith.constant 2 : i32
    %lt3A_3189 = arith.cmpi slt, %arg1, %lt3A_3188 : i32
    %convert_element_type3A = arith.extui %lt3A_3189 : i1 to i32
    %cond3A = arith.constant 0 : i32
    %cond3A_3190 = arith.cmpi ne, %convert_element_type3A, %cond3A : i32
    scf.if %cond3A_3190 {
      %mul3A_3960 = arith.constant 511 : i32
      %mul3A_3961 = arith.muli %arg1, %mul3A_3960 : i32
      %mul3A_3962 = arith.constant 512 : i32
      %mul3A_3963 = vector.broadcast %mul3A_3962 : i32 to vector<16xi32>
      %mul3A_3964 = arith.muli %iota3A, %mul3A_3963 : vector<16xi32>
      %add3A_3965 = vector.broadcast %mul3A_3961 : i32 to vector<16xi32>
      %add3A_3966 = arith.addi %mul3A_3964, %add3A_3965 : vector<16xi32>
      %swap3A_3967 = arith.constant 0 : index
      %swap3A_3968 = tpu.vector_load %arg12[%swap3A_3967] {strides = array<i32>} : memref<48xi32, #tpu.memory_space<vmem>>, vector<16xi32>,
      tpu.vector_store %arg12[%swap3A_3967], %add3A_3966 {strides = array<i32>} : memref<48xi32, #tpu.memory_space<vmem>>, vector<16xi32>,
      %add3A_3969 = arith.constant 16 : i32
      %add3A_3970 = vector.broadcast %add3A_3969 : i32 to vector<16xi32>
      %add3A_3971 = arith.addi %iota3A, %add3A_3970 : vector<16xi32>
      %mul3A_3972 = arith.constant 512 : i32
      %mul3A_3973 = vector.broadcast %mul3A_3972 : i32 to vector<16xi32>
      %mul3A_3974 = arith.muli %add3A_3971, %mul3A_3973 : vector<16xi32>
      %add3A_3975 = vector.broadcast %mul3A_3961 : i32 to vector<16xi32>
      %add3A_3976 = arith.addi %mul3A_3974, %add3A_3975 : vector<16xi32>
      %swap3A_3977 = arith.constant 16 : index
      %swap3A_3978 = tpu.vector_load %arg12[%swap3A_3977] {strides = array<i32>} : memref<48xi32, #tpu.memory_space<vmem>>, vector<16xi32>,
      tpu.vector_store %arg12[%swap3A_3977], %add3A_3976 {strides = array<i32>} : memref<48xi32, #tpu.memory_space<vmem>>, vector<16xi32>,
      %broadcast_in_dim3A_3979 = arith.constant 0 : i32
      %broadcast_in_dim3A_3980 = vector.broadcast %broadcast_in_dim3A_3979 : i32 to vector<16xi32>
      %swap3A_3981 = arith.constant 32 : index
      %swap3A_3982 = tpu.vector_load %arg12[%swap3A_3981] {strides = array<i32>} : memref<48xi32, #tpu.memory_space<vmem>>, vector<16xi32>,
      tpu.vector_store %arg12[%swap3A_3981], %broadcast_in_dim3A_3980 {strides = array<i32>} : memref<48xi32, #tpu.memory_space<vmem>>, vector<16xi32>,
      %dma_start3A_3983 = arith.constant 0 : i32
      %dma_start3A_3984 = tpu.memref_slice %arg3[%dma_start3A_3983] : memref<16384xi32, #tpu.memory_space<hbm>> -> memref<16384xi32, #tpu.memory_space<hbm>>
      tpu.enqueue_indirect_dma source(%dma_start3A_3984 : memref<16384xi32, #tpu.memory_space<hbm>>) target(%arg13 : memref<48xi32, #tpu.memory_space<vmem>>) offsets(%arg12 : memref<48xi32, #tpu.memory_space<vmem>>) semaphore(%arg18 : memref<!tpu.dma_semaphore, #tpu.memory_space<semaphore_mem>>)
      %dma_wait3A_3985 = arith.constant 0 : i32
      %dma_wait3A_3986 = tpu.memref_slice %arg3[%dma_wait3A_3985] : memref<16384xi32, #tpu.memory_space<hbm>> -> memref<16384xi32, #tpu.memory_space<hbm>>
      tpu.wait_indirect_dma semaphore(%arg18 : memref<!tpu.dma_semaphore, #tpu.memory_space<semaphore_mem>>) src(%dma_wait3A_3986 : memref<16384xi32, #tpu.memory_space<hbm>>) dst(%arg13 : memref<48xi32, #tpu.memory_space<vmem>>)
      %mul3A_3987 = arith.constant 4095 : i32
      %mul3A_3988 = arith.muli %arg1, %mul3A_3987 : i32
      %broadcast_in_dim3A_3989 = vector.broadcast %mul3A_3988 : i32 to vector<16xi32>
      %swap3A_3990 = arith.constant 32 : index
      %swap3A_3991 = tpu.vector_load %arg13[%swap3A_3990] {strides = array<i32>} : memref<48xi32, #tpu.memory_space<vmem>>, vector<16xi32>,
      tpu.vector_store %arg13[%swap3A_3990], %broadcast_in_dim3A_3989 {strides = array<i32>} : memref<48xi32, #tpu.memory_space<vmem>>, vector<16xi32>,
    } else {
    }
    %eq3A = arith.constant 0 : i32
    %eq3A_3191 = arith.cmpi eq, %arg1, %eq3A : i32
    %convert_element_type3A_3192 = arith.extui %eq3A_3191 : i1 to i32
    %cond3A_3193 = arith.constant 0 : i32
    %cond3A_3194 = arith.cmpi ne, %convert_element_type3A_3192, %cond3A_3193 : i32
    scf.if %cond3A_3194 {
      %dma_start3A_3960 = arith.constant 0 : i32
      %dma_start3A_3961 = tpu.memref_slice %arg4[%dma_start3A_3960] : memref<4096xf32, #tpu.memory_space<hbm>> -> memref<4096xf32, #tpu.memory_space<hbm>>
      tpu.enqueue_indirect_dma source(%dma_start3A_3961 : memref<4096xf32, #tpu.memory_space<hbm>>) target(%arg14 : memref<48xf32, #tpu.memory_space<vmem>>) offsets(%arg13 : memref<48xi32, #tpu.memory_space<vmem>>) semaphore(%arg18 : memref<!tpu.dma_semaphore, #tpu.memory_space<semaphore_mem>>)
      %dma_wait3A_3962 = arith.constant 0 : i32
      %dma_wait3A_3963 = tpu.memref_slice %arg4[%dma_wait3A_3962] : memref<4096xf32, #tpu.memory_space<hbm>> -> memref<4096xf32, #tpu.memory_space<hbm>>
      tpu.wait_indirect_dma semaphore(%arg18 : memref<!tpu.dma_semaphore, #tpu.memory_space<semaphore_mem>>) src(%dma_wait3A_3963 : memref<4096xf32, #tpu.memory_space<hbm>>) dst(%arg14 : memref<48xf32, #tpu.memory_space<vmem>>)
    } else {
    }
    %eq3A_3195 = arith.constant 1 : i32
    %eq3A_3196 = arith.cmpi eq, %arg1, %eq3A_3195 : i32
    %convert_element_type3A_3197 = arith.extui %eq3A_3196 : i1 to i32
    %cond3A_3198 = arith.constant 0 : i32
    %cond3A_3199 = arith.cmpi ne, %convert_element_type3A_3197, %cond3A_3198 : i32
    scf.if %cond3A_3199 {
      %dma_start3A_3960 = arith.constant 0 : i32
      %dma_start3A_3961 = tpu.memref_slice %arg5[%dma_start3A_3960] : memref<4096xf32, #tpu.memory_space<hbm>> -> memref<4096xf32, #tpu.memory_space<hbm>>
      tpu.enqueue_indirect_dma source(%dma_start3A_3961 : memref<4096xf32, #tpu.memory_space<hbm>>) target(%arg14 : memref<48xf32, #tpu.memory_space<vmem>>) offsets(%arg13 : memref<48xi32, #tpu.memory_space<vmem>>) semaphore(%arg18 : memref<!tpu.dma_semaphore, #tpu.memory_space<semaphore_mem>>)
      %dma_wait3A_3962 = arith.constant 0 : i32
      %dma_wait3A_3963 = tpu.memref_slice %arg5[%dma_wait3A_3962] : memref<4096xf32, #tpu.memory_space<hbm>> -> memref<4096xf32, #tpu.memory_space<hbm>>
      tpu.wait_indirect_dma semaphore(%arg18 : memref<!tpu.dma_semaphore, #tpu.memory_space<semaphore_mem>>) src(%dma_wait3A_3963 : memref<4096xf32, #tpu.memory_space<hbm>>) dst(%arg14 : memref<48xf32, #tpu.memory_space<vmem>>)
    } else {
    }
    %get3A_3200 = arith.constant 0 : index
    %get3A_3201 = tpu.vector_load %arg14[%get3A_3200] {strides = array<i32>} : memref<48xf32, #tpu.memory_space<vmem>>, vector<16xf32>,
    %get3A_3202 = arith.constant 16 : index
    %get3A_3203 = tpu.vector_load %arg14[%get3A_3202] {strides = array<i32>} : memref<48xf32, #tpu.memory_space<vmem>>, vector<16xf32>,
    %get3A_3204 = arith.constant 32 : index
    %get3A_3205 = tpu.vector_load %arg14[%get3A_3204] {strides = array<i32>} : memref<48xf32, #tpu.memory_space<vmem>>, vector<16xf32>,
    %add3A_3206 = arith.addf %broadcast_in_dim3A_3173, %get3A_3201 : vector<16xf32>
    %add3A_3207 = arith.addf %add3A_3206, %get3A_3203 : vector<16xf32>
    %eq3A_3208 = arith.constant 0 : i32
    %eq3A_3209 = vector.broadcast %eq3A_3208 : i32 to vector<16xi32>
    %eq3A_3210 = arith.cmpi eq, %iota3A, %eq3A_3209 : vector<16xi32>
    %jit3A_3211 = arith.constant 0.000000e+00 : f32
    %broadcast_in_dim3A_3212 = vector.broadcast %jit3A_3211 : f32 to vector<16xf32>
    %select_n3A_3213 = arith.select %eq3A_3210, %get3A_3205, %broadcast_in_dim3A_3212 : vector<16xi1>, vector<16xf32>
    %add3A_3214 = arith.addf %broadcast_in_dim3A_3175, %select_n3A_3213 : vector<16xf32>
    %dma_wait3A = arith.constant 0 : i32
    %dma_wait3A_3215 = arith.constant 0 : i32
    %dma_wait3A_3216 = arith.constant 0 : i32
    %dma_wait3A_3217 = tpu.memref_slice %arg11[%dma_wait3A_3215, %dma_wait3A_3216] : memref<2x128xf32, #tpu.memory_space<vmem>> -> memref<1x128xf32, #tpu.memory_space<vmem>>
    %dma_wait3A_3218 = tpu.memref_squeeze %dma_wait3A_3217 : memref<1x128xf32, #tpu.memory_space<vmem>> -> memref<128xf32, #tpu.memory_space<vmem>>
    %dma_wait3A_3219 = arith.constant 0 : i32
    %dma_wait3A_3220 = tpu.memref_slice %arg10[%dma_wait3A, %dma_wait3A_3219] : memref<2x128xi32, #tpu.memory_space<vmem>> -> memref<1x128xi32, #tpu.memory_space<vmem>>
    %dma_wait3A_3221 = tpu.memref_squeeze %dma_wait3A_3220 : memref<1x128xi32, #tpu.memory_space<vmem>> -> memref<128xi32, #tpu.memory_space<vmem>>
    %dma_wait3A_3222 = arith.constant 0 : i32
    %dma_wait3A_3223 = tpu.memref_slice %arg2[%dma_wait3A_3222] : memref<16777216xf32, #tpu.memory_space<hbm>> -> memref<16777216xf32, #tpu.memory_space<hbm>>
    tpu.wait_indirect_dma semaphore(%arg17 : memref<!tpu.dma_semaphore, #tpu.memory_space<semaphore_mem>>) src(%dma_wait3A_3223 : memref<16777216xf32, #tpu.memory_space<hbm>>) dst(%dma_wait3A_3218 : memref<128xf32, #tpu.memory_space<vmem>>)
    %dma_wait3A_3224 = arith.constant 1 : i32
    %dma_wait3A_3225 = arith.constant 1 : i32
    %dma_wait3A_3226 = arith.constant 0 : i32
    %dma_wait3A_3227 = tpu.memref_slice %arg11[%dma_wait3A_3225, %dma_wait3A_3226] : memref<2x128xf32, #tpu.memory_space<vmem>> -> memref<1x128xf32, #tpu.memory_space<vmem>>
    %dma_wait3A_3228 = tpu.memref_squeeze %dma_wait3A_3227 : memref<1x128xf32, #tpu.memory_space<vmem>> -> memref<128xf32, #tpu.memory_space<vmem>>
    %dma_wait3A_3229 = arith.constant 0 : i32
    %dma_wait3A_3230 = tpu.memref_slice %arg10[%dma_wait3A_3224, %dma_wait3A_3229] : memref<2x128xi32, #tpu.memory_space<vmem>> -> memref<1x128xi32, #tpu.memory_space<vmem>>
    %dma_wait3A_3231 = tpu.memref_squeeze %dma_wait3A_3230 : memref<1x128xi32, #tpu.memory_space<vmem>> -> memref<128xi32, #tpu.memory_space<vmem>>
    %dma_wait3A_3232 = arith.constant 0 : i32
    %dma_wait3A_3233 = tpu.memref_slice %arg2[%dma_wait3A_3232] : memref<16777216xf32, #tpu.memory_space<hbm>> -> memref<16777216xf32, #tpu.memory_space<hbm>>
    tpu.wait_indirect_dma semaphore(%arg17 : memref<!tpu.dma_semaphore, #tpu.memory_space<semaphore_mem>>) src(%dma_wait3A_3233 : memref<16777216xf32, #tpu.memory_space<hbm>>) dst(%dma_wait3A_3228 : memref<128xf32, #tpu.memory_space<vmem>>)
    %dma_wait3A_3234 = arith.constant 0 : i32
    %dma_wait3A_3235 = arith.constant 0 : i32
    %dma_wait3A_3236 = arith.constant 0 : i32
    %dma_wait3A_3237 = tpu.memref_slice %arg9[%dma_wait3A_3235, %dma_wait3A_3236] : memref<8x128xf32, #tpu.memory_space<vmem>> -> memref<1x128xf32, #tpu.memory_space<vmem>>
    %dma_wait3A_3238 = tpu.memref_squeeze %dma_wait3A_3237 : memref<1x128xf32, #tpu.memory_space<vmem>> -> memref<128xf32, #tpu.memory_space<vmem>>
    %dma_wait3A_3239 = arith.constant 0 : i32
    %dma_wait3A_3240 = tpu.memref_slice %arg8[%dma_wait3A_3234, %dma_wait3A_3239] : memref<8x128xi32, #tpu.memory_space<vmem>> -> memref<1x128xi32, #tpu.memory_space<vmem>>
    %dma_wait3A_3241 = tpu.memref_squeeze %dma_wait3A_3240 : memref<1x128xi32, #tpu.memory_space<vmem>> -> memref<128xi32, #tpu.memory_space<vmem>>
    %dma_wait3A_3242 = arith.constant 0 : i32
    %dma_wait3A_3243 = tpu.memref_slice %arg2[%dma_wait3A_3242] : memref<16777216xf32, #tpu.memory_space<hbm>> -> memref<16777216xf32, #tpu.memory_space<hbm>>
    tpu.wait_indirect_dma semaphore(%arg17 : memref<!tpu.dma_semaphore, #tpu.memory_space<semaphore_mem>>) src(%dma_wait3A_3243 : memref<16777216xf32, #tpu.memory_space<hbm>>) dst(%dma_wait3A_3238 : memref<128xf32, #tpu.memory_space<vmem>>)
    %dma_wait3A_3244 = arith.constant 1 : i32
    %dma_wait3A_3245 = arith.constant 1 : i32
    %dma_wait3A_3246 = arith.constant 0 : i32
    %dma_wait3A_3247 = tpu.memref_slice %arg9[%dma_wait3A_3245, %dma_wait3A_3246] : memref<8x128xf32, #tpu.memory_space<vmem>> -> memref<1x128xf32, #tpu.memory_space<vmem>>
    %dma_wait3A_3248 = tpu.memref_squeeze %dma_wait3A_3247 : memref<1x128xf32, #tpu.memory_space<vmem>> -> memref<128xf32, #tpu.memory_space<vmem>>
    %dma_wait3A_3249 = arith.constant 0 : i32
    %dma_wait3A_3250 = tpu.memref_slice %arg8[%dma_wait3A_3244, %dma_wait3A_3249] : memref<8x128xi32, #tpu.memory_space<vmem>> -> memref<1x128xi32, #tpu.memory_space<vmem>>
    %dma_wait3A_3251 = tpu.memref_squeeze %dma_wait3A_3250 : memref<1x128xi32, #tpu.memory_space<vmem>> -> memref<128xi32, #tpu.memory_space<vmem>>
    %dma_wait3A_3252 = arith.constant 0 : i32
    %dma_wait3A_3253 = tpu.memref_slice %arg2[%dma_wait3A_3252] : memref<16777216xf32, #tpu.memory_space<hbm>> -> memref<16777216xf32, #tpu.memory_space<hbm>>
    tpu.wait_indirect_dma semaphore(%arg17 : memref<!tpu.dma_semaphore, #tpu.memory_space<semaphore_mem>>) src(%dma_wait3A_3253 : memref<16777216xf32, #tpu.memory_space<hbm>>) dst(%dma_wait3A_3248 : memref<128xf32, #tpu.memory_space<vmem>>)
    %dma_wait3A_3254 = arith.constant 2 : i32
    %dma_wait3A_3255 = arith.constant 2 : i32
    %dma_wait3A_3256 = arith.constant 0 : i32
    %dma_wait3A_3257 = tpu.memref_slice %arg9[%dma_wait3A_3255, %dma_wait3A_3256] : memref<8x128xf32, #tpu.memory_space<vmem>> -> memref<1x128xf32, #tpu.memory_space<vmem>>
    %dma_wait3A_3258 = tpu.memref_squeeze %dma_wait3A_3257 : memref<1x128xf32, #tpu.memory_space<vmem>> -> memref<128xf32, #tpu.memory_space<vmem>>
    %dma_wait3A_3259 = arith.constant 0 : i32
    %dma_wait3A_3260 = tpu.memref_slice %arg8[%dma_wait3A_3254, %dma_wait3A_3259] : memref<8x128xi32, #tpu.memory_space<vmem>> -> memref<1x128xi32, #tpu.memory_space<vmem>>
    %dma_wait3A_3261 = tpu.memref_squeeze %dma_wait3A_3260 : memref<1x128xi32, #tpu.memory_space<vmem>> -> memref<128xi32, #tpu.memory_space<vmem>>
    %dma_wait3A_3262 = arith.constant 0 : i32
    %dma_wait3A_3263 = tpu.memref_slice %arg2[%dma_wait3A_3262] : memref<16777216xf32, #tpu.memory_space<hbm>> -> memref<16777216xf32, #tpu.memory_space<hbm>>
    tpu.wait_indirect_dma semaphore(%arg17 : memref<!tpu.dma_semaphore, #tpu.memory_space<semaphore_mem>>) src(%dma_wait3A_3263 : memref<16777216xf32, #tpu.memory_space<hbm>>) dst(%dma_wait3A_3258 : memref<128xf32, #tpu.memory_space<vmem>>)
    %dma_wait3A_3264 = arith.constant 3 : i32
    %dma_wait3A_3265 = arith.constant 3 : i32
    %dma_wait3A_3266 = arith.constant 0 : i32
    %dma_wait3A_3267 = tpu.memref_slice %arg9[%dma_wait3A_3265, %dma_wait3A_3266] : memref<8x128xf32, #tpu.memory_space<vmem>> -> memref<1x128xf32, #tpu.memory_space<vmem>>
    %dma_wait3A_3268 = tpu.memref_squeeze %dma_wait3A_3267 : memref<1x128xf32, #tpu.memory_space<vmem>> -> memref<128xf32, #tpu.memory_space<vmem>>
    %dma_wait3A_3269 = arith.constant 0 : i32
    %dma_wait3A_3270 = tpu.memref_slice %arg8[%dma_wait3A_3264, %dma_wait3A_3269] : memref<8x128xi32, #tpu.memory_space<vmem>> -> memref<1x128xi32, #tpu.memory_space<vmem>>
    %dma_wait3A_3271 = tpu.memref_squeeze %dma_wait3A_3270 : memref<1x128xi32, #tpu.memory_space<vmem>> -> memref<128xi32, #tpu.memory_space<vmem>>
    %dma_wait3A_3272 = arith.constant 0 : i32
    %dma_wait3A_3273 = tpu.memref_slice %arg2[%dma_wait3A_3272] : memref<16777216xf32, #tpu.memory_space<hbm>> -> memref<16777216xf32, #tpu.memory_space<hbm>>
    tpu.wait_indirect_dma semaphore(%arg17 : memref<!tpu.dma_semaphore, #tpu.memory_space<semaphore_mem>>) src(%dma_wait3A_3273 : memref<16777216xf32, #tpu.memory_space<hbm>>) dst(%dma_wait3A_3268 : memref<128xf32, #tpu.memory_space<vmem>>)
    %dma_wait3A_3274 = arith.constant 4 : i32
    %dma_wait3A_3275 = arith.constant 4 : i32
    %dma_wait3A_3276 = arith.constant 0 : i32
    %dma_wait3A_3277 = tpu.memref_slice %arg9[%dma_wait3A_3275, %dma_wait3A_3276] : memref<8x128xf32, #tpu.memory_space<vmem>> -> memref<1x128xf32, #tpu.memory_space<vmem>>
    %dma_wait3A_3278 = tpu.memref_squeeze %dma_wait3A_3277 : memref<1x128xf32, #tpu.memory_space<vmem>> -> memref<128xf32, #tpu.memory_space<vmem>>
    %dma_wait3A_3279 = arith.constant 0 : i32
    %dma_wait3A_3280 = tpu.memref_slice %arg8[%dma_wait3A_3274, %dma_wait3A_3279] : memref<8x128xi32, #tpu.memory_space<vmem>> -> memref<1x128xi32, #tpu.memory_space<vmem>>
    %dma_wait3A_3281 = tpu.memref_squeeze %dma_wait3A_3280 : memref<1x128xi32, #tpu.memory_space<vmem>> -> memref<128xi32, #tpu.memory_space<vmem>>
    %dma_wait3A_3282 = arith.constant 0 : i32
    %dma_wait3A_3283 = tpu.memref_slice %arg2[%dma_wait3A_3282] : memref<16777216xf32, #tpu.memory_space<hbm>> -> memref<16777216xf32, #tpu.memory_space<hbm>>
    tpu.wait_indirect_dma semaphore(%arg17 : memref<!tpu.dma_semaphore, #tpu.memory_space<semaphore_mem>>) src(%dma_wait3A_3283 : memref<16777216xf32, #tpu.memory_space<hbm>>) dst(%dma_wait3A_3278 : memref<128xf32, #tpu.memory_space<vmem>>)
    %dma_wait3A_3284 = arith.constant 5 : i32
    %dma_wait3A_3285 = arith.constant 5 : i32
    %dma_wait3A_3286 = arith.constant 0 : i32
    %dma_wait3A_3287 = tpu.memref_slice %arg9[%dma_wait3A_3285, %dma_wait3A_3286] : memref<8x128xf32, #tpu.memory_space<vmem>> -> memref<1x128xf32, #tpu.memory_space<vmem>>
    %dma_wait3A_3288 = tpu.memref_squeeze %dma_wait3A_3287 : memref<1x128xf32, #tpu.memory_space<vmem>> -> memref<128xf32, #tpu.memory_space<vmem>>
    %dma_wait3A_3289 = arith.constant 0 : i32
    %dma_wait3A_3290 = tpu.memref_slice %arg8[%dma_wait3A_3284, %dma_wait3A_3289] : memref<8x128xi32, #tpu.memory_space<vmem>> -> memref<1x128xi32, #tpu.memory_space<vmem>>
    %dma_wait3A_3291 = tpu.memref_squeeze %dma_wait3A_3290 : memref<1x128xi32, #tpu.memory_space<vmem>> -> memref<128xi32, #tpu.memory_space<vmem>>
    %dma_wait3A_3292 = arith.constant 0 : i32
    %dma_wait3A_3293 = tpu.memref_slice %arg2[%dma_wait3A_3292] : memref<16777216xf32, #tpu.memory_space<hbm>> -> memref<16777216xf32, #tpu.memory_space<hbm>>
    tpu.wait_indirect_dma semaphore(%arg17 : memref<!tpu.dma_semaphore, #tpu.memory_space<semaphore_mem>>) src(%dma_wait3A_3293 : memref<16777216xf32, #tpu.memory_space<hbm>>) dst(%dma_wait3A_3288 : memref<128xf32, #tpu.memory_space<vmem>>)
    %dma_wait3A_3294 = arith.constant 6 : i32
    %dma_wait3A_3295 = arith.constant 6 : i32
    %dma_wait3A_3296 = arith.constant 0 : i32
    %dma_wait3A_3297 = tpu.memref_slice %arg9[%dma_wait3A_3295, %dma_wait3A_3296] : memref<8x128xf32, #tpu.memory_space<vmem>> -> memref<1x128xf32, #tpu.memory_space<vmem>>
    %dma_wait3A_3298 = tpu.memref_squeeze %dma_wait3A_3297 : memref<1x128xf32, #tpu.memory_space<vmem>> -> memref<128xf32, #tpu.memory_space<vmem>>
    %dma_wait3A_3299 = arith.constant 0 : i32
    %dma_wait3A_3300 = tpu.memref_slice %arg8[%dma_wait3A_3294, %dma_wait3A_3299] : memref<8x128xi32, #tpu.memory_space<vmem>> -> memref<1x128xi32, #tpu.memory_space<vmem>>
    %dma_wait3A_3301 = tpu.memref_squeeze %dma_wait3A_3300 : memref<1x128xi32, #tpu.memory_space<vmem>> -> memref<128xi32, #tpu.memory_space<vmem>>
    %dma_wait3A_3302 = arith.constant 0 : i32
    %dma_wait3A_3303 = tpu.memref_slice %arg2[%dma_wait3A_3302] : memref<16777216xf32, #tpu.memory_space<hbm>> -> memref<16777216xf32, #tpu.memory_space<hbm>>
    tpu.wait_indirect_dma semaphore(%arg17 : memref<!tpu.dma_semaphore, #tpu.memory_space<semaphore_mem>>) src(%dma_wait3A_3303 : memref<16777216xf32, #tpu.memory_space<hbm>>) dst(%dma_wait3A_3298 : memref<128xf32, #tpu.memory_space<vmem>>)
    %dma_wait3A_3304 = arith.constant 7 : i32
    %dma_wait3A_3305 = arith.constant 7 : i32
    %dma_wait3A_3306 = arith.constant 0 : i32
    %dma_wait3A_3307 = tpu.memref_slice %arg9[%dma_wait3A_3305, %dma_wait3A_3306] : memref<8x128xf32, #tpu.memory_space<vmem>> -> memref<1x128xf32, #tpu.memory_space<vmem>>
    %dma_wait3A_3308 = tpu.memref_squeeze %dma_wait3A_3307 : memref<1x128xf32, #tpu.memory_space<vmem>> -> memref<128xf32, #tpu.memory_space<vmem>>
    %dma_wait3A_3309 = arith.constant 0 : i32
    %dma_wait3A_3310 = tpu.memref_slice %arg8[%dma_wait3A_3304, %dma_wait3A_3309] : memref<8x128xi32, #tpu.memory_space<vmem>> -> memref<1x128xi32, #tpu.memory_space<vmem>>
    %dma_wait3A_3311 = tpu.memref_squeeze %dma_wait3A_3310 : memref<1x128xi32, #tpu.memory_space<vmem>> -> memref<128xi32, #tpu.memory_space<vmem>>
    %dma_wait3A_3312 = arith.constant 0 : i32
    %dma_wait3A_3313 = tpu.memref_slice %arg2[%dma_wait3A_3312] : memref<16777216xf32, #tpu.memory_space<hbm>> -> memref<16777216xf32, #tpu.memory_space<hbm>>
    tpu.wait_indirect_dma semaphore(%arg17 : memref<!tpu.dma_semaphore, #tpu.memory_space<semaphore_mem>>) src(%dma_wait3A_3313 : memref<16777216xf32, #tpu.memory_space<hbm>>) dst(%dma_wait3A_3308 : memref<128xf32, #tpu.memory_space<vmem>>)
    %get3A_3314 = arith.constant 0 : i32
    %get3A_3315 = arith.index_cast %get3A_3314 : i32 to index
    %get3A_3316 = arith.constant 0 : index
    %get3A_3317 = tpu.vector_load %arg11[%get3A_3315, %get3A_3316] {strides = array<i32>} : memref<2x128xf32, #tpu.memory_space<vmem>>, vector<16xf32>,
    %mul3A_3318 = arith.constant 256 : i32
    %mul3A_3319 = arith.muli %arg1, %mul3A_3318 : i32
    %add3A_3320 = vector.broadcast %mul3A_3319 : i32 to vector<16xi32>
    %add3A_3321 = arith.addi %iota3A, %add3A_3320 : vector<16xi32>
    %add3A_3322 = arith.constant 0 : i32
    %add3A_3323 = vector.broadcast %add3A_3322 : i32 to vector<16xi32>
    %add3A_3324 = arith.addi %add3A_3321, %add3A_3323 : vector<16xi32>
    %lt3A_3325 = arith.constant 4095 : i32
    %lt3A_3326 = vector.broadcast %lt3A_3325 : i32 to vector<16xi32>
    %lt3A_3327 = arith.cmpi slt, %add3A_3324, %lt3A_3326 : vector<16xi32>
    %jit3A_3328 = arith.constant 0.000000e+00 : f32
    %broadcast_in_dim3A_3329 = vector.broadcast %jit3A_3328 : f32 to vector<16xf32>
    %select_n3A_3330 = arith.select %lt3A_3327, %get3A_3317, %broadcast_in_dim3A_3329 : vector<16xi1>, vector<16xf32>
    %add3A_3331 = arith.addf %add3A_3214, %select_n3A_3330 : vector<16xf32>
    %get3A_3332 = arith.constant 0 : i32
    %get3A_3333 = arith.index_cast %get3A_3332 : i32 to index
    %get3A_3334 = arith.constant 16 : index
    %get3A_3335 = tpu.vector_load %arg11[%get3A_3333, %get3A_3334] {strides = array<i32>} : memref<2x128xf32, #tpu.memory_space<vmem>>, vector<16xf32>,
    %mul3A_3336 = arith.constant 256 : i32
    %mul3A_3337 = arith.muli %arg1, %mul3A_3336 : i32
    %add3A_3338 = vector.broadcast %mul3A_3337 : i32 to vector<16xi32>
    %add3A_3339 = arith.addi %iota3A, %add3A_3338 : vector<16xi32>
    %add3A_3340 = arith.constant 16 : i32
    %add3A_3341 = vector.broadcast %add3A_3340 : i32 to vector<16xi32>
    %add3A_3342 = arith.addi %add3A_3339, %add3A_3341 : vector<16xi32>
    %lt3A_3343 = arith.constant 4095 : i32
    %lt3A_3344 = vector.broadcast %lt3A_3343 : i32 to vector<16xi32>
    %lt3A_3345 = arith.cmpi slt, %add3A_3342, %lt3A_3344 : vector<16xi32>
    %jit3A_3346 = arith.constant 0.000000e+00 : f32
    %broadcast_in_dim3A_3347 = vector.broadcast %jit3A_3346 : f32 to vector<16xf32>
    %select_n3A_3348 = arith.select %lt3A_3345, %get3A_3335, %broadcast_in_dim3A_3347 : vector<16xi1>, vector<16xf32>
    %add3A_3349 = arith.addf %add3A_3331, %select_n3A_3348 : vector<16xf32>
    %get3A_3350 = arith.constant 0 : i32
    %get3A_3351 = arith.index_cast %get3A_3350 : i32 to index
    %get3A_3352 = arith.constant 32 : index
    %get3A_3353 = tpu.vector_load %arg11[%get3A_3351, %get3A_3352] {strides = array<i32>} : memref<2x128xf32, #tpu.memory_space<vmem>>, vector<16xf32>,
    %mul3A_3354 = arith.constant 256 : i32
    %mul3A_3355 = arith.muli %arg1, %mul3A_3354 : i32
    %add3A_3356 = vector.broadcast %mul3A_3355 : i32 to vector<16xi32>
    %add3A_3357 = arith.addi %iota3A, %add3A_3356 : vector<16xi32>
    %add3A_3358 = arith.constant 32 : i32
    %add3A_3359 = vector.broadcast %add3A_3358 : i32 to vector<16xi32>
    %add3A_3360 = arith.addi %add3A_3357, %add3A_3359 : vector<16xi32>
    %lt3A_3361 = arith.constant 4095 : i32
    %lt3A_3362 = vector.broadcast %lt3A_3361 : i32 to vector<16xi32>
    %lt3A_3363 = arith.cmpi slt, %add3A_3360, %lt3A_3362 : vector<16xi32>
    %jit3A_3364 = arith.constant 0.000000e+00 : f32
    %broadcast_in_dim3A_3365 = vector.broadcast %jit3A_3364 : f32 to vector<16xf32>
    %select_n3A_3366 = arith.select %lt3A_3363, %get3A_3353, %broadcast_in_dim3A_3365 : vector<16xi1>, vector<16xf32>
    %add3A_3367 = arith.addf %add3A_3349, %select_n3A_3366 : vector<16xf32>
    %get3A_3368 = arith.constant 0 : i32
    %get3A_3369 = arith.index_cast %get3A_3368 : i32 to index
    %get3A_3370 = arith.constant 48 : index
    %get3A_3371 = tpu.vector_load %arg11[%get3A_3369, %get3A_3370] {strides = array<i32>} : memref<2x128xf32, #tpu.memory_space<vmem>>, vector<16xf32>,
    %mul3A_3372 = arith.constant 256 : i32
    %mul3A_3373 = arith.muli %arg1, %mul3A_3372 : i32
    %add3A_3374 = vector.broadcast %mul3A_3373 : i32 to vector<16xi32>
    %add3A_3375 = arith.addi %iota3A, %add3A_3374 : vector<16xi32>
    %add3A_3376 = arith.constant 48 : i32
    %add3A_3377 = vector.broadcast %add3A_3376 : i32 to vector<16xi32>
    %add3A_3378 = arith.addi %add3A_3375, %add3A_3377 : vector<16xi32>
    %lt3A_3379 = arith.constant 4095 : i32
    %lt3A_3380 = vector.broadcast %lt3A_3379 : i32 to vector<16xi32>
    %lt3A_3381 = arith.cmpi slt, %add3A_3378, %lt3A_3380 : vector<16xi32>
    %jit3A_3382 = arith.constant 0.000000e+00 : f32
    %broadcast_in_dim3A_3383 = vector.broadcast %jit3A_3382 : f32 to vector<16xf32>
    %select_n3A_3384 = arith.select %lt3A_3381, %get3A_3371, %broadcast_in_dim3A_3383 : vector<16xi1>, vector<16xf32>
    %add3A_3385 = arith.addf %add3A_3367, %select_n3A_3384 : vector<16xf32>
    %get3A_3386 = arith.constant 0 : i32
    %get3A_3387 = arith.index_cast %get3A_3386 : i32 to index
    %get3A_3388 = arith.constant 64 : index
    %get3A_3389 = tpu.vector_load %arg11[%get3A_3387, %get3A_3388] {strides = array<i32>} : memref<2x128xf32, #tpu.memory_space<vmem>>, vector<16xf32>,
    %mul3A_3390 = arith.constant 256 : i32
    %mul3A_3391 = arith.muli %arg1, %mul3A_3390 : i32
    %add3A_3392 = vector.broadcast %mul3A_3391 : i32 to vector<16xi32>
    %add3A_3393 = arith.addi %iota3A, %add3A_3392 : vector<16xi32>
    %add3A_3394 = arith.constant 64 : i32
    %add3A_3395 = vector.broadcast %add3A_3394 : i32 to vector<16xi32>
    %add3A_3396 = arith.addi %add3A_3393, %add3A_3395 : vector<16xi32>
    %lt3A_3397 = arith.constant 4095 : i32
    %lt3A_3398 = vector.broadcast %lt3A_3397 : i32 to vector<16xi32>
    %lt3A_3399 = arith.cmpi slt, %add3A_3396, %lt3A_3398 : vector<16xi32>
    %jit3A_3400 = arith.constant 0.000000e+00 : f32
    %broadcast_in_dim3A_3401 = vector.broadcast %jit3A_3400 : f32 to vector<16xf32>
    %select_n3A_3402 = arith.select %lt3A_3399, %get3A_3389, %broadcast_in_dim3A_3401 : vector<16xi1>, vector<16xf32>
    %add3A_3403 = arith.addf %add3A_3385, %select_n3A_3402 : vector<16xf32>
    %get3A_3404 = arith.constant 0 : i32
    %get3A_3405 = arith.index_cast %get3A_3404 : i32 to index
    %get3A_3406 = arith.constant 80 : index
    %get3A_3407 = tpu.vector_load %arg11[%get3A_3405, %get3A_3406] {strides = array<i32>} : memref<2x128xf32, #tpu.memory_space<vmem>>, vector<16xf32>,
    %mul3A_3408 = arith.constant 256 : i32
    %mul3A_3409 = arith.muli %arg1, %mul3A_3408 : i32
    %add3A_3410 = vector.broadcast %mul3A_3409 : i32 to vector<16xi32>
    %add3A_3411 = arith.addi %iota3A, %add3A_3410 : vector<16xi32>
    %add3A_3412 = arith.constant 80 : i32
    %add3A_3413 = vector.broadcast %add3A_3412 : i32 to vector<16xi32>
    %add3A_3414 = arith.addi %add3A_3411, %add3A_3413 : vector<16xi32>
    %lt3A_3415 = arith.constant 4095 : i32
    %lt3A_3416 = vector.broadcast %lt3A_3415 : i32 to vector<16xi32>
    %lt3A_3417 = arith.cmpi slt, %add3A_3414, %lt3A_3416 : vector<16xi32>
    %jit3A_3418 = arith.constant 0.000000e+00 : f32
    %broadcast_in_dim3A_3419 = vector.broadcast %jit3A_3418 : f32 to vector<16xf32>
    %select_n3A_3420 = arith.select %lt3A_3417, %get3A_3407, %broadcast_in_dim3A_3419 : vector<16xi1>, vector<16xf32>
    %add3A_3421 = arith.addf %add3A_3403, %select_n3A_3420 : vector<16xf32>
    %get3A_3422 = arith.constant 0 : i32
    %get3A_3423 = arith.index_cast %get3A_3422 : i32 to index
    %get3A_3424 = arith.constant 96 : index
    %get3A_3425 = tpu.vector_load %arg11[%get3A_3423, %get3A_3424] {strides = array<i32>} : memref<2x128xf32, #tpu.memory_space<vmem>>, vector<16xf32>,
    %mul3A_3426 = arith.constant 256 : i32
    %mul3A_3427 = arith.muli %arg1, %mul3A_3426 : i32
    %add3A_3428 = vector.broadcast %mul3A_3427 : i32 to vector<16xi32>
    %add3A_3429 = arith.addi %iota3A, %add3A_3428 : vector<16xi32>
    %add3A_3430 = arith.constant 96 : i32
    %add3A_3431 = vector.broadcast %add3A_3430 : i32 to vector<16xi32>
    %add3A_3432 = arith.addi %add3A_3429, %add3A_3431 : vector<16xi32>
    %lt3A_3433 = arith.constant 4095 : i32
    %lt3A_3434 = vector.broadcast %lt3A_3433 : i32 to vector<16xi32>
    %lt3A_3435 = arith.cmpi slt, %add3A_3432, %lt3A_3434 : vector<16xi32>
    %jit3A_3436 = arith.constant 0.000000e+00 : f32
    %broadcast_in_dim3A_3437 = vector.broadcast %jit3A_3436 : f32 to vector<16xf32>
    %select_n3A_3438 = arith.select %lt3A_3435, %get3A_3425, %broadcast_in_dim3A_3437 : vector<16xi1>, vector<16xf32>
    %add3A_3439 = arith.addf %add3A_3421, %select_n3A_3438 : vector<16xf32>
    %get3A_3440 = arith.constant 0 : i32
    %get3A_3441 = arith.index_cast %get3A_3440 : i32 to index
    %get3A_3442 = arith.constant 112 : index
    %get3A_3443 = tpu.vector_load %arg11[%get3A_3441, %get3A_3442] {strides = array<i32>} : memref<2x128xf32, #tpu.memory_space<vmem>>, vector<16xf32>,
    %mul3A_3444 = arith.constant 256 : i32
    %mul3A_3445 = arith.muli %arg1, %mul3A_3444 : i32
    %add3A_3446 = vector.broadcast %mul3A_3445 : i32 to vector<16xi32>
    %add3A_3447 = arith.addi %iota3A, %add3A_3446 : vector<16xi32>
    %add3A_3448 = arith.constant 112 : i32
    %add3A_3449 = vector.broadcast %add3A_3448 : i32 to vector<16xi32>
    %add3A_3450 = arith.addi %add3A_3447, %add3A_3449 : vector<16xi32>
    %lt3A_3451 = arith.constant 4095 : i32
    %lt3A_3452 = vector.broadcast %lt3A_3451 : i32 to vector<16xi32>
    %lt3A_3453 = arith.cmpi slt, %add3A_3450, %lt3A_3452 : vector<16xi32>
    %jit3A_3454 = arith.constant 0.000000e+00 : f32
    %broadcast_in_dim3A_3455 = vector.broadcast %jit3A_3454 : f32 to vector<16xf32>
    %select_n3A_3456 = arith.select %lt3A_3453, %get3A_3443, %broadcast_in_dim3A_3455 : vector<16xi1>, vector<16xf32>
    %add3A_3457 = arith.addf %add3A_3439, %select_n3A_3456 : vector<16xf32>
    %get3A_3458 = arith.constant 1 : i32
    %get3A_3459 = arith.index_cast %get3A_3458 : i32 to index
    %get3A_3460 = arith.constant 0 : index
    %get3A_3461 = tpu.vector_load %arg11[%get3A_3459, %get3A_3460] {strides = array<i32>} : memref<2x128xf32, #tpu.memory_space<vmem>>, vector<16xf32>,
    %mul3A_3462 = arith.constant 256 : i32
    %mul3A_3463 = arith.muli %arg1, %mul3A_3462 : i32
    %add3A_3464 = vector.broadcast %mul3A_3463 : i32 to vector<16xi32>
    %add3A_3465 = arith.addi %iota3A, %add3A_3464 : vector<16xi32>
    %add3A_3466 = arith.constant 128 : i32
    %add3A_3467 = vector.broadcast %add3A_3466 : i32 to vector<16xi32>
    %add3A_3468 = arith.addi %add3A_3465, %add3A_3467 : vector<16xi32>
    %lt3A_3469 = arith.constant 4095 : i32
    %lt3A_3470 = vector.broadcast %lt3A_3469 : i32 to vector<16xi32>
    %lt3A_3471 = arith.cmpi slt, %add3A_3468, %lt3A_3470 : vector<16xi32>
    %jit3A_3472 = arith.constant 0.000000e+00 : f32
    %broadcast_in_dim3A_3473 = vector.broadcast %jit3A_3472 : f32 to vector<16xf32>
    %select_n3A_3474 = arith.select %lt3A_3471, %get3A_3461, %broadcast_in_dim3A_3473 : vector<16xi1>, vector<16xf32>
    %add3A_3475 = arith.addf %add3A_3457, %select_n3A_3474 : vector<16xf32>
    %get3A_3476 = arith.constant 1 : i32
    %get3A_3477 = arith.index_cast %get3A_3476 : i32 to index
    %get3A_3478 = arith.constant 16 : index
    %get3A_3479 = tpu.vector_load %arg11[%get3A_3477, %get3A_3478] {strides = array<i32>} : memref<2x128xf32, #tpu.memory_space<vmem>>, vector<16xf32>,
    %mul3A_3480 = arith.constant 256 : i32
    %mul3A_3481 = arith.muli %arg1, %mul3A_3480 : i32
    %add3A_3482 = vector.broadcast %mul3A_3481 : i32 to vector<16xi32>
    %add3A_3483 = arith.addi %iota3A, %add3A_3482 : vector<16xi32>
    %add3A_3484 = arith.constant 144 : i32
    %add3A_3485 = vector.broadcast %add3A_3484 : i32 to vector<16xi32>
    %add3A_3486 = arith.addi %add3A_3483, %add3A_3485 : vector<16xi32>
    %lt3A_3487 = arith.constant 4095 : i32
    %lt3A_3488 = vector.broadcast %lt3A_3487 : i32 to vector<16xi32>
    %lt3A_3489 = arith.cmpi slt, %add3A_3486, %lt3A_3488 : vector<16xi32>
    %jit3A_3490 = arith.constant 0.000000e+00 : f32
    %broadcast_in_dim3A_3491 = vector.broadcast %jit3A_3490 : f32 to vector<16xf32>
    %select_n3A_3492 = arith.select %lt3A_3489, %get3A_3479, %broadcast_in_dim3A_3491 : vector<16xi1>, vector<16xf32>
    %add3A_3493 = arith.addf %add3A_3475, %select_n3A_3492 : vector<16xf32>
    %get3A_3494 = arith.constant 1 : i32
    %get3A_3495 = arith.index_cast %get3A_3494 : i32 to index
    %get3A_3496 = arith.constant 32 : index
    %get3A_3497 = tpu.vector_load %arg11[%get3A_3495, %get3A_3496] {strides = array<i32>} : memref<2x128xf32, #tpu.memory_space<vmem>>, vector<16xf32>,
    %mul3A_3498 = arith.constant 256 : i32
    %mul3A_3499 = arith.muli %arg1, %mul3A_3498 : i32
    %add3A_3500 = vector.broadcast %mul3A_3499 : i32 to vector<16xi32>
    %add3A_3501 = arith.addi %iota3A, %add3A_3500 : vector<16xi32>
    %add3A_3502 = arith.constant 160 : i32
    %add3A_3503 = vector.broadcast %add3A_3502 : i32 to vector<16xi32>
    %add3A_3504 = arith.addi %add3A_3501, %add3A_3503 : vector<16xi32>
    %lt3A_3505 = arith.constant 4095 : i32
    %lt3A_3506 = vector.broadcast %lt3A_3505 : i32 to vector<16xi32>
    %lt3A_3507 = arith.cmpi slt, %add3A_3504, %lt3A_3506 : vector<16xi32>
    %jit3A_3508 = arith.constant 0.000000e+00 : f32
    %broadcast_in_dim3A_3509 = vector.broadcast %jit3A_3508 : f32 to vector<16xf32>
    %select_n3A_3510 = arith.select %lt3A_3507, %get3A_3497, %broadcast_in_dim3A_3509 : vector<16xi1>, vector<16xf32>
    %add3A_3511 = arith.addf %add3A_3493, %select_n3A_3510 : vector<16xf32>
    %get3A_3512 = arith.constant 1 : i32
    %get3A_3513 = arith.index_cast %get3A_3512 : i32 to index
    %get3A_3514 = arith.constant 48 : index
    %get3A_3515 = tpu.vector_load %arg11[%get3A_3513, %get3A_3514] {strides = array<i32>} : memref<2x128xf32, #tpu.memory_space<vmem>>, vector<16xf32>,
    %mul3A_3516 = arith.constant 256 : i32
    %mul3A_3517 = arith.muli %arg1, %mul3A_3516 : i32
    %add3A_3518 = vector.broadcast %mul3A_3517 : i32 to vector<16xi32>
    %add3A_3519 = arith.addi %iota3A, %add3A_3518 : vector<16xi32>
    %add3A_3520 = arith.constant 176 : i32
    %add3A_3521 = vector.broadcast %add3A_3520 : i32 to vector<16xi32>
    %add3A_3522 = arith.addi %add3A_3519, %add3A_3521 : vector<16xi32>
    %lt3A_3523 = arith.constant 4095 : i32
    %lt3A_3524 = vector.broadcast %lt3A_3523 : i32 to vector<16xi32>
    %lt3A_3525 = arith.cmpi slt, %add3A_3522, %lt3A_3524 : vector<16xi32>
    %jit3A_3526 = arith.constant 0.000000e+00 : f32
    %broadcast_in_dim3A_3527 = vector.broadcast %jit3A_3526 : f32 to vector<16xf32>
    %select_n3A_3528 = arith.select %lt3A_3525, %get3A_3515, %broadcast_in_dim3A_3527 : vector<16xi1>, vector<16xf32>
    %add3A_3529 = arith.addf %add3A_3511, %select_n3A_3528 : vector<16xf32>
    %get3A_3530 = arith.constant 1 : i32
    %get3A_3531 = arith.index_cast %get3A_3530 : i32 to index
    %get3A_3532 = arith.constant 64 : index
    %get3A_3533 = tpu.vector_load %arg11[%get3A_3531, %get3A_3532] {strides = array<i32>} : memref<2x128xf32, #tpu.memory_space<vmem>>, vector<16xf32>,
    %mul3A_3534 = arith.constant 256 : i32
    %mul3A_3535 = arith.muli %arg1, %mul3A_3534 : i32
    %add3A_3536 = vector.broadcast %mul3A_3535 : i32 to vector<16xi32>
    %add3A_3537 = arith.addi %iota3A, %add3A_3536 : vector<16xi32>
    %add3A_3538 = arith.constant 192 : i32
    %add3A_3539 = vector.broadcast %add3A_3538 : i32 to vector<16xi32>
    %add3A_3540 = arith.addi %add3A_3537, %add3A_3539 : vector<16xi32>
    %lt3A_3541 = arith.constant 4095 : i32
    %lt3A_3542 = vector.broadcast %lt3A_3541 : i32 to vector<16xi32>
    %lt3A_3543 = arith.cmpi slt, %add3A_3540, %lt3A_3542 : vector<16xi32>
    %jit3A_3544 = arith.constant 0.000000e+00 : f32
    %broadcast_in_dim3A_3545 = vector.broadcast %jit3A_3544 : f32 to vector<16xf32>
    %select_n3A_3546 = arith.select %lt3A_3543, %get3A_3533, %broadcast_in_dim3A_3545 : vector<16xi1>, vector<16xf32>
    %add3A_3547 = arith.addf %add3A_3529, %select_n3A_3546 : vector<16xf32>
    %get3A_3548 = arith.constant 1 : i32
    %get3A_3549 = arith.index_cast %get3A_3548 : i32 to index
    %get3A_3550 = arith.constant 80 : index
    %get3A_3551 = tpu.vector_load %arg11[%get3A_3549, %get3A_3550] {strides = array<i32>} : memref<2x128xf32, #tpu.memory_space<vmem>>, vector<16xf32>,
    %mul3A_3552 = arith.constant 256 : i32
    %mul3A_3553 = arith.muli %arg1, %mul3A_3552 : i32
    %add3A_3554 = vector.broadcast %mul3A_3553 : i32 to vector<16xi32>
    %add3A_3555 = arith.addi %iota3A, %add3A_3554 : vector<16xi32>
    %add3A_3556 = arith.constant 208 : i32
    %add3A_3557 = vector.broadcast %add3A_3556 : i32 to vector<16xi32>
    %add3A_3558 = arith.addi %add3A_3555, %add3A_3557 : vector<16xi32>
    %lt3A_3559 = arith.constant 4095 : i32
    %lt3A_3560 = vector.broadcast %lt3A_3559 : i32 to vector<16xi32>
    %lt3A_3561 = arith.cmpi slt, %add3A_3558, %lt3A_3560 : vector<16xi32>
    %jit3A_3562 = arith.constant 0.000000e+00 : f32
    %broadcast_in_dim3A_3563 = vector.broadcast %jit3A_3562 : f32 to vector<16xf32>
    %select_n3A_3564 = arith.select %lt3A_3561, %get3A_3551, %broadcast_in_dim3A_3563 : vector<16xi1>, vector<16xf32>
    %add3A_3565 = arith.addf %add3A_3547, %select_n3A_3564 : vector<16xf32>
    %get3A_3566 = arith.constant 1 : i32
    %get3A_3567 = arith.index_cast %get3A_3566 : i32 to index
    %get3A_3568 = arith.constant 96 : index
    %get3A_3569 = tpu.vector_load %arg11[%get3A_3567, %get3A_3568] {strides = array<i32>} : memref<2x128xf32, #tpu.memory_space<vmem>>, vector<16xf32>,
    %mul3A_3570 = arith.constant 256 : i32
    %mul3A_3571 = arith.muli %arg1, %mul3A_3570 : i32
    %add3A_3572 = vector.broadcast %mul3A_3571 : i32 to vector<16xi32>
    %add3A_3573 = arith.addi %iota3A, %add3A_3572 : vector<16xi32>
    %add3A_3574 = arith.constant 224 : i32
    %add3A_3575 = vector.broadcast %add3A_3574 : i32 to vector<16xi32>
    %add3A_3576 = arith.addi %add3A_3573, %add3A_3575 : vector<16xi32>
    %lt3A_3577 = arith.constant 4095 : i32
    %lt3A_3578 = vector.broadcast %lt3A_3577 : i32 to vector<16xi32>
    %lt3A_3579 = arith.cmpi slt, %add3A_3576, %lt3A_3578 : vector<16xi32>
    %jit3A_3580 = arith.constant 0.000000e+00 : f32
    %broadcast_in_dim3A_3581 = vector.broadcast %jit3A_3580 : f32 to vector<16xf32>
    %select_n3A_3582 = arith.select %lt3A_3579, %get3A_3569, %broadcast_in_dim3A_3581 : vector<16xi1>, vector<16xf32>
    %add3A_3583 = arith.addf %add3A_3565, %select_n3A_3582 : vector<16xf32>
    %get3A_3584 = arith.constant 1 : i32
    %get3A_3585 = arith.index_cast %get3A_3584 : i32 to index
    %get3A_3586 = arith.constant 112 : index
    %get3A_3587 = tpu.vector_load %arg11[%get3A_3585, %get3A_3586] {strides = array<i32>} : memref<2x128xf32, #tpu.memory_space<vmem>>, vector<16xf32>,
    %mul3A_3588 = arith.constant 256 : i32
    %mul3A_3589 = arith.muli %arg1, %mul3A_3588 : i32
    %add3A_3590 = vector.broadcast %mul3A_3589 : i32 to vector<16xi32>
    %add3A_3591 = arith.addi %iota3A, %add3A_3590 : vector<16xi32>
    %add3A_3592 = arith.constant 240 : i32
    %add3A_3593 = vector.broadcast %add3A_3592 : i32 to vector<16xi32>
    %add3A_3594 = arith.addi %add3A_3591, %add3A_3593 : vector<16xi32>
    %lt3A_3595 = arith.constant 4095 : i32
    %lt3A_3596 = vector.broadcast %lt3A_3595 : i32 to vector<16xi32>
    %lt3A_3597 = arith.cmpi slt, %add3A_3594, %lt3A_3596 : vector<16xi32>
    %jit3A_3598 = arith.constant 0.000000e+00 : f32
    %broadcast_in_dim3A_3599 = vector.broadcast %jit3A_3598 : f32 to vector<16xf32>
    %select_n3A_3600 = arith.select %lt3A_3597, %get3A_3587, %broadcast_in_dim3A_3599 : vector<16xi1>, vector<16xf32>
    %add3A_3601 = arith.addf %add3A_3583, %select_n3A_3600 : vector<16xf32>
    %get3A_3602 = arith.constant 0 : i32
    %get3A_3603 = arith.index_cast %get3A_3602 : i32 to index
    %get3A_3604 = arith.constant 0 : index
    %get3A_3605 = tpu.vector_load %arg9[%get3A_3603, %get3A_3604] {strides = array<i32>} : memref<8x128xf32, #tpu.memory_space<vmem>>, vector<16xf32>,
    %add3A_3606 = arith.addf %add3A_3207, %get3A_3605 : vector<16xf32>
    %get3A_3607 = arith.constant 0 : i32
    %get3A_3608 = arith.index_cast %get3A_3607 : i32 to index
    %get3A_3609 = arith.constant 16 : index
    %get3A_3610 = tpu.vector_load %arg9[%get3A_3608, %get3A_3609] {strides = array<i32>} : memref<8x128xf32, #tpu.memory_space<vmem>>, vector<16xf32>,
    %add3A_3611 = arith.addf %add3A_3606, %get3A_3610 : vector<16xf32>
    %get3A_3612 = arith.constant 0 : i32
    %get3A_3613 = arith.index_cast %get3A_3612 : i32 to index
    %get3A_3614 = arith.constant 32 : index
    %get3A_3615 = tpu.vector_load %arg9[%get3A_3613, %get3A_3614] {strides = array<i32>} : memref<8x128xf32, #tpu.memory_space<vmem>>, vector<16xf32>,
    %add3A_3616 = arith.addf %add3A_3611, %get3A_3615 : vector<16xf32>
    %get3A_3617 = arith.constant 0 : i32
    %get3A_3618 = arith.index_cast %get3A_3617 : i32 to index
    %get3A_3619 = arith.constant 48 : index
    %get3A_3620 = tpu.vector_load %arg9[%get3A_3618, %get3A_3619] {strides = array<i32>} : memref<8x128xf32, #tpu.memory_space<vmem>>, vector<16xf32>,
    %add3A_3621 = arith.addf %add3A_3616, %get3A_3620 : vector<16xf32>
    %get3A_3622 = arith.constant 0 : i32
    %get3A_3623 = arith.index_cast %get3A_3622 : i32 to index
    %get3A_3624 = arith.constant 64 : index
    %get3A_3625 = tpu.vector_load %arg9[%get3A_3623, %get3A_3624] {strides = array<i32>} : memref<8x128xf32, #tpu.memory_space<vmem>>, vector<16xf32>,
    %add3A_3626 = arith.addf %add3A_3621, %get3A_3625 : vector<16xf32>
    %get3A_3627 = arith.constant 0 : i32
    %get3A_3628 = arith.index_cast %get3A_3627 : i32 to index
    %get3A_3629 = arith.constant 80 : index
    %get3A_3630 = tpu.vector_load %arg9[%get3A_3628, %get3A_3629] {strides = array<i32>} : memref<8x128xf32, #tpu.memory_space<vmem>>, vector<16xf32>,
    %add3A_3631 = arith.addf %add3A_3626, %get3A_3630 : vector<16xf32>
    %get3A_3632 = arith.constant 0 : i32
    %get3A_3633 = arith.index_cast %get3A_3632 : i32 to index
    %get3A_3634 = arith.constant 96 : index
    %get3A_3635 = tpu.vector_load %arg9[%get3A_3633, %get3A_3634] {strides = array<i32>} : memref<8x128xf32, #tpu.memory_space<vmem>>, vector<16xf32>,
    %add3A_3636 = arith.addf %add3A_3631, %get3A_3635 : vector<16xf32>
    %get3A_3637 = arith.constant 0 : i32
    %get3A_3638 = arith.index_cast %get3A_3637 : i32 to index
    %get3A_3639 = arith.constant 112 : index
    %get3A_3640 = tpu.vector_load %arg9[%get3A_3638, %get3A_3639] {strides = array<i32>} : memref<8x128xf32, #tpu.memory_space<vmem>>, vector<16xf32>,
    %add3A_3641 = arith.addf %add3A_3636, %get3A_3640 : vector<16xf32>
    %get3A_3642 = arith.constant 1 : i32
    %get3A_3643 = arith.index_cast %get3A_3642 : i32 to index
    %get3A_3644 = arith.constant 0 : index
    %get3A_3645 = tpu.vector_load %arg9[%get3A_3643, %get3A_3644] {strides = array<i32>} : memref<8x128xf32, #tpu.memory_space<vmem>>, vector<16xf32>,
    %add3A_3646 = arith.addf %add3A_3641, %get3A_3645 : vector<16xf32>
    %get3A_3647 = arith.constant 1 : i32
    %get3A_3648 = arith.index_cast %get3A_3647 : i32 to index
    %get3A_3649 = arith.constant 16 : index
    %get3A_3650 = tpu.vector_load %arg9[%get3A_3648, %get3A_3649] {strides = array<i32>} : memref<8x128xf32, #tpu.memory_space<vmem>>, vector<16xf32>,
    %add3A_3651 = arith.addf %add3A_3646, %get3A_3650 : vector<16xf32>
    %get3A_3652 = arith.constant 1 : i32
    %get3A_3653 = arith.index_cast %get3A_3652 : i32 to index
    %get3A_3654 = arith.constant 32 : index
    %get3A_3655 = tpu.vector_load %arg9[%get3A_3653, %get3A_3654] {strides = array<i32>} : memref<8x128xf32, #tpu.memory_space<vmem>>, vector<16xf32>,
    %add3A_3656 = arith.addf %add3A_3651, %get3A_3655 : vector<16xf32>
    %get3A_3657 = arith.constant 1 : i32
    %get3A_3658 = arith.index_cast %get3A_3657 : i32 to index
    %get3A_3659 = arith.constant 48 : index
    %get3A_3660 = tpu.vector_load %arg9[%get3A_3658, %get3A_3659] {strides = array<i32>} : memref<8x128xf32, #tpu.memory_space<vmem>>, vector<16xf32>,
    %add3A_3661 = arith.addf %add3A_3656, %get3A_3660 : vector<16xf32>
    %get3A_3662 = arith.constant 1 : i32
    %get3A_3663 = arith.index_cast %get3A_3662 : i32 to index
    %get3A_3664 = arith.constant 64 : index
    %get3A_3665 = tpu.vector_load %arg9[%get3A_3663, %get3A_3664] {strides = array<i32>} : memref<8x128xf32, #tpu.memory_space<vmem>>, vector<16xf32>,
    %add3A_3666 = arith.addf %add3A_3661, %get3A_3665 : vector<16xf32>
    %get3A_3667 = arith.constant 1 : i32
    %get3A_3668 = arith.index_cast %get3A_3667 : i32 to index
    %get3A_3669 = arith.constant 80 : index
    %get3A_3670 = tpu.vector_load %arg9[%get3A_3668, %get3A_3669] {strides = array<i32>} : memref<8x128xf32, #tpu.memory_space<vmem>>, vector<16xf32>,
    %add3A_3671 = arith.addf %add3A_3666, %get3A_3670 : vector<16xf32>
    %get3A_3672 = arith.constant 1 : i32
    %get3A_3673 = arith.index_cast %get3A_3672 : i32 to index
    %get3A_3674 = arith.constant 96 : index
    %get3A_3675 = tpu.vector_load %arg9[%get3A_3673, %get3A_3674] {strides = array<i32>} : memref<8x128xf32, #tpu.memory_space<vmem>>, vector<16xf32>,
    %add3A_3676 = arith.addf %add3A_3671, %get3A_3675 : vector<16xf32>
    %get3A_3677 = arith.constant 1 : i32
    %get3A_3678 = arith.index_cast %get3A_3677 : i32 to index
    %get3A_3679 = arith.constant 112 : index
    %get3A_3680 = tpu.vector_load %arg9[%get3A_3678, %get3A_3679] {strides = array<i32>} : memref<8x128xf32, #tpu.memory_space<vmem>>, vector<16xf32>,
    %add3A_3681 = arith.addf %add3A_3676, %get3A_3680 : vector<16xf32>
    %get3A_3682 = arith.constant 2 : i32
    %get3A_3683 = arith.index_cast %get3A_3682 : i32 to index
    %get3A_3684 = arith.constant 0 : index
    %get3A_3685 = tpu.vector_load %arg9[%get3A_3683, %get3A_3684] {strides = array<i32>} : memref<8x128xf32, #tpu.memory_space<vmem>>, vector<16xf32>,
    %add3A_3686 = arith.addf %add3A_3681, %get3A_3685 : vector<16xf32>
    %get3A_3687 = arith.constant 2 : i32
    %get3A_3688 = arith.index_cast %get3A_3687 : i32 to index
    %get3A_3689 = arith.constant 16 : index
    %get3A_3690 = tpu.vector_load %arg9[%get3A_3688, %get3A_3689] {strides = array<i32>} : memref<8x128xf32, #tpu.memory_space<vmem>>, vector<16xf32>,
    %add3A_3691 = arith.addf %add3A_3686, %get3A_3690 : vector<16xf32>
    %get3A_3692 = arith.constant 2 : i32
    %get3A_3693 = arith.index_cast %get3A_3692 : i32 to index
    %get3A_3694 = arith.constant 32 : index
    %get3A_3695 = tpu.vector_load %arg9[%get3A_3693, %get3A_3694] {strides = array<i32>} : memref<8x128xf32, #tpu.memory_space<vmem>>, vector<16xf32>,
    %add3A_3696 = arith.addf %add3A_3691, %get3A_3695 : vector<16xf32>
    %get3A_3697 = arith.constant 2 : i32
    %get3A_3698 = arith.index_cast %get3A_3697 : i32 to index
    %get3A_3699 = arith.constant 48 : index
    %get3A_3700 = tpu.vector_load %arg9[%get3A_3698, %get3A_3699] {strides = array<i32>} : memref<8x128xf32, #tpu.memory_space<vmem>>, vector<16xf32>,
    %add3A_3701 = arith.addf %add3A_3696, %get3A_3700 : vector<16xf32>
    %get3A_3702 = arith.constant 2 : i32
    %get3A_3703 = arith.index_cast %get3A_3702 : i32 to index
    %get3A_3704 = arith.constant 64 : index
    %get3A_3705 = tpu.vector_load %arg9[%get3A_3703, %get3A_3704] {strides = array<i32>} : memref<8x128xf32, #tpu.memory_space<vmem>>, vector<16xf32>,
    %add3A_3706 = arith.addf %add3A_3701, %get3A_3705 : vector<16xf32>
    %get3A_3707 = arith.constant 2 : i32
    %get3A_3708 = arith.index_cast %get3A_3707 : i32 to index
    %get3A_3709 = arith.constant 80 : index
    %get3A_3710 = tpu.vector_load %arg9[%get3A_3708, %get3A_3709] {strides = array<i32>} : memref<8x128xf32, #tpu.memory_space<vmem>>, vector<16xf32>,
    %add3A_3711 = arith.addf %add3A_3706, %get3A_3710 : vector<16xf32>
    %get3A_3712 = arith.constant 2 : i32
    %get3A_3713 = arith.index_cast %get3A_3712 : i32 to index
    %get3A_3714 = arith.constant 96 : index
    %get3A_3715 = tpu.vector_load %arg9[%get3A_3713, %get3A_3714] {strides = array<i32>} : memref<8x128xf32, #tpu.memory_space<vmem>>, vector<16xf32>,
    %add3A_3716 = arith.addf %add3A_3711, %get3A_3715 : vector<16xf32>
    %get3A_3717 = arith.constant 2 : i32
    %get3A_3718 = arith.index_cast %get3A_3717 : i32 to index
    %get3A_3719 = arith.constant 112 : index
    %get3A_3720 = tpu.vector_load %arg9[%get3A_3718, %get3A_3719] {strides = array<i32>} : memref<8x128xf32, #tpu.memory_space<vmem>>, vector<16xf32>,
    %add3A_3721 = arith.addf %add3A_3716, %get3A_3720 : vector<16xf32>
    %get3A_3722 = arith.constant 3 : i32
    %get3A_3723 = arith.index_cast %get3A_3722 : i32 to index
    %get3A_3724 = arith.constant 0 : index
    %get3A_3725 = tpu.vector_load %arg9[%get3A_3723, %get3A_3724] {strides = array<i32>} : memref<8x128xf32, #tpu.memory_space<vmem>>, vector<16xf32>,
    %add3A_3726 = arith.addf %add3A_3721, %get3A_3725 : vector<16xf32>
    %get3A_3727 = arith.constant 3 : i32
    %get3A_3728 = arith.index_cast %get3A_3727 : i32 to index
    %get3A_3729 = arith.constant 16 : index
    %get3A_3730 = tpu.vector_load %arg9[%get3A_3728, %get3A_3729] {strides = array<i32>} : memref<8x128xf32, #tpu.memory_space<vmem>>, vector<16xf32>,
    %add3A_3731 = arith.addf %add3A_3726, %get3A_3730 : vector<16xf32>
    %get3A_3732 = arith.constant 3 : i32
    %get3A_3733 = arith.index_cast %get3A_3732 : i32 to index
    %get3A_3734 = arith.constant 32 : index
    %get3A_3735 = tpu.vector_load %arg9[%get3A_3733, %get3A_3734] {strides = array<i32>} : memref<8x128xf32, #tpu.memory_space<vmem>>, vector<16xf32>,
    %add3A_3736 = arith.addf %add3A_3731, %get3A_3735 : vector<16xf32>
    %get3A_3737 = arith.constant 3 : i32
    %get3A_3738 = arith.index_cast %get3A_3737 : i32 to index
    %get3A_3739 = arith.constant 48 : index
    %get3A_3740 = tpu.vector_load %arg9[%get3A_3738, %get3A_3739] {strides = array<i32>} : memref<8x128xf32, #tpu.memory_space<vmem>>, vector<16xf32>,
    %add3A_3741 = arith.addf %add3A_3736, %get3A_3740 : vector<16xf32>
    %get3A_3742 = arith.constant 3 : i32
    %get3A_3743 = arith.index_cast %get3A_3742 : i32 to index
    %get3A_3744 = arith.constant 64 : index
    %get3A_3745 = tpu.vector_load %arg9[%get3A_3743, %get3A_3744] {strides = array<i32>} : memref<8x128xf32, #tpu.memory_space<vmem>>, vector<16xf32>,
    %add3A_3746 = arith.addf %add3A_3741, %get3A_3745 : vector<16xf32>
    %get3A_3747 = arith.constant 3 : i32
    %get3A_3748 = arith.index_cast %get3A_3747 : i32 to index
    %get3A_3749 = arith.constant 80 : index
    %get3A_3750 = tpu.vector_load %arg9[%get3A_3748, %get3A_3749] {strides = array<i32>} : memref<8x128xf32, #tpu.memory_space<vmem>>, vector<16xf32>,
    %add3A_3751 = arith.addf %add3A_3746, %get3A_3750 : vector<16xf32>
    %get3A_3752 = arith.constant 3 : i32
    %get3A_3753 = arith.index_cast %get3A_3752 : i32 to index
    %get3A_3754 = arith.constant 96 : index
    %get3A_3755 = tpu.vector_load %arg9[%get3A_3753, %get3A_3754] {strides = array<i32>} : memref<8x128xf32, #tpu.memory_space<vmem>>, vector<16xf32>,
    %add3A_3756 = arith.addf %add3A_3751, %get3A_3755 : vector<16xf32>
    %get3A_3757 = arith.constant 3 : i32
    %get3A_3758 = arith.index_cast %get3A_3757 : i32 to index
    %get3A_3759 = arith.constant 112 : index
    %get3A_3760 = tpu.vector_load %arg9[%get3A_3758, %get3A_3759] {strides = array<i32>} : memref<8x128xf32, #tpu.memory_space<vmem>>, vector<16xf32>,
    %lt3A_3761 = arith.constant 15 : i32
    %lt3A_3762 = vector.broadcast %lt3A_3761 : i32 to vector<16xi32>
    %lt3A_3763 = arith.cmpi slt, %iota3A, %lt3A_3762 : vector<16xi32>
    %jit3A_3764 = arith.constant 0.000000e+00 : f32
    %broadcast_in_dim3A_3765 = vector.broadcast %jit3A_3764 : f32 to vector<16xf32>
    %select_n3A_3766 = arith.select %lt3A_3763, %get3A_3760, %broadcast_in_dim3A_3765 : vector<16xi1>, vector<16xf32>
    %add3A_3767 = arith.addf %add3A_3756, %select_n3A_3766 : vector<16xf32>
    %get3A_3768 = arith.constant 4 : i32
    %get3A_3769 = arith.index_cast %get3A_3768 : i32 to index
    %get3A_3770 = arith.constant 0 : index
    %get3A_3771 = tpu.vector_load %arg9[%get3A_3769, %get3A_3770] {strides = array<i32>} : memref<8x128xf32, #tpu.memory_space<vmem>>, vector<16xf32>,
    %add3A_3772 = arith.addf %add3A_3767, %get3A_3771 : vector<16xf32>
    %get3A_3773 = arith.constant 4 : i32
    %get3A_3774 = arith.index_cast %get3A_3773 : i32 to index
    %get3A_3775 = arith.constant 16 : index
    %get3A_3776 = tpu.vector_load %arg9[%get3A_3774, %get3A_3775] {strides = array<i32>} : memref<8x128xf32, #tpu.memory_space<vmem>>, vector<16xf32>,
    %add3A_3777 = arith.addf %add3A_3772, %get3A_3776 : vector<16xf32>
    %get3A_3778 = arith.constant 4 : i32
    %get3A_3779 = arith.index_cast %get3A_3778 : i32 to index
    %get3A_3780 = arith.constant 32 : index
    %get3A_3781 = tpu.vector_load %arg9[%get3A_3779, %get3A_3780] {strides = array<i32>} : memref<8x128xf32, #tpu.memory_space<vmem>>, vector<16xf32>,
    %add3A_3782 = arith.addf %add3A_3777, %get3A_3781 : vector<16xf32>
    %get3A_3783 = arith.constant 4 : i32
    %get3A_3784 = arith.index_cast %get3A_3783 : i32 to index
    %get3A_3785 = arith.constant 48 : index
    %get3A_3786 = tpu.vector_load %arg9[%get3A_3784, %get3A_3785] {strides = array<i32>} : memref<8x128xf32, #tpu.memory_space<vmem>>, vector<16xf32>,
    %add3A_3787 = arith.addf %add3A_3782, %get3A_3786 : vector<16xf32>
    %get3A_3788 = arith.constant 4 : i32
    %get3A_3789 = arith.index_cast %get3A_3788 : i32 to index
    %get3A_3790 = arith.constant 64 : index
    %get3A_3791 = tpu.vector_load %arg9[%get3A_3789, %get3A_3790] {strides = array<i32>} : memref<8x128xf32, #tpu.memory_space<vmem>>, vector<16xf32>,
    %add3A_3792 = arith.addf %add3A_3787, %get3A_3791 : vector<16xf32>
    %get3A_3793 = arith.constant 4 : i32
    %get3A_3794 = arith.index_cast %get3A_3793 : i32 to index
    %get3A_3795 = arith.constant 80 : index
    %get3A_3796 = tpu.vector_load %arg9[%get3A_3794, %get3A_3795] {strides = array<i32>} : memref<8x128xf32, #tpu.memory_space<vmem>>, vector<16xf32>,
    %add3A_3797 = arith.addf %add3A_3792, %get3A_3796 : vector<16xf32>
    %get3A_3798 = arith.constant 4 : i32
    %get3A_3799 = arith.index_cast %get3A_3798 : i32 to index
    %get3A_3800 = arith.constant 96 : index
    %get3A_3801 = tpu.vector_load %arg9[%get3A_3799, %get3A_3800] {strides = array<i32>} : memref<8x128xf32, #tpu.memory_space<vmem>>, vector<16xf32>,
    %add3A_3802 = arith.addf %add3A_3797, %get3A_3801 : vector<16xf32>
    %get3A_3803 = arith.constant 4 : i32
    %get3A_3804 = arith.index_cast %get3A_3803 : i32 to index
    %get3A_3805 = arith.constant 112 : index
    %get3A_3806 = tpu.vector_load %arg9[%get3A_3804, %get3A_3805] {strides = array<i32>} : memref<8x128xf32, #tpu.memory_space<vmem>>, vector<16xf32>,
    %add3A_3807 = arith.addf %add3A_3802, %get3A_3806 : vector<16xf32>
    %get3A_3808 = arith.constant 5 : i32
    %get3A_3809 = arith.index_cast %get3A_3808 : i32 to index
    %get3A_3810 = arith.constant 0 : index
    %get3A_3811 = tpu.vector_load %arg9[%get3A_3809, %get3A_3810] {strides = array<i32>} : memref<8x128xf32, #tpu.memory_space<vmem>>, vector<16xf32>,
    %add3A_3812 = arith.addf %add3A_3807, %get3A_3811 : vector<16xf32>
    %get3A_3813 = arith.constant 5 : i32
    %get3A_3814 = arith.index_cast %get3A_3813 : i32 to index
    %get3A_3815 = arith.constant 16 : index
    %get3A_3816 = tpu.vector_load %arg9[%get3A_3814, %get3A_3815] {strides = array<i32>} : memref<8x128xf32, #tpu.memory_space<vmem>>, vector<16xf32>,
    %add3A_3817 = arith.addf %add3A_3812, %get3A_3816 : vector<16xf32>
    %get3A_3818 = arith.constant 5 : i32
    %get3A_3819 = arith.index_cast %get3A_3818 : i32 to index
    %get3A_3820 = arith.constant 32 : index
    %get3A_3821 = tpu.vector_load %arg9[%get3A_3819, %get3A_3820] {strides = array<i32>} : memref<8x128xf32, #tpu.memory_space<vmem>>, vector<16xf32>,
    %add3A_3822 = arith.addf %add3A_3817, %get3A_3821 : vector<16xf32>
    %get3A_3823 = arith.constant 5 : i32
    %get3A_3824 = arith.index_cast %get3A_3823 : i32 to index
    %get3A_3825 = arith.constant 48 : index
    %get3A_3826 = tpu.vector_load %arg9[%get3A_3824, %get3A_3825] {strides = array<i32>} : memref<8x128xf32, #tpu.memory_space<vmem>>, vector<16xf32>,
    %add3A_3827 = arith.addf %add3A_3822, %get3A_3826 : vector<16xf32>
    %get3A_3828 = arith.constant 5 : i32
    %get3A_3829 = arith.index_cast %get3A_3828 : i32 to index
    %get3A_3830 = arith.constant 64 : index
    %get3A_3831 = tpu.vector_load %arg9[%get3A_3829, %get3A_3830] {strides = array<i32>} : memref<8x128xf32, #tpu.memory_space<vmem>>, vector<16xf32>,
    %add3A_3832 = arith.addf %add3A_3827, %get3A_3831 : vector<16xf32>
    %get3A_3833 = arith.constant 5 : i32
    %get3A_3834 = arith.index_cast %get3A_3833 : i32 to index
    %get3A_3835 = arith.constant 80 : index
    %get3A_3836 = tpu.vector_load %arg9[%get3A_3834, %get3A_3835] {strides = array<i32>} : memref<8x128xf32, #tpu.memory_space<vmem>>, vector<16xf32>,
    %add3A_3837 = arith.addf %add3A_3832, %get3A_3836 : vector<16xf32>
    %get3A_3838 = arith.constant 5 : i32
    %get3A_3839 = arith.index_cast %get3A_3838 : i32 to index
    %get3A_3840 = arith.constant 96 : index
    %get3A_3841 = tpu.vector_load %arg9[%get3A_3839, %get3A_3840] {strides = array<i32>} : memref<8x128xf32, #tpu.memory_space<vmem>>, vector<16xf32>,
    %add3A_3842 = arith.addf %add3A_3837, %get3A_3841 : vector<16xf32>
    %get3A_3843 = arith.constant 5 : i32
    %get3A_3844 = arith.index_cast %get3A_3843 : i32 to index
    %get3A_3845 = arith.constant 112 : index
    %get3A_3846 = tpu.vector_load %arg9[%get3A_3844, %get3A_3845] {strides = array<i32>} : memref<8x128xf32, #tpu.memory_space<vmem>>, vector<16xf32>,
    %add3A_3847 = arith.addf %add3A_3842, %get3A_3846 : vector<16xf32>
    %get3A_3848 = arith.constant 6 : i32
    %get3A_3849 = arith.index_cast %get3A_3848 : i32 to index
    %get3A_3850 = arith.constant 0 : index
    %get3A_3851 = tpu.vector_load %arg9[%get3A_3849, %get3A_3850] {strides = array<i32>} : memref<8x128xf32, #tpu.memory_space<vmem>>, vector<16xf32>,
    %add3A_3852 = arith.addf %add3A_3847, %get3A_3851 : vector<16xf32>
    %get3A_3853 = arith.constant 6 : i32
    %get3A_3854 = arith.index_cast %get3A_3853 : i32 to index
    %get3A_3855 = arith.constant 16 : index
    %get3A_3856 = tpu.vector_load %arg9[%get3A_3854, %get3A_3855] {strides = array<i32>} : memref<8x128xf32, #tpu.memory_space<vmem>>, vector<16xf32>,
    %add3A_3857 = arith.addf %add3A_3852, %get3A_3856 : vector<16xf32>
    %get3A_3858 = arith.constant 6 : i32
    %get3A_3859 = arith.index_cast %get3A_3858 : i32 to index
    %get3A_3860 = arith.constant 32 : index
    %get3A_3861 = tpu.vector_load %arg9[%get3A_3859, %get3A_3860] {strides = array<i32>} : memref<8x128xf32, #tpu.memory_space<vmem>>, vector<16xf32>,
    %add3A_3862 = arith.addf %add3A_3857, %get3A_3861 : vector<16xf32>
    %get3A_3863 = arith.constant 6 : i32
    %get3A_3864 = arith.index_cast %get3A_3863 : i32 to index
    %get3A_3865 = arith.constant 48 : index
    %get3A_3866 = tpu.vector_load %arg9[%get3A_3864, %get3A_3865] {strides = array<i32>} : memref<8x128xf32, #tpu.memory_space<vmem>>, vector<16xf32>,
    %add3A_3867 = arith.addf %add3A_3862, %get3A_3866 : vector<16xf32>
    %get3A_3868 = arith.constant 6 : i32
    %get3A_3869 = arith.index_cast %get3A_3868 : i32 to index
    %get3A_3870 = arith.constant 64 : index
    %get3A_3871 = tpu.vector_load %arg9[%get3A_3869, %get3A_3870] {strides = array<i32>} : memref<8x128xf32, #tpu.memory_space<vmem>>, vector<16xf32>,
    %add3A_3872 = arith.addf %add3A_3867, %get3A_3871 : vector<16xf32>
    %get3A_3873 = arith.constant 6 : i32
    %get3A_3874 = arith.index_cast %get3A_3873 : i32 to index
    %get3A_3875 = arith.constant 80 : index
    %get3A_3876 = tpu.vector_load %arg9[%get3A_3874, %get3A_3875] {strides = array<i32>} : memref<8x128xf32, #tpu.memory_space<vmem>>, vector<16xf32>,
    %add3A_3877 = arith.addf %add3A_3872, %get3A_3876 : vector<16xf32>
    %get3A_3878 = arith.constant 6 : i32
    %get3A_3879 = arith.index_cast %get3A_3878 : i32 to index
    %get3A_3880 = arith.constant 96 : index
    %get3A_3881 = tpu.vector_load %arg9[%get3A_3879, %get3A_3880] {strides = array<i32>} : memref<8x128xf32, #tpu.memory_space<vmem>>, vector<16xf32>,
    %add3A_3882 = arith.addf %add3A_3877, %get3A_3881 : vector<16xf32>
    %get3A_3883 = arith.constant 6 : i32
    %get3A_3884 = arith.index_cast %get3A_3883 : i32 to index
    %get3A_3885 = arith.constant 112 : index
    %get3A_3886 = tpu.vector_load %arg9[%get3A_3884, %get3A_3885] {strides = array<i32>} : memref<8x128xf32, #tpu.memory_space<vmem>>, vector<16xf32>,
    %add3A_3887 = arith.addf %add3A_3882, %get3A_3886 : vector<16xf32>
    %get3A_3888 = arith.constant 7 : i32
    %get3A_3889 = arith.index_cast %get3A_3888 : i32 to index
    %get3A_3890 = arith.constant 0 : index
    %get3A_3891 = tpu.vector_load %arg9[%get3A_3889, %get3A_3890] {strides = array<i32>} : memref<8x128xf32, #tpu.memory_space<vmem>>, vector<16xf32>,
    %add3A_3892 = arith.addf %add3A_3887, %get3A_3891 : vector<16xf32>
    %get3A_3893 = arith.constant 7 : i32
    %get3A_3894 = arith.index_cast %get3A_3893 : i32 to index
    %get3A_3895 = arith.constant 16 : index
    %get3A_3896 = tpu.vector_load %arg9[%get3A_3894, %get3A_3895] {strides = array<i32>} : memref<8x128xf32, #tpu.memory_space<vmem>>, vector<16xf32>,
    %add3A_3897 = arith.addf %add3A_3892, %get3A_3896 : vector<16xf32>
    %get3A_3898 = arith.constant 7 : i32
    %get3A_3899 = arith.index_cast %get3A_3898 : i32 to index
    %get3A_3900 = arith.constant 32 : index
    %get3A_3901 = tpu.vector_load %arg9[%get3A_3899, %get3A_3900] {strides = array<i32>} : memref<8x128xf32, #tpu.memory_space<vmem>>, vector<16xf32>,
    %add3A_3902 = arith.addf %add3A_3897, %get3A_3901 : vector<16xf32>
    %get3A_3903 = arith.constant 7 : i32
    %get3A_3904 = arith.index_cast %get3A_3903 : i32 to index
    %get3A_3905 = arith.constant 48 : index
    %get3A_3906 = tpu.vector_load %arg9[%get3A_3904, %get3A_3905] {strides = array<i32>} : memref<8x128xf32, #tpu.memory_space<vmem>>, vector<16xf32>,
    %add3A_3907 = arith.addf %add3A_3902, %get3A_3906 : vector<16xf32>
    %get3A_3908 = arith.constant 7 : i32
    %get3A_3909 = arith.index_cast %get3A_3908 : i32 to index
    %get3A_3910 = arith.constant 64 : index
    %get3A_3911 = tpu.vector_load %arg9[%get3A_3909, %get3A_3910] {strides = array<i32>} : memref<8x128xf32, #tpu.memory_space<vmem>>, vector<16xf32>,
    %add3A_3912 = arith.addf %add3A_3907, %get3A_3911 : vector<16xf32>
    %get3A_3913 = arith.constant 7 : i32
    %get3A_3914 = arith.index_cast %get3A_3913 : i32 to index
    %get3A_3915 = arith.constant 80 : index
    %get3A_3916 = tpu.vector_load %arg9[%get3A_3914, %get3A_3915] {strides = array<i32>} : memref<8x128xf32, #tpu.memory_space<vmem>>, vector<16xf32>,
    %add3A_3917 = arith.addf %add3A_3912, %get3A_3916 : vector<16xf32>
    %get3A_3918 = arith.constant 7 : i32
    %get3A_3919 = arith.index_cast %get3A_3918 : i32 to index
    %get3A_3920 = arith.constant 96 : index
    %get3A_3921 = tpu.vector_load %arg9[%get3A_3919, %get3A_3920] {strides = array<i32>} : memref<8x128xf32, #tpu.memory_space<vmem>>, vector<16xf32>,
    %add3A_3922 = arith.addf %add3A_3917, %get3A_3921 : vector<16xf32>
    %get3A_3923 = arith.constant 7 : i32
    %get3A_3924 = arith.index_cast %get3A_3923 : i32 to index
    %get3A_3925 = arith.constant 112 : index
    %get3A_3926 = tpu.vector_load %arg9[%get3A_3924, %get3A_3925] {strides = array<i32>} : memref<8x128xf32, #tpu.memory_space<vmem>>, vector<16xf32>,
    %lt3A_3927 = arith.constant 15 : i32
    %lt3A_3928 = vector.broadcast %lt3A_3927 : i32 to vector<16xi32>
    %lt3A_3929 = arith.cmpi slt, %iota3A, %lt3A_3928 : vector<16xi32>
    %jit3A_3930 = arith.constant 0.000000e+00 : f32
    %broadcast_in_dim3A_3931 = vector.broadcast %jit3A_3930 : f32 to vector<16xf32>
    %select_n3A_3932 = arith.select %lt3A_3929, %get3A_3926, %broadcast_in_dim3A_3931 : vector<16xi1>, vector<16xf32>
    %add3A_3933 = arith.addf %add3A_3922, %select_n3A_3932 : vector<16xf32>
    %eq3A_3934 = arith.constant 0 : i32
    %eq3A_3935 = vector.broadcast %eq3A_3934 : i32 to vector<16xi32>
    %eq3A_3936 = arith.cmpi eq, %iota3A, %eq3A_3935 : vector<16xi32>
    %reduce_sum3A = arith.constant true
    %reduce_sum3A_3937 = vector.broadcast %reduce_sum3A : i1 to vector<16xi1>
    %reduce_sum3A_3938 = tpu.scan <sum>, %add3A_3933 masked %reduce_sum3A_3937 : vector<16xf32>, vector<16xi1> -> vector<16xf32>
    %reduce_sum3A_3939 = vector.extract %reduce_sum3A_3938[15] : f32 from vector<16xf32>
    %eq3A_3940 = arith.constant 1 : i32
    %eq3A_3941 = vector.broadcast %eq3A_3940 : i32 to vector<16xi32>
    %eq3A_3942 = arith.cmpi eq, %iota3A, %eq3A_3941 : vector<16xi32>
    %reduce_sum3A_3943 = arith.constant true
    %reduce_sum3A_3944 = vector.broadcast %reduce_sum3A_3943 : i1 to vector<16xi1>
    %reduce_sum3A_3945 = tpu.scan <sum>, %add3A_3601 masked %reduce_sum3A_3944 : vector<16xf32>, vector<16xi1> -> vector<16xf32>
    %reduce_sum3A_3946 = vector.extract %reduce_sum3A_3945[15] : f32 from vector<16xf32>
    %jit3A_3947 = arith.constant 0.000000e+00 : f32
    %broadcast_in_dim3A_3948 = vector.broadcast %reduce_sum3A_3946 : f32 to vector<16xf32>
    %broadcast_in_dim3A_3949 = vector.broadcast %jit3A_3947 : f32 to vector<16xf32>
    %select_n3A_3950 = arith.select %eq3A_3942, %broadcast_in_dim3A_3948, %broadcast_in_dim3A_3949 : vector<16xi1>, vector<16xf32>
    %broadcast_in_dim3A_3951 = vector.broadcast %reduce_sum3A_3939 : f32 to vector<16xf32>
    %select_n3A_3952 = arith.select %eq3A_3936, %broadcast_in_dim3A_3951, %select_n3A_3950 : vector<16xi1>, vector<16xf32>
    %swap3A_3953 = arith.constant 0 : index
    %swap3A_3954 = tpu.vector_load %arg15[%swap3A_3953] {strides = array<i32>} : memref<16xf32, #tpu.memory_space<vmem>>, vector<16xf32>,
    tpu.vector_store %arg15[%swap3A_3953], %select_n3A_3952 {strides = array<i32>} : memref<16xf32, #tpu.memory_space<vmem>>, vector<16xf32>,
    "tpu.region"() ({
      %run_scoped3A = tpu.sem_alloc : memref<!tpu.dma_semaphore, #tpu.memory_space<semaphore_mem>>
      %dma_start3A_3960 = arith.constant 0 : i32
      %dma_start3A_3961 = tpu.memref_slice %arg6[%arg1, %dma_start3A_3960] : memref<16x16xf32, #tpu.memory_space<hbm>> -> memref<1x16xf32, #tpu.memory_space<hbm>>
      %dma_start3A_3962 = tpu.memref_squeeze %dma_start3A_3961 : memref<1x16xf32, #tpu.memory_space<hbm>> -> memref<16xf32, #tpu.memory_space<hbm>>
      %dma_start3A_3963 = arith.constant 0 : i32
      %dma_start3A_3964 = tpu.memref_slice %arg6[%arg1, %dma_start3A_3963] : memref<16x16xf32, #tpu.memory_space<hbm>> -> memref<1x16xf32, #tpu.memory_space<hbm>>
      %dma_start3A_3965 = tpu.memref_squeeze %dma_start3A_3964 : memref<1x16xf32, #tpu.memory_space<hbm>> -> memref<16xf32, #tpu.memory_space<hbm>>
      tpu.enqueue_dma source(%arg15 : memref<16xf32, #tpu.memory_space<vmem>>) target(%dma_start3A_3965 : memref<16xf32, #tpu.memory_space<hbm>>) target_semaphore(%run_scoped3A : memref<!tpu.dma_semaphore, #tpu.memory_space<semaphore_mem>>)
      %dma_wait3A_3966 = arith.constant 0 : i32
      %dma_wait3A_3967 = tpu.memref_slice %arg6[%arg1, %dma_wait3A_3966] : memref<16x16xf32, #tpu.memory_space<hbm>> -> memref<1x16xf32, #tpu.memory_space<hbm>>
      %dma_wait3A_3968 = tpu.memref_squeeze %dma_wait3A_3967 : memref<1x16xf32, #tpu.memory_space<hbm>> -> memref<16xf32, #tpu.memory_space<hbm>>
      %dma_wait3A_3969 = arith.constant 0 : i32
      %dma_wait3A_3970 = tpu.memref_slice %arg6[%arg1, %dma_wait3A_3969] : memref<16x16xf32, #tpu.memory_space<hbm>> -> memref<1x16xf32, #tpu.memory_space<hbm>>
      %dma_wait3A_3971 = tpu.memref_squeeze %dma_wait3A_3970 : memref<1x16xf32, #tpu.memory_space<hbm>> -> memref<16xf32, #tpu.memory_space<hbm>>
      tpu.wait_dma2 semaphore(%run_scoped3A : memref<!tpu.dma_semaphore, #tpu.memory_space<semaphore_mem>>) src(%arg15 : memref<16xf32, #tpu.memory_space<vmem>>) dst(%dma_wait3A_3971 : memref<16xf32, #tpu.memory_space<hbm>>)
      tpu.yield
    }) : () -> ()
    %barrier3A = arith.constant 0 : index
    tpu.barrier barrier_id(%barrier3A)
    %eq3A_3955 = arith.constant 0 : i32
    %eq3A_3956 = arith.cmpi eq, %arg1, %eq3A_3955 : i32
    %convert_element_type3A_3957 = arith.extui %eq3A_3956 : i1 to i32
    %cond3A_3958 = arith.constant 0 : i32
    %cond3A_3959 = arith.cmpi ne, %convert_element_type3A_3957, %cond3A_3958 : i32
    scf.if %cond3A_3959 {
      "tpu.region"() ({
        %run_scoped3A_4060 = tpu.sem_alloc : memref<!tpu.dma_semaphore, #tpu.memory_space<semaphore_mem>>
        %dma_start3A_4061 = arith.constant 0 : i32
        %dma_start3A_4062 = arith.constant 0 : i32
        %dma_start3A_4063 = tpu.memref_slice %arg6[%dma_start3A_4061, %dma_start3A_4062] : memref<16x16xf32, #tpu.memory_space<hbm>> -> memref<16x16xf32, #tpu.memory_space<hbm>>
        %dma_start3A_4064 = arith.constant 0 : i32
        %dma_start3A_4065 = arith.constant 0 : i32
        %dma_start3A_4066 = tpu.memref_slice %arg6[%dma_start3A_4064, %dma_start3A_4065] : memref<16x16xf32, #tpu.memory_space<hbm>> -> memref<16x16xf32, #tpu.memory_space<hbm>>
        tpu.enqueue_dma source(%dma_start3A_4066 : memref<16x16xf32, #tpu.memory_space<hbm>>) target(%arg16 : memref<16x16xf32, #tpu.memory_space<vmem>>) target_semaphore(%run_scoped3A_4060 : memref<!tpu.dma_semaphore, #tpu.memory_space<semaphore_mem>>)
        %dma_wait3A_4067 = arith.constant 0 : i32
        %dma_wait3A_4068 = arith.constant 0 : i32
        %dma_wait3A_4069 = tpu.memref_slice %arg6[%dma_wait3A_4067, %dma_wait3A_4068] : memref<16x16xf32, #tpu.memory_space<hbm>> -> memref<16x16xf32, #tpu.memory_space<hbm>>
        %dma_wait3A_4070 = arith.constant 0 : i32
        %dma_wait3A_4071 = arith.constant 0 : i32
        %dma_wait3A_4072 = tpu.memref_slice %arg6[%dma_wait3A_4070, %dma_wait3A_4071] : memref<16x16xf32, #tpu.memory_space<hbm>> -> memref<16x16xf32, #tpu.memory_space<hbm>>
        tpu.wait_dma2 semaphore(%run_scoped3A_4060 : memref<!tpu.dma_semaphore, #tpu.memory_space<semaphore_mem>>) src(%dma_wait3A_4072 : memref<16x16xf32, #tpu.memory_space<hbm>>) dst(%arg16 : memref<16x16xf32, #tpu.memory_space<vmem>>)
        tpu.yield
      }) : () -> ()
      %broadcast_in_dim3A_3960 = arith.constant 0.000000e+00 : f32
      %broadcast_in_dim3A_3961 = vector.broadcast %broadcast_in_dim3A_3960 : f32 to vector<16xf32>
      %get3A_3962 = arith.constant 0 : i32
      %get3A_3963 = arith.index_cast %get3A_3962 : i32 to index
      %get3A_3964 = arith.constant 0 : index
      %get3A_3965 = tpu.vector_load %arg16[%get3A_3963, %get3A_3964] {strides = array<i32>} : memref<16x16xf32, #tpu.memory_space<vmem>>, vector<16xf32>,
      %add3A_3966 = arith.addf %broadcast_in_dim3A_3961, %get3A_3965 : vector<16xf32>
      %get3A_3967 = arith.constant 1 : i32
      %get3A_3968 = arith.index_cast %get3A_3967 : i32 to index
      %get3A_3969 = arith.constant 0 : index
      %get3A_3970 = tpu.vector_load %arg16[%get3A_3968, %get3A_3969] {strides = array<i32>} : memref<16x16xf32, #tpu.memory_space<vmem>>, vector<16xf32>,
      %add3A_3971 = arith.addf %add3A_3966, %get3A_3970 : vector<16xf32>
      %get3A_3972 = arith.constant 2 : i32
      %get3A_3973 = arith.index_cast %get3A_3972 : i32 to index
      %get3A_3974 = arith.constant 0 : index
      %get3A_3975 = tpu.vector_load %arg16[%get3A_3973, %get3A_3974] {strides = array<i32>} : memref<16x16xf32, #tpu.memory_space<vmem>>, vector<16xf32>,
      %add3A_3976 = arith.addf %add3A_3971, %get3A_3975 : vector<16xf32>
      %get3A_3977 = arith.constant 3 : i32
      %get3A_3978 = arith.index_cast %get3A_3977 : i32 to index
      %get3A_3979 = arith.constant 0 : index
      %get3A_3980 = tpu.vector_load %arg16[%get3A_3978, %get3A_3979] {strides = array<i32>} : memref<16x16xf32, #tpu.memory_space<vmem>>, vector<16xf32>,
      %add3A_3981 = arith.addf %add3A_3976, %get3A_3980 : vector<16xf32>
      %get3A_3982 = arith.constant 4 : i32
      %get3A_3983 = arith.index_cast %get3A_3982 : i32 to index
      %get3A_3984 = arith.constant 0 : index
      %get3A_3985 = tpu.vector_load %arg16[%get3A_3983, %get3A_3984] {strides = array<i32>} : memref<16x16xf32, #tpu.memory_space<vmem>>, vector<16xf32>,
      %add3A_3986 = arith.addf %add3A_3981, %get3A_3985 : vector<16xf32>
      %get3A_3987 = arith.constant 5 : i32
      %get3A_3988 = arith.index_cast %get3A_3987 : i32 to index
      %get3A_3989 = arith.constant 0 : index
      %get3A_3990 = tpu.vector_load %arg16[%get3A_3988, %get3A_3989] {strides = array<i32>} : memref<16x16xf32, #tpu.memory_space<vmem>>, vector<16xf32>,
      %add3A_3991 = arith.addf %add3A_3986, %get3A_3990 : vector<16xf32>
      %get3A_3992 = arith.constant 6 : i32
      %get3A_3993 = arith.index_cast %get3A_3992 : i32 to index
      %get3A_3994 = arith.constant 0 : index
      %get3A_3995 = tpu.vector_load %arg16[%get3A_3993, %get3A_3994] {strides = array<i32>} : memref<16x16xf32, #tpu.memory_space<vmem>>, vector<16xf32>,
      %add3A_3996 = arith.addf %add3A_3991, %get3A_3995 : vector<16xf32>
      %get3A_3997 = arith.constant 7 : i32
      %get3A_3998 = arith.index_cast %get3A_3997 : i32 to index
      %get3A_3999 = arith.constant 0 : index
      %get3A_4000 = tpu.vector_load %arg16[%get3A_3998, %get3A_3999] {strides = array<i32>} : memref<16x16xf32, #tpu.memory_space<vmem>>, vector<16xf32>,
      %add3A_4001 = arith.addf %add3A_3996, %get3A_4000 : vector<16xf32>
      %get3A_4002 = arith.constant 8 : i32
      %get3A_4003 = arith.index_cast %get3A_4002 : i32 to index
      %get3A_4004 = arith.constant 0 : index
      %get3A_4005 = tpu.vector_load %arg16[%get3A_4003, %get3A_4004] {strides = array<i32>} : memref<16x16xf32, #tpu.memory_space<vmem>>, vector<16xf32>,
      %add3A_4006 = arith.addf %add3A_4001, %get3A_4005 : vector<16xf32>
      %get3A_4007 = arith.constant 9 : i32
      %get3A_4008 = arith.index_cast %get3A_4007 : i32 to index
      %get3A_4009 = arith.constant 0 : index
      %get3A_4010 = tpu.vector_load %arg16[%get3A_4008, %get3A_4009] {strides = array<i32>} : memref<16x16xf32, #tpu.memory_space<vmem>>, vector<16xf32>,
      %add3A_4011 = arith.addf %add3A_4006, %get3A_4010 : vector<16xf32>
      %get3A_4012 = arith.constant 10 : i32
      %get3A_4013 = arith.index_cast %get3A_4012 : i32 to index
      %get3A_4014 = arith.constant 0 : index
      %get3A_4015 = tpu.vector_load %arg16[%get3A_4013, %get3A_4014] {strides = array<i32>} : memref<16x16xf32, #tpu.memory_space<vmem>>, vector<16xf32>,
      %add3A_4016 = arith.addf %add3A_4011, %get3A_4015 : vector<16xf32>
      %get3A_4017 = arith.constant 11 : i32
      %get3A_4018 = arith.index_cast %get3A_4017 : i32 to index
      %get3A_4019 = arith.constant 0 : index
      %get3A_4020 = tpu.vector_load %arg16[%get3A_4018, %get3A_4019] {strides = array<i32>} : memref<16x16xf32, #tpu.memory_space<vmem>>, vector<16xf32>,
      %add3A_4021 = arith.addf %add3A_4016, %get3A_4020 : vector<16xf32>
      %get3A_4022 = arith.constant 12 : i32
      %get3A_4023 = arith.index_cast %get3A_4022 : i32 to index
      %get3A_4024 = arith.constant 0 : index
      %get3A_4025 = tpu.vector_load %arg16[%get3A_4023, %get3A_4024] {strides = array<i32>} : memref<16x16xf32, #tpu.memory_space<vmem>>, vector<16xf32>,
      %add3A_4026 = arith.addf %add3A_4021, %get3A_4025 : vector<16xf32>
      %get3A_4027 = arith.constant 13 : i32
      %get3A_4028 = arith.index_cast %get3A_4027 : i32 to index
      %get3A_4029 = arith.constant 0 : index
      %get3A_4030 = tpu.vector_load %arg16[%get3A_4028, %get3A_4029] {strides = array<i32>} : memref<16x16xf32, #tpu.memory_space<vmem>>, vector<16xf32>,
      %add3A_4031 = arith.addf %add3A_4026, %get3A_4030 : vector<16xf32>
      %get3A_4032 = arith.constant 14 : i32
      %get3A_4033 = arith.index_cast %get3A_4032 : i32 to index
      %get3A_4034 = arith.constant 0 : index
      %get3A_4035 = tpu.vector_load %arg16[%get3A_4033, %get3A_4034] {strides = array<i32>} : memref<16x16xf32, #tpu.memory_space<vmem>>, vector<16xf32>,
      %add3A_4036 = arith.addf %add3A_4031, %get3A_4035 : vector<16xf32>
      %get3A_4037 = arith.constant 15 : i32
      %get3A_4038 = arith.index_cast %get3A_4037 : i32 to index
      %get3A_4039 = arith.constant 0 : index
      %get3A_4040 = tpu.vector_load %arg16[%get3A_4038, %get3A_4039] {strides = array<i32>} : memref<16x16xf32, #tpu.memory_space<vmem>>, vector<16xf32>,
      %add3A_4041 = arith.addf %add3A_4036, %get3A_4040 : vector<16xf32>
      %slice3A = vector.extract_strided_slice %add3A_4041 {offsets = [0], sizes = [1], strides = [1]} : vector<16xf32> to vector<1xf32>
      %squeeze3A = vector.extract %slice3A[0] : f32 from vector<1xf32>
      %slice3A_4042 = vector.extract_strided_slice %add3A_4041 {offsets = [1], sizes = [1], strides = [1]} : vector<16xf32> to vector<1xf32>
      %squeeze3A_4043 = vector.extract %slice3A_4042[0] : f32 from vector<1xf32>
      %mul3A_4044 = arith.constant 3.125000e-02 : f32
      %mul3A_4045 = arith.mulf %squeeze3A, %mul3A_4044 : f32
      %sub3A = arith.subf %mul3A_4045, %squeeze3A_4043 : f32
      %eq3A_4046 = arith.constant 0 : i32
      %eq3A_4047 = vector.broadcast %eq3A_4046 : i32 to vector<16xi32>
      %eq3A_4048 = arith.cmpi eq, %iota3A, %eq3A_4047 : vector<16xi32>
      %eq3A_4049 = arith.constant 1 : i32
      %eq3A_4050 = vector.broadcast %eq3A_4049 : i32 to vector<16xi32>
      %eq3A_4051 = arith.cmpi eq, %iota3A, %eq3A_4050 : vector<16xi32>
      %jit3A_4052 = arith.constant 0.000000e+00 : f32
      %broadcast_in_dim3A_4053 = vector.broadcast %squeeze3A_4043 : f32 to vector<16xf32>
      %broadcast_in_dim3A_4054 = vector.broadcast %jit3A_4052 : f32 to vector<16xf32>
      %select_n3A_4055 = arith.select %eq3A_4051, %broadcast_in_dim3A_4053, %broadcast_in_dim3A_4054 : vector<16xi1>, vector<16xf32>
      %broadcast_in_dim3A_4056 = vector.broadcast %sub3A : f32 to vector<16xf32>
      %select_n3A_4057 = arith.select %eq3A_4048, %broadcast_in_dim3A_4056, %select_n3A_4055 : vector<16xi1>, vector<16xf32>
      %swap3A_4058 = arith.constant 0 : index
      %swap3A_4059 = tpu.vector_load %arg15[%swap3A_4058] {strides = array<i32>} : memref<16xf32, #tpu.memory_space<vmem>>, vector<16xf32>,
      tpu.vector_store %arg15[%swap3A_4058], %select_n3A_4057 {strides = array<i32>} : memref<16xf32, #tpu.memory_space<vmem>>, vector<16xf32>,
      %run_scoped3A = arith.constant 0 : i32
      "tpu.region"() ({
        %run_scoped3A_4060 = tpu.sem_alloc : memref<!tpu.dma_semaphore, #tpu.memory_space<semaphore_mem>>
        %dma_start3A_4061 = arith.constant 0 : i32
        %dma_start3A_4062 = tpu.memref_slice %arg6[%run_scoped3A, %dma_start3A_4061] : memref<16x16xf32, #tpu.memory_space<hbm>> -> memref<1x16xf32, #tpu.memory_space<hbm>>
        %dma_start3A_4063 = tpu.memref_squeeze %dma_start3A_4062 : memref<1x16xf32, #tpu.memory_space<hbm>> -> memref<16xf32, #tpu.memory_space<hbm>>
        %dma_start3A_4064 = arith.constant 0 : i32
        %dma_start3A_4065 = tpu.memref_slice %arg6[%run_scoped3A, %dma_start3A_4064] : memref<16x16xf32, #tpu.memory_space<hbm>> -> memref<1x16xf32, #tpu.memory_space<hbm>>
        %dma_start3A_4066 = tpu.memref_squeeze %dma_start3A_4065 : memref<1x16xf32, #tpu.memory_space<hbm>> -> memref<16xf32, #tpu.memory_space<hbm>>
        tpu.enqueue_dma source(%arg15 : memref<16xf32, #tpu.memory_space<vmem>>) target(%dma_start3A_4066 : memref<16xf32, #tpu.memory_space<hbm>>) target_semaphore(%run_scoped3A_4060 : memref<!tpu.dma_semaphore, #tpu.memory_space<semaphore_mem>>)
        %dma_wait3A_4067 = arith.constant 0 : i32
        %dma_wait3A_4068 = tpu.memref_slice %arg6[%run_scoped3A, %dma_wait3A_4067] : memref<16x16xf32, #tpu.memory_space<hbm>> -> memref<1x16xf32, #tpu.memory_space<hbm>>
        %dma_wait3A_4069 = tpu.memref_squeeze %dma_wait3A_4068 : memref<1x16xf32, #tpu.memory_space<hbm>> -> memref<16xf32, #tpu.memory_space<hbm>>
        %dma_wait3A_4070 = arith.constant 0 : i32
        %dma_wait3A_4071 = tpu.memref_slice %arg6[%run_scoped3A, %dma_wait3A_4070] : memref<16x16xf32, #tpu.memory_space<hbm>> -> memref<1x16xf32, #tpu.memory_space<hbm>>
        %dma_wait3A_4072 = tpu.memref_squeeze %dma_wait3A_4071 : memref<1x16xf32, #tpu.memory_space<hbm>> -> memref<16xf32, #tpu.memory_space<hbm>>
        tpu.wait_dma2 semaphore(%run_scoped3A_4060 : memref<!tpu.dma_semaphore, #tpu.memory_space<semaphore_mem>>) src(%arg15 : memref<16xf32, #tpu.memory_space<vmem>>) dst(%dma_wait3A_4072 : memref<16xf32, #tpu.memory_space<hbm>>)
        tpu.yield
      }) : () -> ()
    } else {
    }
    return
  }
}

</mosaic_0001>

<sc_bundles>
// kernel: _sc_loss.3.cloned.1.call-start
scs
__scs_entry_jumppad:
0x0: {  	(pc) =	sbr.rel $0x88, $3  }
0x1: {  	(tag) =	ssettag $0x0;
	lr =	simm.s32 $0x1  }
0x2: {  	[smem:$0x3F9D] =	sst lr;
	_ =	strace $0xD0000000  }
0x3: {  	_ = 	snop  }
0x4: {  	_ = 	snop  }
0x5: {  	_ = 	snop  }
0x6: {  	_ = 	snop  }
0x7: {  	_ = 	snop  }
__scs_overlays_trampoline_lowered:
0x8: {  	[smem:$0x3FAC] =	sst s0  }
0x9: {  	[smem:$0x3FAD] =	sst s1  }
0xa: {  	[smem:$0x3FAE] =	sst s2  }
0xb: {  	[smem:$0x3FAF] =	sst s3  }
0xc: {  	[smem:$0x3FB0] =	sst s4  }
0xd: {  	[smem:$0x3FB1] =	sst s5  }
0xe: {  	[smem:$0x3FB2] =	sst s6  }
0xf: {  	[smem:$0x3FB3] =	sst s7  }
0x10: {  	[smem:$0x3FB4] =	sst s8  }
0x11: {  	[smem:$0x3FB5] =	sst s9;
	s0 =	simm.s32 @!p0 $0x0  }
0x12: {  	s1 =	sld [smem:$0x3F9B];
	s0 =	simm.s32 @p0 $0x1  }
0x13: {  	[smem:$0x3FB6] =	sst s0;
	s0 =	simm.s32 @!p1 $0x0  }
0x14: {  	s2 =	sld [smem:$0x3F9A];
	s0 =	simm.s32 @p1 $0x1  }
0x15: {  	[smem:$0x3FB7] =	sst s0;
	s0 =	simm.s32 @!p2 $0x0  }
0x16: {  	s3 =	sld [smem:$0x3FDB];
	s0 =	simm.s32 @p2 $0x1  }
0x17: {  	s4 =	simm.s32 $0x1BF5;
	[smem:$0x3FB9] =	sst s0  }
0x18: {  	s0 =	sld [smem:$0x3F9C];
	_ =	swait.ge [sflag:s4], $0x0  }
0x19: {  	s7 =	sld [smem:$0x3F9D]  }
0x1a: {  	s8 =	sadd.s32 $0xFFFFE003, lr  }
0x1b: {  	s9 =	sadd.s32 $0xFFFFFEF7, lr;
	s5 =	simm.s32 $0xFFFFFFFF;
	p2 =	slt.u32 s8, $0xFFFFF086  }
0x1c: {  	p1 =	slt.u32 s9, $0xF7A;
	s5 =	simm.s32 @!p2 $0x0  }
0x1d: {  	s5 =	simm.s32 @p1 $0x1;
	p0 =	seq.s32 s7, s2  }
0x1e: {  	s7 =	smul.u32 @!p0 $0xF7A, s2;
	p2 =	seq.s32 @!p0 s5, $0x0  }
0x1f: {  	s9 =	smul.u32 $0xF7A, s1;
	s8 =	simm.s32 @!p0 $0x1BF5;
	p2 =	por !p2, p0  }
0x20: {  	[sflag:s8] =	ssyncset.s32 @!p0 $0xFFFFF086;
	s6 =	sadd.s32 @!p0 s3, s7;
	s7 =	simm.s32 @!p0 $0x108  }
0x21: {  	s3 =	sadd.s32 s3, s9;
	s6 =	sadd.s32 @!p0 $0x88, s6;
	s7 =	simm.s32 @p2 $0x1082  }
0x22: {  	[simem:s7], [sflag:s8] =	dma.local @!p0 [hbm:s6], $0xF7A  }
0x23: {  	s9 =	sor.u32 $0xD0000000, s2;
	s6 =	simm.s32 $0x108;
	_ =	swait.ge @!p0 [sflag:s8], $0x0  }
0x24: {  	s3 =	sadd.s32 $0x88, s3;
	s6 =	simm.s32 @!p1 $0x1082;
	[sflag:s4] =	ssyncset.s32 $0xFFFFF086  }
0x25: {  	[simem:s6], [sflag:s4] =	dma.local [hbm:s3], $0xF7A  }
0x26: {  	[smem:$0x3F9D] =	sst s1;
	(tag) =	ssettag s2;
	_ =	strace s9  }
0x27: {  	s1 =	sld [smem:$0x3FAD]  }
0x28: {  	s2 =	sld [smem:$0x3FAE]  }
0x29: {  	s4 =	sld [smem:$0x3FB0]  }
0x2a: {  	p0 =	seq.s32 s5, $0x0;
	s5 =	sld [smem:$0x3FB1]  }
0x2b: {  	s6 =	sld [smem:$0x3FB2]  }
0x2c: {  	s7 =	sld [smem:$0x3FB3]  }
0x2d: {  	s3 =	simm.s32 $0x108;
	s8 =	sld [smem:$0x3FB4]  }
0x2e: {  	s3 =	simm.s32 @!p0 $0x1082;
	s9 =	sld [smem:$0x3FB5]  }
0x2f: {  	lr =	sadd.s32 s0, s3;
	s0 =	sld [smem:$0x3FAC]  }
0x30: {  	s3 =	sld [smem:$0x3FAF]  }
0x31: {  	[smem:$0x3FB8] =	sst s10  }
0x32: {  	s10 =	sld [smem:$0x3FB6];
	_ =	sdelay $0x3  }
0x33: {  	p0 =	seq.s32 s10, $0x1;
	s10 =	sld [smem:$0x3FB8];
	_ =	sdelay $0x3  }
0x34: {  	[smem:$0x3FB8] =	sst s10  }
0x35: {  	s10 =	sld [smem:$0x3FB7];
	_ =	sdelay $0x3  }
0x36: {  	p1 =	seq.s32 s10, $0x1;
	s10 =	sld [smem:$0x3FB8];
	_ =	sdelay $0x3  }
0x37: {  	[smem:$0x3FB8] =	sst s10  }
0x38: {  	s10 =	sld [smem:$0x3FB9]  }
0x39: {  	_ = 	snop;
	(pc) =	sbr.ind lr, $3  }
0x3a: {  	_ = 	snop  }
0x3b: {  	_ = 	snop  }
0x3c: {  	p2 =	seq.s32 s10, $0x1;
	s10 =	sld [smem:$0x3FB8]  }
0x3d: {  	_ =	shalt  }
0x3e: {  	_ =	shalt  }
0x3f: {  	_ =	shalt  }
0x40: {  	_ =	shalt  }
0x41: {  	_ =	shalt  }
0x42: {  	_ =	shalt  }
0x43: {  	_ =	shalt  }
0x44: {  	_ =	shalt  }
0x45: {  	_ =	shalt  }
0x46: {  	_ =	shalt  }
0x47: {  	_ =	shalt  }
0x48: {  	_ =	shalt  }
0x49: {  	_ =	shalt  }
0x4a: {  	_ =	shalt  }
0x4b: {  	_ =	shalt  }
0x4c: {  	_ =	shalt  }
0x4d: {  	_ =	shalt  }
0x4e: {  	_ =	shalt  }
0x4f: {  	_ =	shalt  }
0x50: {  	_ =	shalt  }
0x51: {  	_ =	shalt  }
0x52: {  	_ =	shalt  }
0x53: {  	_ =	shalt  }
0x54: {  	_ =	shalt  }
0x55: {  	_ =	shalt  }
0x56: {  	_ =	shalt  }
0x57: {  	_ =	shalt  }
0x58: {  	_ =	shalt  }
0x59: {  	_ =	shalt  }
0x5a: {  	_ =	shalt  }
0x5b: {  	_ =	shalt  }
0x5c: {  	_ =	shalt  }
0x5d: {  	_ =	shalt  }
0x5e: {  	_ =	shalt  }
0x5f: {  	_ =	shalt  }
0x60: {  	_ =	shalt  }
0x61: {  	_ =	shalt  }
0x62: {  	_ =	shalt  }
0x63: {  	_ =	shalt  }
0x64: {  	_ =	shalt  }
0x65: {  	_ =	shalt  }
0x66: {  	_ =	shalt  }
0x67: {  	_ =	shalt  }
0x68: {  	_ =	shalt  }
0x69: {  	_ =	shalt  }
0x6a: {  	_ =	shalt  }
0x6b: {  	_ =	shalt  }
0x6c: {  	_ =	shalt  }
0x6d: {  	_ =	shalt  }
0x6e: {  	_ =	shalt  }
0x6f: {  	_ =	shalt  }
0x70: {  	_ =	shalt  }
0x71: {  	_ =	shalt  }
0x72: {  	_ =	shalt  }
0x73: {  	_ =	shalt  }
0x74: {  	_ =	shalt  }
0x75: {  	_ =	shalt  }
0x76: {  	_ =	shalt  }
0x77: {  	_ =	shalt  }
0x78: {  	_ =	shalt  }
0x79: {  	_ =	shalt  }
0x7a: {  	_ =	shalt  }
0x7b: {  	_ =	shalt  }
0x7c: {  	_ =	shalt  }
0x7d: {  	_ =	shalt  }
0x7e: {  	_ =	shalt  }
0x7f: {  	_ =	shalt  }
0x80: {  	_ =	shalt  }
0x81: {  	_ =	shalt  }
0x82: {  	_ =	shalt  }
0x83: {  	_ =	shalt  }
0x84: {  	_ =	shalt  }
0x85: {  	_ =	shalt  }
0x86: {  	_ =	shalt  }
0x87: {  	_ =	shalt  }
.Lfunc_end0:
.L_simem_size_0:
called_computation_lowered:
.L_overlay_start_0:
0x88: {  	s0 =	sld [smem:$0x3FD9]  }
0x89: {  	s1 =	sld [smem:$0x3FFE];
	_ =	sdelay $0x3  }
0x8a: {  	s0 =	sadd.s32 s1, s0  }
0x8b: {  	[smem:$0x3FC4] =	sst s0  }
0x8c: {  	_ = 	snop  }
0x8d: {  	s0 =	sld [smem:$0x3FC9]  }
0x8e: {  	s17 =	sld [smem:$0x3FC8]  }
0x8f: {  	s2 =	sld [smem:$0x3FC7]  }
0x90: {  	s3 =	sld [smem:$0x3FC6]  }
0x91: {  	s4 =	sld [smem:$0x3FD0];
	(tm) =	ssettm $0x1  }
0x92: {  	s5 =	sld [smem:$0x3FFB];
	_ =	sdelay $0x3  }
0x93: {  	_ =	strace s5  }
0x94: {  	s5 =	sld [smem:$0x3FFC];
	_ =	sdelay $0x3  }
0x95: {  	_ =	strace s5  }
0x96: {  	s5 =	sld [smem:$0x3FFD];
	_ =	sdelay $0x3  }
0x97: {  	_ =	strace s5  }
0x98: {  	_ =	strace $0x8FFFFFFF  }
0x99: {  	s18 =	sld [smem:$0x3FDB];
	_ =	sdelay $0x1  }
0x9a: {  	s6 =	simm.s32 $_scs_section_size  }
0x9b: {  	s7 =	simm.s32 $_size__tile_overlayer_lowered;
	s8 =	simm.s32 $_tile_overlayer_lowered  }
0x9c: {  	s21 =	simm.s32 $0x1BFF;
	s20 =	sshll.u32 s8, $0x1;
	s5 =	sadd.s32 s6, s18  }
0x9d: {  	s9 =	simm.s32 $0x0;
	s19 =	sshll.u32 s7, $0x1;
	s7 =	sadd.s32 s20, s5  }
0x9e: {  	[timem:s9], [sflag:s21] =	dma.local [hbm:s7], s19  }
0x9f: {  	_ =	swait.ge [sflag:s21], s19  }
0xa0: {  	s6 =	ssub.s32 $0x0, s19;
	[sflag:s21] =	ssyncset.done $0x0  }
0xa1: {  	[sflag:s21] =	ssyncadd.s32 s6;
	_ =	sdelay $0x1  }
0xa2: {  	s22 =	simm.s32 $0x1B8B  }
0xa3: {  	_ =	swait.ge [sflag:s22], $0x1  }
0xa4: {  	[sflag:s22] =	ssyncset.done $0x0  }
0xa5: {  	s23 =	simm.s32 $0x1B8E;
	[sflag:s22] =	ssyncadd.s32 $0xFFFFFFFF  }
0xa6: {  	s24 =	simm.s32 $execute0_lowered;
	[smem:$0x3FD2] =	sst s23  }
0xa7: {  	s6 =	sshll.u32 s24, $0x1;
	_ =	strace $0x80000046;
	[dreg:$0x1] =	wrdreg $0xFFFFFFFF  }
0xa8: {  	s25 =	simm.s32 $_size_execute0_lowered;
	s5 =	sadd.s32 s5, s6;
	[dreg:$0x0] =	wrdreg $0x0  }
0xa9: {  	s6 =	sshll.u32 s25, $0x1;
	[dreg:$0x2] =	wrdreg s5  }
0xaa: {  	[dreg:$0x3] =	wrdreg s6  }
0xab: {  	[dreg:$0x4] =	wrdreg $0xC0  }
0xac: {  	_ =	task [dreg:s9], $0x5FFFF  }
0xad: {  	[dreg:$0x1] =	wrdreg $0xFFFFFFFF  }
0xae: {  	[dreg:$0x0] =	wrdreg $0x60  }
0xaf: {  	[dreg:$0x2] =	wrdreg s0  }
0xb0: {  	[dreg:$0x3] =	wrdreg s17  }
0xb1: {  	[dreg:$0x4] =	wrdreg s2  }
0xb2: {  	[dreg:$0x5] =	wrdreg s3  }
0xb3: {  	[dreg:$0x6] =	wrdreg s4  }
0xb4: {  	[dreg:$0x7] =	wrdreg $0x9  }
0xb5: {  	_ =	task.clear_ibuf [dreg:s9], $0x8FFFF;
	_ =	strace $0x90000046  }
0xb6: {  	s26 =	simm.s32 $0x9;
	_ =	strace $0x80000048  }
0xb7: {  	_ =	swait.ge [sflag:s26], $0x1  }
0xb8: {  	[sflag:s26] =	ssyncadd.s32 $0xFFFFFFFF  }
0xb9: {  	_ =	strace $0x90000048  }
0xba: {  	_ =	sfence  }
0xbb: {  	s28 =	sld [smem:$0x0];
	_ =	sdelay $0x1  }
0xbc: {  	s29 =	srdreg.scid  }
0xbd: {  	s30 =	sshll.u32 s29, $0xD;
	s31 =	sshrl.u32 s29, $0x2  }
0xbe: {  	s1 =	sand.u32 $0x1, s29;
	s2 =	sand.u32 $0x4000, s30;
	s0 =	sadd.s32 s31, s28  }
0xbf: {  	s1 =	sor.u32 s2, s1;
	s0 =	sshll.u32 s0, $0x11  }
0xc0: {  	s0 =	sor.u32 s0, s1  }
0xc1: {  	s0 =	sadd.s32 $0x8F2B, s0  }
0xc2: {  	[sflag:s0] =	ssyncadd.remote.s32 $0x1  }
0xc3: {  	_ =	sfence.sel $0xFFFF  }
0xc4: {  	[dreg:$0x0] =	wrdreg $0xFFFFFFFF;
	(pc) =	sbr.abs _section_cstart, $3  }
0xc5: {  	[dreg:$0x1] =	wrdreg $0xFFFFFFFF  }
0xc6: {  	_ =	task.clear_ibuf [dreg:s9], $0x2FFFF;
	_ =	strace $0x9FFFFFFF  }
0xc7: {  	(tm) =	ssettm $0x7FFFFFFF  }
tec
execute0_lowered:
.L_overlay_start_1:
0x0: {  	(tag) =	ssettag $0x1  }
0x1: {  	v0 =	vlaneseq.u32  }
0x2: {  	v35 =	vimm.s32 $0x390;
	vm3 =	vcmask $0x300;
	vm0 =	vcmask $0x704  }
0x3: {  	vm4 =	vcmask $0xB08;
	vm5 =	vcmask $0xF0C;
	vm2 =	vcmask $0x1310  }
0x4: {  	v38 =	vimm.s32 $0x3A0;
	vm6 =	vcmask $0x1714;
	vm7 =	vcmask $0x1B18  }
0x5: {  	vm8 =	vcmask $0x1F1C;
	vm9 =	vcmask $0x2320;
	vm10 =	vcmask $0x2724  }
0x6: {  	vm11 =	vcmask $0x2B28;
	vm12 =	vcmask $0x2F2C;
	vm13 =	vcmask $0x3330  }
0x7: {  	vm14 =	vcmask $0x3734;
	vm1 =	vcmask $0x3B38;
	v25 =	vimm.s32 $0x3B0  }
0x8: {  	v44 =	vimm.s32 $0x3C0;
	v26 =	vimm.s32 $0x3D0;
	v27 =	vimm.s32 $0x3E0  }
0x9: {  	v28 =	vimm.s32 $0x3F0;
	v29 =	vimm.s32 $0x380;
	v6 =	vmul.u32 $0x1000, v0  }
0xa: {  	v14 =	vmul.u32 $0x8, v0;
	v18 =	vsel vm3, $0x1, v35;
	v41 =	vsel vm3, $0x21, v25  }
0xb: {  	s0 =	stileid.u32;
	v25 =	vsel vm3, $0x31, v44;
	v26 =	vsel vm3, $0x41, v26;
	v27 =	vsel vm3, $0x51, v27  }
0xc: {  	s1 =	sshll.u32 s0, $0x8;
	v28 =	vsel vm3, $0x61, v28;
	v29 =	vsel vm3, $0x71, v29;
	v50 =	vmul.u32 $0xFFFFFFFF, v0  }
0xd: {  	v1 =	vmov s1;
	v18 =	vsel vm0, $0x82, v18;
	v25 =	vsel vm0, $0xB2, v25  }
0xe: {  	v26 =	vsel vm0, $0xC2, v26;
	v27 =	vsel vm0, $0xD2, v27;
	v28 =	vsel vm0, $0xE2, v28  }
0xf: {  	v29 =	vsel vm0, $0xF2, v29;
	v2 =	vshll.u32 v1, $0xC;
	v3 =	vor.u32 $0xF0000, v6  }
0x10: {  	v4 =	vor.u32 $0xE0000, v6;
	v5 =	vor.u32 $0xD0000, v6;
	v7 =	vor.u32 $0xC0000, v6  }
0x11: {  	v9 =	vor.u32 $0xB0000, v6;
	v10 =	vor.u32 $0xA0000, v6;
	v11 =	vor.u32 $0x90000, v6  }
0x12: {  	v12 =	vor.u32 $0x80000, v6;
	v13 =	vor.u32 $0x70000, v6;
	v15 =	vor.u32 $0x60000, v6  }
0x13: {  	v20 =	vor.u32 $0x50000, v6;
	v21 =	vor.u32 $0x40000, v6;
	v22 =	vor.u32 $0x30000, v6  }
0x14: {  	v23 =	vor.u32 $0x20000, v6;
	v16 =	vor.u32 $0x10000, v6;
	v34 =	vadd.s32 $0x788, v14  }
0x15: {  	v14 =	vadd.s32 $0x388, v14;
	v36 =	vshll.u32 v1, $0x3;
	v37 =	vsel vm4, $0x103, v18  }
0x16: {  	v18 =	vsel vm3, $0x11, v38;
	v25 =	vsel vm4, $0x133, v25;
	v26 =	vsel vm4, $0x143, v26  }
0x17: {  	v27 =	vsel vm4, $0x153, v27;
	v28 =	vsel vm4, $0x163, v28;
	v29 =	vsel vm4, $0x173, v29  }
0x18: {  	v52 =	vadd.s32 $0xF0F, v50;
	v8 =	vor.u32 v6, v2;
	v18 =	vsel vm0, $0x92, v18  }
0x19: {  	v16 =	vor.u32 v16, v2;
	v23 =	vor.u32 v23, v2;
	v25 =	vsel vm5, $0x1B4, v25  }
0x1a: {  	v26 =	vsel vm5, $0x1C4, v26;
	v22 =	vor.u32 v22, v2;
	v21 =	vor.u32 v21, v2  }
0x1b: {  	v27 =	vsel vm5, $0x1D4, v27;
	v20 =	vor.u32 v20, v2;
	v28 =	vsel vm5, $0x1E4, v28  }
0x1c: {  	v29 =	vsel vm5, $0x1F4, v29;
	v15 =	vor.u32 v15, v2;
	v13 =	vor.u32 v13, v2  }
0x1d: {  	v14 =	vor.u32 v14, v36;
	v12 =	vor.u32 v12, v2;
	v30 =	vor.u32 $0x400, v36  }
0x1e: {  	v11 =	vor.u32 v11, v2;
	v10 =	vor.u32 v10, v2;
	v46 =	vor.u32 $0x500, v36  }
0x1f: {  	v9 =	vor.u32 v9, v2;
	v7 =	vor.u32 v7, v2;
	v47 =	vor.u32 $0x600, v36  }
0x20: {  	v5 =	vor.u32 v5, v2;
	v4 =	vor.u32 v4, v2;
	v48 =	vor.u32 $0x700, v36  }
0x21: {  	v2 =	vor.u32 v3, v2;
	v49 =	vadd.s32 v34, v36;
	v17 =	vand.u32 $0xF08000, v8  }
0x22: {  	v18 =	vsel vm4, $0x113, v18;
	v16 =	vand.u32 $0xF18000, v16;
	v23 =	vand.u32 $0xF28000, v23  }
0x23: {  	v25 =	vsel vm2, $0x235, v25;
	v26 =	vsel vm2, $0x245, v26;
	v22 =	vand.u32 $0xF38000, v22  }
0x24: {  	v21 =	vand.u32 $0xF48000, v21;
	v27 =	vsel vm2, $0x255, v27;
	v20 =	vand.u32 $0xF58000, v20  }
0x25: {  	v28 =	vsel vm2, $0x265, v28;
	v29 =	vsel vm2, $0x275, v29;
	v15 =	vand.u32 $0xF68000, v15  }
0x26: {  	v13 =	vand.u32 $0xF78000, v13;
	v14 =	vand.u32 $0x7C00, v14;
	v12 =	vand.u32 $0xF88000, v12  }
0x27: {  	v11 =	vand.u32 $0xF98000, v11;
	v10 =	vand.u32 $0xFA8000, v10;
	v9 =	vand.u32 $0xFB8000, v9  }
0x28: {  	v7 =	vand.u32 $0xFC8000, v7;
	v5 =	vand.u32 $0xFD8000, v5;
	v4 =	vand.u32 $0xFE8000, v4  }
0x29: {  	v51 =	vand.u32 $0x7C00, v48;
	v2 =	vand.u32 $0xFF8000, v2;
	v3 =	vand.u32 $0xFC00, v49  }
0x2a: {  	v19 =	vor.u32 v17, v36;
	v17 =	vsel vm5, $0x184, v37;
	v18 =	vsel vm5, $0x194, v18  }
0x2b: {  	v42 =	vor.u32 v16, v36;
	v23 =	vor.u32 v23, v36;
	v25 =	vsel vm6, $0x2B6, v25  }
0x2c: {  	v26 =	vsel vm6, $0x2C6, v26;
	v22 =	vor.u32 v22, v36;
	v21 =	vor.u32 v21, v36  }
0x2d: {  	v27 =	vsel vm6, $0x2D6, v27;
	v20 =	vor.u32 v20, v36;
	v28 =	vsel vm6, $0x2E6, v28  }
0x2e: {  	v29 =	vsel vm6, $0x2F6, v29;
	v15 =	vor.u32 v15, v36;
	v13 =	vor.u32 v13, v14  }
0x2f: {  	v9 =	vor.u32 v9, v30;
	v16 =	vand.u32 $0x7C00, v47;
	v4 =	vor.u32 v4, v51  }
0x30: {  	v17 =	vsel vm2, $0x205, v17;
	v18 =	vsel vm2, $0x215, v18;
	v25 =	vsel vm7, $0x337, v25  }
0x31: {  	v26 =	vsel vm7, $0x347, v26;
	v27 =	vsel vm7, $0x357, v27;
	v28 =	vsel vm7, $0x367, v28  }
0x32: {  	v29 =	vsel vm7, $0x377, v29;
	v7 =	vor.u32 v7, v16;
	v5 =	vor.u32 v5, v16  }
0x33: {  	v17 =	vsel vm6, $0x286, v17;
	v18 =	vsel vm6, $0x296, v18;
	v25 =	vsel vm8, $0x3B8, v25  }
0x34: {  	v26 =	vsel vm8, $0x3C8, v26;
	v27 =	vsel vm8, $0x3D8, v27;
	v28 =	vsel vm8, $0x3E8, v28  }
0x35: {  	v29 =	vsel vm8, $0x3F8, v29;
	v17 =	vsel vm7, $0x307, v17;
	v18 =	vsel vm7, $0x317, v18  }
0x36: {  	v25 =	vsel vm9, $0x39, v25;
	v26 =	vsel vm9, $0x49, v26;
	v27 =	vsel vm9, $0x59, v27  }
0x37: {  	v28 =	vsel vm9, $0x69, v28;
	v29 =	vsel vm9, $0x79, v29;
	v17 =	vsel vm8, $0x388, v17  }
0x38: {  	v18 =	vsel vm8, $0x398, v18;
	v25 =	vsel vm10, $0xBA, v25;
	v26 =	vsel vm10, $0xCA, v26  }
0x39: {  	v27 =	vsel vm10, $0xDA, v27;
	v28 =	vsel vm10, $0xEA, v28;
	v29 =	vsel vm10, $0xFA, v29  }
0x3a: {  	v17 =	vsel vm9, $0x9, v17;
	v18 =	vsel vm9, $0x19, v18;
	v25 =	vsel vm11, $0x13B, v25  }
0x3b: {  	v26 =	vsel vm11, $0x14B, v26;
	v27 =	vsel vm11, $0x15B, v27;
	v28 =	vsel vm11, $0x16B, v28  }
0x3c: {  	v29 =	vsel vm11, $0x17B, v29;
	v17 =	vsel vm10, $0x8A, v17;
	v18 =	vsel vm10, $0x9A, v18  }
0x3d: {  	v25 =	vsel vm12, $0x1BC, v25;
	v26 =	vsel vm12, $0x1CC, v26;
	v27 =	vsel vm12, $0x1DC, v27  }
0x3e: {  	v28 =	vsel vm12, $0x1EC, v28;
	v29 =	vsel vm12, $0x1FC, v29;
	v17 =	vsel vm11, $0x10B, v17  }
0x3f: {  	s8 =	rddreg [dreg:$0x0];
	v24 =	vsel vm11, $0x11B, v18;
	v25 =	vsel vm13, $0x23D, v25;
	v26 =	vsel vm13, $0x24D, v26  }
0x40: {  	s7 =	rddreg [dreg:$0x1];
	v27 =	vsel vm13, $0x25D, v27;
	v28 =	vsel vm13, $0x26D, v28;
	v29 =	vsel vm13, $0x27D, v29  }
0x41: {  	s5 =	rddreg [dreg:$0x2];
	v17 =	vsel vm12, $0x18C, v17;
	v40 =	vsel vm12, $0x19C, v24;
	v24 =	vsel vm0, $0xA2, v41  }
0x42: {  	s6 =	rddreg [dreg:$0x3];
	v25 =	vsel vm14, $0x2BE, v25;
	v26 =	vsel vm14, $0x2CE, v26;
	v27 =	vsel vm14, $0x2DE, v27  }
0x43: {  	s2 =	rddreg [dreg:$0x4];
	s3 =	simm.s32 $0x0;
	v28 =	vsel vm14, $0x2EE, v28;
	v29 =	vsel vm14, $0x2FE, v29;
	v25 =	vsel vm1, $0x33F, v25  }
0x44: {  	[smem:$0x7FF] =	sst s3;
	v24 =	vsel vm4, $0x123, v24;
	v26 =	vsel vm1, $0x34F, v26;
	v22 =	vor.u32 v25, v22  }
0x45: {  	s1 =	rddreg [dreg:$0x5];
	_ =	strace $0x80000047;
	v27 =	vsel vm1, $0x35F, v27;
	v24 =	vsel vm5, $0x1A4, v24;
	v21 =	vor.u32 v26, v21;
	[tilespmem:$0xC30] =	vst v22  }
0x46: {  	v28 =	vsel vm1, $0x36F, v28;
	v20 =	vor.u32 v27, v20;
	v24 =	vsel vm2, $0x225, v24;
	[tilespmem:$0xC40] =	vst v21  }
0x47: {  	v45 =	vsel vm1, $0x37F, v29;
	v15 =	vor.u32 v28, v15;
	[tilespmem:$0xC50] =	vst v20;
	v24 =	vsel vm6, $0x2A6, v24  }
0x48: {  	v17 =	vsel vm13, $0x20D, v17;
	v13 =	vor.u32 v45, v13;
	[tilespmem:$0xC60] =	vst v15;
	v24 =	vsel vm7, $0x327, v24  }
0x49: {  	v17 =	vsel vm14, $0x28E, v17;
	v9 =	vor.u32 v25, v9;
	[tilespmem:$0xC70] =	vst v13;
	v24 =	vsel vm8, $0x3A8, v24  }
0x4a: {  	v7 =	vor.u32 v26, v7;
	v5 =	vor.u32 v27, v5;
	[tilespmem:$0xCB0] =	vst v9;
	v24 =	vsel vm9, $0x29, v24  }
0x4b: {  	v4 =	vor.u32 v28, v4;
	v17 =	vsel vm1, $0x30F, v17;
	[tilespmem:$0xCC0] =	vst v7;
	v24 =	vsel vm10, $0xAA, v24  }
0x4c: {  	[tilespmem:$0xCD0] =	vst v5;
	v39 =	vor.u32 v17, v19;
	v19 =	vsel vm13, $0x21D, v40;
	v24 =	vsel vm11, $0x12B, v24  }
0x4d: {  	v12 =	vor.u32 v12, v30;
	[tilespmem:$0xCE0] =	vst v4;
	v19 =	vsel vm14, $0x29E, v19;
	v24 =	vsel vm12, $0x1AC, v24  }
0x4e: {  	v12 =	vor.u32 v17, v12;
	[tilespmem:$0xC00] =	vst v39;
	v43 =	vsel vm1, $0x31F, v19;
	v24 =	vsel vm13, $0x22D, v24  }
0x4f: {  	v11 =	vor.u32 v11, v30;
	[tilespmem:$0xC80] =	vst v12;
	v19 =	vor.u32 v43, v42;
	v24 =	vsel vm14, $0x2AE, v24  }
0x50: {  	v17 =	vand.u32 $0x7C00, v46;
	v11 =	vor.u32 v43, v11;
	[tilespmem:$0xC10] =	vst v19;
	v24 =	vsel vm1, $0x32F, v24  }
0x51: {  	v2 =	vadd.s32 v3, v2;
	v10 =	vor.u32 v10, v17;
	[tilespmem:$0xC90] =	vst v11;
	v23 =	vor.u32 v24, v23  }
0x52: {  	v2 =	vor.u32 v45, v2;
	vm1 =	veq.s32 v1, v52;
	v10 =	vor.u32 v24, v10;
	[tilespmem:$0xC20] =	vst v23  }
0x53: {  	v1 =	vsel vm1, $0x0, v2;
	[tilespmem:$0xCA0] =	vst v10  }
0x54: {  	s9 =	simm.s32 $0x80;
	s4 =	simm.s32 $0xC00;
	s10 =	simm.s32 $0xD00;
	[tilespmem:$0xCF0] =	vst v1  }
0x55: {  	[tilespmem:s10], [sflag:$0x1] =	stream.indirect.gather [hbm4b:s8+s9], $0x1, s4, s9, $0xb8;
	[tilespmem:$0x1800] =	vst v63  }
0x56: {  	s31 =	simm.s32 $0xC80;
	s11 =	simm.s32 $0xD80;
	s30 =	sshll.u32 s0, $0x7  }
0x57: {  	[tilespmem:s11], [sflag:$0x1] =	stream.indirect.gather [hbm4b:s8+s9], $0x1, s31, s9, $0xb8;
	[tilespmem:$0x1800] =	vst v63  }
0x58: {  	s4 =	sadd.s32 s7, s30  }
0x59: {  	[tilespmem:s3], [sflag:$0x3] =	stream.linear.gather [hbm4b:s4+s3], $0x400, $0x38;
	[tilespmem:$0x1800] =	vst v63  }
0x5a: {  	v53 =	vadd.s32 $0x1, v0;
	s4 =	simm.s32 $0x3  }
0x5b: {  	_ =	swait.ge [sflag:s4], $0x400  }
0x5c: {  	[sflag:s4] =	ssyncset.done $0x0  }
0x5d: {  	[sflag:s4] =	ssyncadd.s32 $0xFFFFFC00  }
0x5e: {  	v54 =	vld [tilespmem:$0x0]  }
0x5f: {  	v1 =	vld.idx.msk [tilespmem:v53+s3+$0x0], $0xffff;
	_ =	sdelay $0x4  }
0x60: {  	v57 =	vadd.s32 $0x11, v0;
	v55 =	vshll.u32 v54, $0xC;
	v56 =	vshll.u32 v1, $0x3  }
0x61: {  	v2 =	vshll.u32 v54, $0x7;
	v3 =	vand.u32 $0xFFFF8000, v55;
	v4 =	vand.u32 $0xFFFFFC00, v56  }
0x62: {  	v2 =	vand.u32 $0x380, v2;
	v3 =	vadd.s32 v3, v4  }
0x63: {  	v1 =	vand.u32 $0x7F, v1;
	v2 =	vor.u32 v2, v3  }
0x64: {  	v1 =	vor.u32 v1, v2  }
0x65: {  	v58 =	vld [tilespmem:$0x10];
	[tilespmem:$0x400] =	vst v1  }
0x66: {  	v59 =	vld.idx.msk [tilespmem:v57+s3+$0x0], $0xffff;
	_ =	sdelay $0x4  }
0x67: {  	v62 =	vadd.s32 $0x21, v0;
	v60 =	vshll.u32 v58, $0xC;
	v61 =	vshll.u32 v59, $0x3  }
0x68: {  	v3 =	vand.u32 $0xFFFF8000, v60;
	v1 =	vshll.u32 v58, $0x7;
	v4 =	vand.u32 $0xFFFFFC00, v61  }
0x69: {  	v1 =	vand.u32 $0x380, v1;
	v3 =	vadd.s32 v3, v4  }
0x6a: {  	v2 =	vand.u32 $0x7F, v59;
	v1 =	vor.u32 v1, v3  }
0x6b: {  	v1 =	vor.u32 v2, v1  }
0x6c: {  	v63 =	vld [tilespmem:$0x20];
	[tilespmem:$0x410] =	vst v1  }
0x6d: {  	v8 =	vld.idx.msk [tilespmem:v62+s3+$0x0], $0xffff;
	_ =	sdelay $0x4  }
0x6e: {  	v11 =	vadd.s32 $0x31, v0;
	v9 =	vshll.u32 v63, $0xC;
	v10 =	vshll.u32 v8, $0x3  }
0x6f: {  	v3 =	vand.u32 $0xFFFF8000, v9;
	v1 =	vshll.u32 v63, $0x7;
	v4 =	vand.u32 $0xFFFFFC00, v10  }
0x70: {  	v1 =	vand.u32 $0x380, v1;
	v3 =	vadd.s32 v3, v4  }
0x71: {  	v2 =	vand.u32 $0x7F, v8;
	v1 =	vor.u32 v1, v3  }
0x72: {  	v1 =	vor.u32 v2, v1  }
0x73: {  	v12 =	vld [tilespmem:$0x30];
	[tilespmem:$0x420] =	vst v1  }
0x74: {  	v13 =	vld.idx.msk [tilespmem:v11+s3+$0x0], $0xffff;
	_ =	sdelay $0x4  }
0x75: {  	v16 =	vadd.s32 $0x41, v0;
	v14 =	vshll.u32 v12, $0xC;
	v15 =	vshll.u32 v13, $0x3  }
0x76: {  	v3 =	vand.u32 $0xFFFF8000, v14;
	v1 =	vshll.u32 v12, $0x7;
	v4 =	vand.u32 $0xFFFFFC00, v15  }
0x77: {  	v1 =	vand.u32 $0x380, v1;
	v3 =	vadd.s32 v3, v4  }
0x78: {  	v2 =	vand.u32 $0x7F, v13;
	v1 =	vor.u32 v1, v3  }
0x79: {  	v1 =	vor.u32 v2, v1  }
0x7a: {  	v17 =	vld [tilespmem:$0x40];
	[tilespmem:$0x430] =	vst v1  }
0x7b: {  	v18 =	vld.idx.msk [tilespmem:v16+s3+$0x0], $0xffff;
	_ =	sdelay $0x4  }
0x7c: {  	v21 =	vadd.s32 $0x51, v0;
	v19 =	vshll.u32 v17, $0xC;
	v20 =	vshll.u32 v18, $0x3  }
0x7d: {  	v3 =	vand.u32 $0xFFFF8000, v19;
	v1 =	vshll.u32 v17, $0x7;
	v4 =	vand.u32 $0xFFFFFC00, v20  }
0x7e: {  	v1 =	vand.u32 $0x380, v1;
	v3 =	vadd.s32 v3, v4  }
0x7f: {  	v2 =	vand.u32 $0x7F, v18;
	v1 =	vor.u32 v1, v3  }
0x80: {  	v1 =	vor.u32 v2, v1  }
0x81: {  	v22 =	vld [tilespmem:$0x50];
	[tilespmem:$0x440] =	vst v1  }
0x82: {  	v23 =	vld.idx.msk [tilespmem:v21+s3+$0x0], $0xffff;
	_ =	sdelay $0x4  }
0x83: {  	v26 =	vadd.s32 $0x61, v0;
	v24 =	vshll.u32 v22, $0xC;
	v25 =	vshll.u32 v23, $0x3  }
0x84: {  	v3 =	vand.u32 $0xFFFF8000, v24;
	v1 =	vshll.u32 v22, $0x7;
	v4 =	vand.u32 $0xFFFFFC00, v25  }
0x85: {  	v1 =	vand.u32 $0x380, v1;
	v3 =	vadd.s32 v3, v4  }
0x86: {  	v2 =	vand.u32 $0x7F, v23;
	v1 =	vor.u32 v1, v3  }
0x87: {  	v1 =	vor.u32 v2, v1  }
0x88: {  	v27 =	vld [tilespmem:$0x60];
	[tilespmem:$0x450] =	vst v1  }
0x89: {  	v28 =	vld.idx.msk [tilespmem:v26+s3+$0x0], $0xffff;
	_ =	sdelay $0x4  }
0x8a: {  	v29 =	vadd.s32 $0x71, v0;
	v30 =	vshll.u32 v27, $0xC;
	v5 =	vshll.u32 v28, $0x3  }
0x8b: {  	v4 =	vand.u32 $0xFFFF8000, v30;
	v1 =	vshll.u32 v27, $0x7;
	v5 =	vand.u32 $0xFFFFFC00, v5  }
0x8c: {  	v1 =	vand.u32 $0x380, v1;
	v4 =	vadd.s32 v4, v5  }
0x8d: {  	v2 =	vand.u32 $0x7F, v28;
	v1 =	vor.u32 v1, v4  }
0x8e: {  	v1 =	vor.u32 v2, v1  }
0x8f: {  	v31 =	vld [tilespmem:$0x70];
	[tilespmem:$0x460] =	vst v1  }
0x90: {  	v32 =	vld.idx.msk [tilespmem:v29+s3+$0x0], $0xffff;
	_ =	sdelay $0x4  }
0x91: {  	v33 =	vadd.s32 $0x81, v0;
	v34 =	vshll.u32 v31, $0xC;
	v35 =	vshll.u32 v32, $0x3  }
0x92: {  	v4 =	vand.u32 $0xFFFF8000, v34;
	v1 =	vshll.u32 v31, $0x7;
	v5 =	vand.u32 $0xFFFFFC00, v35  }
0x93: {  	v1 =	vand.u32 $0x380, v1;
	v4 =	vadd.s32 v4, v5  }
0x94: {  	v2 =	vand.u32 $0x7F, v32;
	v1 =	vor.u32 v1, v4  }
0x95: {  	v1 =	vor.u32 v2, v1  }
0x96: {  	v36 =	vld [tilespmem:$0x80];
	[tilespmem:$0x470] =	vst v1  }
0x97: {  	v37 =	vld.idx.msk [tilespmem:v33+s3+$0x0], $0xffff;
	_ =	sdelay $0x4  }
0x98: {  	v38 =	vadd.s32 $0x91, v0;
	v39 =	vshll.u32 v36, $0xC;
	v40 =	vshll.u32 v37, $0x3  }
0x99: {  	v4 =	vand.u32 $0xFFFF8000, v39;
	v1 =	vshll.u32 v36, $0x7;
	v5 =	vand.u32 $0xFFFFFC00, v40  }
0x9a: {  	v1 =	vand.u32 $0x380, v1;
	v4 =	vadd.s32 v4, v5  }
0x9b: {  	v2 =	vand.u32 $0x7F, v37;
	v1 =	vor.u32 v1, v4  }
0x9c: {  	v1 =	vor.u32 v2, v1  }
0x9d: {  	v41 =	vld [tilespmem:$0x90];
	[tilespmem:$0x480] =	vst v1  }
0x9e: {  	v42 =	vld.idx.msk [tilespmem:v38+s3+$0x0], $0xffff;
	_ =	sdelay $0x4  }
0x9f: {  	v43 =	vadd.s32 $0xA1, v0;
	v44 =	vshll.u32 v41, $0xC;
	v45 =	vshll.u32 v42, $0x3  }
0xa0: {  	v4 =	vand.u32 $0xFFFF8000, v44;
	v1 =	vshll.u32 v41, $0x7;
	v5 =	vand.u32 $0xFFFFFC00, v45  }
0xa1: {  	v1 =	vand.u32 $0x380, v1;
	v4 =	vadd.s32 v4, v5  }
0xa2: {  	v2 =	vand.u32 $0x7F, v42;
	v1 =	vor.u32 v1, v4  }
0xa3: {  	v1 =	vor.u32 v2, v1  }
0xa4: {  	v46 =	vld [tilespmem:$0xA0];
	[tilespmem:$0x490] =	vst v1  }
0xa5: {  	v47 =	vld.idx.msk [tilespmem:v43+s3+$0x0], $0xffff;
	_ =	sdelay $0x4  }
0xa6: {  	v48 =	vadd.s32 $0xB1, v0;
	v49 =	vshll.u32 v46, $0xC;
	v50 =	vshll.u32 v47, $0x3  }
0xa7: {  	v4 =	vand.u32 $0xFFFF8000, v49;
	v1 =	vshll.u32 v46, $0x7;
	v5 =	vand.u32 $0xFFFFFC00, v50  }
0xa8: {  	v1 =	vand.u32 $0x380, v1;
	v4 =	vadd.s32 v4, v5  }
0xa9: {  	v2 =	vand.u32 $0x7F, v47;
	v1 =	vor.u32 v1, v4  }
0xaa: {  	v1 =	vor.u32 v2, v1  }
0xab: {  	v51 =	vld [tilespmem:$0xB0];
	[tilespmem:$0x4A0] =	vst v1  }
0xac: {  	v52 =	vld.idx.msk [tilespmem:v48+s3+$0x0], $0xffff;
	_ =	sdelay $0x4  }
0xad: {  	v53 =	vadd.s32 $0xC1, v0;
	v54 =	vshll.u32 v51, $0xC;
	v55 =	vshll.u32 v52, $0x3  }
0xae: {  	v4 =	vand.u32 $0xFFFF8000, v54;
	v1 =	vshll.u32 v51, $0x7;
	v5 =	vand.u32 $0xFFFFFC00, v55  }
0xaf: {  	v1 =	vand.u32 $0x380, v1;
	v4 =	vadd.s32 v4, v5  }
0xb0: {  	v2 =	vand.u32 $0x7F, v52;
	v1 =	vor.u32 v1, v4  }
0xb1: {  	v1 =	vor.u32 v2, v1  }
0xb2: {  	v56 =	vld [tilespmem:$0xC0];
	[tilespmem:$0x4B0] =	vst v1  }
0xb3: {  	v57 =	vld.idx.msk [tilespmem:v53+s3+$0x0], $0xffff;
	_ =	sdelay $0x4  }
0xb4: {  	v58 =	vadd.s32 $0xD1, v0;
	v59 =	vshll.u32 v56, $0xC;
	v60 =	vshll.u32 v57, $0x3  }
0xb5: {  	v4 =	vand.u32 $0xFFFF8000, v59;
	v1 =	vshll.u32 v56, $0x7;
	v5 =	vand.u32 $0xFFFFFC00, v60  }
0xb6: {  	v1 =	vand.u32 $0x380, v1;
	v4 =	vadd.s32 v4, v5  }
0xb7: {  	v2 =	vand.u32 $0x7F, v57;
	v1 =	vor.u32 v1, v4  }
0xb8: {  	v1 =	vor.u32 v2, v1  }
0xb9: {  	v61 =	vld [tilespmem:$0xD0];
	[tilespmem:$0x4C0] =	vst v1  }
0xba: {  	v62 =	vld.idx.msk [tilespmem:v58+s3+$0x0], $0xffff;
	_ =	sdelay $0x4  }
0xbb: {  	v63 =	vadd.s32 $0xE1, v0;
	v8 =	vshll.u32 v61, $0xC;
	v9 =	vshll.u32 v62, $0x3  }
0xbc: {  	v4 =	vand.u32 $0xFFFF8000, v8;
	v1 =	vshll.u32 v61, $0x7;
	v5 =	vand.u32 $0xFFFFFC00, v9  }
0xbd: {  	v1 =	vand.u32 $0x380, v1;
	v4 =	vadd.s32 v4, v5  }
0xbe: {  	v2 =	vand.u32 $0x7F, v62;
	v1 =	vor.u32 v1, v4  }
0xbf: {  	v1 =	vor.u32 v2, v1  }
0xc0: {  	v10 =	vld [tilespmem:$0xE0];
	[tilespmem:$0x4D0] =	vst v1  }
0xc1: {  	v11 =	vld.idx.msk [tilespmem:v63+s3+$0x0], $0xffff;
	_ =	sdelay $0x4  }
0xc2: {  	v12 =	vadd.s32 $0xF1, v0;
	v13 =	vshll.u32 v10, $0xC;
	v14 =	vshll.u32 v11, $0x3  }
0xc3: {  	v4 =	vand.u32 $0xFFFF8000, v13;
	v1 =	vshll.u32 v10, $0x7;
	v5 =	vand.u32 $0xFFFFFC00, v14  }
0xc4: {  	v1 =	vand.u32 $0x380, v1;
	v4 =	vadd.s32 v4, v5  }
0xc5: {  	v2 =	vand.u32 $0x7F, v11;
	v1 =	vor.u32 v1, v4  }
0xc6: {  	v1 =	vor.u32 v2, v1  }
0xc7: {  	v15 =	vld [tilespmem:$0xF0];
	[tilespmem:$0x4E0] =	vst v1  }
0xc8: {  	v16 =	vld.idx.msk [tilespmem:v12+s3+$0x0], $0xffff;
	_ =	sdelay $0x4  }
0xc9: {  	v19 =	vadd.s32 $0x101, v0;
	v17 =	vshll.u32 v15, $0xC;
	v18 =	vshll.u32 v16, $0x3  }
0xca: {  	v3 =	vand.u32 $0xFFFF8000, v17;
	v1 =	vshll.u32 v15, $0x7;
	v4 =	vand.u32 $0xFFFFFC00, v18  }
0xcb: {  	v1 =	vand.u32 $0x380, v1;
	v3 =	vadd.s32 v3, v4  }
0xcc: {  	v2 =	vand.u32 $0x7F, v16;
	v1 =	vor.u32 v1, v3  }
0xcd: {  	v1 =	vor.u32 v2, v1  }
0xce: {  	v20 =	vld [tilespmem:$0x100];
	[tilespmem:$0x4F0] =	vst v1  }
0xcf: {  	v21 =	vld.idx.msk [tilespmem:v19+s3+$0x0], $0xffff;
	_ =	sdelay $0x4  }
0xd0: {  	v24 =	vadd.s32 $0x111, v0;
	v22 =	vshll.u32 v20, $0xC;
	v23 =	vshll.u32 v21, $0x3  }
0xd1: {  	v3 =	vand.u32 $0xFFFF8000, v22;
	v1 =	vshll.u32 v20, $0x7;
	v4 =	vand.u32 $0xFFFFFC00, v23  }
0xd2: {  	v1 =	vand.u32 $0x380, v1;
	v3 =	vadd.s32 v3, v4  }
0xd3: {  	v2 =	vand.u32 $0x7F, v21;
	v1 =	vor.u32 v1, v3  }
0xd4: {  	v1 =	vor.u32 v2, v1  }
0xd5: {  	v25 =	vld [tilespmem:$0x110];
	[tilespmem:$0x500] =	vst v1  }
0xd6: {  	v26 =	vld.idx.msk [tilespmem:v24+s3+$0x0], $0xffff;
	_ =	sdelay $0x4  }
0xd7: {  	v27 =	vshll.u32 v25, $0xC;
	v29 =	vadd.s32 $0x121, v0;
	v28 =	vshll.u32 v26, $0x3  }
0xd8: {  	v3 =	vand.u32 $0xFFFF8000, v27;
	v1 =	vshll.u32 v25, $0x7;
	v4 =	vand.u32 $0xFFFFFC00, v28  }
0xd9: {  	v1 =	vand.u32 $0x380, v1;
	v3 =	vadd.s32 v3, v4  }
0xda: {  	v2 =	vand.u32 $0x7F, v26;
	v1 =	vor.u32 v1, v3  }
0xdb: {  	v1 =	vor.u32 v2, v1  }
0xdc: {  	v30 =	vld [tilespmem:$0x120];
	[tilespmem:$0x510] =	vst v1  }
0xdd: {  	v31 =	vld.idx.msk [tilespmem:v29+s3+$0x0], $0xffff;
	_ =	sdelay $0x4  }
0xde: {  	v34 =	vadd.s32 $0x131, v0;
	v32 =	vshll.u32 v30, $0xC;
	v33 =	vshll.u32 v31, $0x3  }
0xdf: {  	v3 =	vand.u32 $0xFFFF8000, v32;
	v1 =	vshll.u32 v30, $0x7;
	v4 =	vand.u32 $0xFFFFFC00, v33  }
0xe0: {  	v1 =	vand.u32 $0x380, v1;
	v3 =	vadd.s32 v3, v4  }
0xe1: {  	v2 =	vand.u32 $0x7F, v31;
	v1 =	vor.u32 v1, v3  }
0xe2: {  	v1 =	vor.u32 v2, v1  }
0xe3: {  	v35 =	vld [tilespmem:$0x130];
	[tilespmem:$0x520] =	vst v1  }
0xe4: {  	v36 =	vld.idx.msk [tilespmem:v34+s3+$0x0], $0xffff;
	_ =	sdelay $0x4  }
0xe5: {  	v39 =	vadd.s32 $0x141, v0;
	v37 =	vshll.u32 v35, $0xC;
	v38 =	vshll.u32 v36, $0x3  }
0xe6: {  	v3 =	vand.u32 $0xFFFF8000, v37;
	v1 =	vshll.u32 v35, $0x7;
	v4 =	vand.u32 $0xFFFFFC00, v38  }
0xe7: {  	v1 =	vand.u32 $0x380, v1;
	v3 =	vadd.s32 v3, v4  }
0xe8: {  	v2 =	vand.u32 $0x7F, v36;
	v1 =	vor.u32 v1, v3  }
0xe9: {  	v1 =	vor.u32 v2, v1  }
0xea: {  	v40 =	vld [tilespmem:$0x140];
	[tilespmem:$0x530] =	vst v1  }
0xeb: {  	v41 =	vld.idx.msk [tilespmem:v39+s3+$0x0], $0xffff;
	_ =	sdelay $0x4  }
0xec: {  	v44 =	vadd.s32 $0x151, v0;
	v42 =	vshll.u32 v40, $0xC;
	v43 =	vshll.u32 v41, $0x3  }
0xed: {  	v3 =	vand.u32 $0xFFFF8000, v42;
	v1 =	vshll.u32 v40, $0x7;
	v4 =	vand.u32 $0xFFFFFC00, v43  }
0xee: {  	v1 =	vand.u32 $0x380, v1;
	v3 =	vadd.s32 v3, v4  }
0xef: {  	v2 =	vand.u32 $0x7F, v41;
	v1 =	vor.u32 v1, v3  }
0xf0: {  	v1 =	vor.u32 v2, v1  }
0xf1: {  	v45 =	vld [tilespmem:$0x150];
	[tilespmem:$0x540] =	vst v1  }
0xf2: {  	v46 =	vld.idx.msk [tilespmem:v44+s3+$0x0], $0xffff;
	_ =	sdelay $0x4  }
0xf3: {  	v49 =	vadd.s32 $0x161, v0;
	v47 =	vshll.u32 v45, $0xC;
	v48 =	vshll.u32 v46, $0x3  }
0xf4: {  	v3 =	vand.u32 $0xFFFF8000, v47;
	v1 =	vshll.u32 v45, $0x7;
	v4 =	vand.u32 $0xFFFFFC00, v48  }
0xf5: {  	v1 =	vand.u32 $0x380, v1;
	v3 =	vadd.s32 v3, v4  }
0xf6: {  	v2 =	vand.u32 $0x7F, v46;
	v1 =	vor.u32 v1, v3  }
0xf7: {  	v1 =	vor.u32 v2, v1  }
0xf8: {  	v50 =	vld [tilespmem:$0x160];
	[tilespmem:$0x550] =	vst v1  }
0xf9: {  	v51 =	vld.idx.msk [tilespmem:v49+s3+$0x0], $0xffff;
	_ =	sdelay $0x4  }
0xfa: {  	v54 =	vadd.s32 $0x171, v0;
	v52 =	vshll.u32 v50, $0xC;
	v53 =	vshll.u32 v51, $0x3  }
0xfb: {  	v3 =	vand.u32 $0xFFFF8000, v52;
	v1 =	vshll.u32 v50, $0x7;
	v4 =	vand.u32 $0xFFFFFC00, v53  }
0xfc: {  	v1 =	vand.u32 $0x380, v1;
	v3 =	vadd.s32 v3, v4  }
0xfd: {  	v2 =	vand.u32 $0x7F, v51;
	v1 =	vor.u32 v1, v3  }
0xfe: {  	v1 =	vor.u32 v2, v1  }
0xff: {  	v55 =	vld [tilespmem:$0x170];
	[tilespmem:$0x560] =	vst v1  }
0x100: {  	v56 =	vld.idx.msk [tilespmem:v54+s3+$0x0], $0xffff;
	_ =	sdelay $0x4  }
0x101: {  	v59 =	vadd.s32 $0x181, v0;
	v57 =	vshll.u32 v55, $0xC;
	v58 =	vshll.u32 v56, $0x3  }
0x102: {  	v3 =	vand.u32 $0xFFFF8000, v57;
	v1 =	vshll.u32 v55, $0x7;
	v4 =	vand.u32 $0xFFFFFC00, v58  }
0x103: {  	v1 =	vand.u32 $0x380, v1;
	v3 =	vadd.s32 v3, v4  }
0x104: {  	v2 =	vand.u32 $0x7F, v56;
	v1 =	vor.u32 v1, v3  }
0x105: {  	v1 =	vor.u32 v2, v1  }
0x106: {  	v60 =	vld [tilespmem:$0x180];
	[tilespmem:$0x570] =	vst v1  }
0x107: {  	v61 =	vld.idx.msk [tilespmem:v59+s3+$0x0], $0xffff;
	_ =	sdelay $0x4  }
0x108: {  	v8 =	vadd.s32 $0x191, v0;
	v62 =	vshll.u32 v60, $0xC;
	v63 =	vshll.u32 v61, $0x3  }
0x109: {  	v3 =	vand.u32 $0xFFFF8000, v62;
	v1 =	vshll.u32 v60, $0x7;
	v4 =	vand.u32 $0xFFFFFC00, v63  }
0x10a: {  	v1 =	vand.u32 $0x380, v1;
	v3 =	vadd.s32 v3, v4  }
0x10b: {  	v2 =	vand.u32 $0x7F, v61;
	v1 =	vor.u32 v1, v3  }
0x10c: {  	v1 =	vor.u32 v2, v1  }
0x10d: {  	v9 =	vld [tilespmem:$0x190];
	[tilespmem:$0x580] =	vst v1  }
0x10e: {  	v10 =	vld.idx.msk [tilespmem:v8+s3+$0x0], $0xffff;
	_ =	sdelay $0x4  }
0x10f: {  	v13 =	vadd.s32 $0x1A1, v0;
	v11 =	vshll.u32 v9, $0xC;
	v12 =	vshll.u32 v10, $0x3  }
0x110: {  	v3 =	vand.u32 $0xFFFF8000, v11;
	v1 =	vshll.u32 v9, $0x7;
	v4 =	vand.u32 $0xFFFFFC00, v12  }
0x111: {  	v1 =	vand.u32 $0x380, v1;
	v3 =	vadd.s32 v3, v4  }
0x112: {  	v2 =	vand.u32 $0x7F, v10;
	v1 =	vor.u32 v1, v3  }
0x113: {  	v1 =	vor.u32 v2, v1  }
0x114: {  	v14 =	vld [tilespmem:$0x1A0];
	[tilespmem:$0x590] =	vst v1  }
0x115: {  	v15 =	vld.idx.msk [tilespmem:v13+s3+$0x0], $0xffff;
	_ =	sdelay $0x4  }
0x116: {  	v16 =	vshll.u32 v14, $0xC;
	v18 =	vadd.s32 $0x1B1, v0;
	v17 =	vshll.u32 v15, $0x3  }
0x117: {  	v3 =	vand.u32 $0xFFFF8000, v16;
	v1 =	vshll.u32 v14, $0x7;
	v4 =	vand.u32 $0xFFFFFC00, v17  }
0x118: {  	v1 =	vand.u32 $0x380, v1;
	v3 =	vadd.s32 v3, v4  }
0x119: {  	v2 =	vand.u32 $0x7F, v15;
	v1 =	vor.u32 v1, v3  }
0x11a: {  	v1 =	vor.u32 v2, v1  }
0x11b: {  	v19 =	vld [tilespmem:$0x1B0];
	[tilespmem:$0x5A0] =	vst v1  }
0x11c: {  	v20 =	vld.idx.msk [tilespmem:v18+s3+$0x0], $0xffff;
	_ =	sdelay $0x4  }
0x11d: {  	v21 =	vshll.u32 v19, $0xC;
	v23 =	vadd.s32 $0x1C1, v0;
	v22 =	vshll.u32 v20, $0x3  }
0x11e: {  	v3 =	vand.u32 $0xFFFF8000, v21;
	v1 =	vshll.u32 v19, $0x7;
	v4 =	vand.u32 $0xFFFFFC00, v22  }
0x11f: {  	v1 =	vand.u32 $0x380, v1;
	v3 =	vadd.s32 v3, v4  }
0x120: {  	v2 =	vand.u32 $0x7F, v20;
	v1 =	vor.u32 v1, v3  }
0x121: {  	v1 =	vor.u32 v2, v1  }
0x122: {  	v24 =	vld [tilespmem:$0x1C0];
	[tilespmem:$0x5B0] =	vst v1  }
0x123: {  	v25 =	vld.idx.msk [tilespmem:v23+s3+$0x0], $0xffff;
	_ =	sdelay $0x4  }
0x124: {  	v26 =	vshll.u32 v24, $0xC;
	v28 =	vadd.s32 $0x1D1, v0;
	v27 =	vshll.u32 v25, $0x3  }
0x125: {  	v3 =	vand.u32 $0xFFFF8000, v26;
	v1 =	vshll.u32 v24, $0x7;
	v4 =	vand.u32 $0xFFFFFC00, v27  }
0x126: {  	v1 =	vand.u32 $0x380, v1;
	v3 =	vadd.s32 v3, v4  }
0x127: {  	v2 =	vand.u32 $0x7F, v25;
	v1 =	vor.u32 v1, v3  }
0x128: {  	v1 =	vor.u32 v2, v1  }
0x129: {  	v29 =	vld [tilespmem:$0x1D0];
	[tilespmem:$0x5C0] =	vst v1  }
0x12a: {  	v30 =	vld.idx.msk [tilespmem:v28+s3+$0x0], $0xffff;
	_ =	sdelay $0x4  }
0x12b: {  	v31 =	vshll.u32 v29, $0xC;
	v33 =	vadd.s32 $0x1E1, v0;
	v32 =	vshll.u32 v30, $0x3  }
0x12c: {  	v3 =	vand.u32 $0xFFFF8000, v31;
	v1 =	vshll.u32 v29, $0x7;
	v4 =	vand.u32 $0xFFFFFC00, v32  }
0x12d: {  	v1 =	vand.u32 $0x380, v1;
	v3 =	vadd.s32 v3, v4  }
0x12e: {  	v2 =	vand.u32 $0x7F, v30;
	v1 =	vor.u32 v1, v3  }
0x12f: {  	v1 =	vor.u32 v2, v1  }
0x130: {  	v34 =	vld [tilespmem:$0x1E0];
	[tilespmem:$0x5D0] =	vst v1  }
0x131: {  	v35 =	vld.idx.msk [tilespmem:v33+s3+$0x0], $0xffff;
	_ =	sdelay $0x4  }
0x132: {  	v36 =	vshll.u32 v34, $0xC;
	v38 =	vadd.s32 $0x1F1, v0;
	v37 =	vshll.u32 v35, $0x3  }
0x133: {  	v3 =	vand.u32 $0xFFFF8000, v36;
	v1 =	vshll.u32 v34, $0x7;
	v4 =	vand.u32 $0xFFFFFC00, v37  }
0x134: {  	v1 =	vand.u32 $0x380, v1;
	v3 =	vadd.s32 v3, v4  }
0x135: {  	v2 =	vand.u32 $0x7F, v35;
	v1 =	vor.u32 v1, v3  }
0x136: {  	v1 =	vor.u32 v2, v1  }
0x137: {  	v39 =	vld [tilespmem:$0x1F0];
	[tilespmem:$0x5E0] =	vst v1  }
0x138: {  	v40 =	vld.idx.msk [tilespmem:v38+s3+$0x0], $0xffff;
	_ =	sdelay $0x4  }
0x139: {  	v41 =	vshll.u32 v39, $0xC;
	v42 =	vshll.u32 v40, $0x3  }
0x13a: {  	v3 =	vand.u32 $0xFFFF8000, v41;
	v1 =	vshll.u32 v39, $0x7;
	v4 =	vand.u32 $0xFFFFFC00, v42  }
0x13b: {  	v43 =	vadd.s32 $0x201, v0;
	v1 =	vand.u32 $0x380, v1;
	v3 =	vadd.s32 v3, v4  }
0x13c: {  	v2 =	vand.u32 $0x7F, v40;
	v1 =	vor.u32 v1, v3  }
0x13d: {  	vm15 =	veq.s32 v0, $0xF;
	v1 =	vor.u32 v2, v1  }
0x13e: {  	v1 =	vsel vm15, $0x0, v1  }
0x13f: {  	v44 =	vld [tilespmem:$0x200];
	[tilespmem:$0x5F0] =	vst v1  }
0x140: {  	v45 =	vld.idx.msk [tilespmem:v43+s3+$0x0], $0xffff;
	_ =	sdelay $0x4  }
0x141: {  	v47 =	vadd.s32 $0x211, v0;
	v46 =	vshll.u32 v44, $0xC;
	v4 =	vshll.u32 v45, $0x3  }
0x142: {  	v3 =	vand.u32 $0xFFFF8000, v46;
	v1 =	vshll.u32 v44, $0x7;
	v4 =	vand.u32 $0xFFFFFC00, v4  }
0x143: {  	v1 =	vand.u32 $0x380, v1;
	v3 =	vadd.s32 v3, v4  }
0x144: {  	v2 =	vand.u32 $0x7F, v45;
	v1 =	vor.u32 v1, v3  }
0x145: {  	v1 =	vor.u32 v2, v1  }
0x146: {  	v48 =	vld [tilespmem:$0x210];
	[tilespmem:$0x600] =	vst v1  }
0x147: {  	v49 =	vld.idx.msk [tilespmem:v47+s3+$0x0], $0xffff;
	_ =	sdelay $0x4  }
0x148: {  	v52 =	vadd.s32 $0x221, v0;
	v50 =	vshll.u32 v48, $0xC;
	v51 =	vshll.u32 v49, $0x3  }
0x149: {  	v3 =	vand.u32 $0xFFFF8000, v50;
	v1 =	vshll.u32 v48, $0x7;
	v4 =	vand.u32 $0xFFFFFC00, v51  }
0x14a: {  	v1 =	vand.u32 $0x380, v1;
	v3 =	vadd.s32 v3, v4  }
0x14b: {  	v2 =	vand.u32 $0x7F, v49;
	v1 =	vor.u32 v1, v3  }
0x14c: {  	v1 =	vor.u32 v2, v1  }
0x14d: {  	v53 =	vld [tilespmem:$0x220];
	[tilespmem:$0x610] =	vst v1  }
0x14e: {  	v54 =	vld.idx.msk [tilespmem:v52+s3+$0x0], $0xffff;
	_ =	sdelay $0x4  }
0x14f: {  	v57 =	vadd.s32 $0x231, v0;
	v55 =	vshll.u32 v53, $0xC;
	v56 =	vshll.u32 v54, $0x3  }
0x150: {  	v3 =	vand.u32 $0xFFFF8000, v55;
	v1 =	vshll.u32 v53, $0x7;
	v4 =	vand.u32 $0xFFFFFC00, v56  }
0x151: {  	v1 =	vand.u32 $0x380, v1;
	v3 =	vadd.s32 v3, v4  }
0x152: {  	v2 =	vand.u32 $0x7F, v54;
	v1 =	vor.u32 v1, v3  }
0x153: {  	v1 =	vor.u32 v2, v1  }
0x154: {  	v58 =	vld [tilespmem:$0x230];
	[tilespmem:$0x620] =	vst v1  }
0x155: {  	v59 =	vld.idx.msk [tilespmem:v57+s3+$0x0], $0xffff;
	_ =	sdelay $0x4  }
0x156: {  	v62 =	vadd.s32 $0x241, v0;
	v60 =	vshll.u32 v58, $0xC;
	v61 =	vshll.u32 v59, $0x3  }
0x157: {  	v3 =	vand.u32 $0xFFFF8000, v60;
	v1 =	vshll.u32 v58, $0x7;
	v4 =	vand.u32 $0xFFFFFC00, v61  }
0x158: {  	v1 =	vand.u32 $0x380, v1;
	v3 =	vadd.s32 v3, v4  }
0x159: {  	v2 =	vand.u32 $0x7F, v59;
	v1 =	vor.u32 v1, v3  }
0x15a: {  	v1 =	vor.u32 v2, v1  }
0x15b: {  	v63 =	vld [tilespmem:$0x240];
	[tilespmem:$0x630] =	vst v1  }
0x15c: {  	v8 =	vld.idx.msk [tilespmem:v62+s3+$0x0], $0xffff;
	_ =	sdelay $0x4  }
0x15d: {  	v11 =	vadd.s32 $0x251, v0;
	v9 =	vshll.u32 v63, $0xC;
	v10 =	vshll.u32 v8, $0x3  }
0x15e: {  	v3 =	vand.u32 $0xFFFF8000, v9;
	v1 =	vshll.u32 v63, $0x7;
	v4 =	vand.u32 $0xFFFFFC00, v10  }
0x15f: {  	v1 =	vand.u32 $0x380, v1;
	v3 =	vadd.s32 v3, v4  }
0x160: {  	v2 =	vand.u32 $0x7F, v8;
	v1 =	vor.u32 v1, v3  }
0x161: {  	v1 =	vor.u32 v2, v1  }
0x162: {  	v12 =	vld [tilespmem:$0x250];
	[tilespmem:$0x640] =	vst v1  }
0x163: {  	v13 =	vld.idx.msk [tilespmem:v11+s3+$0x0], $0xffff;
	_ =	sdelay $0x4  }
0x164: {  	v16 =	vadd.s32 $0x261, v0;
	v14 =	vshll.u32 v12, $0xC;
	v15 =	vshll.u32 v13, $0x3  }
0x165: {  	v3 =	vand.u32 $0xFFFF8000, v14;
	v1 =	vshll.u32 v12, $0x7;
	v4 =	vand.u32 $0xFFFFFC00, v15  }
0x166: {  	v1 =	vand.u32 $0x380, v1;
	v3 =	vadd.s32 v3, v4  }
0x167: {  	v2 =	vand.u32 $0x7F, v13;
	v1 =	vor.u32 v1, v3  }
0x168: {  	v1 =	vor.u32 v2, v1  }
0x169: {  	v17 =	vld [tilespmem:$0x260];
	[tilespmem:$0x650] =	vst v1  }
0x16a: {  	v18 =	vld.idx.msk [tilespmem:v16+s3+$0x0], $0xffff;
	_ =	sdelay $0x4  }
0x16b: {  	v21 =	vadd.s32 $0x271, v0;
	v19 =	vshll.u32 v17, $0xC;
	v20 =	vshll.u32 v18, $0x3  }
0x16c: {  	v3 =	vand.u32 $0xFFFF8000, v19;
	v1 =	vshll.u32 v17, $0x7;
	v4 =	vand.u32 $0xFFFFFC00, v20  }
0x16d: {  	v1 =	vand.u32 $0x380, v1;
	v3 =	vadd.s32 v3, v4  }
0x16e: {  	v2 =	vand.u32 $0x7F, v18;
	v1 =	vor.u32 v1, v3  }
0x16f: {  	v1 =	vor.u32 v2, v1  }
0x170: {  	v22 =	vld [tilespmem:$0x270];
	[tilespmem:$0x660] =	vst v1  }
0x171: {  	v23 =	vld.idx.msk [tilespmem:v21+s3+$0x0], $0xffff;
	_ =	sdelay $0x4  }
0x172: {  	v26 =	vadd.s32 $0x281, v0;
	v24 =	vshll.u32 v22, $0xC;
	v25 =	vshll.u32 v23, $0x3  }
0x173: {  	v3 =	vand.u32 $0xFFFF8000, v24;
	v1 =	vshll.u32 v22, $0x7;
	v4 =	vand.u32 $0xFFFFFC00, v25  }
0x174: {  	v1 =	vand.u32 $0x380, v1;
	v3 =	vadd.s32 v3, v4  }
0x175: {  	v2 =	vand.u32 $0x7F, v23;
	v1 =	vor.u32 v1, v3  }
0x176: {  	v1 =	vor.u32 v2, v1  }
0x177: {  	v27 =	vld [tilespmem:$0x280];
	[tilespmem:$0x670] =	vst v1  }
0x178: {  	v28 =	vld.idx.msk [tilespmem:v26+s3+$0x0], $0xffff;
	_ =	sdelay $0x4  }
0x179: {  	v31 =	vadd.s32 $0x291, v0;
	v29 =	vshll.u32 v27, $0xC;
	v30 =	vshll.u32 v28, $0x3  }
0x17a: {  	v3 =	vand.u32 $0xFFFF8000, v29;
	v1 =	vshll.u32 v27, $0x7;
	v4 =	vand.u32 $0xFFFFFC00, v30  }
0x17b: {  	v1 =	vand.u32 $0x380, v1;
	v3 =	vadd.s32 v3, v4  }
0x17c: {  	v2 =	vand.u32 $0x7F, v28;
	v1 =	vor.u32 v1, v3  }
0x17d: {  	v1 =	vor.u32 v2, v1  }
0x17e: {  	v32 =	vld [tilespmem:$0x290];
	[tilespmem:$0x680] =	vst v1  }
0x17f: {  	v33 =	vld.idx.msk [tilespmem:v31+s3+$0x0], $0xffff;
	_ =	sdelay $0x4  }
0x180: {  	v36 =	vadd.s32 $0x2A1, v0;
	v34 =	vshll.u32 v32, $0xC;
	v35 =	vshll.u32 v33, $0x3  }
0x181: {  	v3 =	vand.u32 $0xFFFF8000, v34;
	v1 =	vshll.u32 v32, $0x7;
	v4 =	vand.u32 $0xFFFFFC00, v35  }
0x182: {  	v1 =	vand.u32 $0x380, v1;
	v3 =	vadd.s32 v3, v4  }
0x183: {  	v2 =	vand.u32 $0x7F, v33;
	v1 =	vor.u32 v1, v3  }
0x184: {  	v1 =	vor.u32 v2, v1  }
0x185: {  	v37 =	vld [tilespmem:$0x2A0];
	[tilespmem:$0x690] =	vst v1  }
0x186: {  	v38 =	vld.idx.msk [tilespmem:v36+s3+$0x0], $0xffff;
	_ =	sdelay $0x4  }
0x187: {  	v41 =	vadd.s32 $0x2B1, v0;
	v39 =	vshll.u32 v37, $0xC;
	v40 =	vshll.u32 v38, $0x3  }
0x188: {  	v3 =	vand.u32 $0xFFFF8000, v39;
	v1 =	vshll.u32 v37, $0x7;
	v4 =	vand.u32 $0xFFFFFC00, v40  }
0x189: {  	v1 =	vand.u32 $0x380, v1;
	v3 =	vadd.s32 v3, v4  }
0x18a: {  	v2 =	vand.u32 $0x7F, v38;
	v1 =	vor.u32 v1, v3  }
0x18b: {  	v1 =	vor.u32 v2, v1  }
0x18c: {  	v42 =	vld [tilespmem:$0x2B0];
	[tilespmem:$0x6A0] =	vst v1  }
0x18d: {  	v43 =	vld.idx.msk [tilespmem:v41+s3+$0x0], $0xffff;
	_ =	sdelay $0x4  }
0x18e: {  	v46 =	vadd.s32 $0x2C1, v0;
	v44 =	vshll.u32 v42, $0xC;
	v45 =	vshll.u32 v43, $0x3  }
0x18f: {  	v3 =	vand.u32 $0xFFFF8000, v44;
	v1 =	vshll.u32 v42, $0x7;
	v4 =	vand.u32 $0xFFFFFC00, v45  }
0x190: {  	v1 =	vand.u32 $0x380, v1;
	v3 =	vadd.s32 v3, v4  }
0x191: {  	v2 =	vand.u32 $0x7F, v43;
	v1 =	vor.u32 v1, v3  }
0x192: {  	v1 =	vor.u32 v2, v1  }
0x193: {  	v47 =	vld [tilespmem:$0x2C0];
	[tilespmem:$0x6B0] =	vst v1  }
0x194: {  	v48 =	vld.idx.msk [tilespmem:v46+s3+$0x0], $0xffff;
	_ =	sdelay $0x4  }
0x195: {  	v49 =	vshll.u32 v47, $0xC;
	v51 =	vadd.s32 $0x2D1, v0;
	v50 =	vshll.u32 v48, $0x3  }
0x196: {  	v3 =	vand.u32 $0xFFFF8000, v49;
	v1 =	vshll.u32 v47, $0x7;
	v4 =	vand.u32 $0xFFFFFC00, v50  }
0x197: {  	v1 =	vand.u32 $0x380, v1;
	v3 =	vadd.s32 v3, v4  }
0x198: {  	v2 =	vand.u32 $0x7F, v48;
	v1 =	vor.u32 v1, v3  }
0x199: {  	v1 =	vor.u32 v2, v1  }
0x19a: {  	v52 =	vld [tilespmem:$0x2D0];
	[tilespmem:$0x6C0] =	vst v1  }
0x19b: {  	v53 =	vld.idx.msk [tilespmem:v51+s3+$0x0], $0xffff;
	_ =	sdelay $0x4  }
0x19c: {  	v54 =	vshll.u32 v52, $0xC;
	v56 =	vadd.s32 $0x2E1, v0;
	v55 =	vshll.u32 v53, $0x3  }
0x19d: {  	v3 =	vand.u32 $0xFFFF8000, v54;
	v1 =	vshll.u32 v52, $0x7;
	v4 =	vand.u32 $0xFFFFFC00, v55  }
0x19e: {  	v1 =	vand.u32 $0x380, v1;
	v3 =	vadd.s32 v3, v4  }
0x19f: {  	v2 =	vand.u32 $0x7F, v53;
	v1 =	vor.u32 v1, v3  }
0x1a0: {  	v1 =	vor.u32 v2, v1  }
0x1a1: {  	v57 =	vld [tilespmem:$0x2E0];
	[tilespmem:$0x6D0] =	vst v1  }
0x1a2: {  	v58 =	vld.idx.msk [tilespmem:v56+s3+$0x0], $0xffff;
	_ =	sdelay $0x4  }
0x1a3: {  	v59 =	vshll.u32 v57, $0xC;
	v61 =	vadd.s32 $0x2F1, v0;
	v60 =	vshll.u32 v58, $0x3  }
0x1a4: {  	v3 =	vand.u32 $0xFFFF8000, v59;
	v1 =	vshll.u32 v57, $0x7;
	v4 =	vand.u32 $0xFFFFFC00, v60  }
0x1a5: {  	v1 =	vand.u32 $0x380, v1;
	v3 =	vadd.s32 v3, v4  }
0x1a6: {  	v2 =	vand.u32 $0x7F, v58;
	v1 =	vor.u32 v1, v3  }
0x1a7: {  	v1 =	vor.u32 v2, v1  }
0x1a8: {  	v62 =	vld [tilespmem:$0x2F0];
	[tilespmem:$0x6E0] =	vst v1  }
0x1a9: {  	v63 =	vld.idx.msk [tilespmem:v61+s3+$0x0], $0xffff;
	_ =	sdelay $0x4  }
0x1aa: {  	v9 =	vadd.s32 $0x301, v0;
	v7 =	vshll.u32 v62, $0xC;
	v8 =	vshll.u32 v63, $0x3  }
0x1ab: {  	v3 =	vand.u32 $0xFFFF8000, v7;
	v1 =	vshll.u32 v62, $0x7;
	v4 =	vand.u32 $0xFFFFFC00, v8  }
0x1ac: {  	v1 =	vand.u32 $0x380, v1;
	v3 =	vadd.s32 v3, v4  }
0x1ad: {  	v2 =	vand.u32 $0x7F, v63;
	v1 =	vor.u32 v1, v3  }
0x1ae: {  	v1 =	vor.u32 v2, v1  }
0x1af: {  	v10 =	vld [tilespmem:$0x300];
	[tilespmem:$0x6F0] =	vst v1  }
0x1b0: {  	v11 =	vld.idx.msk [tilespmem:v9+s3+$0x0], $0xffff;
	_ =	sdelay $0x4  }
0x1b1: {  	v14 =	vadd.s32 $0x311, v0;
	v12 =	vshll.u32 v10, $0xC;
	v13 =	vshll.u32 v11, $0x3  }
0x1b2: {  	v3 =	vand.u32 $0xFFFF8000, v12;
	v1 =	vshll.u32 v10, $0x7;
	v4 =	vand.u32 $0xFFFFFC00, v13  }
0x1b3: {  	v1 =	vand.u32 $0x380, v1;
	v3 =	vadd.s32 v3, v4  }
0x1b4: {  	v2 =	vand.u32 $0x7F, v11;
	v1 =	vor.u32 v1, v3  }
0x1b5: {  	v1 =	vor.u32 v2, v1  }
0x1b6: {  	v15 =	vld [tilespmem:$0x310];
	[tilespmem:$0x700] =	vst v1  }
0x1b7: {  	v16 =	vld.idx.msk [tilespmem:v14+s3+$0x0], $0xffff;
	_ =	sdelay $0x4  }
0x1b8: {  	v19 =	vadd.s32 $0x321, v0;
	v17 =	vshll.u32 v15, $0xC;
	v18 =	vshll.u32 v16, $0x3  }
0x1b9: {  	v3 =	vand.u32 $0xFFFF8000, v17;
	v1 =	vshll.u32 v15, $0x7;
	v4 =	vand.u32 $0xFFFFFC00, v18  }
0x1ba: {  	v1 =	vand.u32 $0x380, v1;
	v3 =	vadd.s32 v3, v4  }
0x1bb: {  	v2 =	vand.u32 $0x7F, v16;
	v1 =	vor.u32 v1, v3  }
0x1bc: {  	v1 =	vor.u32 v2, v1  }
0x1bd: {  	v20 =	vld [tilespmem:$0x320];
	[tilespmem:$0x710] =	vst v1  }
0x1be: {  	v21 =	vld.idx.msk [tilespmem:v19+s3+$0x0], $0xffff;
	_ =	sdelay $0x4  }
0x1bf: {  	v24 =	vadd.s32 $0x331, v0;
	v22 =	vshll.u32 v20, $0xC;
	v23 =	vshll.u32 v21, $0x3  }
0x1c0: {  	v3 =	vand.u32 $0xFFFF8000, v22;
	v1 =	vshll.u32 v20, $0x7;
	v4 =	vand.u32 $0xFFFFFC00, v23  }
0x1c1: {  	v1 =	vand.u32 $0x380, v1;
	v3 =	vadd.s32 v3, v4  }
0x1c2: {  	v2 =	vand.u32 $0x7F, v21;
	v1 =	vor.u32 v1, v3  }
0x1c3: {  	v1 =	vor.u32 v2, v1  }
0x1c4: {  	v25 =	vld [tilespmem:$0x330];
	[tilespmem:$0x720] =	vst v1  }
0x1c5: {  	v26 =	vld.idx.msk [tilespmem:v24+s3+$0x0], $0xffff;
	_ =	sdelay $0x4  }
0x1c6: {  	v29 =	vadd.s32 $0x341, v0;
	v27 =	vshll.u32 v25, $0xC;
	v28 =	vshll.u32 v26, $0x3  }
0x1c7: {  	v3 =	vand.u32 $0xFFFF8000, v27;
	v1 =	vshll.u32 v25, $0x7;
	v4 =	vand.u32 $0xFFFFFC00, v28  }
0x1c8: {  	v1 =	vand.u32 $0x380, v1;
	v3 =	vadd.s32 v3, v4  }
0x1c9: {  	v2 =	vand.u32 $0x7F, v26;
	v1 =	vor.u32 v1, v3  }
0x1ca: {  	v1 =	vor.u32 v2, v1  }
0x1cb: {  	v30 =	vld [tilespmem:$0x340];
	[tilespmem:$0x730] =	vst v1  }
0x1cc: {  	v31 =	vld.idx.msk [tilespmem:v29+s3+$0x0], $0xffff;
	_ =	sdelay $0x4  }
0x1cd: {  	v34 =	vadd.s32 $0x351, v0;
	v32 =	vshll.u32 v30, $0xC;
	v33 =	vshll.u32 v31, $0x3  }
0x1ce: {  	v3 =	vand.u32 $0xFFFF8000, v32;
	v1 =	vshll.u32 v30, $0x7;
	v4 =	vand.u32 $0xFFFFFC00, v33  }
0x1cf: {  	v1 =	vand.u32 $0x380, v1;
	v3 =	vadd.s32 v3, v4  }
0x1d0: {  	v2 =	vand.u32 $0x7F, v31;
	v1 =	vor.u32 v1, v3  }
0x1d1: {  	v1 =	vor.u32 v2, v1  }
0x1d2: {  	v35 =	vld [tilespmem:$0x350];
	[tilespmem:$0x740] =	vst v1  }
0x1d3: {  	v36 =	vld.idx.msk [tilespmem:v34+s3+$0x0], $0xffff;
	_ =	sdelay $0x4  }
0x1d4: {  	v39 =	vadd.s32 $0x361, v0;
	v37 =	vshll.u32 v35, $0xC;
	v38 =	vshll.u32 v36, $0x3  }
0x1d5: {  	v3 =	vand.u32 $0xFFFF8000, v37;
	v1 =	vshll.u32 v35, $0x7;
	v4 =	vand.u32 $0xFFFFFC00, v38  }
0x1d6: {  	v1 =	vand.u32 $0x380, v1;
	v3 =	vadd.s32 v3, v4  }
0x1d7: {  	v2 =	vand.u32 $0x7F, v36;
	v1 =	vor.u32 v1, v3  }
0x1d8: {  	v1 =	vor.u32 v2, v1  }
0x1d9: {  	v40 =	vld [tilespmem:$0x360];
	[tilespmem:$0x750] =	vst v1  }
0x1da: {  	v41 =	vld.idx.msk [tilespmem:v39+s3+$0x0], $0xffff;
	_ =	sdelay $0x4  }
0x1db: {  	v44 =	vadd.s32 $0x371, v0;
	v42 =	vshll.u32 v40, $0xC;
	v43 =	vshll.u32 v41, $0x3  }
0x1dc: {  	v3 =	vand.u32 $0xFFFF8000, v42;
	v1 =	vshll.u32 v40, $0x7;
	v4 =	vand.u32 $0xFFFFFC00, v43  }
0x1dd: {  	v1 =	vand.u32 $0x380, v1;
	v3 =	vadd.s32 v3, v4  }
0x1de: {  	v2 =	vand.u32 $0x7F, v41;
	v1 =	vor.u32 v1, v3  }
0x1df: {  	v1 =	vor.u32 v2, v1  }
0x1e0: {  	v45 =	vld [tilespmem:$0x370];
	[tilespmem:$0x760] =	vst v1  }
0x1e1: {  	v46 =	vld.idx.msk [tilespmem:v44+s3+$0x0], $0xffff;
	_ =	sdelay $0x4  }
0x1e2: {  	v49 =	vadd.s32 $0x381, v0;
	v47 =	vshll.u32 v45, $0xC;
	v48 =	vshll.u32 v46, $0x3  }
0x1e3: {  	v3 =	vand.u32 $0xFFFF8000, v47;
	v1 =	vshll.u32 v45, $0x7;
	v4 =	vand.u32 $0xFFFFFC00, v48  }
0x1e4: {  	v1 =	vand.u32 $0x380, v1;
	v3 =	vadd.s32 v3, v4  }
0x1e5: {  	v2 =	vand.u32 $0x7F, v46;
	v1 =	vor.u32 v1, v3  }
0x1e6: {  	v1 =	vor.u32 v2, v1  }
0x1e7: {  	v50 =	vld [tilespmem:$0x380];
	[tilespmem:$0x770] =	vst v1  }
0x1e8: {  	v51 =	vld.idx.msk [tilespmem:v49+s3+$0x0], $0xffff;
	_ =	sdelay $0x4  }
0x1e9: {  	v54 =	vadd.s32 $0x391, v0;
	v52 =	vshll.u32 v50, $0xC;
	v53 =	vshll.u32 v51, $0x3  }
0x1ea: {  	v3 =	vand.u32 $0xFFFF8000, v52;
	v1 =	vshll.u32 v50, $0x7;
	v4 =	vand.u32 $0xFFFFFC00, v53  }
0x1eb: {  	v1 =	vand.u32 $0x380, v1;
	v3 =	vadd.s32 v3, v4  }
0x1ec: {  	v2 =	vand.u32 $0x7F, v51;
	v1 =	vor.u32 v1, v3  }
0x1ed: {  	v1 =	vor.u32 v2, v1  }
0x1ee: {  	v55 =	vld [tilespmem:$0x390];
	[tilespmem:$0x780] =	vst v1  }
0x1ef: {  	v56 =	vld.idx.msk [tilespmem:v54+s3+$0x0], $0xffff;
	_ =	sdelay $0x4  }
0x1f0: {  	v59 =	vadd.s32 $0x3A1, v0;
	v57 =	vshll.u32 v55, $0xC;
	v58 =	vshll.u32 v56, $0x3  }
0x1f1: {  	v3 =	vand.u32 $0xFFFF8000, v57;
	v1 =	vshll.u32 v55, $0x7;
	v4 =	vand.u32 $0xFFFFFC00, v58  }
0x1f2: {  	v1 =	vand.u32 $0x380, v1;
	v3 =	vadd.s32 v3, v4  }
0x1f3: {  	v2 =	vand.u32 $0x7F, v56;
	v1 =	vor.u32 v1, v3  }
0x1f4: {  	v1 =	vor.u32 v2, v1  }
0x1f5: {  	v60 =	vld [tilespmem:$0x3A0];
	[tilespmem:$0x790] =	vst v1  }
0x1f6: {  	v61 =	vld.idx.msk [tilespmem:v59+s3+$0x0], $0xffff;
	_ =	sdelay $0x4  }
0x1f7: {  	v62 =	vshll.u32 v60, $0xC;
	v8 =	vadd.s32 $0x3B1, v0;
	v63 =	vshll.u32 v61, $0x3  }
0x1f8: {  	v3 =	vand.u32 $0xFFFF8000, v62;
	v1 =	vshll.u32 v60, $0x7;
	v4 =	vand.u32 $0xFFFFFC00, v63  }
0x1f9: {  	v1 =	vand.u32 $0x380, v1;
	v3 =	vadd.s32 v3, v4  }
0x1fa: {  	v2 =	vand.u32 $0x7F, v61;
	v1 =	vor.u32 v1, v3  }
0x1fb: {  	v1 =	vor.u32 v2, v1  }
0x1fc: {  	v9 =	vld [tilespmem:$0x3B0];
	[tilespmem:$0x7A0] =	vst v1  }
0x1fd: {  	v10 =	vld.idx.msk [tilespmem:v8+s3+$0x0], $0xffff;
	_ =	sdelay $0x4  }
0x1fe: {  	v11 =	vshll.u32 v9, $0xC;
	v13 =	vadd.s32 $0x3C1, v0;
	v12 =	vshll.u32 v10, $0x3  }
0x1ff: {  	v3 =	vand.u32 $0xFFFF8000, v11;
	v1 =	vshll.u32 v9, $0x7;
	v4 =	vand.u32 $0xFFFFFC00, v12  }
0x200: {  	v1 =	vand.u32 $0x380, v1;
	v3 =	vadd.s32 v3, v4  }
0x201: {  	v2 =	vand.u32 $0x7F, v10;
	v1 =	vor.u32 v1, v3  }
0x202: {  	v1 =	vor.u32 v2, v1  }
0x203: {  	v14 =	vld [tilespmem:$0x3C0];
	[tilespmem:$0x7B0] =	vst v1  }
0x204: {  	v15 =	vld.idx.msk [tilespmem:v13+s3+$0x0], $0xffff;
	_ =	sdelay $0x4  }
0x205: {  	v16 =	vshll.u32 v14, $0xC;
	v18 =	vadd.s32 $0x3D1, v0;
	v17 =	vshll.u32 v15, $0x3  }
0x206: {  	v3 =	vand.u32 $0xFFFF8000, v16;
	v1 =	vshll.u32 v14, $0x7;
	v4 =	vand.u32 $0xFFFFFC00, v17  }
0x207: {  	v1 =	vand.u32 $0x380, v1;
	v3 =	vadd.s32 v3, v4  }
0x208: {  	v2 =	vand.u32 $0x7F, v15;
	v1 =	vor.u32 v1, v3  }
0x209: {  	v1 =	vor.u32 v2, v1  }
0x20a: {  	v19 =	vld [tilespmem:$0x3D0];
	[tilespmem:$0x7C0] =	vst v1  }
0x20b: {  	v20 =	vld.idx.msk [tilespmem:v18+s3+$0x0], $0xffff;
	_ =	sdelay $0x2  }
0x20c: {  	v21 =	vimm.s32 $0x3FF  }
0x20d: {  	v0 =	vadd.s32 $0x3E1, v0;
	v22 =	vshll.u32 v19, $0xC;
	v3 =	vsel vm3, $0x3F1, v21  }
0x20e: {  	v4 =	vand.u32 $0xFFFF8000, v22;
	v3 =	vsel vm0, $0x3F2, v3;
	v5 =	vshll.u32 v20, $0x3  }
0x20f: {  	v1 =	vshll.u32 v19, $0x7;
	v3 =	vsel vm4, $0x3F3, v3;
	v5 =	vand.u32 $0xFFFFFC00, v5  }
0x210: {  	v1 =	vand.u32 $0x380, v1;
	v3 =	vsel vm5, $0x3F4, v3;
	v4 =	vadd.s32 v4, v5  }
0x211: {  	v3 =	vsel vm2, $0x3F5, v3;
	v2 =	vand.u32 $0x7F, v20;
	v1 =	vor.u32 v1, v4  }
0x212: {  	v23 =	vsel vm6, $0x3F6, v3;
	v1 =	vor.u32 v2, v1  }
0x213: {  	v24 =	vld [tilespmem:$0x3E0];
	v2 =	vsel vm7, $0x3F7, v23;
	[tilespmem:$0x7D0] =	vst v1  }
0x214: {  	v2 =	vsel vm8, $0x3F8, v2;
	v0 =	vld.idx.msk [tilespmem:v0+s3+$0x0], $0xffff  }
0x215: {  	v2 =	vsel vm9, $0x3F9, v2  }
0x216: {  	v2 =	vsel vm10, $0x3FA, v2  }
0x217: {  	v2 =	vsel vm11, $0x3FB, v2  }
0x218: {  	v25 =	vshll.u32 v24, $0xC;
	v2 =	vsel vm12, $0x3FC, v2  }
0x219: {  	v3 =	vand.u32 $0xFFFF8000, v25;
	v2 =	vsel vm13, $0x3FD, v2;
	v26 =	vshll.u32 v0, $0x3  }
0x21a: {  	v1 =	vshll.u32 v24, $0x7;
	v2 =	vsel vm14, $0x3FE, v2;
	v4 =	vand.u32 $0xFFFFFC00, v26  }
0x21b: {  	v1 =	vand.u32 $0x380, v1;
	v3 =	vadd.s32 v3, v4  }
0x21c: {  	v0 =	vand.u32 $0x7F, v0;
	v1 =	vor.u32 v1, v3  }
0x21d: {  	v0 =	vor.u32 v0, v1  }
0x21e: {  	v27 =	vld [tilespmem:$0x3F0];
	[tilespmem:$0x7E0] =	vst v0  }
0x21f: {  	v28 =	vld.idx.msk [tilespmem:v2+s3+$0x0], $0xffff;
	_ =	sdelay $0x4  }
0x220: {  	v29 =	vshll.u32 v27, $0xC;
	v30 =	vshll.u32 v28, $0x3  }
0x221: {  	v0 =	vshll.u32 v27, $0x7;
	v2 =	vand.u32 $0xFFFF8000, v29;
	v3 =	vand.u32 $0xFFFFFC00, v30  }
0x222: {  	v0 =	vand.u32 $0x380, v0;
	v2 =	vadd.s32 v2, v3  }
0x223: {  	v1 =	vand.u32 $0x7F, v28;
	v0 =	vor.u32 v0, v2  }
0x224: {  	v0 =	vor.u32 v1, v0  }
0x225: {  	v0 =	vsel vm15, $0x0, v0  }
0x226: {  	s12 =	simm.s32 $0x400;
	s13 =	simm.s32 $0x800;
	[tilespmem:$0x7F0] =	vst v0  }
0x227: {  	[tilespmem:s13], [sflag:$0x1] =	stream.indirect.gather [hbm4b:s8+s9], $0x1, s12, s9, $0xb8;
	[tilespmem:$0x1800] =	vst v63  }
0x228: {  	s14 =	simm.s32 $0x480;
	s15 =	simm.s32 $0x880  }
0x229: {  	[tilespmem:s15], [sflag:$0x1] =	stream.indirect.gather [hbm4b:s8+s9], $0x1, s14, s9, $0xb8;
	[tilespmem:$0x1800] =	vst v63  }
0x22a: {  	s16 =	simm.s32 $0x500;
	s17 =	simm.s32 $0x900  }
0x22b: {  	[tilespmem:s17], [sflag:$0x1] =	stream.indirect.gather [hbm4b:s8+s9], $0x1, s16, s9, $0xb8;
	[tilespmem:$0x1800] =	vst v63  }
0x22c: {  	s18 =	simm.s32 $0x580;
	s19 =	simm.s32 $0x980  }
0x22d: {  	[tilespmem:s19], [sflag:$0x1] =	stream.indirect.gather [hbm4b:s8+s9], $0x1, s18, s9, $0xb8;
	[tilespmem:$0x1800] =	vst v63  }
0x22e: {  	s20 =	simm.s32 $0x600;
	s21 =	simm.s32 $0xA00  }
0x22f: {  	[tilespmem:s21], [sflag:$0x1] =	stream.indirect.gather [hbm4b:s8+s9], $0x1, s20, s9, $0xb8;
	[tilespmem:$0x1800] =	vst v63  }
0x230: {  	s22 =	simm.s32 $0x680;
	s23 =	simm.s32 $0xA80  }
0x231: {  	[tilespmem:s23], [sflag:$0x1] =	stream.indirect.gather [hbm4b:s8+s9], $0x1, s22, s9, $0xb8;
	[tilespmem:$0x1800] =	vst v63  }
0x232: {  	s24 =	simm.s32 $0x700;
	s25 =	simm.s32 $0xB00  }
0x233: {  	[tilespmem:s25], [sflag:$0x1] =	stream.indirect.gather [hbm4b:s8+s9], $0x1, s24, s9, $0xb8;
	[tilespmem:$0x1800] =	vst v63  }
0x234: {  	s26 =	simm.s32 $0x780;
	s28 =	simm.s32 $0xB80;
	p0 =	sgt.u32 s0, $0x1  }
0x235: {  	v31 =	vimm.f32 $0.0e+00;
	v1 =	vlaneseq.u32 @!p0;
	[tilespmem:s28], [sflag:$0x1] =	stream.indirect.gather [hbm4b:s8+s9], $0x1, s26, s9, $0xb8;
	[tilespmem:$0x1800] =	vst v63  }
0x236: {  	v1 =	vmul.u32 @!p0 $0x200, v1;
	s8 =	smul.u32 @!p0 $0x1FF, s0;
	[tilespmem:$0xF00] =	vst v31  }
0x237: {  	[tilespmem:$0xF10] =	vst v31  }
0x238: {  	v0 =	vor.u32 @!p0 $0x2000, v1;
	[tilespmem:$0xF20] =	vst v31;
	v1 =	vor.u32 @!p0 s8, v1  }
0x239: {  	v0 =	vor.u32 @!p0 s8, v0;
	[tilespmem:$0xE00] =	vst @!p0 v1  }
0x23a: {  	[tilespmem:$0xE10] =	vst @!p0 v0;
	v0 =	vimm.s32 @!p0 $0x0  }
0x23b: {  	s10 =	simm.s32 @!p0 $0xE80;
	s9 =	simm.s32 @!p0 $0xE00;
	s8 =	simm.s32 @!p0 $0x30;
	[tilespmem:$0xE20] =	vst @!p0 v0  }
0x23c: {  	[tilespmem:s10], [sflag:$0x2] =	stream.indirect.gather @!p0 [hbm4b:s7+s8], $0x1, s9, s8, $0xb8;
	[tilespmem:$0x1800] =	vst v63  }
0x23d: {  	s7 =	simm.s32 @!p0 $0x2  }
0x23e: {  	s9 =	smul.u32 @!p0 $0xFFF, s0;
	_ =	swait.ge @!p0 [sflag:s7], $0x30  }
0x23f: {  	p1 =	seq.s32 @!p0 s0, $0x0;
	[sflag:s7] =	ssyncset.done @!p0 $0x0  }
0x240: {  	p2 =	por !p1, p0;
	v0 =	vmov @!p0 s9;
	[sflag:s7] =	ssyncadd.s32 @!p0 $0xFFFFFFD0  }
0x241: {  	s5 =	smov.u32 @p2 s6;
	s6 =	simm.s32 @!p0 $0xF00;
	[tilespmem:$0xEA0] =	vst @!p0 v0  }
0x242: {  	[tilespmem:s6], [sflag:$0x2] =	stream.indirect.gather @!p0 [hbm4b:s5+s8], $0x1, s10, s8, $0xb8;
	[tilespmem:$0x1800] =	vst v63  }
0x243: {  	_ =	swait.ge @!p0 [sflag:s7], $0x30  }
0x244: {  	[sflag:s7] =	ssyncset.done @!p0 $0x0  }
0x245: {  	[sflag:s7] =	ssyncadd.s32 @!p0 $0xFFFFFFD0  }
0x246: {  	v32 =	vld [tilespmem:$0xF00]  }
0x247: {  	s29 =	simm.s32 $0x1;
	v33 =	vld [tilespmem:$0xF10]  }
0x248: {  	v34 =	vld [tilespmem:$0xF20];
	_ =	swait.ge [sflag:s29], $0x80  }
0x249: {  	[sflag:s29] =	ssyncset.done $0x0  }
0x24a: {  	[sflag:s29] =	ssyncadd.s32 $0xFFFFFF80  }
0x24b: {  	_ =	swait.ge [sflag:s29], $0x80  }
0x24c: {  	[sflag:s29] =	ssyncset.done $0x0  }
0x24d: {  	[sflag:s29] =	ssyncadd.s32 $0xFFFFFF80  }
0x24e: {  	_ =	swait.ge [sflag:s29], $0x80  }
0x24f: {  	[sflag:s29] =	ssyncset.done $0x0  }
0x250: {  	[sflag:s29] =	ssyncadd.s32 $0xFFFFFF80  }
0x251: {  	_ =	swait.ge [sflag:s29], $0x80  }
0x252: {  	[sflag:s29] =	ssyncset.done $0x0  }
0x253: {  	[sflag:s29] =	ssyncadd.s32 $0xFFFFFF80  }
0x254: {  	_ =	swait.ge [sflag:s29], $0x80  }
0x255: {  	[sflag:s29] =	ssyncset.done $0x0  }
0x256: {  	[sflag:s29] =	ssyncadd.s32 $0xFFFFFF80  }
0x257: {  	_ =	swait.ge [sflag:s29], $0x80  }
0x258: {  	[sflag:s29] =	ssyncset.done $0x0  }
0x259: {  	[sflag:s29] =	ssyncadd.s32 $0xFFFFFF80  }
0x25a: {  	_ =	swait.ge [sflag:s29], $0x80  }
0x25b: {  	[sflag:s29] =	ssyncset.done $0x0  }
0x25c: {  	[sflag:s29] =	ssyncadd.s32 $0xFFFFFF80  }
0x25d: {  	_ =	swait.ge [sflag:s29], $0x80  }
0x25e: {  	[sflag:s29] =	ssyncset.done $0x0  }
0x25f: {  	[sflag:s29] =	ssyncadd.s32 $0xFFFFFF80  }
0x260: {  	_ =	swait.ge [sflag:s29], $0x80  }
0x261: {  	[sflag:s29] =	ssyncset.done $0x0  }
0x262: {  	[sflag:s29] =	ssyncadd.s32 $0xFFFFFF80  }
0x263: {  	_ =	swait.ge [sflag:s29], $0x80  }
0x264: {  	[sflag:s29] =	ssyncset.done $0x0  }
0x265: {  	[sflag:s29] =	ssyncadd.s32 $0xFFFFFF80  }
0x266: {  	v35 =	vld [tilespmem:$0x800]  }
0x267: {  	v1 =	vadd.f32 $0.0e+00, v32  }
0x268: {  	v36 =	vld [tilespmem:$0x810]  }
0x269: {  	v1 =	vadd.f32 v33, v1  }
0x26a: {  	v37 =	vld [tilespmem:$0x820]  }
0x26b: {  	v1 =	vadd.f32 v35, v1  }
0x26c: {  	v38 =	vld [tilespmem:$0x830]  }
0x26d: {  	v1 =	vadd.f32 v36, v1  }
0x26e: {  	v39 =	vld [tilespmem:$0x840]  }
0x26f: {  	v1 =	vadd.f32 v37, v1  }
0x270: {  	v40 =	vld [tilespmem:$0x850]  }
0x271: {  	v1 =	vadd.f32 v38, v1  }
0x272: {  	v41 =	vld [tilespmem:$0x860]  }
0x273: {  	v1 =	vadd.f32 v39, v1  }
0x274: {  	v42 =	vld [tilespmem:$0x870]  }
0x275: {  	v1 =	vadd.f32 v40, v1  }
0x276: {  	v43 =	vld [tilespmem:$0x880]  }
0x277: {  	v1 =	vadd.f32 v41, v1  }
0x278: {  	v44 =	vld [tilespmem:$0x890]  }
0x279: {  	v1 =	vadd.f32 v42, v1  }
0x27a: {  	v45 =	vld [tilespmem:$0x8A0]  }
0x27b: {  	v1 =	vadd.f32 v43, v1  }
0x27c: {  	v46 =	vld [tilespmem:$0x8B0]  }
0x27d: {  	v1 =	vadd.f32 v44, v1  }
0x27e: {  	v47 =	vld [tilespmem:$0x8C0]  }
0x27f: {  	v1 =	vadd.f32 v45, v1  }
0x280: {  	v48 =	vld [tilespmem:$0x8D0]  }
0x281: {  	v1 =	vadd.f32 v46, v1  }
0x282: {  	v49 =	vld [tilespmem:$0x8E0]  }
0x283: {  	v1 =	vadd.f32 v47, v1  }
0x284: {  	v50 =	vld [tilespmem:$0x8F0]  }
0x285: {  	v1 =	vadd.f32 v48, v1  }
0x286: {  	v51 =	vld [tilespmem:$0x900]  }
0x287: {  	v1 =	vadd.f32 v49, v1  }
0x288: {  	v52 =	vld [tilespmem:$0x910]  }
0x289: {  	v1 =	vadd.f32 v50, v1  }
0x28a: {  	v53 =	vld [tilespmem:$0x920]  }
0x28b: {  	v1 =	vadd.f32 v51, v1  }
0x28c: {  	v54 =	vld [tilespmem:$0x930]  }
0x28d: {  	v1 =	vadd.f32 v52, v1  }
0x28e: {  	v55 =	vld [tilespmem:$0x940]  }
0x28f: {  	v1 =	vadd.f32 v53, v1  }
0x290: {  	v56 =	vld [tilespmem:$0x950]  }
0x291: {  	v1 =	vadd.f32 v54, v1  }
0x292: {  	v57 =	vld [tilespmem:$0x960]  }
0x293: {  	v1 =	vadd.f32 v55, v1  }
0x294: {  	v58 =	vld [tilespmem:$0x970]  }
0x295: {  	v1 =	vadd.f32 v56, v1  }
0x296: {  	v59 =	vld [tilespmem:$0x980]  }
0x297: {  	v1 =	vadd.f32 v57, v1  }
0x298: {  	v60 =	vld [tilespmem:$0x990]  }
0x299: {  	v1 =	vadd.f32 v58, v1  }
0x29a: {  	v61 =	vld [tilespmem:$0x9A0]  }
0x29b: {  	v1 =	vadd.f32 v59, v1  }
0x29c: {  	v62 =	vld [tilespmem:$0x9B0]  }
0x29d: {  	v1 =	vadd.f32 v60, v1  }
0x29e: {  	v63 =	vld [tilespmem:$0x9C0]  }
0x29f: {  	v1 =	vadd.f32 v61, v1  }
0x2a0: {  	v8 =	vld [tilespmem:$0x9D0]  }
0x2a1: {  	v1 =	vadd.f32 v62, v1  }
0x2a2: {  	v9 =	vld [tilespmem:$0x9E0]  }
0x2a3: {  	v10 =	vld [tilespmem:$0x9F0];
	v1 =	vadd.f32 v63, v1;
	_ =	sdelay $0x1  }
0x2a4: {  	v1 =	vadd.f32 v8, v1  }
0x2a5: {  	v11 =	vld [tilespmem:$0xA00]  }
0x2a6: {  	v1 =	vadd.f32 v9, v1  }
0x2a7: {  	v13 =	vld [tilespmem:$0xA10];
	v12 =	vsel vm15, $0x0, v10  }
0x2a8: {  	v1 =	vadd.f32 v12, v1  }
0x2a9: {  	v14 =	vld [tilespmem:$0xA20]  }
0x2aa: {  	v1 =	vadd.f32 v1, v11  }
0x2ab: {  	v15 =	vld [tilespmem:$0xA30]  }
0x2ac: {  	v1 =	vadd.f32 v1, v13  }
0x2ad: {  	v16 =	vld [tilespmem:$0xA40]  }
0x2ae: {  	v1 =	vadd.f32 v1, v14  }
0x2af: {  	v17 =	vld [tilespmem:$0xA50]  }
0x2b0: {  	v1 =	vadd.f32 v1, v15  }
0x2b1: {  	v18 =	vld [tilespmem:$0xA60]  }
0x2b2: {  	v1 =	vadd.f32 v1, v16  }
0x2b3: {  	v19 =	vld [tilespmem:$0xA70]  }
0x2b4: {  	v1 =	vadd.f32 v1, v17  }
0x2b5: {  	v20 =	vld [tilespmem:$0xA80]  }
0x2b6: {  	v1 =	vadd.f32 v1, v18  }
0x2b7: {  	v21 =	vld [tilespmem:$0xA90]  }
0x2b8: {  	v1 =	vadd.f32 v1, v19  }
0x2b9: {  	v22 =	vld [tilespmem:$0xAA0]  }
0x2ba: {  	v1 =	vadd.f32 v1, v20  }
0x2bb: {  	v23 =	vld [tilespmem:$0xAB0]  }
0x2bc: {  	v1 =	vadd.f32 v1, v21  }
0x2bd: {  	v24 =	vld [tilespmem:$0xAC0]  }
0x2be: {  	v1 =	vadd.f32 v1, v22  }
0x2bf: {  	v25 =	vld [tilespmem:$0xAD0]  }
0x2c0: {  	v1 =	vadd.f32 v1, v23  }
0x2c1: {  	v26 =	vld [tilespmem:$0xAE0]  }
0x2c2: {  	v1 =	vadd.f32 v1, v24  }
0x2c3: {  	v27 =	vld [tilespmem:$0xAF0]  }
0x2c4: {  	v28 =	vld [tilespmem:$0xD00];
	v1 =	vadd.f32 v1, v25  }
0x2c5: {  	v29 =	vld [tilespmem:$0xB00]  }
0x2c6: {  	v30 =	vld [tilespmem:$0xD10];
	v1 =	vadd.f32 v1, v26  }
0x2c7: {  	vm14 =	vmmov $0x1;
	v31 =	vld [tilespmem:$0xB10]  }
0x2c8: {  	v0 =	vnsel vm14, $0x0, v34;
	v32 =	vld [tilespmem:$0xD20];
	v1 =	vadd.f32 v1, v27  }
0x2c9: {  	v0 =	vadd.f32 $0.0e+00, v0;
	v33 =	vld [tilespmem:$0xB20]  }
0x2ca: {  	v34 =	vld [tilespmem:$0xD30];
	v1 =	vadd.f32 v1, v29  }
0x2cb: {  	v0 =	vadd.f32 v28, v0;
	v35 =	vld [tilespmem:$0xB30]  }
0x2cc: {  	v36 =	vld [tilespmem:$0xD40];
	v1 =	vadd.f32 v1, v31  }
0x2cd: {  	v0 =	vadd.f32 v30, v0;
	v37 =	vld [tilespmem:$0xB40]  }
0x2ce: {  	v38 =	vld [tilespmem:$0xD50];
	v1 =	vadd.f32 v1, v33  }
0x2cf: {  	v0 =	vadd.f32 v32, v0;
	v39 =	vld [tilespmem:$0xB50]  }
0x2d0: {  	v40 =	vld [tilespmem:$0xD60];
	v1 =	vadd.f32 v1, v35  }
0x2d1: {  	v0 =	vadd.f32 v34, v0;
	v41 =	vld [tilespmem:$0xB60]  }
0x2d2: {  	v42 =	vld [tilespmem:$0xD70];
	v1 =	vadd.f32 v1, v37  }
0x2d3: {  	v0 =	vadd.f32 v36, v0;
	v43 =	vld [tilespmem:$0xB70]  }
0x2d4: {  	v44 =	vld [tilespmem:$0xD80];
	v1 =	vadd.f32 v1, v39  }
0x2d5: {  	v0 =	vadd.f32 v38, v0;
	v45 =	vld [tilespmem:$0xB80]  }
0x2d6: {  	v46 =	vld [tilespmem:$0xD90];
	v1 =	vadd.f32 v1, v41  }
0x2d7: {  	v0 =	vadd.f32 v40, v0;
	v47 =	vld [tilespmem:$0xB90]  }
0x2d8: {  	v48 =	vld [tilespmem:$0xDA0];
	v1 =	vadd.f32 v1, v43  }
0x2d9: {  	v0 =	vadd.f32 v42, v0;
	v49 =	vld [tilespmem:$0xBA0]  }
0x2da: {  	v50 =	vld [tilespmem:$0xDB0];
	v1 =	vadd.f32 v1, v45  }
0x2db: {  	v0 =	vadd.f32 v44, v0;
	v51 =	vld [tilespmem:$0xBB0]  }
0x2dc: {  	v52 =	vld [tilespmem:$0xDC0];
	v1 =	vadd.f32 v1, v47  }
0x2dd: {  	v0 =	vadd.f32 v46, v0;
	v53 =	vld [tilespmem:$0xBC0]  }
0x2de: {  	v54 =	vld [tilespmem:$0xDD0];
	v1 =	vadd.f32 v1, v49  }
0x2df: {  	v0 =	vadd.f32 v48, v0;
	v55 =	vld [tilespmem:$0xBD0]  }
0x2e0: {  	v56 =	vld [tilespmem:$0xDE0];
	v1 =	vadd.f32 v1, v51  }
0x2e1: {  	v0 =	vadd.f32 v50, v0;
	v57 =	vld [tilespmem:$0xBE0]  }
0x2e2: {  	v58 =	vld [tilespmem:$0xBF0];
	v1 =	vadd.f32 v1, v53  }
0x2e3: {  	v0 =	vadd.f32 v52, v0;
	v59 =	vld [tilespmem:$0xDF0]  }
0x2e4: {  	v1 =	vadd.f32 v1, v55  }
0x2e5: {  	v0 =	vadd.f32 v54, v0  }
0x2e6: {  	v1 =	vadd.f32 v1, v57  }
0x2e7: {  	v0 =	vadd.f32 v56, v0;
	v60 =	vsel vm15, $0x0, v58  }
0x2e8: {  	v61 =	vsel vm1, $0x0, v59;
	v1 =	vadd.f32 v60, v1  }
0x2e9: {  	v0 =	vadd.f32 v61, v0  }
0x2ea: {  	(xrf2) =	vadd.scan.msk.f32 $0xffff, v1  }
0x2eb: {  	(xrf2) =	vadd.scan.msk.f32 $0xffff, v0;
	_ =	sdelay $0x8  }
0x2ec: {  	v62, _, _ =	vpop (xrf2)  }
0x2ed: {  	v63, _, _ =	vpop (xrf2)  }
0x2ee: {  	v1 =	vbroadcast v63, $0xF  }
0x2ef: {  	v0 =	vbroadcast v62, $0xF  }
0x2f0: {  	vm15 =	vcmask $0x3F04;
	v1 =	vnsel vm0, $0x0, v1  }
0x2f1: {  	s30 =	sshll.u32 s0, $0x4;
	v0 =	vsel vm15, v1, v0  }
0x2f2: {  	s31 =	simm.s32 $0xF80;
	s5 =	sadd.s32 s2, s30;
	[tilespmem:$0xF80] =	vst v0  }
0x2f3: {  	[hbm4b:s5+s3] =	stream.linear.scatter [tilespmem:s31], [sflag:$0x3], $0x80, $0x38;
	[tilespmem:$0x1800] =	vst v63  }
0x2f4: {  	_ =	swait.ge [sflag:s4], $0x80  }
0x2f5: {  	p2 =	por $0x0, $0x0;
	[sflag:s4] =	ssyncset.done $0x0  }
0x2f6: {  	p2 =	por @!p0 p1, p1;
	[sflag:s4] =	ssyncadd.s32 $0xFFFFFF80  }
0x2f7: {  	s3 =	simm.s32 @p2 $0x0;
	s4 =	simm.s32 @p2 $0x1000;
	[bflag:$0x0] =	sbarrier.arrive $0xFFFF  }
0x2f8: {  	[tilespmem:s4], [sflag:$0x3] =	stream.linear.gather @p2 [hbm4b:s2+s3], $0x800, $0x38;
	[tilespmem:$0x1800] =	vst v63  }
0x2f9: {  	s4 =	simm.s32 @p2 $0x3  }
0x2fa: {  	_ =	swait.ge @p2 [sflag:s4], $0x800  }
0x2fb: {  	[sflag:s4] =	ssyncset.done @p2 $0x0  }
0x2fc: {  	[sflag:s4] =	ssyncadd.s32 @p2 $0xFFFFF800  }
0x2fd: {  	v0 =	vld @p2 [tilespmem:$0x1000];
	_ =	sdelay $0x1  }
0x2fe: {  	v1 =	vld @p2 [tilespmem:$0x1080];
	_ =	sdelay $0x1  }
0x2ff: {  	v2 =	vld @p2 [tilespmem:$0x1100]  }
0x300: {  	v0 =	vadd.f32 @p2 $0.0e+00, v0  }
0x301: {  	v3 =	vld @p2 [tilespmem:$0x1180]  }
0x302: {  	v0 =	vadd.f32 @p2 v1, v0  }
0x303: {  	v1 =	vld @p2 [tilespmem:$0x1200]  }
0x304: {  	v0 =	vadd.f32 @p2 v2, v0  }
0x305: {  	v2 =	vld @p2 [tilespmem:$0x1280]  }
0x306: {  	v0 =	vadd.f32 @p2 v3, v0  }
0x307: {  	v3 =	vld @p2 [tilespmem:$0x1300]  }
0x308: {  	v0 =	vadd.f32 @p2 v1, v0  }
0x309: {  	v1 =	vld @p2 [tilespmem:$0x1380]  }
0x30a: {  	v0 =	vadd.f32 @p2 v2, v0  }
0x30b: {  	v2 =	vld @p2 [tilespmem:$0x1400]  }
0x30c: {  	v0 =	vadd.f32 @p2 v3, v0  }
0x30d: {  	v3 =	vld @p2 [tilespmem:$0x1480]  }
0x30e: {  	v0 =	vadd.f32 @p2 v1, v0  }
0x30f: {  	v1 =	vld @p2 [tilespmem:$0x1500]  }
0x310: {  	v0 =	vadd.f32 @p2 v2, v0  }
0x311: {  	v2 =	vld @p2 [tilespmem:$0x1580]  }
0x312: {  	v0 =	vadd.f32 @p2 v3, v0  }
0x313: {  	v3 =	vld @p2 [tilespmem:$0x1600]  }
0x314: {  	v0 =	vadd.f32 @p2 v1, v0  }
0x315: {  	v1 =	vld @p2 [tilespmem:$0x1680]  }
0x316: {  	v0 =	vadd.f32 @p2 v2, v0  }
0x317: {  	v2 =	vld @p2 [tilespmem:$0x1700]  }
0x318: {  	v0 =	vadd.f32 @p2 v3, v0  }
0x319: {  	v3 =	vld @p2 [tilespmem:$0x1780]  }
0x31a: {  	v0 =	vadd.f32 @p2 v1, v0;
	_ =	sdelay $0x1  }
0x31b: {  	v0 =	vadd.f32 @p2 v2, v0;
	_ =	sdelay $0x1  }
0x31c: {  	v0 =	vadd.f32 @p2 v3, v0;
	_ =	sdelay $0x1  }
0x31d: {  	(v2sf) =	vpush @p2 v0, $0x0;
	_ =	sdelay $0x1  }
0x31e: {  	(v2sf) =	vpush @p2 v0, $0x1;
	_ =	sdelay $0xc  }
0x31f: {  	s5 =	spop @p2 (v2sf)  }
0x320: {  	s5 =	smul.f32 @p2 $3.125000000e-02, s5  }
0x321: {  	s6 =	spop @p2 (v2sf)  }
0x322: {  	vm0 =	vcmask @p2 $0x3F08;
	v1 =	vlaneseq.u32 @p2;
	s5 =	ssub.f32 @p2 s5, s6  }
0x323: {  	v0 =	vsel @p2 vm0, $0x0, v0;
	vm0 =	veq.s32 @p2 v1, $0x0  }
0x324: {  	v0 =	vsel @p2 vm0, s5, v0  }
0x325: {  	s5 =	simm.s32 @p2 $0xF80;
	[tilespmem:$0xF80] =	vst @p2 v0  }
0x326: {  	[hbm4b:s2+s3] =	stream.linear.scatter @p2 [tilespmem:s5], [sflag:$0x3], $0x80, $0x38;
	[tilespmem:$0x1800] =	vst v63  }
0x327: {  	_ =	swait.ge @p2 [sflag:s4], $0x80  }
0x328: {  	[sflag:s4] =	ssyncset.done @p2 $0x0  }
0x329: {  	[sflag:s4] =	ssyncadd.s32 @p2 $0xFFFFFF80  }
0x32a: {  	_ =	sfence.sel $0x180000  }
0x32b: {  	[bflag:$0x0] =	sbarrier.arrive $0xFFFF  }
0x32c: {  	p0 =	sne.s32 s0, $0x0;
	_ =	strace $0x90000047  }
0x32d: {  	s0 =	sadd.s32 @!p0 $0x100000, s1;
	[bflag:$0x2] =	sbarrier.arrive $0xFFFF  }
0x32e: {  	[sflag:s0] =	ssyncadd.tile.s32 @!p0 $0x1;
	_ =	shalt  }
.Lfunc_end2:
_tile_overlayer_lowered:
.L_overlay_start_2:
0x32f: {  	(tag) =	ssettag $0x2  }
0x330: {  	s0 =	rddreg [dreg:$0x0];
	s2 =	stileid.u32  }
0x331: {  	s1 =	rddreg [dreg:$0x1];
	p0 =	sne.s32 s2, $0x0  }
0x332: {  	s3 =	rddreg [dreg:$0x2];
	[bflag:$0x3] =	sbarrier.arrive $0xFFFF;
	s2 =	simm.s32 @!p0 $0x1C03  }
0x333: {  	[timem:s3], [sflag:s2] =	dma.local @!p0 [hbm:s0], s1  }
0x334: {  	s0 =	simm.s32 @!p0 $0x3  }
0x335: {  	_ =	swait.ge @!p0 [sflag:s0], s1  }
0x336: {  	s1 =	ssub.s32 @!p0 $0x0, s1;
	[sflag:s0] =	ssyncset.done @!p0 $0x0  }
0x337: {  	[sflag:s0] =	ssyncadd.s32 @!p0 s1  }
0x338: {  	[bflag:$0x3] =	sbarrier.arrive $0xFFFF  }
0x339: {  	_ =	shalt  }

</sc_bundles>
